<compile_context>
chip_gen: v7x
topology: tpu7x:2x2x1
jax: 0.10.2.dev20260603
libtpu: 0.0.44.dev20260713+nightly
codegen_flags: <defaults>
</compile_context>

<pallas_src>
import functools

import jax
import jax.numpy as jnp
from jax import lax
from jax.experimental import pallas as pl
from jax.experimental.pallas import tpu as pltpu
from jax.experimental.pallas import tpu_sc as plsc

E = 160000
N = 10000
NF = 128
NRBF = 20
RCUT = 5.0

B = 1280
NBLK_REAL = E // B
PIECE_BLOCKS = (64, 64)
K = 128
ROWS_PT = 624
ROWS_REM = N - 16 * ROWS_PT


def _dense_body(rijT_ref, sj_ref, vj_ref, W1_ref, b1_ref, W2_ref,
                b2_ref, Wr_ref, rep_ref, til_ref, mv_ref, ms_ref,
                *, off_blk):
    i = pl.program_id(0)

    @pl.when(i + off_blk < NBLK_REAL)
    def _():
        rt = rijT_ref[0:3, :]
        rx = rt[0:1, :]
        ry = rt[1:2, :]
        rz = rt[2:3, :]
        rn_r = jnp.sqrt(rx * rx + ry * ry + rz * rz)
        inv_r = 1.0 / (rn_r + 1e-8)
        fcut_r = jnp.where(rn_r > RCUT, 0.0,
                           0.5 * (jnp.cos(rn_r * (jnp.pi / RCUT)) + 1.0))
        kcol = (lax.broadcasted_iota(jnp.int32, (32, 1), 0)
                .astype(jnp.float32) + 1.0)
        ksin = jnp.where(kcol <= NRBF, kcol, 0.0)
        sins = jnp.sin(ksin * ((jnp.pi / RCUT) * rn_r))
        aug = sins * (inv_r * fcut_r) + jnp.where(kcol == NRBF + 1.0,
                                                  fcut_r, 0.0)
        Ws = lax.dot_general(aug, Wr_ref[...], (((0,), (0,)), ((), ())),
                             preferred_element_type=jnp.float32)
        rhatT = rt * inv_r
        rtil = lax.dot_general(rhatT, til_ref[...], (((0,), (0,)), ((), ())),
                               preferred_element_type=jnp.float32)
        hp = jnp.dot(sj_ref[...], W1_ref[...],
                     preferred_element_type=jnp.float32) + b1_ref[...]
        h = hp * (1.0 / (1.0 + jnp.exp(-hp)))
        phi = jnp.dot(h, W2_ref[...],
                      preferred_element_type=jnp.float32) + b2_ref[...]
        phiW = phi * Ws
        S1 = phiW[:, :NF]
        S2 = phiW[:, NF:2 * NF]
        S3 = phiW[:, 2 * NF:]
        S1r = jnp.dot(S1, rep_ref[...], preferred_element_type=jnp.float32)
        S3r = jnp.dot(S3, rep_ref[...], preferred_element_type=jnp.float32)
        outv = vj_ref[...] * S1r + S3r * rtil
        mv_ref[0] = outv[:, 0:128]
        mv_ref[1] = outv[:, 128:256]
        mv_ref[2] = outv[:, 256:384]
        ms_ref[...] = S2

    @pl.when(i + off_blk >= NBLK_REAL)
    def _():
        mv_ref[...] = jnp.zeros((3, B, 128), jnp.float32)
        ms_ref[...] = jnp.zeros((B, 128), jnp.float32)


def _dense_call(piece, rijT, sj, vj2, W1, b1r, W2, b2r, Wr_aug, rep3, til3):
    off = sum(PIECE_BLOCKS[:piece])
    nblkc = PIECE_BLOCKS[piece]
    epc = nblkc * B
    rep = lambda i: (0, 0)
    blk = lambda i: (jnp.minimum(i + off, NBLK_REAL - 1), 0)
    return pl.pallas_call(
        functools.partial(_dense_body, off_blk=off),
        grid=(nblkc,),
        in_specs=[
            pl.BlockSpec((8, B),
                         lambda i: (0, jnp.minimum(i + off, NBLK_REAL - 1))),
            pl.BlockSpec((B, NF), blk),
            pl.BlockSpec((B, 3 * NF), blk),
            pl.BlockSpec((NF, NF), rep),
            pl.BlockSpec((1, NF), rep),
            pl.BlockSpec((NF, 3 * NF), rep),
            pl.BlockSpec((1, 3 * NF), rep),
            pl.BlockSpec((32, 3 * NF), rep),
            pl.BlockSpec((NF, 3 * NF), rep),
            pl.BlockSpec((3, 3 * NF), rep),
        ],
        out_specs=[
            pl.BlockSpec((3, B, 128), lambda i: (0, i, 0)),
            pl.BlockSpec((B, 128), lambda i: (i, 0)),
        ],
        out_shape=[
            jax.ShapeDtypeStruct((3, epc, 128), jnp.float32),
            jax.ShapeDtypeStruct((epc, 128), jnp.float32),
        ],
    )(rijT, sj, vj2, W1, b1r, W2, b2r, Wr_aug, rep3, til3)


def _scatter_body(mv, ms, dstp, initV, initS, outV, outS,
                  buf0, buf1, idx0, idx1, acc, semA, semB, *, piece,
                  zero_init):
    c = lax.axis_index("c")
    s = lax.axis_index("s")
    ebase = sum(PIECE_BLOCKS[:piece]) * B
    epc = PIECE_BLOCKS[piece] * B
    ept = epc // 16

    def do_chunk(src, init_ref, out_ref, lane):
        if zero_init:
            pltpu.sync_copy(initV, acc.at[pl.ds(s * ROWS_PT, ROWS_PT)])

            @pl.when(s == 15)
            def _():
                pltpu.sync_copy(initV.at[pl.ds(0, ROWS_REM)],
                                acc.at[pl.ds(16 * ROWS_PT, ROWS_REM)])
        else:
            pltpu.sync_copy(
                init_ref.at[pl.ds(s * ROWS_PT, ROWS_PT), pl.ds(lane, 128)],
                acc.at[pl.ds(s * ROWS_PT, ROWS_PT)])

            @pl.when(s == 15)
            def _():
                pltpu.sync_copy(
                    init_ref.at[pl.ds(16 * ROWS_PT, ROWS_REM),
                                pl.ds(lane, 128)],
                    acc.at[pl.ds(16 * ROWS_PT, ROWS_REM)])

        plsc.subcore_barrier()
        base = s * ept

        def start_pair(j, idxb, buf, sem):
            off = jnp.minimum(base + j * K, epc - K)
            ioff = jnp.minimum(ebase + off, E - K)
            pltpu.async_copy(dstp.at[pl.ds(ioff, K)], idxb, sem)
            pltpu.async_copy(src.at[pl.ds(off, K)], buf, sem)

        def wait_pair(idxb, buf, sem):
            pltpu.make_async_copy(dstp.at[pl.ds(0, K)], idxb, sem).wait()
            pltpu.make_async_copy(src.at[pl.ds(0, K)], buf, sem).wait()

        start_pair(0, idx0, buf0, semA)

        def step(i, carry):
            start_pair(2 * i + 1, idx1, buf1, semB)
            wait_pair(idx0, buf0, semA)
            pltpu.sync_copy(buf0, acc.at[idx0], add=True)
            start_pair(2 * i + 2, idx0, buf0, semA)
            wait_pair(idx1, buf1, semB)
            pltpu.sync_copy(buf1, acc.at[idx1], add=True)
            return carry

        lax.fori_loop(0, ept // K // 2, step, 0)
        wait_pair(idx0, buf0, semA)
        plsc.subcore_barrier()
        pltpu.sync_copy(
            acc.at[pl.ds(s * ROWS_PT, ROWS_PT)],
            out_ref.at[pl.ds(s * ROWS_PT, ROWS_PT), pl.ds(lane, 128)])

        @pl.when(s == 15)
        def _():
            pltpu.sync_copy(
                acc.at[pl.ds(16 * ROWS_PT, ROWS_REM)],
                out_ref.at[pl.ds(16 * ROWS_PT, ROWS_REM), pl.ds(lane, 128)])

        plsc.subcore_barrier()

    @pl.when(c == 0)
    def _():
        do_chunk(mv.at[0], initV, outV, 0)
        do_chunk(mv.at[1], initV, outV, 128)

    @pl.when(c == 1)
    def _():
        do_chunk(mv.at[2], initV, outV, 256)
        do_chunk(ms, initS, outS, 0)


def _scatter_call(piece, mv, ms, dstp, initV, initS, zero_init=False):
    mesh = plsc.VectorSubcoreMesh(core_axis_name="c", subcore_axis_name="s")
    f = functools.partial(
        pl.kernel,
        mesh=mesh,
        out_type=[
            jax.ShapeDtypeStruct((N, 3 * 128), jnp.float32),
            jax.ShapeDtypeStruct((N, 128), jnp.float32),
        ],
        scratch_types=[
            pltpu.VMEM((K, 128), jnp.float32),
            pltpu.VMEM((K, 128), jnp.float32),
            pltpu.VMEM((K,), jnp.int32),
            pltpu.VMEM((K,), jnp.int32),
            pltpu.VMEM_SHARED((N, 128), jnp.float32),
            pltpu.SemaphoreType.DMA,
            pltpu.SemaphoreType.DMA,
        ],
    )(functools.partial(_scatter_body, piece=piece, zero_init=zero_init))
    return f(mv, ms, dstp, initV, initS)


def kernel(vj, sj, rij_vec, eij, W1, b1, W2, b2, Wr, br):
    dstp = eij[1].astype(jnp.int32)
    vj2 = vj.reshape(E, 3 * NF)
    rijT = jnp.zeros((8, E), jnp.float32).at[0:3].set(rij_vec.T)
    b1r = b1.reshape(1, NF)
    b2r = b2.reshape(1, 3 * NF)
    Wr_aug = (jnp.zeros((32, 3 * NF), jnp.float32)
              .at[:NRBF].set(Wr).at[NRBF].set(br))
    rep3 = jnp.repeat(jnp.eye(NF, dtype=jnp.float32), 3, axis=1)
    til3 = jnp.tile(jnp.eye(3, dtype=jnp.float32), (1, NF))

    zrows = jnp.zeros((ROWS_PT, 128), jnp.float32)
    accV, accS = zrows, zrows
    for p in range(len(PIECE_BLOCKS)):
        mv, ms = _dense_call(p, rijT, sj, vj2, W1, b1r, W2, b2r, Wr_aug,
                             rep3, til3)
        accV, accS = _scatter_call(p, mv, ms, dstp, accV, accS,
                                   zero_init=(p == 0))
    d_vim = accV.reshape(N, NF, 3)
    return (d_vim, accS)

# --- scband reference (transcript-rebuilt; emitter-appended) ---
"""Pipeline reference for scband-message-14663018348610 (READ-ONLY COPY).

The authoritative reference and input builder live on the scoring server;
editing this copy changes nothing except your own understanding.
"""

import jax, jax.numpy as jnp
import numpy as np

E = 160000
N = 10000
NF = 128
NRBF = 20
RCUT = 5.0

def setup_inputs(seed: int = 0) -> dict:
    key = jax.random.key(seed)
    ks = jax.random.split(key, 10)
    vj = jax.random.normal(ks[0], (E, NF, 3), dtype=jnp.float32)
    sj = jax.random.normal(ks[1], (E, NF), dtype=jnp.float32)
    rij_vec = jax.random.normal(ks[2], (E, 3), dtype=jnp.float32)
    eij = jax.random.randint(ks[3], (2, E), 0, N, dtype=jnp.int64)
    # Ls = Linear(nF,nF) -> SiLU -> Linear(nF, 3*nF)
    W1 = jax.random.normal(ks[4], (NF, NF), dtype=jnp.float32) / np.sqrt(NF)
    b1 = jnp.zeros((NF,), dtype=jnp.float32)
    W2 = jax.random.normal(ks[5], (NF, 3 * NF), dtype=jnp.float32) / np.sqrt(NF)
    b2 = jnp.zeros((3 * NF,), dtype=jnp.float32)
    # Lrbf = Linear(nRbf, 3*nF)
    Wr = jax.random.normal(ks[6], (NRBF, 3 * NF), dtype=jnp.float32) / np.sqrt(NRBF)
    br = jnp.zeros((3 * NF,), dtype=jnp.float32)
    return {"vj": vj, "sj": sj, "rij_vec": rij_vec, "eij": eij,
            "W1": W1, "b1": b1, "W2": W2, "b2": b2, "Wr": Wr, "br": br}

def _fcut(rij_norm, rCut):
    f = 0.5 * (jnp.cos(jnp.pi * rij_norm / rCut) + 1.0)
    return jnp.where(rij_norm > rCut, 0.0, f)

def _frbf(rij_norm, rCut, nRbf):
    Trbf = jnp.arange(1, nRbf + 1, dtype=jnp.float32)
    r = rij_norm[..., None]
    return jnp.sin(Trbf * jnp.pi * r / rCut) / (r + 1e-08)

def reference(vj, sj, rij_vec, eij, W1, b1, W2, b2, Wr, br):
    rij_norm = jnp.linalg.norm(rij_vec, axis=-1)
    rij_hat = rij_vec / (rij_norm[..., None] + 1e-08)
    RBF = _frbf(rij_norm, RCUT, NRBF)
    T_RBF = RBF @ Wr + br
    Ws = T_RBF * _fcut(rij_norm, 5.0)[..., None]
    h = jax.nn.silu(sj @ W1 + b1)
    phi = h @ W2 + b2
    phiW = phi * Ws
    S1 = phiW[:, 0:NF]
    S2 = phiW[:, NF:2 * NF]
    S3 = phiW[:, 2 * NF:3 * NF]
    phiWvv = vj * S1[..., None]
    phiWvs = S3[..., None] * rij_hat[:, None, :]
    dst = eij[1]
    d_vim = jax.ops.segment_sum(phiWvv + phiWvs, dst, num_segments=N)
    d_sim = jax.ops.segment_sum(S2, dst, num_segments=N)
    return (d_vim, d_sim)

if __name__ == "__main__":
    import jax
    _d = setup_inputs()
    print(jax.jit(kernel)(*tuple(_d.values())))

</pallas_src>

<mosaic_0001>
#map = affine_map<(d0, d1) -> (0, 0, 0)>
#map1 = affine_map<(d0, d1) -> (0, 0)>
#map2 = affine_map<(d0, d1) -> (0)>
module attributes {stable_mosaic.version = 14 : i64} {
  func.func @_scatter_body(%arg0: i32, %arg1: i32, %arg2: memref<3x81920x128xf32, #tpu.memory_space<hbm>>, %arg3: memref<81920x128xf32, #tpu.memory_space<hbm>>, %arg4: memref<160000xi32, #tpu.memory_space<hbm>>, %arg5: memref<10000x384xf32, #tpu.memory_space<hbm>>, %arg6: memref<10000x128xf32, #tpu.memory_space<hbm>>, %arg7: memref<10000x384xf32, #tpu.memory_space<hbm>>, %arg8: memref<10000x128xf32, #tpu.memory_space<hbm>>, %arg9: memref<128x128xf32, #tpu.memory_space<vmem>>, %arg10: memref<128x128xf32, #tpu.memory_space<vmem>>, %arg11: memref<128xi32, #tpu.memory_space<vmem>>, %arg12: memref<128xi32, #tpu.memory_space<vmem>>, %arg13: memref<10000x128xf32, #tpu.memory_space<vmem_shared>>, %arg14: memref<!tpu.dma_semaphore, #tpu.memory_space<semaphore_mem>>, %arg15: memref<!tpu.dma_semaphore, #tpu.memory_space<semaphore_mem>>) attributes {dimension_semantics = [#tpu.dimension_semantics<core_parallel>, #tpu.dimension_semantics<subcore_parallel>], iteration_bounds = array<i64: 2, 16>, scalar_prefetch = 0 : i64, scratch_operands = 7 : i64, tpu.core_type = #tpu.core_type<sc_vector_subcore>, window_params = [{transform_indices = #map}, {transform_indices = #map1}, {transform_indices = #map2}, {transform_indices = #map1}, {transform_indices = #map1}, {transform_indices = #map1}, {transform_indices = #map1}]} {
    %eq3A = arith.constant 0 : i32
    %eq3A_0 = arith.cmpi eq, %arg0, %eq3A : i32
    %convert_element_type3A = arith.extui %eq3A_0 : i1 to i32
    %cond3A = arith.constant 0 : i32
    %cond3A_1 = arith.cmpi ne, %convert_element_type3A, %cond3A : i32
    scf.if %cond3A_1 {
      %mul3A = arith.constant 624 : i32
      %mul3A_7 = arith.muli %arg1, %mul3A : i32
      %mul3A_8 = arith.constant 624 : i32
      %mul3A_9 = arith.muli %arg1, %mul3A_8 : i32
      "tpu.region"() ({
        %run_scoped3A = tpu.sem_alloc : memref<!tpu.dma_semaphore, #tpu.memory_space<semaphore_mem>>
        %dma_start3A_144 = arith.constant 0 : i32
        %dma_start3A_145 = tpu.memref_slice %arg13[%mul3A_9, %dma_start3A_144] : memref<10000x128xf32, #tpu.memory_space<vmem_shared>> -> memref<624x128xf32, #tpu.memory_space<vmem_shared>>
        %dma_start3A_146 = arith.constant 0 : i32
        %dma_start3A_147 = tpu.memref_slice %arg5[%mul3A_7, %dma_start3A_146] : memref<10000x384xf32, #tpu.memory_space<hbm>> -> memref<624x128xf32, #tpu.memory_space<hbm>>
        tpu.enqueue_dma source(%dma_start3A_147 : memref<624x128xf32, #tpu.memory_space<hbm>>) target(%dma_start3A_145 : memref<624x128xf32, #tpu.memory_space<vmem_shared>>) target_semaphore(%run_scoped3A : memref<!tpu.dma_semaphore, #tpu.memory_space<semaphore_mem>>)
        %dma_wait3A_148 = arith.constant 0 : i32
        %dma_wait3A_149 = tpu.memref_slice %arg13[%mul3A_9, %dma_wait3A_148] : memref<10000x128xf32, #tpu.memory_space<vmem_shared>> -> memref<624x128xf32, #tpu.memory_space<vmem_shared>>
        %dma_wait3A_150 = arith.constant 0 : i32
        %dma_wait3A_151 = tpu.memref_slice %arg5[%mul3A_7, %dma_wait3A_150] : memref<10000x384xf32, #tpu.memory_space<hbm>> -> memref<624x128xf32, #tpu.memory_space<hbm>>
        tpu.wait_dma2 semaphore(%run_scoped3A : memref<!tpu.dma_semaphore, #tpu.memory_space<semaphore_mem>>) src(%dma_wait3A_151 : memref<624x128xf32, #tpu.memory_space<hbm>>) dst(%dma_wait3A_149 : memref<624x128xf32, #tpu.memory_space<vmem_shared>>)
        tpu.yield
      }) : () -> ()
      %eq3A_10 = arith.constant 15 : i32
      %eq3A_11 = arith.cmpi eq, %arg1, %eq3A_10 : i32
      %convert_element_type3A_12 = arith.extui %eq3A_11 : i1 to i32
      %cond3A_13 = arith.constant 0 : i32
      %cond3A_14 = arith.cmpi ne, %convert_element_type3A_12, %cond3A_13 : i32
      scf.if %cond3A_14 {
        "tpu.region"() ({
          %run_scoped3A = tpu.sem_alloc : memref<!tpu.dma_semaphore, #tpu.memory_space<semaphore_mem>>
          %dma_start3A_144 = arith.constant 9984 : i32
          %dma_start3A_145 = arith.constant 0 : i32
          %dma_start3A_146 = tpu.memref_slice %arg13[%dma_start3A_144, %dma_start3A_145] : memref<10000x128xf32, #tpu.memory_space<vmem_shared>> -> memref<16x128xf32, #tpu.memory_space<vmem_shared>>
          %dma_start3A_147 = arith.constant 9984 : i32
          %dma_start3A_148 = arith.constant 0 : i32
          %dma_start3A_149 = tpu.memref_slice %arg5[%dma_start3A_147, %dma_start3A_148] : memref<10000x384xf32, #tpu.memory_space<hbm>> -> memref<16x128xf32, #tpu.memory_space<hbm>>
          tpu.enqueue_dma source(%dma_start3A_149 : memref<16x128xf32, #tpu.memory_space<hbm>>) target(%dma_start3A_146 : memref<16x128xf32, #tpu.memory_space<vmem_shared>>) target_semaphore(%run_scoped3A : memref<!tpu.dma_semaphore, #tpu.memory_space<semaphore_mem>>)
          %dma_wait3A_150 = arith.constant 9984 : i32
          %dma_wait3A_151 = arith.constant 0 : i32
          %dma_wait3A_152 = tpu.memref_slice %arg13[%dma_wait3A_150, %dma_wait3A_151] : memref<10000x128xf32, #tpu.memory_space<vmem_shared>> -> memref<16x128xf32, #tpu.memory_space<vmem_shared>>
          %dma_wait3A_153 = arith.constant 9984 : i32
          %dma_wait3A_154 = arith.constant 0 : i32
          %dma_wait3A_155 = tpu.memref_slice %arg5[%dma_wait3A_153, %dma_wait3A_154] : memref<10000x384xf32, #tpu.memory_space<hbm>> -> memref<16x128xf32, #tpu.memory_space<hbm>>
          tpu.wait_dma2 semaphore(%run_scoped3A : memref<!tpu.dma_semaphore, #tpu.memory_space<semaphore_mem>>) src(%dma_wait3A_155 : memref<16x128xf32, #tpu.memory_space<hbm>>) dst(%dma_wait3A_152 : memref<16x128xf32, #tpu.memory_space<vmem_shared>>)
          tpu.yield
        }) : () -> ()
      } else {
      }
      %barrier3A = arith.constant 0 : index
      tpu.barrier barrier_id(%barrier3A)
      %mul3A_15 = arith.constant 5120 : i32
      %mul3A_16 = arith.muli %arg1, %mul3A_15 : i32
      %add3A = arith.constant 0 : i32
      %add3A_17 = arith.addi %mul3A_16, %add3A : i32
      %min3A = arith.constant 81792 : i32
      %min3A_18 = arith.minsi %add3A_17, %min3A : i32
      %add3A_19 = arith.constant 81920 : i32
      %add3A_20 = arith.addi %add3A_19, %min3A_18 : i32
      %min3A_21 = arith.constant 159872 : i32
      %min3A_22 = arith.minsi %add3A_20, %min3A_21 : i32
      %dma_start3A = tpu.memref_slice %arg4[%min3A_22] : memref<160000xi32, #tpu.memory_space<hbm>> -> memref<128xi32, #tpu.memory_space<hbm>>
      %dma_start3A_23 = tpu.memref_slice %arg4[%min3A_22] : memref<160000xi32, #tpu.memory_space<hbm>> -> memref<128xi32, #tpu.memory_space<hbm>>
      tpu.enqueue_dma source(%dma_start3A_23 : memref<128xi32, #tpu.memory_space<hbm>>) target(%arg11 : memref<128xi32, #tpu.memory_space<vmem>>) target_semaphore(%arg14 : memref<!tpu.dma_semaphore, #tpu.memory_space<semaphore_mem>>)
      %dma_start3A_24 = arith.constant 0 : i32
      %dma_start3A_25 = arith.constant 0 : i32
      %dma_start3A_26 = arith.constant 0 : i32
      %dma_start3A_27 = tpu.memref_slice %arg2[%dma_start3A_24, %dma_start3A_25, %dma_start3A_26] : memref<3x81920x128xf32, #tpu.memory_space<hbm>> -> memref<1x81920x128xf32, #tpu.memory_space<hbm>>
      %dma_start3A_28 = tpu.memref_squeeze %dma_start3A_27 : memref<1x81920x128xf32, #tpu.memory_space<hbm>> -> memref<81920x128xf32, #tpu.memory_space<hbm>>
      %dma_start3A_29 = arith.constant 0 : i32
      %dma_start3A_30 = tpu.memref_slice %dma_start3A_28[%min3A_18, %dma_start3A_29] : memref<81920x128xf32, #tpu.memory_space<hbm>> -> memref<128x128xf32, #tpu.memory_space<hbm>>
      %dma_start3A_31 = arith.constant 0 : i32
      %dma_start3A_32 = arith.constant 0 : i32
      %dma_start3A_33 = tpu.memref_slice %arg2[%dma_start3A_24, %dma_start3A_31, %dma_start3A_32] : memref<3x81920x128xf32, #tpu.memory_space<hbm>> -> memref<1x81920x128xf32, #tpu.memory_space<hbm>>
      %dma_start3A_34 = tpu.memref_squeeze %dma_start3A_33 : memref<1x81920x128xf32, #tpu.memory_space<hbm>> -> memref<81920x128xf32, #tpu.memory_space<hbm>>
      %dma_start3A_35 = arith.constant 0 : i32
      %dma_start3A_36 = tpu.memref_slice %dma_start3A_34[%min3A_18, %dma_start3A_35] : memref<81920x128xf32, #tpu.memory_space<hbm>> -> memref<128x128xf32, #tpu.memory_space<hbm>>
      tpu.enqueue_dma source(%dma_start3A_36 : memref<128x128xf32, #tpu.memory_space<hbm>>) target(%arg9 : memref<128x128xf32, #tpu.memory_space<vmem>>) target_semaphore(%arg14 : memref<!tpu.dma_semaphore, #tpu.memory_space<semaphore_mem>>)
      %scan3A = arith.constant 0 : i32
      %scan3A_37 = arith.constant 0 : i32
      %scan3A_38 = arith.constant 0 : i32
      %scan3A_39 = arith.constant 20 : i32
      %scan3A_40 = arith.addi %scan3A_38, %scan3A_39 : i32
      %scan3A_41 = arith.constant 1 : i32
      scf.for %scan3A_144 = %scan3A_38 to %scan3A_40 step %scan3A_41  : i32 {
        %mul3A_145 = arith.constant 2 : i32
        %mul3A_146 = arith.muli %mul3A_145, %scan3A_144 : i32
        %add3A_147 = arith.constant 1 : i32
        %add3A_148 = arith.addi %mul3A_146, %add3A_147 : i32
        %mul3A_149 = arith.constant 128 : i32
        %mul3A_150 = arith.muli %add3A_148, %mul3A_149 : i32
        %add3A_151 = arith.addi %mul3A_16, %mul3A_150 : i32
        %min3A_152 = arith.constant 81792 : i32
        %min3A_153 = arith.minsi %add3A_151, %min3A_152 : i32
        %add3A_154 = arith.constant 81920 : i32
        %add3A_155 = arith.addi %add3A_154, %min3A_153 : i32
        %min3A_156 = arith.constant 159872 : i32
        %min3A_157 = arith.minsi %add3A_155, %min3A_156 : i32
        %dma_start3A_158 = tpu.memref_slice %arg4[%min3A_157] : memref<160000xi32, #tpu.memory_space<hbm>> -> memref<128xi32, #tpu.memory_space<hbm>>
        %dma_start3A_159 = tpu.memref_slice %arg4[%min3A_157] : memref<160000xi32, #tpu.memory_space<hbm>> -> memref<128xi32, #tpu.memory_space<hbm>>
        tpu.enqueue_dma source(%dma_start3A_159 : memref<128xi32, #tpu.memory_space<hbm>>) target(%arg12 : memref<128xi32, #tpu.memory_space<vmem>>) target_semaphore(%arg15 : memref<!tpu.dma_semaphore, #tpu.memory_space<semaphore_mem>>)
        %dma_start3A_160 = arith.constant 0 : i32
        %dma_start3A_161 = arith.constant 0 : i32
        %dma_start3A_162 = tpu.memref_slice %arg2[%scan3A_37, %dma_start3A_160, %dma_start3A_161] : memref<3x81920x128xf32, #tpu.memory_space<hbm>> -> memref<1x81920x128xf32, #tpu.memory_space<hbm>>
        %dma_start3A_163 = tpu.memref_squeeze %dma_start3A_162 : memref<1x81920x128xf32, #tpu.memory_space<hbm>> -> memref<81920x128xf32, #tpu.memory_space<hbm>>
        %dma_start3A_164 = arith.constant 0 : i32
        %dma_start3A_165 = tpu.memref_slice %dma_start3A_163[%min3A_153, %dma_start3A_164] : memref<81920x128xf32, #tpu.memory_space<hbm>> -> memref<128x128xf32, #tpu.memory_space<hbm>>
        %dma_start3A_166 = arith.constant 0 : i32
        %dma_start3A_167 = arith.constant 0 : i32
        %dma_start3A_168 = tpu.memref_slice %arg2[%scan3A_37, %dma_start3A_166, %dma_start3A_167] : memref<3x81920x128xf32, #tpu.memory_space<hbm>> -> memref<1x81920x128xf32, #tpu.memory_space<hbm>>
        %dma_start3A_169 = tpu.memref_squeeze %dma_start3A_168 : memref<1x81920x128xf32, #tpu.memory_space<hbm>> -> memref<81920x128xf32, #tpu.memory_space<hbm>>
        %dma_start3A_170 = arith.constant 0 : i32
        %dma_start3A_171 = tpu.memref_slice %dma_start3A_169[%min3A_153, %dma_start3A_170] : memref<81920x128xf32, #tpu.memory_space<hbm>> -> memref<128x128xf32, #tpu.memory_space<hbm>>
        tpu.enqueue_dma source(%dma_start3A_171 : memref<128x128xf32, #tpu.memory_space<hbm>>) target(%arg10 : memref<128x128xf32, #tpu.memory_space<vmem>>) target_semaphore(%arg15 : memref<!tpu.dma_semaphore, #tpu.memory_space<semaphore_mem>>)
        %dma_wait3A_172 = arith.constant 0 : i32
        %dma_wait3A_173 = tpu.memref_slice %arg4[%dma_wait3A_172] : memref<160000xi32, #tpu.memory_space<hbm>> -> memref<128xi32, #tpu.memory_space<hbm>>
        %dma_wait3A_174 = arith.constant 0 : i32
        %dma_wait3A_175 = tpu.memref_slice %arg4[%dma_wait3A_174] : memref<160000xi32, #tpu.memory_space<hbm>> -> memref<128xi32, #tpu.memory_space<hbm>>
        tpu.wait_dma2 semaphore(%arg14 : memref<!tpu.dma_semaphore, #tpu.memory_space<semaphore_mem>>) src(%dma_wait3A_175 : memref<128xi32, #tpu.memory_space<hbm>>) dst(%arg11 : memref<128xi32, #tpu.memory_space<vmem>>)
        %dma_wait3A_176 = arith.constant 0 : i32
        %dma_wait3A_177 = arith.constant 0 : i32
        %dma_wait3A_178 = tpu.memref_slice %arg2[%scan3A_37, %dma_wait3A_176, %dma_wait3A_177] : memref<3x81920x128xf32, #tpu.memory_space<hbm>> -> memref<1x81920x128xf32, #tpu.memory_space<hbm>>
        %dma_wait3A_179 = tpu.memref_squeeze %dma_wait3A_178 : memref<1x81920x128xf32, #tpu.memory_space<hbm>> -> memref<81920x128xf32, #tpu.memory_space<hbm>>
        %dma_wait3A_180 = arith.constant 0 : i32
        %dma_wait3A_181 = arith.constant 0 : i32
        %dma_wait3A_182 = tpu.memref_slice %dma_wait3A_179[%dma_wait3A_180, %dma_wait3A_181] : memref<81920x128xf32, #tpu.memory_space<hbm>> -> memref<128x128xf32, #tpu.memory_space<hbm>>
        %dma_wait3A_183 = arith.constant 0 : i32
        %dma_wait3A_184 = arith.constant 0 : i32
        %dma_wait3A_185 = tpu.memref_slice %arg2[%scan3A_37, %dma_wait3A_183, %dma_wait3A_184] : memref<3x81920x128xf32, #tpu.memory_space<hbm>> -> memref<1x81920x128xf32, #tpu.memory_space<hbm>>
        %dma_wait3A_186 = tpu.memref_squeeze %dma_wait3A_185 : memref<1x81920x128xf32, #tpu.memory_space<hbm>> -> memref<81920x128xf32, #tpu.memory_space<hbm>>
        %dma_wait3A_187 = arith.constant 0 : i32
        %dma_wait3A_188 = arith.constant 0 : i32
        %dma_wait3A_189 = tpu.memref_slice %dma_wait3A_186[%dma_wait3A_187, %dma_wait3A_188] : memref<81920x128xf32, #tpu.memory_space<hbm>> -> memref<128x128xf32, #tpu.memory_space<hbm>>
        tpu.wait_dma2 semaphore(%arg14 : memref<!tpu.dma_semaphore, #tpu.memory_space<semaphore_mem>>) src(%dma_wait3A_189 : memref<128x128xf32, #tpu.memory_space<hbm>>) dst(%arg9 : memref<128x128xf32, #tpu.memory_space<vmem>>)
        "tpu.region"() ({
          %run_scoped3A = tpu.sem_alloc : memref<!tpu.dma_semaphore, #tpu.memory_space<semaphore_mem>>
          %dma_start3A_235 = arith.constant 0 : i32
          %dma_start3A_236 = arith.constant 0 : i32
          %dma_start3A_237 = tpu.memref_slice %arg13[%dma_start3A_235, %dma_start3A_236] : memref<10000x128xf32, #tpu.memory_space<vmem_shared>> -> memref<10000x128xf32, #tpu.memory_space<vmem_shared>>
          tpu.enqueue_indirect_dma source(%arg9 : memref<128x128xf32, #tpu.memory_space<vmem>>) target(%dma_start3A_237 : memref<10000x128xf32, #tpu.memory_space<vmem_shared>>) offsets(%arg11 : memref<128xi32, #tpu.memory_space<vmem>>) semaphore(%run_scoped3A : memref<!tpu.dma_semaphore, #tpu.memory_space<semaphore_mem>>) {add = true}
          %dma_wait3A_238 = arith.constant 0 : i32
          %dma_wait3A_239 = arith.constant 0 : i32
          %dma_wait3A_240 = tpu.memref_slice %arg13[%dma_wait3A_238, %dma_wait3A_239] : memref<10000x128xf32, #tpu.memory_space<vmem_shared>> -> memref<10000x128xf32, #tpu.memory_space<vmem_shared>>
          tpu.wait_indirect_dma semaphore(%run_scoped3A : memref<!tpu.dma_semaphore, #tpu.memory_space<semaphore_mem>>) src(%arg9 : memref<128x128xf32, #tpu.memory_space<vmem>>) dst(%dma_wait3A_240 : memref<10000x128xf32, #tpu.memory_space<vmem_shared>>)
          tpu.yield
        }) : () -> ()
        %mul3A_190 = arith.constant 2 : i32
        %mul3A_191 = arith.muli %mul3A_190, %scan3A_144 : i32
        %add3A_192 = arith.constant 2 : i32
        %add3A_193 = arith.addi %mul3A_191, %add3A_192 : i32
        %mul3A_194 = arith.constant 128 : i32
        %mul3A_195 = arith.muli %add3A_193, %mul3A_194 : i32
        %add3A_196 = arith.addi %mul3A_16, %mul3A_195 : i32
        %min3A_197 = arith.constant 81792 : i32
        %min3A_198 = arith.minsi %add3A_196, %min3A_197 : i32
        %add3A_199 = arith.constant 81920 : i32
        %add3A_200 = arith.addi %add3A_199, %min3A_198 : i32
        %min3A_201 = arith.constant 159872 : i32
        %min3A_202 = arith.minsi %add3A_200, %min3A_201 : i32
        %dma_start3A_203 = tpu.memref_slice %arg4[%min3A_202] : memref<160000xi32, #tpu.memory_space<hbm>> -> memref<128xi32, #tpu.memory_space<hbm>>
        %dma_start3A_204 = tpu.memref_slice %arg4[%min3A_202] : memref<160000xi32, #tpu.memory_space<hbm>> -> memref<128xi32, #tpu.memory_space<hbm>>
        tpu.enqueue_dma source(%dma_start3A_204 : memref<128xi32, #tpu.memory_space<hbm>>) target(%arg11 : memref<128xi32, #tpu.memory_space<vmem>>) target_semaphore(%arg14 : memref<!tpu.dma_semaphore, #tpu.memory_space<semaphore_mem>>)
        %dma_start3A_205 = arith.constant 0 : i32
        %dma_start3A_206 = arith.constant 0 : i32
        %dma_start3A_207 = tpu.memref_slice %arg2[%scan3A_37, %dma_start3A_205, %dma_start3A_206] : memref<3x81920x128xf32, #tpu.memory_space<hbm>> -> memref<1x81920x128xf32, #tpu.memory_space<hbm>>
        %dma_start3A_208 = tpu.memref_squeeze %dma_start3A_207 : memref<1x81920x128xf32, #tpu.memory_space<hbm>> -> memref<81920x128xf32, #tpu.memory_space<hbm>>
        %dma_start3A_209 = arith.constant 0 : i32
        %dma_start3A_210 = tpu.memref_slice %dma_start3A_208[%min3A_198, %dma_start3A_209] : memref<81920x128xf32, #tpu.memory_space<hbm>> -> memref<128x128xf32, #tpu.memory_space<hbm>>
        %dma_start3A_211 = arith.constant 0 : i32
        %dma_start3A_212 = arith.constant 0 : i32
        %dma_start3A_213 = tpu.memref_slice %arg2[%scan3A_37, %dma_start3A_211, %dma_start3A_212] : memref<3x81920x128xf32, #tpu.memory_space<hbm>> -> memref<1x81920x128xf32, #tpu.memory_space<hbm>>
        %dma_start3A_214 = tpu.memref_squeeze %dma_start3A_213 : memref<1x81920x128xf32, #tpu.memory_space<hbm>> -> memref<81920x128xf32, #tpu.memory_space<hbm>>
        %dma_start3A_215 = arith.constant 0 : i32
        %dma_start3A_216 = tpu.memref_slice %dma_start3A_214[%min3A_198, %dma_start3A_215] : memref<81920x128xf32, #tpu.memory_space<hbm>> -> memref<128x128xf32, #tpu.memory_space<hbm>>
        tpu.enqueue_dma source(%dma_start3A_216 : memref<128x128xf32, #tpu.memory_space<hbm>>) target(%arg9 : memref<128x128xf32, #tpu.memory_space<vmem>>) target_semaphore(%arg14 : memref<!tpu.dma_semaphore, #tpu.memory_space<semaphore_mem>>)
        %dma_wait3A_217 = arith.constant 0 : i32
        %dma_wait3A_218 = tpu.memref_slice %arg4[%dma_wait3A_217] : memref<160000xi32, #tpu.memory_space<hbm>> -> memref<128xi32, #tpu.memory_space<hbm>>
        %dma_wait3A_219 = arith.constant 0 : i32
        %dma_wait3A_220 = tpu.memref_slice %arg4[%dma_wait3A_219] : memref<160000xi32, #tpu.memory_space<hbm>> -> memref<128xi32, #tpu.memory_space<hbm>>
        tpu.wait_dma2 semaphore(%arg15 : memref<!tpu.dma_semaphore, #tpu.memory_space<semaphore_mem>>) src(%dma_wait3A_220 : memref<128xi32, #tpu.memory_space<hbm>>) dst(%arg12 : memref<128xi32, #tpu.memory_space<vmem>>)
        %dma_wait3A_221 = arith.constant 0 : i32
        %dma_wait3A_222 = arith.constant 0 : i32
        %dma_wait3A_223 = tpu.memref_slice %arg2[%scan3A_37, %dma_wait3A_221, %dma_wait3A_222] : memref<3x81920x128xf32, #tpu.memory_space<hbm>> -> memref<1x81920x128xf32, #tpu.memory_space<hbm>>
        %dma_wait3A_224 = tpu.memref_squeeze %dma_wait3A_223 : memref<1x81920x128xf32, #tpu.memory_space<hbm>> -> memref<81920x128xf32, #tpu.memory_space<hbm>>
        %dma_wait3A_225 = arith.constant 0 : i32
        %dma_wait3A_226 = arith.constant 0 : i32
        %dma_wait3A_227 = tpu.memref_slice %dma_wait3A_224[%dma_wait3A_225, %dma_wait3A_226] : memref<81920x128xf32, #tpu.memory_space<hbm>> -> memref<128x128xf32, #tpu.memory_space<hbm>>
        %dma_wait3A_228 = arith.constant 0 : i32
        %dma_wait3A_229 = arith.constant 0 : i32
        %dma_wait3A_230 = tpu.memref_slice %arg2[%scan3A_37, %dma_wait3A_228, %dma_wait3A_229] : memref<3x81920x128xf32, #tpu.memory_space<hbm>> -> memref<1x81920x128xf32, #tpu.memory_space<hbm>>
        %dma_wait3A_231 = tpu.memref_squeeze %dma_wait3A_230 : memref<1x81920x128xf32, #tpu.memory_space<hbm>> -> memref<81920x128xf32, #tpu.memory_space<hbm>>
        %dma_wait3A_232 = arith.constant 0 : i32
        %dma_wait3A_233 = arith.constant 0 : i32
        %dma_wait3A_234 = tpu.memref_slice %dma_wait3A_231[%dma_wait3A_232, %dma_wait3A_233] : memref<81920x128xf32, #tpu.memory_space<hbm>> -> memref<128x128xf32, #tpu.memory_space<hbm>>
        tpu.wait_dma2 semaphore(%arg15 : memref<!tpu.dma_semaphore, #tpu.memory_space<semaphore_mem>>) src(%dma_wait3A_234 : memref<128x128xf32, #tpu.memory_space<hbm>>) dst(%arg10 : memref<128x128xf32, #tpu.memory_space<vmem>>)
        "tpu.region"() ({
          %run_scoped3A = tpu.sem_alloc : memref<!tpu.dma_semaphore, #tpu.memory_space<semaphore_mem>>
          %dma_start3A_235 = arith.constant 0 : i32
          %dma_start3A_236 = arith.constant 0 : i32
          %dma_start3A_237 = tpu.memref_slice %arg13[%dma_start3A_235, %dma_start3A_236] : memref<10000x128xf32, #tpu.memory_space<vmem_shared>> -> memref<10000x128xf32, #tpu.memory_space<vmem_shared>>
          tpu.enqueue_indirect_dma source(%arg10 : memref<128x128xf32, #tpu.memory_space<vmem>>) target(%dma_start3A_237 : memref<10000x128xf32, #tpu.memory_space<vmem_shared>>) offsets(%arg12 : memref<128xi32, #tpu.memory_space<vmem>>) semaphore(%run_scoped3A : memref<!tpu.dma_semaphore, #tpu.memory_space<semaphore_mem>>) {add = true}
          %dma_wait3A_238 = arith.constant 0 : i32
          %dma_wait3A_239 = arith.constant 0 : i32
          %dma_wait3A_240 = tpu.memref_slice %arg13[%dma_wait3A_238, %dma_wait3A_239] : memref<10000x128xf32, #tpu.memory_space<vmem_shared>> -> memref<10000x128xf32, #tpu.memory_space<vmem_shared>>
          tpu.wait_indirect_dma semaphore(%run_scoped3A : memref<!tpu.dma_semaphore, #tpu.memory_space<semaphore_mem>>) src(%arg10 : memref<128x128xf32, #tpu.memory_space<vmem>>) dst(%dma_wait3A_240 : memref<10000x128xf32, #tpu.memory_space<vmem_shared>>)
          tpu.yield
        }) : () -> ()
      }
      %scan3A_42 = arith.constant 20 : i32
      %dma_wait3A = arith.constant 0 : i32
      %dma_wait3A_43 = tpu.memref_slice %arg4[%dma_wait3A] : memref<160000xi32, #tpu.memory_space<hbm>> -> memref<128xi32, #tpu.memory_space<hbm>>
      %dma_wait3A_44 = arith.constant 0 : i32
      %dma_wait3A_45 = tpu.memref_slice %arg4[%dma_wait3A_44] : memref<160000xi32, #tpu.memory_space<hbm>> -> memref<128xi32, #tpu.memory_space<hbm>>
      tpu.wait_dma2 semaphore(%arg14 : memref<!tpu.dma_semaphore, #tpu.memory_space<semaphore_mem>>) src(%dma_wait3A_45 : memref<128xi32, #tpu.memory_space<hbm>>) dst(%arg11 : memref<128xi32, #tpu.memory_space<vmem>>)
      %dma_wait3A_46 = arith.constant 0 : i32
      %dma_wait3A_47 = arith.constant 0 : i32
      %dma_wait3A_48 = arith.constant 0 : i32
      %dma_wait3A_49 = tpu.memref_slice %arg2[%dma_wait3A_46, %dma_wait3A_47, %dma_wait3A_48] : memref<3x81920x128xf32, #tpu.memory_space<hbm>> -> memref<1x81920x128xf32, #tpu.memory_space<hbm>>
      %dma_wait3A_50 = tpu.memref_squeeze %dma_wait3A_49 : memref<1x81920x128xf32, #tpu.memory_space<hbm>> -> memref<81920x128xf32, #tpu.memory_space<hbm>>
      %dma_wait3A_51 = arith.constant 0 : i32
      %dma_wait3A_52 = arith.constant 0 : i32
      %dma_wait3A_53 = tpu.memref_slice %dma_wait3A_50[%dma_wait3A_51, %dma_wait3A_52] : memref<81920x128xf32, #tpu.memory_space<hbm>> -> memref<128x128xf32, #tpu.memory_space<hbm>>
      %dma_wait3A_54 = arith.constant 0 : i32
      %dma_wait3A_55 = arith.constant 0 : i32
      %dma_wait3A_56 = tpu.memref_slice %arg2[%dma_wait3A_46, %dma_wait3A_54, %dma_wait3A_55] : memref<3x81920x128xf32, #tpu.memory_space<hbm>> -> memref<1x81920x128xf32, #tpu.memory_space<hbm>>
      %dma_wait3A_57 = tpu.memref_squeeze %dma_wait3A_56 : memref<1x81920x128xf32, #tpu.memory_space<hbm>> -> memref<81920x128xf32, #tpu.memory_space<hbm>>
      %dma_wait3A_58 = arith.constant 0 : i32
      %dma_wait3A_59 = arith.constant 0 : i32
      %dma_wait3A_60 = tpu.memref_slice %dma_wait3A_57[%dma_wait3A_58, %dma_wait3A_59] : memref<81920x128xf32, #tpu.memory_space<hbm>> -> memref<128x128xf32, #tpu.memory_space<hbm>>
      tpu.wait_dma2 semaphore(%arg14 : memref<!tpu.dma_semaphore, #tpu.memory_space<semaphore_mem>>) src(%dma_wait3A_60 : memref<128x128xf32, #tpu.memory_space<hbm>>) dst(%arg9 : memref<128x128xf32, #tpu.memory_space<vmem>>)
      %barrier3A_61 = arith.constant 0 : index
      tpu.barrier barrier_id(%barrier3A_61)
      %mul3A_62 = arith.constant 624 : i32
      %mul3A_63 = arith.muli %arg1, %mul3A_62 : i32
      %mul3A_64 = arith.constant 624 : i32
      %mul3A_65 = arith.muli %arg1, %mul3A_64 : i32
      "tpu.region"() ({
        %run_scoped3A = tpu.sem_alloc : memref<!tpu.dma_semaphore, #tpu.memory_space<semaphore_mem>>
        %dma_start3A_144 = arith.constant 0 : i32
        %dma_start3A_145 = tpu.memref_slice %arg7[%mul3A_65, %dma_start3A_144] : memref<10000x384xf32, #tpu.memory_space<hbm>> -> memref<624x128xf32, #tpu.memory_space<hbm>>
        %dma_start3A_146 = arith.constant 0 : i32
        %dma_start3A_147 = tpu.memref_slice %arg13[%mul3A_63, %dma_start3A_146] : memref<10000x128xf32, #tpu.memory_space<vmem_shared>> -> memref<624x128xf32, #tpu.memory_space<vmem_shared>>
        tpu.enqueue_dma source(%dma_start3A_147 : memref<624x128xf32, #tpu.memory_space<vmem_shared>>) target(%dma_start3A_145 : memref<624x128xf32, #tpu.memory_space<hbm>>) target_semaphore(%run_scoped3A : memref<!tpu.dma_semaphore, #tpu.memory_space<semaphore_mem>>)
        %dma_wait3A_148 = arith.constant 0 : i32
        %dma_wait3A_149 = tpu.memref_slice %arg7[%mul3A_65, %dma_wait3A_148] : memref<10000x384xf32, #tpu.memory_space<hbm>> -> memref<624x128xf32, #tpu.memory_space<hbm>>
        %dma_wait3A_150 = arith.constant 0 : i32
        %dma_wait3A_151 = tpu.memref_slice %arg13[%mul3A_63, %dma_wait3A_150] : memref<10000x128xf32, #tpu.memory_space<vmem_shared>> -> memref<624x128xf32, #tpu.memory_space<vmem_shared>>
        tpu.wait_dma2 semaphore(%run_scoped3A : memref<!tpu.dma_semaphore, #tpu.memory_space<semaphore_mem>>) src(%dma_wait3A_151 : memref<624x128xf32, #tpu.memory_space<vmem_shared>>) dst(%dma_wait3A_149 : memref<624x128xf32, #tpu.memory_space<hbm>>)
        tpu.yield
      }) : () -> ()
      %eq3A_66 = arith.constant 15 : i32
      %eq3A_67 = arith.cmpi eq, %arg1, %eq3A_66 : i32
      %convert_element_type3A_68 = arith.extui %eq3A_67 : i1 to i32
      %cond3A_69 = arith.constant 0 : i32
      %cond3A_70 = arith.cmpi ne, %convert_element_type3A_68, %cond3A_69 : i32
      scf.if %cond3A_70 {
        "tpu.region"() ({
          %run_scoped3A = tpu.sem_alloc : memref<!tpu.dma_semaphore, #tpu.memory_space<semaphore_mem>>
          %dma_start3A_144 = arith.constant 9984 : i32
          %dma_start3A_145 = arith.constant 0 : i32
          %dma_start3A_146 = tpu.memref_slice %arg7[%dma_start3A_144, %dma_start3A_145] : memref<10000x384xf32, #tpu.memory_space<hbm>> -> memref<16x128xf32, #tpu.memory_space<hbm>>
          %dma_start3A_147 = arith.constant 9984 : i32
          %dma_start3A_148 = arith.constant 0 : i32
          %dma_start3A_149 = tpu.memref_slice %arg13[%dma_start3A_147, %dma_start3A_148] : memref<10000x128xf32, #tpu.memory_space<vmem_shared>> -> memref<16x128xf32, #tpu.memory_space<vmem_shared>>
          tpu.enqueue_dma source(%dma_start3A_149 : memref<16x128xf32, #tpu.memory_space<vmem_shared>>) target(%dma_start3A_146 : memref<16x128xf32, #tpu.memory_space<hbm>>) target_semaphore(%run_scoped3A : memref<!tpu.dma_semaphore, #tpu.memory_space<semaphore_mem>>)
          %dma_wait3A_150 = arith.constant 9984 : i32
          %dma_wait3A_151 = arith.constant 0 : i32
          %dma_wait3A_152 = tpu.memref_slice %arg7[%dma_wait3A_150, %dma_wait3A_151] : memref<10000x384xf32, #tpu.memory_space<hbm>> -> memref<16x128xf32, #tpu.memory_space<hbm>>
          %dma_wait3A_153 = arith.constant 9984 : i32
          %dma_wait3A_154 = arith.constant 0 : i32
          %dma_wait3A_155 = tpu.memref_slice %arg13[%dma_wait3A_153, %dma_wait3A_154] : memref<10000x128xf32, #tpu.memory_space<vmem_shared>> -> memref<16x128xf32, #tpu.memory_space<vmem_shared>>
          tpu.wait_dma2 semaphore(%run_scoped3A : memref<!tpu.dma_semaphore, #tpu.memory_space<semaphore_mem>>) src(%dma_wait3A_155 : memref<16x128xf32, #tpu.memory_space<vmem_shared>>) dst(%dma_wait3A_152 : memref<16x128xf32, #tpu.memory_space<hbm>>)
          tpu.yield
        }) : () -> ()
      } else {
      }
      %barrier3A_71 = arith.constant 0 : index
      tpu.barrier barrier_id(%barrier3A_71)
      %mul3A_72 = arith.constant 624 : i32
      %mul3A_73 = arith.muli %arg1, %mul3A_72 : i32
      %mul3A_74 = arith.constant 624 : i32
      %mul3A_75 = arith.muli %arg1, %mul3A_74 : i32
      "tpu.region"() ({
        %run_scoped3A = tpu.sem_alloc : memref<!tpu.dma_semaphore, #tpu.memory_space<semaphore_mem>>
        %dma_start3A_144 = arith.constant 0 : i32
        %dma_start3A_145 = tpu.memref_slice %arg13[%mul3A_75, %dma_start3A_144] : memref<10000x128xf32, #tpu.memory_space<vmem_shared>> -> memref<624x128xf32, #tpu.memory_space<vmem_shared>>
        %dma_start3A_146 = arith.constant 128 : i32
        %dma_start3A_147 = tpu.memref_slice %arg5[%mul3A_73, %dma_start3A_146] : memref<10000x384xf32, #tpu.memory_space<hbm>> -> memref<624x128xf32, #tpu.memory_space<hbm>>
        tpu.enqueue_dma source(%dma_start3A_147 : memref<624x128xf32, #tpu.memory_space<hbm>>) target(%dma_start3A_145 : memref<624x128xf32, #tpu.memory_space<vmem_shared>>) target_semaphore(%run_scoped3A : memref<!tpu.dma_semaphore, #tpu.memory_space<semaphore_mem>>)
        %dma_wait3A_148 = arith.constant 0 : i32
        %dma_wait3A_149 = tpu.memref_slice %arg13[%mul3A_75, %dma_wait3A_148] : memref<10000x128xf32, #tpu.memory_space<vmem_shared>> -> memref<624x128xf32, #tpu.memory_space<vmem_shared>>
        %dma_wait3A_150 = arith.constant 128 : i32
        %dma_wait3A_151 = tpu.memref_slice %arg5[%mul3A_73, %dma_wait3A_150] : memref<10000x384xf32, #tpu.memory_space<hbm>> -> memref<624x128xf32, #tpu.memory_space<hbm>>
        tpu.wait_dma2 semaphore(%run_scoped3A : memref<!tpu.dma_semaphore, #tpu.memory_space<semaphore_mem>>) src(%dma_wait3A_151 : memref<624x128xf32, #tpu.memory_space<hbm>>) dst(%dma_wait3A_149 : memref<624x128xf32, #tpu.memory_space<vmem_shared>>)
        tpu.yield
      }) : () -> ()
      %eq3A_76 = arith.constant 15 : i32
      %eq3A_77 = arith.cmpi eq, %arg1, %eq3A_76 : i32
      %convert_element_type3A_78 = arith.extui %eq3A_77 : i1 to i32
      %cond3A_79 = arith.constant 0 : i32
      %cond3A_80 = arith.cmpi ne, %convert_element_type3A_78, %cond3A_79 : i32
      scf.if %cond3A_80 {
        "tpu.region"() ({
          %run_scoped3A = tpu.sem_alloc : memref<!tpu.dma_semaphore, #tpu.memory_space<semaphore_mem>>
          %dma_start3A_144 = arith.constant 9984 : i32
          %dma_start3A_145 = arith.constant 0 : i32
          %dma_start3A_146 = tpu.memref_slice %arg13[%dma_start3A_144, %dma_start3A_145] : memref<10000x128xf32, #tpu.memory_space<vmem_shared>> -> memref<16x128xf32, #tpu.memory_space<vmem_shared>>
          %dma_start3A_147 = arith.constant 9984 : i32
          %dma_start3A_148 = arith.constant 128 : i32
          %dma_start3A_149 = tpu.memref_slice %arg5[%dma_start3A_147, %dma_start3A_148] : memref<10000x384xf32, #tpu.memory_space<hbm>> -> memref<16x128xf32, #tpu.memory_space<hbm>>
          tpu.enqueue_dma source(%dma_start3A_149 : memref<16x128xf32, #tpu.memory_space<hbm>>) target(%dma_start3A_146 : memref<16x128xf32, #tpu.memory_space<vmem_shared>>) target_semaphore(%run_scoped3A : memref<!tpu.dma_semaphore, #tpu.memory_space<semaphore_mem>>)
          %dma_wait3A_150 = arith.constant 9984 : i32
          %dma_wait3A_151 = arith.constant 0 : i32
          %dma_wait3A_152 = tpu.memref_slice %arg13[%dma_wait3A_150, %dma_wait3A_151] : memref<10000x128xf32, #tpu.memory_space<vmem_shared>> -> memref<16x128xf32, #tpu.memory_space<vmem_shared>>
          %dma_wait3A_153 = arith.constant 9984 : i32
          %dma_wait3A_154 = arith.constant 128 : i32
          %dma_wait3A_155 = tpu.memref_slice %arg5[%dma_wait3A_153, %dma_wait3A_154] : memref<10000x384xf32, #tpu.memory_space<hbm>> -> memref<16x128xf32, #tpu.memory_space<hbm>>
          tpu.wait_dma2 semaphore(%run_scoped3A : memref<!tpu.dma_semaphore, #tpu.memory_space<semaphore_mem>>) src(%dma_wait3A_155 : memref<16x128xf32, #tpu.memory_space<hbm>>) dst(%dma_wait3A_152 : memref<16x128xf32, #tpu.memory_space<vmem_shared>>)
          tpu.yield
        }) : () -> ()
      } else {
      }
      %barrier3A_81 = arith.constant 0 : index
      tpu.barrier barrier_id(%barrier3A_81)
      %mul3A_82 = arith.constant 5120 : i32
      %mul3A_83 = arith.muli %arg1, %mul3A_82 : i32
      %add3A_84 = arith.constant 0 : i32
      %add3A_85 = arith.addi %mul3A_83, %add3A_84 : i32
      %min3A_86 = arith.constant 81792 : i32
      %min3A_87 = arith.minsi %add3A_85, %min3A_86 : i32
      %add3A_88 = arith.constant 81920 : i32
      %add3A_89 = arith.addi %add3A_88, %min3A_87 : i32
      %min3A_90 = arith.constant 159872 : i32
      %min3A_91 = arith.minsi %add3A_89, %min3A_90 : i32
      %dma_start3A_92 = tpu.memref_slice %arg4[%min3A_91] : memref<160000xi32, #tpu.memory_space<hbm>> -> memref<128xi32, #tpu.memory_space<hbm>>
      %dma_start3A_93 = tpu.memref_slice %arg4[%min3A_91] : memref<160000xi32, #tpu.memory_space<hbm>> -> memref<128xi32, #tpu.memory_space<hbm>>
      tpu.enqueue_dma source(%dma_start3A_93 : memref<128xi32, #tpu.memory_space<hbm>>) target(%arg11 : memref<128xi32, #tpu.memory_space<vmem>>) target_semaphore(%arg14 : memref<!tpu.dma_semaphore, #tpu.memory_space<semaphore_mem>>)
      %dma_start3A_94 = arith.constant 1 : i32
      %dma_start3A_95 = arith.constant 0 : i32
      %dma_start3A_96 = arith.constant 0 : i32
      %dma_start3A_97 = tpu.memref_slice %arg2[%dma_start3A_94, %dma_start3A_95, %dma_start3A_96] : memref<3x81920x128xf32, #tpu.memory_space<hbm>> -> memref<1x81920x128xf32, #tpu.memory_space<hbm>>
      %dma_start3A_98 = tpu.memref_squeeze %dma_start3A_97 : memref<1x81920x128xf32, #tpu.memory_space<hbm>> -> memref<81920x128xf32, #tpu.memory_space<hbm>>
      %dma_start3A_99 = arith.constant 0 : i32
      %dma_start3A_100 = tpu.memref_slice %dma_start3A_98[%min3A_87, %dma_start3A_99] : memref<81920x128xf32, #tpu.memory_space<hbm>> -> memref<128x128xf32, #tpu.memory_space<hbm>>
      %dma_start3A_101 = arith.constant 0 : i32
      %dma_start3A_102 = arith.constant 0 : i32
      %dma_start3A_103 = tpu.memref_slice %arg2[%dma_start3A_94, %dma_start3A_101, %dma_start3A_102] : memref<3x81920x128xf32, #tpu.memory_space<hbm>> -> memref<1x81920x128xf32, #tpu.memory_space<hbm>>
      %dma_start3A_104 = tpu.memref_squeeze %dma_start3A_103 : memref<1x81920x128xf32, #tpu.memory_space<hbm>> -> memref<81920x128xf32, #tpu.memory_space<hbm>>
      %dma_start3A_105 = arith.constant 0 : i32
      %dma_start3A_106 = tpu.memref_slice %dma_start3A_104[%min3A_87, %dma_start3A_105] : memref<81920x128xf32, #tpu.memory_space<hbm>> -> memref<128x128xf32, #tpu.memory_space<hbm>>
      tpu.enqueue_dma source(%dma_start3A_106 : memref<128x128xf32, #tpu.memory_space<hbm>>) target(%arg9 : memref<128x128xf32, #tpu.memory_space<vmem>>) target_semaphore(%arg14 : memref<!tpu.dma_semaphore, #tpu.memory_space<semaphore_mem>>)
      %scan3A_107 = arith.constant 0 : i32
      %scan3A_108 = arith.constant 1 : i32
      %scan3A_109 = arith.constant 0 : i32
      %scan3A_110 = arith.constant 20 : i32
      %scan3A_111 = arith.addi %scan3A_109, %scan3A_110 : i32
      %scan3A_112 = arith.constant 1 : i32
      scf.for %scan3A_144 = %scan3A_109 to %scan3A_111 step %scan3A_112  : i32 {
        %mul3A_145 = arith.constant 2 : i32
        %mul3A_146 = arith.muli %mul3A_145, %scan3A_144 : i32
        %add3A_147 = arith.constant 1 : i32
        %add3A_148 = arith.addi %mul3A_146, %add3A_147 : i32
        %mul3A_149 = arith.constant 128 : i32
        %mul3A_150 = arith.muli %add3A_148, %mul3A_149 : i32
        %add3A_151 = arith.addi %mul3A_83, %mul3A_150 : i32
        %min3A_152 = arith.constant 81792 : i32
        %min3A_153 = arith.minsi %add3A_151, %min3A_152 : i32
        %add3A_154 = arith.constant 81920 : i32
        %add3A_155 = arith.addi %add3A_154, %min3A_153 : i32
        %min3A_156 = arith.constant 159872 : i32
        %min3A_157 = arith.minsi %add3A_155, %min3A_156 : i32
        %dma_start3A_158 = tpu.memref_slice %arg4[%min3A_157] : memref<160000xi32, #tpu.memory_space<hbm>> -> memref<128xi32, #tpu.memory_space<hbm>>
        %dma_start3A_159 = tpu.memref_slice %arg4[%min3A_157] : memref<160000xi32, #tpu.memory_space<hbm>> -> memref<128xi32, #tpu.memory_space<hbm>>
        tpu.enqueue_dma source(%dma_start3A_159 : memref<128xi32, #tpu.memory_space<hbm>>) target(%arg12 : memref<128xi32, #tpu.memory_space<vmem>>) target_semaphore(%arg15 : memref<!tpu.dma_semaphore, #tpu.memory_space<semaphore_mem>>)
        %dma_start3A_160 = arith.constant 0 : i32
        %dma_start3A_161 = arith.constant 0 : i32
        %dma_start3A_162 = tpu.memref_slice %arg2[%scan3A_108, %dma_start3A_160, %dma_start3A_161] : memref<3x81920x128xf32, #tpu.memory_space<hbm>> -> memref<1x81920x128xf32, #tpu.memory_space<hbm>>
        %dma_start3A_163 = tpu.memref_squeeze %dma_start3A_162 : memref<1x81920x128xf32, #tpu.memory_space<hbm>> -> memref<81920x128xf32, #tpu.memory_space<hbm>>
        %dma_start3A_164 = arith.constant 0 : i32
        %dma_start3A_165 = tpu.memref_slice %dma_start3A_163[%min3A_153, %dma_start3A_164] : memref<81920x128xf32, #tpu.memory_space<hbm>> -> memref<128x128xf32, #tpu.memory_space<hbm>>
        %dma_start3A_166 = arith.constant 0 : i32
        %dma_start3A_167 = arith.constant 0 : i32
        %dma_start3A_168 = tpu.memref_slice %arg2[%scan3A_108, %dma_start3A_166, %dma_start3A_167] : memref<3x81920x128xf32, #tpu.memory_space<hbm>> -> memref<1x81920x128xf32, #tpu.memory_space<hbm>>
        %dma_start3A_169 = tpu.memref_squeeze %dma_start3A_168 : memref<1x81920x128xf32, #tpu.memory_space<hbm>> -> memref<81920x128xf32, #tpu.memory_space<hbm>>
        %dma_start3A_170 = arith.constant 0 : i32
        %dma_start3A_171 = tpu.memref_slice %dma_start3A_169[%min3A_153, %dma_start3A_170] : memref<81920x128xf32, #tpu.memory_space<hbm>> -> memref<128x128xf32, #tpu.memory_space<hbm>>
        tpu.enqueue_dma source(%dma_start3A_171 : memref<128x128xf32, #tpu.memory_space<hbm>>) target(%arg10 : memref<128x128xf32, #tpu.memory_space<vmem>>) target_semaphore(%arg15 : memref<!tpu.dma_semaphore, #tpu.memory_space<semaphore_mem>>)
        %dma_wait3A_172 = arith.constant 0 : i32
        %dma_wait3A_173 = tpu.memref_slice %arg4[%dma_wait3A_172] : memref<160000xi32, #tpu.memory_space<hbm>> -> memref<128xi32, #tpu.memory_space<hbm>>
        %dma_wait3A_174 = arith.constant 0 : i32
        %dma_wait3A_175 = tpu.memref_slice %arg4[%dma_wait3A_174] : memref<160000xi32, #tpu.memory_space<hbm>> -> memref<128xi32, #tpu.memory_space<hbm>>
        tpu.wait_dma2 semaphore(%arg14 : memref<!tpu.dma_semaphore, #tpu.memory_space<semaphore_mem>>) src(%dma_wait3A_175 : memref<128xi32, #tpu.memory_space<hbm>>) dst(%arg11 : memref<128xi32, #tpu.memory_space<vmem>>)
        %dma_wait3A_176 = arith.constant 0 : i32
        %dma_wait3A_177 = arith.constant 0 : i32
        %dma_wait3A_178 = tpu.memref_slice %arg2[%scan3A_108, %dma_wait3A_176, %dma_wait3A_177] : memref<3x81920x128xf32, #tpu.memory_space<hbm>> -> memref<1x81920x128xf32, #tpu.memory_space<hbm>>
        %dma_wait3A_179 = tpu.memref_squeeze %dma_wait3A_178 : memref<1x81920x128xf32, #tpu.memory_space<hbm>> -> memref<81920x128xf32, #tpu.memory_space<hbm>>
        %dma_wait3A_180 = arith.constant 0 : i32
        %dma_wait3A_181 = arith.constant 0 : i32
        %dma_wait3A_182 = tpu.memref_slice %dma_wait3A_179[%dma_wait3A_180, %dma_wait3A_181] : memref<81920x128xf32, #tpu.memory_space<hbm>> -> memref<128x128xf32, #tpu.memory_space<hbm>>
        %dma_wait3A_183 = arith.constant 0 : i32
        %dma_wait3A_184 = arith.constant 0 : i32
        %dma_wait3A_185 = tpu.memref_slice %arg2[%scan3A_108, %dma_wait3A_183, %dma_wait3A_184] : memref<3x81920x128xf32, #tpu.memory_space<hbm>> -> memref<1x81920x128xf32, #tpu.memory_space<hbm>>
        %dma_wait3A_186 = tpu.memref_squeeze %dma_wait3A_185 : memref<1x81920x128xf32, #tpu.memory_space<hbm>> -> memref<81920x128xf32, #tpu.memory_space<hbm>>
        %dma_wait3A_187 = arith.constant 0 : i32
        %dma_wait3A_188 = arith.constant 0 : i32
        %dma_wait3A_189 = tpu.memref_slice %dma_wait3A_186[%dma_wait3A_187, %dma_wait3A_188] : memref<81920x128xf32, #tpu.memory_space<hbm>> -> memref<128x128xf32, #tpu.memory_space<hbm>>
        tpu.wait_dma2 semaphore(%arg14 : memref<!tpu.dma_semaphore, #tpu.memory_space<semaphore_mem>>) src(%dma_wait3A_189 : memref<128x128xf32, #tpu.memory_space<hbm>>) dst(%arg9 : memref<128x128xf32, #tpu.memory_space<vmem>>)
        "tpu.region"() ({
          %run_scoped3A = tpu.sem_alloc : memref<!tpu.dma_semaphore, #tpu.memory_space<semaphore_mem>>
          %dma_start3A_235 = arith.constant 0 : i32
          %dma_start3A_236 = arith.constant 0 : i32
          %dma_start3A_237 = tpu.memref_slice %arg13[%dma_start3A_235, %dma_start3A_236] : memref<10000x128xf32, #tpu.memory_space<vmem_shared>> -> memref<10000x128xf32, #tpu.memory_space<vmem_shared>>
          tpu.enqueue_indirect_dma source(%arg9 : memref<128x128xf32, #tpu.memory_space<vmem>>) target(%dma_start3A_237 : memref<10000x128xf32, #tpu.memory_space<vmem_shared>>) offsets(%arg11 : memref<128xi32, #tpu.memory_space<vmem>>) semaphore(%run_scoped3A : memref<!tpu.dma_semaphore, #tpu.memory_space<semaphore_mem>>) {add = true}
          %dma_wait3A_238 = arith.constant 0 : i32
          %dma_wait3A_239 = arith.constant 0 : i32
          %dma_wait3A_240 = tpu.memref_slice %arg13[%dma_wait3A_238, %dma_wait3A_239] : memref<10000x128xf32, #tpu.memory_space<vmem_shared>> -> memref<10000x128xf32, #tpu.memory_space<vmem_shared>>
          tpu.wait_indirect_dma semaphore(%run_scoped3A : memref<!tpu.dma_semaphore, #tpu.memory_space<semaphore_mem>>) src(%arg9 : memref<128x128xf32, #tpu.memory_space<vmem>>) dst(%dma_wait3A_240 : memref<10000x128xf32, #tpu.memory_space<vmem_shared>>)
          tpu.yield
        }) : () -> ()
        %mul3A_190 = arith.constant 2 : i32
        %mul3A_191 = arith.muli %mul3A_190, %scan3A_144 : i32
        %add3A_192 = arith.constant 2 : i32
        %add3A_193 = arith.addi %mul3A_191, %add3A_192 : i32
        %mul3A_194 = arith.constant 128 : i32
        %mul3A_195 = arith.muli %add3A_193, %mul3A_194 : i32
        %add3A_196 = arith.addi %mul3A_83, %mul3A_195 : i32
        %min3A_197 = arith.constant 81792 : i32
        %min3A_198 = arith.minsi %add3A_196, %min3A_197 : i32
        %add3A_199 = arith.constant 81920 : i32
        %add3A_200 = arith.addi %add3A_199, %min3A_198 : i32
        %min3A_201 = arith.constant 159872 : i32
        %min3A_202 = arith.minsi %add3A_200, %min3A_201 : i32
        %dma_start3A_203 = tpu.memref_slice %arg4[%min3A_202] : memref<160000xi32, #tpu.memory_space<hbm>> -> memref<128xi32, #tpu.memory_space<hbm>>
        %dma_start3A_204 = tpu.memref_slice %arg4[%min3A_202] : memref<160000xi32, #tpu.memory_space<hbm>> -> memref<128xi32, #tpu.memory_space<hbm>>
        tpu.enqueue_dma source(%dma_start3A_204 : memref<128xi32, #tpu.memory_space<hbm>>) target(%arg11 : memref<128xi32, #tpu.memory_space<vmem>>) target_semaphore(%arg14 : memref<!tpu.dma_semaphore, #tpu.memory_space<semaphore_mem>>)
        %dma_start3A_205 = arith.constant 0 : i32
        %dma_start3A_206 = arith.constant 0 : i32
        %dma_start3A_207 = tpu.memref_slice %arg2[%scan3A_108, %dma_start3A_205, %dma_start3A_206] : memref<3x81920x128xf32, #tpu.memory_space<hbm>> -> memref<1x81920x128xf32, #tpu.memory_space<hbm>>
        %dma_start3A_208 = tpu.memref_squeeze %dma_start3A_207 : memref<1x81920x128xf32, #tpu.memory_space<hbm>> -> memref<81920x128xf32, #tpu.memory_space<hbm>>
        %dma_start3A_209 = arith.constant 0 : i32
        %dma_start3A_210 = tpu.memref_slice %dma_start3A_208[%min3A_198, %dma_start3A_209] : memref<81920x128xf32, #tpu.memory_space<hbm>> -> memref<128x128xf32, #tpu.memory_space<hbm>>
        %dma_start3A_211 = arith.constant 0 : i32
        %dma_start3A_212 = arith.constant 0 : i32
        %dma_start3A_213 = tpu.memref_slice %arg2[%scan3A_108, %dma_start3A_211, %dma_start3A_212] : memref<3x81920x128xf32, #tpu.memory_space<hbm>> -> memref<1x81920x128xf32, #tpu.memory_space<hbm>>
        %dma_start3A_214 = tpu.memref_squeeze %dma_start3A_213 : memref<1x81920x128xf32, #tpu.memory_space<hbm>> -> memref<81920x128xf32, #tpu.memory_space<hbm>>
        %dma_start3A_215 = arith.constant 0 : i32
        %dma_start3A_216 = tpu.memref_slice %dma_start3A_214[%min3A_198, %dma_start3A_215] : memref<81920x128xf32, #tpu.memory_space<hbm>> -> memref<128x128xf32, #tpu.memory_space<hbm>>
        tpu.enqueue_dma source(%dma_start3A_216 : memref<128x128xf32, #tpu.memory_space<hbm>>) target(%arg9 : memref<128x128xf32, #tpu.memory_space<vmem>>) target_semaphore(%arg14 : memref<!tpu.dma_semaphore, #tpu.memory_space<semaphore_mem>>)
        %dma_wait3A_217 = arith.constant 0 : i32
        %dma_wait3A_218 = tpu.memref_slice %arg4[%dma_wait3A_217] : memref<160000xi32, #tpu.memory_space<hbm>> -> memref<128xi32, #tpu.memory_space<hbm>>
        %dma_wait3A_219 = arith.constant 0 : i32
        %dma_wait3A_220 = tpu.memref_slice %arg4[%dma_wait3A_219] : memref<160000xi32, #tpu.memory_space<hbm>> -> memref<128xi32, #tpu.memory_space<hbm>>
        tpu.wait_dma2 semaphore(%arg15 : memref<!tpu.dma_semaphore, #tpu.memory_space<semaphore_mem>>) src(%dma_wait3A_220 : memref<128xi32, #tpu.memory_space<hbm>>) dst(%arg12 : memref<128xi32, #tpu.memory_space<vmem>>)
        %dma_wait3A_221 = arith.constant 0 : i32
        %dma_wait3A_222 = arith.constant 0 : i32
        %dma_wait3A_223 = tpu.memref_slice %arg2[%scan3A_108, %dma_wait3A_221, %dma_wait3A_222] : memref<3x81920x128xf32, #tpu.memory_space<hbm>> -> memref<1x81920x128xf32, #tpu.memory_space<hbm>>
        %dma_wait3A_224 = tpu.memref_squeeze %dma_wait3A_223 : memref<1x81920x128xf32, #tpu.memory_space<hbm>> -> memref<81920x128xf32, #tpu.memory_space<hbm>>
        %dma_wait3A_225 = arith.constant 0 : i32
        %dma_wait3A_226 = arith.constant 0 : i32
        %dma_wait3A_227 = tpu.memref_slice %dma_wait3A_224[%dma_wait3A_225, %dma_wait3A_226] : memref<81920x128xf32, #tpu.memory_space<hbm>> -> memref<128x128xf32, #tpu.memory_space<hbm>>
        %dma_wait3A_228 = arith.constant 0 : i32
        %dma_wait3A_229 = arith.constant 0 : i32
        %dma_wait3A_230 = tpu.memref_slice %arg2[%scan3A_108, %dma_wait3A_228, %dma_wait3A_229] : memref<3x81920x128xf32, #tpu.memory_space<hbm>> -> memref<1x81920x128xf32, #tpu.memory_space<hbm>>
        %dma_wait3A_231 = tpu.memref_squeeze %dma_wait3A_230 : memref<1x81920x128xf32, #tpu.memory_space<hbm>> -> memref<81920x128xf32, #tpu.memory_space<hbm>>
        %dma_wait3A_232 = arith.constant 0 : i32
        %dma_wait3A_233 = arith.constant 0 : i32
        %dma_wait3A_234 = tpu.memref_slice %dma_wait3A_231[%dma_wait3A_232, %dma_wait3A_233] : memref<81920x128xf32, #tpu.memory_space<hbm>> -> memref<128x128xf32, #tpu.memory_space<hbm>>
        tpu.wait_dma2 semaphore(%arg15 : memref<!tpu.dma_semaphore, #tpu.memory_space<semaphore_mem>>) src(%dma_wait3A_234 : memref<128x128xf32, #tpu.memory_space<hbm>>) dst(%arg10 : memref<128x128xf32, #tpu.memory_space<vmem>>)
        "tpu.region"() ({
          %run_scoped3A = tpu.sem_alloc : memref<!tpu.dma_semaphore, #tpu.memory_space<semaphore_mem>>
          %dma_start3A_235 = arith.constant 0 : i32
          %dma_start3A_236 = arith.constant 0 : i32
          %dma_start3A_237 = tpu.memref_slice %arg13[%dma_start3A_235, %dma_start3A_236] : memref<10000x128xf32, #tpu.memory_space<vmem_shared>> -> memref<10000x128xf32, #tpu.memory_space<vmem_shared>>
          tpu.enqueue_indirect_dma source(%arg10 : memref<128x128xf32, #tpu.memory_space<vmem>>) target(%dma_start3A_237 : memref<10000x128xf32, #tpu.memory_space<vmem_shared>>) offsets(%arg12 : memref<128xi32, #tpu.memory_space<vmem>>) semaphore(%run_scoped3A : memref<!tpu.dma_semaphore, #tpu.memory_space<semaphore_mem>>) {add = true}
          %dma_wait3A_238 = arith.constant 0 : i32
          %dma_wait3A_239 = arith.constant 0 : i32
          %dma_wait3A_240 = tpu.memref_slice %arg13[%dma_wait3A_238, %dma_wait3A_239] : memref<10000x128xf32, #tpu.memory_space<vmem_shared>> -> memref<10000x128xf32, #tpu.memory_space<vmem_shared>>
          tpu.wait_indirect_dma semaphore(%run_scoped3A : memref<!tpu.dma_semaphore, #tpu.memory_space<semaphore_mem>>) src(%arg10 : memref<128x128xf32, #tpu.memory_space<vmem>>) dst(%dma_wait3A_240 : memref<10000x128xf32, #tpu.memory_space<vmem_shared>>)
          tpu.yield
        }) : () -> ()
      }
      %scan3A_113 = arith.constant 20 : i32
      %dma_wait3A_114 = arith.constant 0 : i32
      %dma_wait3A_115 = tpu.memref_slice %arg4[%dma_wait3A_114] : memref<160000xi32, #tpu.memory_space<hbm>> -> memref<128xi32, #tpu.memory_space<hbm>>
      %dma_wait3A_116 = arith.constant 0 : i32
      %dma_wait3A_117 = tpu.memref_slice %arg4[%dma_wait3A_116] : memref<160000xi32, #tpu.memory_space<hbm>> -> memref<128xi32, #tpu.memory_space<hbm>>
      tpu.wait_dma2 semaphore(%arg14 : memref<!tpu.dma_semaphore, #tpu.memory_space<semaphore_mem>>) src(%dma_wait3A_117 : memref<128xi32, #tpu.memory_space<hbm>>) dst(%arg11 : memref<128xi32, #tpu.memory_space<vmem>>)
      %dma_wait3A_118 = arith.constant 1 : i32
      %dma_wait3A_119 = arith.constant 0 : i32
      %dma_wait3A_120 = arith.constant 0 : i32
      %dma_wait3A_121 = tpu.memref_slice %arg2[%dma_wait3A_118, %dma_wait3A_119, %dma_wait3A_120] : memref<3x81920x128xf32, #tpu.memory_space<hbm>> -> memref<1x81920x128xf32, #tpu.memory_space<hbm>>
      %dma_wait3A_122 = tpu.memref_squeeze %dma_wait3A_121 : memref<1x81920x128xf32, #tpu.memory_space<hbm>> -> memref<81920x128xf32, #tpu.memory_space<hbm>>
      %dma_wait3A_123 = arith.constant 0 : i32
      %dma_wait3A_124 = arith.constant 0 : i32
      %dma_wait3A_125 = tpu.memref_slice %dma_wait3A_122[%dma_wait3A_123, %dma_wait3A_124] : memref<81920x128xf32, #tpu.memory_space<hbm>> -> memref<128x128xf32, #tpu.memory_space<hbm>>
      %dma_wait3A_126 = arith.constant 0 : i32
      %dma_wait3A_127 = arith.constant 0 : i32
      %dma_wait3A_128 = tpu.memref_slice %arg2[%dma_wait3A_118, %dma_wait3A_126, %dma_wait3A_127] : memref<3x81920x128xf32, #tpu.memory_space<hbm>> -> memref<1x81920x128xf32, #tpu.memory_space<hbm>>
      %dma_wait3A_129 = tpu.memref_squeeze %dma_wait3A_128 : memref<1x81920x128xf32, #tpu.memory_space<hbm>> -> memref<81920x128xf32, #tpu.memory_space<hbm>>
      %dma_wait3A_130 = arith.constant 0 : i32
      %dma_wait3A_131 = arith.constant 0 : i32
      %dma_wait3A_132 = tpu.memref_slice %dma_wait3A_129[%dma_wait3A_130, %dma_wait3A_131] : memref<81920x128xf32, #tpu.memory_space<hbm>> -> memref<128x128xf32, #tpu.memory_space<hbm>>
      tpu.wait_dma2 semaphore(%arg14 : memref<!tpu.dma_semaphore, #tpu.memory_space<semaphore_mem>>) src(%dma_wait3A_132 : memref<128x128xf32, #tpu.memory_space<hbm>>) dst(%arg9 : memref<128x128xf32, #tpu.memory_space<vmem>>)
      %barrier3A_133 = arith.constant 0 : index
      tpu.barrier barrier_id(%barrier3A_133)
      %mul3A_134 = arith.constant 624 : i32
      %mul3A_135 = arith.muli %arg1, %mul3A_134 : i32
      %mul3A_136 = arith.constant 624 : i32
      %mul3A_137 = arith.muli %arg1, %mul3A_136 : i32
      "tpu.region"() ({
        %run_scoped3A = tpu.sem_alloc : memref<!tpu.dma_semaphore, #tpu.memory_space<semaphore_mem>>
        %dma_start3A_144 = arith.constant 128 : i32
        %dma_start3A_145 = tpu.memref_slice %arg7[%mul3A_137, %dma_start3A_144] : memref<10000x384xf32, #tpu.memory_space<hbm>> -> memref<624x128xf32, #tpu.memory_space<hbm>>
        %dma_start3A_146 = arith.constant 0 : i32
        %dma_start3A_147 = tpu.memref_slice %arg13[%mul3A_135, %dma_start3A_146] : memref<10000x128xf32, #tpu.memory_space<vmem_shared>> -> memref<624x128xf32, #tpu.memory_space<vmem_shared>>
        tpu.enqueue_dma source(%dma_start3A_147 : memref<624x128xf32, #tpu.memory_space<vmem_shared>>) target(%dma_start3A_145 : memref<624x128xf32, #tpu.memory_space<hbm>>) target_semaphore(%run_scoped3A : memref<!tpu.dma_semaphore, #tpu.memory_space<semaphore_mem>>)
        %dma_wait3A_148 = arith.constant 128 : i32
        %dma_wait3A_149 = tpu.memref_slice %arg7[%mul3A_137, %dma_wait3A_148] : memref<10000x384xf32, #tpu.memory_space<hbm>> -> memref<624x128xf32, #tpu.memory_space<hbm>>
        %dma_wait3A_150 = arith.constant 0 : i32
        %dma_wait3A_151 = tpu.memref_slice %arg13[%mul3A_135, %dma_wait3A_150] : memref<10000x128xf32, #tpu.memory_space<vmem_shared>> -> memref<624x128xf32, #tpu.memory_space<vmem_shared>>
        tpu.wait_dma2 semaphore(%run_scoped3A : memref<!tpu.dma_semaphore, #tpu.memory_space<semaphore_mem>>) src(%dma_wait3A_151 : memref<624x128xf32, #tpu.memory_space<vmem_shared>>) dst(%dma_wait3A_149 : memref<624x128xf32, #tpu.memory_space<hbm>>)
        tpu.yield
      }) : () -> ()
      %eq3A_138 = arith.constant 15 : i32
      %eq3A_139 = arith.cmpi eq, %arg1, %eq3A_138 : i32
      %convert_element_type3A_140 = arith.extui %eq3A_139 : i1 to i32
      %cond3A_141 = arith.constant 0 : i32
      %cond3A_142 = arith.cmpi ne, %convert_element_type3A_140, %cond3A_141 : i32
      scf.if %cond3A_142 {
        "tpu.region"() ({
          %run_scoped3A = tpu.sem_alloc : memref<!tpu.dma_semaphore, #tpu.memory_space<semaphore_mem>>
          %dma_start3A_144 = arith.constant 9984 : i32
          %dma_start3A_145 = arith.constant 128 : i32
          %dma_start3A_146 = tpu.memref_slice %arg7[%dma_start3A_144, %dma_start3A_145] : memref<10000x384xf32, #tpu.memory_space<hbm>> -> memref<16x128xf32, #tpu.memory_space<hbm>>
          %dma_start3A_147 = arith.constant 9984 : i32
          %dma_start3A_148 = arith.constant 0 : i32
          %dma_start3A_149 = tpu.memref_slice %arg13[%dma_start3A_147, %dma_start3A_148] : memref<10000x128xf32, #tpu.memory_space<vmem_shared>> -> memref<16x128xf32, #tpu.memory_space<vmem_shared>>
          tpu.enqueue_dma source(%dma_start3A_149 : memref<16x128xf32, #tpu.memory_space<vmem_shared>>) target(%dma_start3A_146 : memref<16x128xf32, #tpu.memory_space<hbm>>) target_semaphore(%run_scoped3A : memref<!tpu.dma_semaphore, #tpu.memory_space<semaphore_mem>>)
          %dma_wait3A_150 = arith.constant 9984 : i32
          %dma_wait3A_151 = arith.constant 128 : i32
          %dma_wait3A_152 = tpu.memref_slice %arg7[%dma_wait3A_150, %dma_wait3A_151] : memref<10000x384xf32, #tpu.memory_space<hbm>> -> memref<16x128xf32, #tpu.memory_space<hbm>>
          %dma_wait3A_153 = arith.constant 9984 : i32
          %dma_wait3A_154 = arith.constant 0 : i32
          %dma_wait3A_155 = tpu.memref_slice %arg13[%dma_wait3A_153, %dma_wait3A_154] : memref<10000x128xf32, #tpu.memory_space<vmem_shared>> -> memref<16x128xf32, #tpu.memory_space<vmem_shared>>
          tpu.wait_dma2 semaphore(%run_scoped3A : memref<!tpu.dma_semaphore, #tpu.memory_space<semaphore_mem>>) src(%dma_wait3A_155 : memref<16x128xf32, #tpu.memory_space<vmem_shared>>) dst(%dma_wait3A_152 : memref<16x128xf32, #tpu.memory_space<hbm>>)
          tpu.yield
        }) : () -> ()
      } else {
      }
      %barrier3A_143 = arith.constant 0 : index
      tpu.barrier barrier_id(%barrier3A_143)
    } else {
    }
    %eq3A_2 = arith.constant 1 : i32
    %eq3A_3 = arith.cmpi eq, %arg0, %eq3A_2 : i32
    %convert_element_type3A_4 = arith.extui %eq3A_3 : i1 to i32
    %cond3A_5 = arith.constant 0 : i32
    %cond3A_6 = arith.cmpi ne, %convert_element_type3A_4, %cond3A_5 : i32
    scf.if %cond3A_6 {
      %mul3A = arith.constant 624 : i32
      %mul3A_7 = arith.muli %arg1, %mul3A : i32
      %mul3A_8 = arith.constant 624 : i32
      %mul3A_9 = arith.muli %arg1, %mul3A_8 : i32
      "tpu.region"() ({
        %run_scoped3A = tpu.sem_alloc : memref<!tpu.dma_semaphore, #tpu.memory_space<semaphore_mem>>
        %dma_start3A_125 = arith.constant 0 : i32
        %dma_start3A_126 = tpu.memref_slice %arg13[%mul3A_9, %dma_start3A_125] : memref<10000x128xf32, #tpu.memory_space<vmem_shared>> -> memref<624x128xf32, #tpu.memory_space<vmem_shared>>
        %dma_start3A_127 = arith.constant 256 : i32
        %dma_start3A_128 = tpu.memref_slice %arg5[%mul3A_7, %dma_start3A_127] : memref<10000x384xf32, #tpu.memory_space<hbm>> -> memref<624x128xf32, #tpu.memory_space<hbm>>
        tpu.enqueue_dma source(%dma_start3A_128 : memref<624x128xf32, #tpu.memory_space<hbm>>) target(%dma_start3A_126 : memref<624x128xf32, #tpu.memory_space<vmem_shared>>) target_semaphore(%run_scoped3A : memref<!tpu.dma_semaphore, #tpu.memory_space<semaphore_mem>>)
        %dma_wait3A_129 = arith.constant 0 : i32
        %dma_wait3A_130 = tpu.memref_slice %arg13[%mul3A_9, %dma_wait3A_129] : memref<10000x128xf32, #tpu.memory_space<vmem_shared>> -> memref<624x128xf32, #tpu.memory_space<vmem_shared>>
        %dma_wait3A_131 = arith.constant 256 : i32
        %dma_wait3A_132 = tpu.memref_slice %arg5[%mul3A_7, %dma_wait3A_131] : memref<10000x384xf32, #tpu.memory_space<hbm>> -> memref<624x128xf32, #tpu.memory_space<hbm>>
        tpu.wait_dma2 semaphore(%run_scoped3A : memref<!tpu.dma_semaphore, #tpu.memory_space<semaphore_mem>>) src(%dma_wait3A_132 : memref<624x128xf32, #tpu.memory_space<hbm>>) dst(%dma_wait3A_130 : memref<624x128xf32, #tpu.memory_space<vmem_shared>>)
        tpu.yield
      }) : () -> ()
      %eq3A_10 = arith.constant 15 : i32
      %eq3A_11 = arith.cmpi eq, %arg1, %eq3A_10 : i32
      %convert_element_type3A_12 = arith.extui %eq3A_11 : i1 to i32
      %cond3A_13 = arith.constant 0 : i32
      %cond3A_14 = arith.cmpi ne, %convert_element_type3A_12, %cond3A_13 : i32
      scf.if %cond3A_14 {
        "tpu.region"() ({
          %run_scoped3A = tpu.sem_alloc : memref<!tpu.dma_semaphore, #tpu.memory_space<semaphore_mem>>
          %dma_start3A_125 = arith.constant 9984 : i32
          %dma_start3A_126 = arith.constant 0 : i32
          %dma_start3A_127 = tpu.memref_slice %arg13[%dma_start3A_125, %dma_start3A_126] : memref<10000x128xf32, #tpu.memory_space<vmem_shared>> -> memref<16x128xf32, #tpu.memory_space<vmem_shared>>
          %dma_start3A_128 = arith.constant 9984 : i32
          %dma_start3A_129 = arith.constant 256 : i32
          %dma_start3A_130 = tpu.memref_slice %arg5[%dma_start3A_128, %dma_start3A_129] : memref<10000x384xf32, #tpu.memory_space<hbm>> -> memref<16x128xf32, #tpu.memory_space<hbm>>
          tpu.enqueue_dma source(%dma_start3A_130 : memref<16x128xf32, #tpu.memory_space<hbm>>) target(%dma_start3A_127 : memref<16x128xf32, #tpu.memory_space<vmem_shared>>) target_semaphore(%run_scoped3A : memref<!tpu.dma_semaphore, #tpu.memory_space<semaphore_mem>>)
          %dma_wait3A_131 = arith.constant 9984 : i32
          %dma_wait3A_132 = arith.constant 0 : i32
          %dma_wait3A_133 = tpu.memref_slice %arg13[%dma_wait3A_131, %dma_wait3A_132] : memref<10000x128xf32, #tpu.memory_space<vmem_shared>> -> memref<16x128xf32, #tpu.memory_space<vmem_shared>>
          %dma_wait3A_134 = arith.constant 9984 : i32
          %dma_wait3A_135 = arith.constant 256 : i32
          %dma_wait3A_136 = tpu.memref_slice %arg5[%dma_wait3A_134, %dma_wait3A_135] : memref<10000x384xf32, #tpu.memory_space<hbm>> -> memref<16x128xf32, #tpu.memory_space<hbm>>
          tpu.wait_dma2 semaphore(%run_scoped3A : memref<!tpu.dma_semaphore, #tpu.memory_space<semaphore_mem>>) src(%dma_wait3A_136 : memref<16x128xf32, #tpu.memory_space<hbm>>) dst(%dma_wait3A_133 : memref<16x128xf32, #tpu.memory_space<vmem_shared>>)
          tpu.yield
        }) : () -> ()
      } else {
      }
      %barrier3A = arith.constant 0 : index
      tpu.barrier barrier_id(%barrier3A)
      %mul3A_15 = arith.constant 5120 : i32
      %mul3A_16 = arith.muli %arg1, %mul3A_15 : i32
      %add3A = arith.constant 0 : i32
      %add3A_17 = arith.addi %mul3A_16, %add3A : i32
      %min3A = arith.constant 81792 : i32
      %min3A_18 = arith.minsi %add3A_17, %min3A : i32
      %add3A_19 = arith.constant 81920 : i32
      %add3A_20 = arith.addi %add3A_19, %min3A_18 : i32
      %min3A_21 = arith.constant 159872 : i32
      %min3A_22 = arith.minsi %add3A_20, %min3A_21 : i32
      %dma_start3A = tpu.memref_slice %arg4[%min3A_22] : memref<160000xi32, #tpu.memory_space<hbm>> -> memref<128xi32, #tpu.memory_space<hbm>>
      %dma_start3A_23 = tpu.memref_slice %arg4[%min3A_22] : memref<160000xi32, #tpu.memory_space<hbm>> -> memref<128xi32, #tpu.memory_space<hbm>>
      tpu.enqueue_dma source(%dma_start3A_23 : memref<128xi32, #tpu.memory_space<hbm>>) target(%arg11 : memref<128xi32, #tpu.memory_space<vmem>>) target_semaphore(%arg14 : memref<!tpu.dma_semaphore, #tpu.memory_space<semaphore_mem>>)
      %dma_start3A_24 = arith.constant 2 : i32
      %dma_start3A_25 = arith.constant 0 : i32
      %dma_start3A_26 = arith.constant 0 : i32
      %dma_start3A_27 = tpu.memref_slice %arg2[%dma_start3A_24, %dma_start3A_25, %dma_start3A_26] : memref<3x81920x128xf32, #tpu.memory_space<hbm>> -> memref<1x81920x128xf32, #tpu.memory_space<hbm>>
      %dma_start3A_28 = tpu.memref_squeeze %dma_start3A_27 : memref<1x81920x128xf32, #tpu.memory_space<hbm>> -> memref<81920x128xf32, #tpu.memory_space<hbm>>
      %dma_start3A_29 = arith.constant 0 : i32
      %dma_start3A_30 = tpu.memref_slice %dma_start3A_28[%min3A_18, %dma_start3A_29] : memref<81920x128xf32, #tpu.memory_space<hbm>> -> memref<128x128xf32, #tpu.memory_space<hbm>>
      %dma_start3A_31 = arith.constant 0 : i32
      %dma_start3A_32 = arith.constant 0 : i32
      %dma_start3A_33 = tpu.memref_slice %arg2[%dma_start3A_24, %dma_start3A_31, %dma_start3A_32] : memref<3x81920x128xf32, #tpu.memory_space<hbm>> -> memref<1x81920x128xf32, #tpu.memory_space<hbm>>
      %dma_start3A_34 = tpu.memref_squeeze %dma_start3A_33 : memref<1x81920x128xf32, #tpu.memory_space<hbm>> -> memref<81920x128xf32, #tpu.memory_space<hbm>>
      %dma_start3A_35 = arith.constant 0 : i32
      %dma_start3A_36 = tpu.memref_slice %dma_start3A_34[%min3A_18, %dma_start3A_35] : memref<81920x128xf32, #tpu.memory_space<hbm>> -> memref<128x128xf32, #tpu.memory_space<hbm>>
      tpu.enqueue_dma source(%dma_start3A_36 : memref<128x128xf32, #tpu.memory_space<hbm>>) target(%arg9 : memref<128x128xf32, #tpu.memory_space<vmem>>) target_semaphore(%arg14 : memref<!tpu.dma_semaphore, #tpu.memory_space<semaphore_mem>>)
      %scan3A = arith.constant 0 : i32
      %scan3A_37 = arith.constant 2 : i32
      %scan3A_38 = arith.constant 0 : i32
      %scan3A_39 = arith.constant 20 : i32
      %scan3A_40 = arith.addi %scan3A_38, %scan3A_39 : i32
      %scan3A_41 = arith.constant 1 : i32
      scf.for %scan3A_125 = %scan3A_38 to %scan3A_40 step %scan3A_41  : i32 {
        %mul3A_126 = arith.constant 2 : i32
        %mul3A_127 = arith.muli %mul3A_126, %scan3A_125 : i32
        %add3A_128 = arith.constant 1 : i32
        %add3A_129 = arith.addi %mul3A_127, %add3A_128 : i32
        %mul3A_130 = arith.constant 128 : i32
        %mul3A_131 = arith.muli %add3A_129, %mul3A_130 : i32
        %add3A_132 = arith.addi %mul3A_16, %mul3A_131 : i32
        %min3A_133 = arith.constant 81792 : i32
        %min3A_134 = arith.minsi %add3A_132, %min3A_133 : i32
        %add3A_135 = arith.constant 81920 : i32
        %add3A_136 = arith.addi %add3A_135, %min3A_134 : i32
        %min3A_137 = arith.constant 159872 : i32
        %min3A_138 = arith.minsi %add3A_136, %min3A_137 : i32
        %dma_start3A_139 = tpu.memref_slice %arg4[%min3A_138] : memref<160000xi32, #tpu.memory_space<hbm>> -> memref<128xi32, #tpu.memory_space<hbm>>
        %dma_start3A_140 = tpu.memref_slice %arg4[%min3A_138] : memref<160000xi32, #tpu.memory_space<hbm>> -> memref<128xi32, #tpu.memory_space<hbm>>
        tpu.enqueue_dma source(%dma_start3A_140 : memref<128xi32, #tpu.memory_space<hbm>>) target(%arg12 : memref<128xi32, #tpu.memory_space<vmem>>) target_semaphore(%arg15 : memref<!tpu.dma_semaphore, #tpu.memory_space<semaphore_mem>>)
        %dma_start3A_141 = arith.constant 0 : i32
        %dma_start3A_142 = arith.constant 0 : i32
        %dma_start3A_143 = tpu.memref_slice %arg2[%scan3A_37, %dma_start3A_141, %dma_start3A_142] : memref<3x81920x128xf32, #tpu.memory_space<hbm>> -> memref<1x81920x128xf32, #tpu.memory_space<hbm>>
        %dma_start3A_144 = tpu.memref_squeeze %dma_start3A_143 : memref<1x81920x128xf32, #tpu.memory_space<hbm>> -> memref<81920x128xf32, #tpu.memory_space<hbm>>
        %dma_start3A_145 = arith.constant 0 : i32
        %dma_start3A_146 = tpu.memref_slice %dma_start3A_144[%min3A_134, %dma_start3A_145] : memref<81920x128xf32, #tpu.memory_space<hbm>> -> memref<128x128xf32, #tpu.memory_space<hbm>>
        %dma_start3A_147 = arith.constant 0 : i32
        %dma_start3A_148 = arith.constant 0 : i32
        %dma_start3A_149 = tpu.memref_slice %arg2[%scan3A_37, %dma_start3A_147, %dma_start3A_148] : memref<3x81920x128xf32, #tpu.memory_space<hbm>> -> memref<1x81920x128xf32, #tpu.memory_space<hbm>>
        %dma_start3A_150 = tpu.memref_squeeze %dma_start3A_149 : memref<1x81920x128xf32, #tpu.memory_space<hbm>> -> memref<81920x128xf32, #tpu.memory_space<hbm>>
        %dma_start3A_151 = arith.constant 0 : i32
        %dma_start3A_152 = tpu.memref_slice %dma_start3A_150[%min3A_134, %dma_start3A_151] : memref<81920x128xf32, #tpu.memory_space<hbm>> -> memref<128x128xf32, #tpu.memory_space<hbm>>
        tpu.enqueue_dma source(%dma_start3A_152 : memref<128x128xf32, #tpu.memory_space<hbm>>) target(%arg10 : memref<128x128xf32, #tpu.memory_space<vmem>>) target_semaphore(%arg15 : memref<!tpu.dma_semaphore, #tpu.memory_space<semaphore_mem>>)
        %dma_wait3A_153 = arith.constant 0 : i32
        %dma_wait3A_154 = tpu.memref_slice %arg4[%dma_wait3A_153] : memref<160000xi32, #tpu.memory_space<hbm>> -> memref<128xi32, #tpu.memory_space<hbm>>
        %dma_wait3A_155 = arith.constant 0 : i32
        %dma_wait3A_156 = tpu.memref_slice %arg4[%dma_wait3A_155] : memref<160000xi32, #tpu.memory_space<hbm>> -> memref<128xi32, #tpu.memory_space<hbm>>
        tpu.wait_dma2 semaphore(%arg14 : memref<!tpu.dma_semaphore, #tpu.memory_space<semaphore_mem>>) src(%dma_wait3A_156 : memref<128xi32, #tpu.memory_space<hbm>>) dst(%arg11 : memref<128xi32, #tpu.memory_space<vmem>>)
        %dma_wait3A_157 = arith.constant 0 : i32
        %dma_wait3A_158 = arith.constant 0 : i32
        %dma_wait3A_159 = tpu.memref_slice %arg2[%scan3A_37, %dma_wait3A_157, %dma_wait3A_158] : memref<3x81920x128xf32, #tpu.memory_space<hbm>> -> memref<1x81920x128xf32, #tpu.memory_space<hbm>>
        %dma_wait3A_160 = tpu.memref_squeeze %dma_wait3A_159 : memref<1x81920x128xf32, #tpu.memory_space<hbm>> -> memref<81920x128xf32, #tpu.memory_space<hbm>>
        %dma_wait3A_161 = arith.constant 0 : i32
        %dma_wait3A_162 = arith.constant 0 : i32
        %dma_wait3A_163 = tpu.memref_slice %dma_wait3A_160[%dma_wait3A_161, %dma_wait3A_162] : memref<81920x128xf32, #tpu.memory_space<hbm>> -> memref<128x128xf32, #tpu.memory_space<hbm>>
        %dma_wait3A_164 = arith.constant 0 : i32
        %dma_wait3A_165 = arith.constant 0 : i32
        %dma_wait3A_166 = tpu.memref_slice %arg2[%scan3A_37, %dma_wait3A_164, %dma_wait3A_165] : memref<3x81920x128xf32, #tpu.memory_space<hbm>> -> memref<1x81920x128xf32, #tpu.memory_space<hbm>>
        %dma_wait3A_167 = tpu.memref_squeeze %dma_wait3A_166 : memref<1x81920x128xf32, #tpu.memory_space<hbm>> -> memref<81920x128xf32, #tpu.memory_space<hbm>>
        %dma_wait3A_168 = arith.constant 0 : i32
        %dma_wait3A_169 = arith.constant 0 : i32
        %dma_wait3A_170 = tpu.memref_slice %dma_wait3A_167[%dma_wait3A_168, %dma_wait3A_169] : memref<81920x128xf32, #tpu.memory_space<hbm>> -> memref<128x128xf32, #tpu.memory_space<hbm>>
        tpu.wait_dma2 semaphore(%arg14 : memref<!tpu.dma_semaphore, #tpu.memory_space<semaphore_mem>>) src(%dma_wait3A_170 : memref<128x128xf32, #tpu.memory_space<hbm>>) dst(%arg9 : memref<128x128xf32, #tpu.memory_space<vmem>>)
        "tpu.region"() ({
          %run_scoped3A = tpu.sem_alloc : memref<!tpu.dma_semaphore, #tpu.memory_space<semaphore_mem>>
          %dma_start3A_216 = arith.constant 0 : i32
          %dma_start3A_217 = arith.constant 0 : i32
          %dma_start3A_218 = tpu.memref_slice %arg13[%dma_start3A_216, %dma_start3A_217] : memref<10000x128xf32, #tpu.memory_space<vmem_shared>> -> memref<10000x128xf32, #tpu.memory_space<vmem_shared>>
          tpu.enqueue_indirect_dma source(%arg9 : memref<128x128xf32, #tpu.memory_space<vmem>>) target(%dma_start3A_218 : memref<10000x128xf32, #tpu.memory_space<vmem_shared>>) offsets(%arg11 : memref<128xi32, #tpu.memory_space<vmem>>) semaphore(%run_scoped3A : memref<!tpu.dma_semaphore, #tpu.memory_space<semaphore_mem>>) {add = true}
          %dma_wait3A_219 = arith.constant 0 : i32
          %dma_wait3A_220 = arith.constant 0 : i32
          %dma_wait3A_221 = tpu.memref_slice %arg13[%dma_wait3A_219, %dma_wait3A_220] : memref<10000x128xf32, #tpu.memory_space<vmem_shared>> -> memref<10000x128xf32, #tpu.memory_space<vmem_shared>>
          tpu.wait_indirect_dma semaphore(%run_scoped3A : memref<!tpu.dma_semaphore, #tpu.memory_space<semaphore_mem>>) src(%arg9 : memref<128x128xf32, #tpu.memory_space<vmem>>) dst(%dma_wait3A_221 : memref<10000x128xf32, #tpu.memory_space<vmem_shared>>)
          tpu.yield
        }) : () -> ()
        %mul3A_171 = arith.constant 2 : i32
        %mul3A_172 = arith.muli %mul3A_171, %scan3A_125 : i32
        %add3A_173 = arith.constant 2 : i32
        %add3A_174 = arith.addi %mul3A_172, %add3A_173 : i32
        %mul3A_175 = arith.constant 128 : i32
        %mul3A_176 = arith.muli %add3A_174, %mul3A_175 : i32
        %add3A_177 = arith.addi %mul3A_16, %mul3A_176 : i32
        %min3A_178 = arith.constant 81792 : i32
        %min3A_179 = arith.minsi %add3A_177, %min3A_178 : i32
        %add3A_180 = arith.constant 81920 : i32
        %add3A_181 = arith.addi %add3A_180, %min3A_179 : i32
        %min3A_182 = arith.constant 159872 : i32
        %min3A_183 = arith.minsi %add3A_181, %min3A_182 : i32
        %dma_start3A_184 = tpu.memref_slice %arg4[%min3A_183] : memref<160000xi32, #tpu.memory_space<hbm>> -> memref<128xi32, #tpu.memory_space<hbm>>
        %dma_start3A_185 = tpu.memref_slice %arg4[%min3A_183] : memref<160000xi32, #tpu.memory_space<hbm>> -> memref<128xi32, #tpu.memory_space<hbm>>
        tpu.enqueue_dma source(%dma_start3A_185 : memref<128xi32, #tpu.memory_space<hbm>>) target(%arg11 : memref<128xi32, #tpu.memory_space<vmem>>) target_semaphore(%arg14 : memref<!tpu.dma_semaphore, #tpu.memory_space<semaphore_mem>>)
        %dma_start3A_186 = arith.constant 0 : i32
        %dma_start3A_187 = arith.constant 0 : i32
        %dma_start3A_188 = tpu.memref_slice %arg2[%scan3A_37, %dma_start3A_186, %dma_start3A_187] : memref<3x81920x128xf32, #tpu.memory_space<hbm>> -> memref<1x81920x128xf32, #tpu.memory_space<hbm>>
        %dma_start3A_189 = tpu.memref_squeeze %dma_start3A_188 : memref<1x81920x128xf32, #tpu.memory_space<hbm>> -> memref<81920x128xf32, #tpu.memory_space<hbm>>
        %dma_start3A_190 = arith.constant 0 : i32
        %dma_start3A_191 = tpu.memref_slice %dma_start3A_189[%min3A_179, %dma_start3A_190] : memref<81920x128xf32, #tpu.memory_space<hbm>> -> memref<128x128xf32, #tpu.memory_space<hbm>>
        %dma_start3A_192 = arith.constant 0 : i32
        %dma_start3A_193 = arith.constant 0 : i32
        %dma_start3A_194 = tpu.memref_slice %arg2[%scan3A_37, %dma_start3A_192, %dma_start3A_193] : memref<3x81920x128xf32, #tpu.memory_space<hbm>> -> memref<1x81920x128xf32, #tpu.memory_space<hbm>>
        %dma_start3A_195 = tpu.memref_squeeze %dma_start3A_194 : memref<1x81920x128xf32, #tpu.memory_space<hbm>> -> memref<81920x128xf32, #tpu.memory_space<hbm>>
        %dma_start3A_196 = arith.constant 0 : i32
        %dma_start3A_197 = tpu.memref_slice %dma_start3A_195[%min3A_179, %dma_start3A_196] : memref<81920x128xf32, #tpu.memory_space<hbm>> -> memref<128x128xf32, #tpu.memory_space<hbm>>
        tpu.enqueue_dma source(%dma_start3A_197 : memref<128x128xf32, #tpu.memory_space<hbm>>) target(%arg9 : memref<128x128xf32, #tpu.memory_space<vmem>>) target_semaphore(%arg14 : memref<!tpu.dma_semaphore, #tpu.memory_space<semaphore_mem>>)
        %dma_wait3A_198 = arith.constant 0 : i32
        %dma_wait3A_199 = tpu.memref_slice %arg4[%dma_wait3A_198] : memref<160000xi32, #tpu.memory_space<hbm>> -> memref<128xi32, #tpu.memory_space<hbm>>
        %dma_wait3A_200 = arith.constant 0 : i32
        %dma_wait3A_201 = tpu.memref_slice %arg4[%dma_wait3A_200] : memref<160000xi32, #tpu.memory_space<hbm>> -> memref<128xi32, #tpu.memory_space<hbm>>
        tpu.wait_dma2 semaphore(%arg15 : memref<!tpu.dma_semaphore, #tpu.memory_space<semaphore_mem>>) src(%dma_wait3A_201 : memref<128xi32, #tpu.memory_space<hbm>>) dst(%arg12 : memref<128xi32, #tpu.memory_space<vmem>>)
        %dma_wait3A_202 = arith.constant 0 : i32
        %dma_wait3A_203 = arith.constant 0 : i32
        %dma_wait3A_204 = tpu.memref_slice %arg2[%scan3A_37, %dma_wait3A_202, %dma_wait3A_203] : memref<3x81920x128xf32, #tpu.memory_space<hbm>> -> memref<1x81920x128xf32, #tpu.memory_space<hbm>>
        %dma_wait3A_205 = tpu.memref_squeeze %dma_wait3A_204 : memref<1x81920x128xf32, #tpu.memory_space<hbm>> -> memref<81920x128xf32, #tpu.memory_space<hbm>>
        %dma_wait3A_206 = arith.constant 0 : i32
        %dma_wait3A_207 = arith.constant 0 : i32
        %dma_wait3A_208 = tpu.memref_slice %dma_wait3A_205[%dma_wait3A_206, %dma_wait3A_207] : memref<81920x128xf32, #tpu.memory_space<hbm>> -> memref<128x128xf32, #tpu.memory_space<hbm>>
        %dma_wait3A_209 = arith.constant 0 : i32
        %dma_wait3A_210 = arith.constant 0 : i32
        %dma_wait3A_211 = tpu.memref_slice %arg2[%scan3A_37, %dma_wait3A_209, %dma_wait3A_210] : memref<3x81920x128xf32, #tpu.memory_space<hbm>> -> memref<1x81920x128xf32, #tpu.memory_space<hbm>>
        %dma_wait3A_212 = tpu.memref_squeeze %dma_wait3A_211 : memref<1x81920x128xf32, #tpu.memory_space<hbm>> -> memref<81920x128xf32, #tpu.memory_space<hbm>>
        %dma_wait3A_213 = arith.constant 0 : i32
        %dma_wait3A_214 = arith.constant 0 : i32
        %dma_wait3A_215 = tpu.memref_slice %dma_wait3A_212[%dma_wait3A_213, %dma_wait3A_214] : memref<81920x128xf32, #tpu.memory_space<hbm>> -> memref<128x128xf32, #tpu.memory_space<hbm>>
        tpu.wait_dma2 semaphore(%arg15 : memref<!tpu.dma_semaphore, #tpu.memory_space<semaphore_mem>>) src(%dma_wait3A_215 : memref<128x128xf32, #tpu.memory_space<hbm>>) dst(%arg10 : memref<128x128xf32, #tpu.memory_space<vmem>>)
        "tpu.region"() ({
          %run_scoped3A = tpu.sem_alloc : memref<!tpu.dma_semaphore, #tpu.memory_space<semaphore_mem>>
          %dma_start3A_216 = arith.constant 0 : i32
          %dma_start3A_217 = arith.constant 0 : i32
          %dma_start3A_218 = tpu.memref_slice %arg13[%dma_start3A_216, %dma_start3A_217] : memref<10000x128xf32, #tpu.memory_space<vmem_shared>> -> memref<10000x128xf32, #tpu.memory_space<vmem_shared>>
          tpu.enqueue_indirect_dma source(%arg10 : memref<128x128xf32, #tpu.memory_space<vmem>>) target(%dma_start3A_218 : memref<10000x128xf32, #tpu.memory_space<vmem_shared>>) offsets(%arg12 : memref<128xi32, #tpu.memory_space<vmem>>) semaphore(%run_scoped3A : memref<!tpu.dma_semaphore, #tpu.memory_space<semaphore_mem>>) {add = true}
          %dma_wait3A_219 = arith.constant 0 : i32
          %dma_wait3A_220 = arith.constant 0 : i32
          %dma_wait3A_221 = tpu.memref_slice %arg13[%dma_wait3A_219, %dma_wait3A_220] : memref<10000x128xf32, #tpu.memory_space<vmem_shared>> -> memref<10000x128xf32, #tpu.memory_space<vmem_shared>>
          tpu.wait_indirect_dma semaphore(%run_scoped3A : memref<!tpu.dma_semaphore, #tpu.memory_space<semaphore_mem>>) src(%arg10 : memref<128x128xf32, #tpu.memory_space<vmem>>) dst(%dma_wait3A_221 : memref<10000x128xf32, #tpu.memory_space<vmem_shared>>)
          tpu.yield
        }) : () -> ()
      }
      %scan3A_42 = arith.constant 20 : i32
      %dma_wait3A = arith.constant 0 : i32
      %dma_wait3A_43 = tpu.memref_slice %arg4[%dma_wait3A] : memref<160000xi32, #tpu.memory_space<hbm>> -> memref<128xi32, #tpu.memory_space<hbm>>
      %dma_wait3A_44 = arith.constant 0 : i32
      %dma_wait3A_45 = tpu.memref_slice %arg4[%dma_wait3A_44] : memref<160000xi32, #tpu.memory_space<hbm>> -> memref<128xi32, #tpu.memory_space<hbm>>
      tpu.wait_dma2 semaphore(%arg14 : memref<!tpu.dma_semaphore, #tpu.memory_space<semaphore_mem>>) src(%dma_wait3A_45 : memref<128xi32, #tpu.memory_space<hbm>>) dst(%arg11 : memref<128xi32, #tpu.memory_space<vmem>>)
      %dma_wait3A_46 = arith.constant 2 : i32
      %dma_wait3A_47 = arith.constant 0 : i32
      %dma_wait3A_48 = arith.constant 0 : i32
      %dma_wait3A_49 = tpu.memref_slice %arg2[%dma_wait3A_46, %dma_wait3A_47, %dma_wait3A_48] : memref<3x81920x128xf32, #tpu.memory_space<hbm>> -> memref<1x81920x128xf32, #tpu.memory_space<hbm>>
      %dma_wait3A_50 = tpu.memref_squeeze %dma_wait3A_49 : memref<1x81920x128xf32, #tpu.memory_space<hbm>> -> memref<81920x128xf32, #tpu.memory_space<hbm>>
      %dma_wait3A_51 = arith.constant 0 : i32
      %dma_wait3A_52 = arith.constant 0 : i32
      %dma_wait3A_53 = tpu.memref_slice %dma_wait3A_50[%dma_wait3A_51, %dma_wait3A_52] : memref<81920x128xf32, #tpu.memory_space<hbm>> -> memref<128x128xf32, #tpu.memory_space<hbm>>
      %dma_wait3A_54 = arith.constant 0 : i32
      %dma_wait3A_55 = arith.constant 0 : i32
      %dma_wait3A_56 = tpu.memref_slice %arg2[%dma_wait3A_46, %dma_wait3A_54, %dma_wait3A_55] : memref<3x81920x128xf32, #tpu.memory_space<hbm>> -> memref<1x81920x128xf32, #tpu.memory_space<hbm>>
      %dma_wait3A_57 = tpu.memref_squeeze %dma_wait3A_56 : memref<1x81920x128xf32, #tpu.memory_space<hbm>> -> memref<81920x128xf32, #tpu.memory_space<hbm>>
      %dma_wait3A_58 = arith.constant 0 : i32
      %dma_wait3A_59 = arith.constant 0 : i32
      %dma_wait3A_60 = tpu.memref_slice %dma_wait3A_57[%dma_wait3A_58, %dma_wait3A_59] : memref<81920x128xf32, #tpu.memory_space<hbm>> -> memref<128x128xf32, #tpu.memory_space<hbm>>
      tpu.wait_dma2 semaphore(%arg14 : memref<!tpu.dma_semaphore, #tpu.memory_space<semaphore_mem>>) src(%dma_wait3A_60 : memref<128x128xf32, #tpu.memory_space<hbm>>) dst(%arg9 : memref<128x128xf32, #tpu.memory_space<vmem>>)
      %barrier3A_61 = arith.constant 0 : index
      tpu.barrier barrier_id(%barrier3A_61)
      %mul3A_62 = arith.constant 624 : i32
      %mul3A_63 = arith.muli %arg1, %mul3A_62 : i32
      %mul3A_64 = arith.constant 624 : i32
      %mul3A_65 = arith.muli %arg1, %mul3A_64 : i32
      "tpu.region"() ({
        %run_scoped3A = tpu.sem_alloc : memref<!tpu.dma_semaphore, #tpu.memory_space<semaphore_mem>>
        %dma_start3A_125 = arith.constant 256 : i32
        %dma_start3A_126 = tpu.memref_slice %arg7[%mul3A_65, %dma_start3A_125] : memref<10000x384xf32, #tpu.memory_space<hbm>> -> memref<624x128xf32, #tpu.memory_space<hbm>>
        %dma_start3A_127 = arith.constant 0 : i32
        %dma_start3A_128 = tpu.memref_slice %arg13[%mul3A_63, %dma_start3A_127] : memref<10000x128xf32, #tpu.memory_space<vmem_shared>> -> memref<624x128xf32, #tpu.memory_space<vmem_shared>>
        tpu.enqueue_dma source(%dma_start3A_128 : memref<624x128xf32, #tpu.memory_space<vmem_shared>>) target(%dma_start3A_126 : memref<624x128xf32, #tpu.memory_space<hbm>>) target_semaphore(%run_scoped3A : memref<!tpu.dma_semaphore, #tpu.memory_space<semaphore_mem>>)
        %dma_wait3A_129 = arith.constant 256 : i32
        %dma_wait3A_130 = tpu.memref_slice %arg7[%mul3A_65, %dma_wait3A_129] : memref<10000x384xf32, #tpu.memory_space<hbm>> -> memref<624x128xf32, #tpu.memory_space<hbm>>
        %dma_wait3A_131 = arith.constant 0 : i32
        %dma_wait3A_132 = tpu.memref_slice %arg13[%mul3A_63, %dma_wait3A_131] : memref<10000x128xf32, #tpu.memory_space<vmem_shared>> -> memref<624x128xf32, #tpu.memory_space<vmem_shared>>
        tpu.wait_dma2 semaphore(%run_scoped3A : memref<!tpu.dma_semaphore, #tpu.memory_space<semaphore_mem>>) src(%dma_wait3A_132 : memref<624x128xf32, #tpu.memory_space<vmem_shared>>) dst(%dma_wait3A_130 : memref<624x128xf32, #tpu.memory_space<hbm>>)
        tpu.yield
      }) : () -> ()
      %eq3A_66 = arith.constant 15 : i32
      %eq3A_67 = arith.cmpi eq, %arg1, %eq3A_66 : i32
      %convert_element_type3A_68 = arith.extui %eq3A_67 : i1 to i32
      %cond3A_69 = arith.constant 0 : i32
      %cond3A_70 = arith.cmpi ne, %convert_element_type3A_68, %cond3A_69 : i32
      scf.if %cond3A_70 {
        "tpu.region"() ({
          %run_scoped3A = tpu.sem_alloc : memref<!tpu.dma_semaphore, #tpu.memory_space<semaphore_mem>>
          %dma_start3A_125 = arith.constant 9984 : i32
          %dma_start3A_126 = arith.constant 256 : i32
          %dma_start3A_127 = tpu.memref_slice %arg7[%dma_start3A_125, %dma_start3A_126] : memref<10000x384xf32, #tpu.memory_space<hbm>> -> memref<16x128xf32, #tpu.memory_space<hbm>>
          %dma_start3A_128 = arith.constant 9984 : i32
          %dma_start3A_129 = arith.constant 0 : i32
          %dma_start3A_130 = tpu.memref_slice %arg13[%dma_start3A_128, %dma_start3A_129] : memref<10000x128xf32, #tpu.memory_space<vmem_shared>> -> memref<16x128xf32, #tpu.memory_space<vmem_shared>>
          tpu.enqueue_dma source(%dma_start3A_130 : memref<16x128xf32, #tpu.memory_space<vmem_shared>>) target(%dma_start3A_127 : memref<16x128xf32, #tpu.memory_space<hbm>>) target_semaphore(%run_scoped3A : memref<!tpu.dma_semaphore, #tpu.memory_space<semaphore_mem>>)
          %dma_wait3A_131 = arith.constant 9984 : i32
          %dma_wait3A_132 = arith.constant 256 : i32
          %dma_wait3A_133 = tpu.memref_slice %arg7[%dma_wait3A_131, %dma_wait3A_132] : memref<10000x384xf32, #tpu.memory_space<hbm>> -> memref<16x128xf32, #tpu.memory_space<hbm>>
          %dma_wait3A_134 = arith.constant 9984 : i32
          %dma_wait3A_135 = arith.constant 0 : i32
          %dma_wait3A_136 = tpu.memref_slice %arg13[%dma_wait3A_134, %dma_wait3A_135] : memref<10000x128xf32, #tpu.memory_space<vmem_shared>> -> memref<16x128xf32, #tpu.memory_space<vmem_shared>>
          tpu.wait_dma2 semaphore(%run_scoped3A : memref<!tpu.dma_semaphore, #tpu.memory_space<semaphore_mem>>) src(%dma_wait3A_136 : memref<16x128xf32, #tpu.memory_space<vmem_shared>>) dst(%dma_wait3A_133 : memref<16x128xf32, #tpu.memory_space<hbm>>)
          tpu.yield
        }) : () -> ()
      } else {
      }
      %barrier3A_71 = arith.constant 0 : index
      tpu.barrier barrier_id(%barrier3A_71)
      %mul3A_72 = arith.constant 624 : i32
      %mul3A_73 = arith.muli %arg1, %mul3A_72 : i32
      %mul3A_74 = arith.constant 624 : i32
      %mul3A_75 = arith.muli %arg1, %mul3A_74 : i32
      "tpu.region"() ({
        %run_scoped3A = tpu.sem_alloc : memref<!tpu.dma_semaphore, #tpu.memory_space<semaphore_mem>>
        %dma_start3A_125 = arith.constant 0 : i32
        %dma_start3A_126 = tpu.memref_slice %arg13[%mul3A_75, %dma_start3A_125] : memref<10000x128xf32, #tpu.memory_space<vmem_shared>> -> memref<624x128xf32, #tpu.memory_space<vmem_shared>>
        %dma_start3A_127 = arith.constant 0 : i32
        %dma_start3A_128 = tpu.memref_slice %arg6[%mul3A_73, %dma_start3A_127] : memref<10000x128xf32, #tpu.memory_space<hbm>> -> memref<624x128xf32, #tpu.memory_space<hbm>>
        tpu.enqueue_dma source(%dma_start3A_128 : memref<624x128xf32, #tpu.memory_space<hbm>>) target(%dma_start3A_126 : memref<624x128xf32, #tpu.memory_space<vmem_shared>>) target_semaphore(%run_scoped3A : memref<!tpu.dma_semaphore, #tpu.memory_space<semaphore_mem>>)
        %dma_wait3A_129 = arith.constant 0 : i32
        %dma_wait3A_130 = tpu.memref_slice %arg13[%mul3A_75, %dma_wait3A_129] : memref<10000x128xf32, #tpu.memory_space<vmem_shared>> -> memref<624x128xf32, #tpu.memory_space<vmem_shared>>
        %dma_wait3A_131 = arith.constant 0 : i32
        %dma_wait3A_132 = tpu.memref_slice %arg6[%mul3A_73, %dma_wait3A_131] : memref<10000x128xf32, #tpu.memory_space<hbm>> -> memref<624x128xf32, #tpu.memory_space<hbm>>
        tpu.wait_dma2 semaphore(%run_scoped3A : memref<!tpu.dma_semaphore, #tpu.memory_space<semaphore_mem>>) src(%dma_wait3A_132 : memref<624x128xf32, #tpu.memory_space<hbm>>) dst(%dma_wait3A_130 : memref<624x128xf32, #tpu.memory_space<vmem_shared>>)
        tpu.yield
      }) : () -> ()
      %eq3A_76 = arith.constant 15 : i32
      %eq3A_77 = arith.cmpi eq, %arg1, %eq3A_76 : i32
      %convert_element_type3A_78 = arith.extui %eq3A_77 : i1 to i32
      %cond3A_79 = arith.constant 0 : i32
      %cond3A_80 = arith.cmpi ne, %convert_element_type3A_78, %cond3A_79 : i32
      scf.if %cond3A_80 {
        "tpu.region"() ({
          %run_scoped3A = tpu.sem_alloc : memref<!tpu.dma_semaphore, #tpu.memory_space<semaphore_mem>>
          %dma_start3A_125 = arith.constant 9984 : i32
          %dma_start3A_126 = arith.constant 0 : i32
          %dma_start3A_127 = tpu.memref_slice %arg13[%dma_start3A_125, %dma_start3A_126] : memref<10000x128xf32, #tpu.memory_space<vmem_shared>> -> memref<16x128xf32, #tpu.memory_space<vmem_shared>>
          %dma_start3A_128 = arith.constant 9984 : i32
          %dma_start3A_129 = arith.constant 0 : i32
          %dma_start3A_130 = tpu.memref_slice %arg6[%dma_start3A_128, %dma_start3A_129] : memref<10000x128xf32, #tpu.memory_space<hbm>> -> memref<16x128xf32, #tpu.memory_space<hbm>>
          tpu.enqueue_dma source(%dma_start3A_130 : memref<16x128xf32, #tpu.memory_space<hbm>>) target(%dma_start3A_127 : memref<16x128xf32, #tpu.memory_space<vmem_shared>>) target_semaphore(%run_scoped3A : memref<!tpu.dma_semaphore, #tpu.memory_space<semaphore_mem>>)
          %dma_wait3A_131 = arith.constant 9984 : i32
          %dma_wait3A_132 = arith.constant 0 : i32
          %dma_wait3A_133 = tpu.memref_slice %arg13[%dma_wait3A_131, %dma_wait3A_132] : memref<10000x128xf32, #tpu.memory_space<vmem_shared>> -> memref<16x128xf32, #tpu.memory_space<vmem_shared>>
          %dma_wait3A_134 = arith.constant 9984 : i32
          %dma_wait3A_135 = arith.constant 0 : i32
          %dma_wait3A_136 = tpu.memref_slice %arg6[%dma_wait3A_134, %dma_wait3A_135] : memref<10000x128xf32, #tpu.memory_space<hbm>> -> memref<16x128xf32, #tpu.memory_space<hbm>>
          tpu.wait_dma2 semaphore(%run_scoped3A : memref<!tpu.dma_semaphore, #tpu.memory_space<semaphore_mem>>) src(%dma_wait3A_136 : memref<16x128xf32, #tpu.memory_space<hbm>>) dst(%dma_wait3A_133 : memref<16x128xf32, #tpu.memory_space<vmem_shared>>)
          tpu.yield
        }) : () -> ()
      } else {
      }
      %barrier3A_81 = arith.constant 0 : index
      tpu.barrier barrier_id(%barrier3A_81)
      %mul3A_82 = arith.constant 5120 : i32
      %mul3A_83 = arith.muli %arg1, %mul3A_82 : i32
      %add3A_84 = arith.constant 0 : i32
      %add3A_85 = arith.addi %mul3A_83, %add3A_84 : i32
      %min3A_86 = arith.constant 81792 : i32
      %min3A_87 = arith.minsi %add3A_85, %min3A_86 : i32
      %add3A_88 = arith.constant 81920 : i32
      %add3A_89 = arith.addi %add3A_88, %min3A_87 : i32
      %min3A_90 = arith.constant 159872 : i32
      %min3A_91 = arith.minsi %add3A_89, %min3A_90 : i32
      %dma_start3A_92 = tpu.memref_slice %arg4[%min3A_91] : memref<160000xi32, #tpu.memory_space<hbm>> -> memref<128xi32, #tpu.memory_space<hbm>>
      %dma_start3A_93 = tpu.memref_slice %arg4[%min3A_91] : memref<160000xi32, #tpu.memory_space<hbm>> -> memref<128xi32, #tpu.memory_space<hbm>>
      tpu.enqueue_dma source(%dma_start3A_93 : memref<128xi32, #tpu.memory_space<hbm>>) target(%arg11 : memref<128xi32, #tpu.memory_space<vmem>>) target_semaphore(%arg14 : memref<!tpu.dma_semaphore, #tpu.memory_space<semaphore_mem>>)
      %dma_start3A_94 = arith.constant 0 : i32
      %dma_start3A_95 = tpu.memref_slice %arg3[%min3A_87, %dma_start3A_94] : memref<81920x128xf32, #tpu.memory_space<hbm>> -> memref<128x128xf32, #tpu.memory_space<hbm>>
      %dma_start3A_96 = arith.constant 0 : i32
      %dma_start3A_97 = tpu.memref_slice %arg3[%min3A_87, %dma_start3A_96] : memref<81920x128xf32, #tpu.memory_space<hbm>> -> memref<128x128xf32, #tpu.memory_space<hbm>>
      tpu.enqueue_dma source(%dma_start3A_97 : memref<128x128xf32, #tpu.memory_space<hbm>>) target(%arg9 : memref<128x128xf32, #tpu.memory_space<vmem>>) target_semaphore(%arg14 : memref<!tpu.dma_semaphore, #tpu.memory_space<semaphore_mem>>)
      %scan3A_98 = arith.constant 0 : i32
      %scan3A_99 = arith.constant 0 : i32
      %scan3A_100 = arith.constant 20 : i32
      %scan3A_101 = arith.addi %scan3A_99, %scan3A_100 : i32
      %scan3A_102 = arith.constant 1 : i32
      scf.for %scan3A_125 = %scan3A_99 to %scan3A_101 step %scan3A_102  : i32 {
        %mul3A_126 = arith.constant 2 : i32
        %mul3A_127 = arith.muli %mul3A_126, %scan3A_125 : i32
        %add3A_128 = arith.constant 1 : i32
        %add3A_129 = arith.addi %mul3A_127, %add3A_128 : i32
        %mul3A_130 = arith.constant 128 : i32
        %mul3A_131 = arith.muli %add3A_129, %mul3A_130 : i32
        %add3A_132 = arith.addi %mul3A_83, %mul3A_131 : i32
        %min3A_133 = arith.constant 81792 : i32
        %min3A_134 = arith.minsi %add3A_132, %min3A_133 : i32
        %add3A_135 = arith.constant 81920 : i32
        %add3A_136 = arith.addi %add3A_135, %min3A_134 : i32
        %min3A_137 = arith.constant 159872 : i32
        %min3A_138 = arith.minsi %add3A_136, %min3A_137 : i32
        %dma_start3A_139 = tpu.memref_slice %arg4[%min3A_138] : memref<160000xi32, #tpu.memory_space<hbm>> -> memref<128xi32, #tpu.memory_space<hbm>>
        %dma_start3A_140 = tpu.memref_slice %arg4[%min3A_138] : memref<160000xi32, #tpu.memory_space<hbm>> -> memref<128xi32, #tpu.memory_space<hbm>>
        tpu.enqueue_dma source(%dma_start3A_140 : memref<128xi32, #tpu.memory_space<hbm>>) target(%arg12 : memref<128xi32, #tpu.memory_space<vmem>>) target_semaphore(%arg15 : memref<!tpu.dma_semaphore, #tpu.memory_space<semaphore_mem>>)
        %dma_start3A_141 = arith.constant 0 : i32
        %dma_start3A_142 = tpu.memref_slice %arg3[%min3A_134, %dma_start3A_141] : memref<81920x128xf32, #tpu.memory_space<hbm>> -> memref<128x128xf32, #tpu.memory_space<hbm>>
        %dma_start3A_143 = arith.constant 0 : i32
        %dma_start3A_144 = tpu.memref_slice %arg3[%min3A_134, %dma_start3A_143] : memref<81920x128xf32, #tpu.memory_space<hbm>> -> memref<128x128xf32, #tpu.memory_space<hbm>>
        tpu.enqueue_dma source(%dma_start3A_144 : memref<128x128xf32, #tpu.memory_space<hbm>>) target(%arg10 : memref<128x128xf32, #tpu.memory_space<vmem>>) target_semaphore(%arg15 : memref<!tpu.dma_semaphore, #tpu.memory_space<semaphore_mem>>)
        %dma_wait3A_145 = arith.constant 0 : i32
        %dma_wait3A_146 = tpu.memref_slice %arg4[%dma_wait3A_145] : memref<160000xi32, #tpu.memory_space<hbm>> -> memref<128xi32, #tpu.memory_space<hbm>>
        %dma_wait3A_147 = arith.constant 0 : i32
        %dma_wait3A_148 = tpu.memref_slice %arg4[%dma_wait3A_147] : memref<160000xi32, #tpu.memory_space<hbm>> -> memref<128xi32, #tpu.memory_space<hbm>>
        tpu.wait_dma2 semaphore(%arg14 : memref<!tpu.dma_semaphore, #tpu.memory_space<semaphore_mem>>) src(%dma_wait3A_148 : memref<128xi32, #tpu.memory_space<hbm>>) dst(%arg11 : memref<128xi32, #tpu.memory_space<vmem>>)
        %dma_wait3A_149 = arith.constant 0 : i32
        %dma_wait3A_150 = arith.constant 0 : i32
        %dma_wait3A_151 = tpu.memref_slice %arg3[%dma_wait3A_149, %dma_wait3A_150] : memref<81920x128xf32, #tpu.memory_space<hbm>> -> memref<128x128xf32, #tpu.memory_space<hbm>>
        %dma_wait3A_152 = arith.constant 0 : i32
        %dma_wait3A_153 = arith.constant 0 : i32
        %dma_wait3A_154 = tpu.memref_slice %arg3[%dma_wait3A_152, %dma_wait3A_153] : memref<81920x128xf32, #tpu.memory_space<hbm>> -> memref<128x128xf32, #tpu.memory_space<hbm>>
        tpu.wait_dma2 semaphore(%arg14 : memref<!tpu.dma_semaphore, #tpu.memory_space<semaphore_mem>>) src(%dma_wait3A_154 : memref<128x128xf32, #tpu.memory_space<hbm>>) dst(%arg9 : memref<128x128xf32, #tpu.memory_space<vmem>>)
        "tpu.region"() ({
          %run_scoped3A = tpu.sem_alloc : memref<!tpu.dma_semaphore, #tpu.memory_space<semaphore_mem>>
          %dma_start3A_184 = arith.constant 0 : i32
          %dma_start3A_185 = arith.constant 0 : i32
          %dma_start3A_186 = tpu.memref_slice %arg13[%dma_start3A_184, %dma_start3A_185] : memref<10000x128xf32, #tpu.memory_space<vmem_shared>> -> memref<10000x128xf32, #tpu.memory_space<vmem_shared>>
          tpu.enqueue_indirect_dma source(%arg9 : memref<128x128xf32, #tpu.memory_space<vmem>>) target(%dma_start3A_186 : memref<10000x128xf32, #tpu.memory_space<vmem_shared>>) offsets(%arg11 : memref<128xi32, #tpu.memory_space<vmem>>) semaphore(%run_scoped3A : memref<!tpu.dma_semaphore, #tpu.memory_space<semaphore_mem>>) {add = true}
          %dma_wait3A_187 = arith.constant 0 : i32
          %dma_wait3A_188 = arith.constant 0 : i32
          %dma_wait3A_189 = tpu.memref_slice %arg13[%dma_wait3A_187, %dma_wait3A_188] : memref<10000x128xf32, #tpu.memory_space<vmem_shared>> -> memref<10000x128xf32, #tpu.memory_space<vmem_shared>>
          tpu.wait_indirect_dma semaphore(%run_scoped3A : memref<!tpu.dma_semaphore, #tpu.memory_space<semaphore_mem>>) src(%arg9 : memref<128x128xf32, #tpu.memory_space<vmem>>) dst(%dma_wait3A_189 : memref<10000x128xf32, #tpu.memory_space<vmem_shared>>)
          tpu.yield
        }) : () -> ()
        %mul3A_155 = arith.constant 2 : i32
        %mul3A_156 = arith.muli %mul3A_155, %scan3A_125 : i32
        %add3A_157 = arith.constant 2 : i32
        %add3A_158 = arith.addi %mul3A_156, %add3A_157 : i32
        %mul3A_159 = arith.constant 128 : i32
        %mul3A_160 = arith.muli %add3A_158, %mul3A_159 : i32
        %add3A_161 = arith.addi %mul3A_83, %mul3A_160 : i32
        %min3A_162 = arith.constant 81792 : i32
        %min3A_163 = arith.minsi %add3A_161, %min3A_162 : i32
        %add3A_164 = arith.constant 81920 : i32
        %add3A_165 = arith.addi %add3A_164, %min3A_163 : i32
        %min3A_166 = arith.constant 159872 : i32
        %min3A_167 = arith.minsi %add3A_165, %min3A_166 : i32
        %dma_start3A_168 = tpu.memref_slice %arg4[%min3A_167] : memref<160000xi32, #tpu.memory_space<hbm>> -> memref<128xi32, #tpu.memory_space<hbm>>
        %dma_start3A_169 = tpu.memref_slice %arg4[%min3A_167] : memref<160000xi32, #tpu.memory_space<hbm>> -> memref<128xi32, #tpu.memory_space<hbm>>
        tpu.enqueue_dma source(%dma_start3A_169 : memref<128xi32, #tpu.memory_space<hbm>>) target(%arg11 : memref<128xi32, #tpu.memory_space<vmem>>) target_semaphore(%arg14 : memref<!tpu.dma_semaphore, #tpu.memory_space<semaphore_mem>>)
        %dma_start3A_170 = arith.constant 0 : i32
        %dma_start3A_171 = tpu.memref_slice %arg3[%min3A_163, %dma_start3A_170] : memref<81920x128xf32, #tpu.memory_space<hbm>> -> memref<128x128xf32, #tpu.memory_space<hbm>>
        %dma_start3A_172 = arith.constant 0 : i32
        %dma_start3A_173 = tpu.memref_slice %arg3[%min3A_163, %dma_start3A_172] : memref<81920x128xf32, #tpu.memory_space<hbm>> -> memref<128x128xf32, #tpu.memory_space<hbm>>
        tpu.enqueue_dma source(%dma_start3A_173 : memref<128x128xf32, #tpu.memory_space<hbm>>) target(%arg9 : memref<128x128xf32, #tpu.memory_space<vmem>>) target_semaphore(%arg14 : memref<!tpu.dma_semaphore, #tpu.memory_space<semaphore_mem>>)
        %dma_wait3A_174 = arith.constant 0 : i32
        %dma_wait3A_175 = tpu.memref_slice %arg4[%dma_wait3A_174] : memref<160000xi32, #tpu.memory_space<hbm>> -> memref<128xi32, #tpu.memory_space<hbm>>
        %dma_wait3A_176 = arith.constant 0 : i32
        %dma_wait3A_177 = tpu.memref_slice %arg4[%dma_wait3A_176] : memref<160000xi32, #tpu.memory_space<hbm>> -> memref<128xi32, #tpu.memory_space<hbm>>
        tpu.wait_dma2 semaphore(%arg15 : memref<!tpu.dma_semaphore, #tpu.memory_space<semaphore_mem>>) src(%dma_wait3A_177 : memref<128xi32, #tpu.memory_space<hbm>>) dst(%arg12 : memref<128xi32, #tpu.memory_space<vmem>>)
        %dma_wait3A_178 = arith.constant 0 : i32
        %dma_wait3A_179 = arith.constant 0 : i32
        %dma_wait3A_180 = tpu.memref_slice %arg3[%dma_wait3A_178, %dma_wait3A_179] : memref<81920x128xf32, #tpu.memory_space<hbm>> -> memref<128x128xf32, #tpu.memory_space<hbm>>
        %dma_wait3A_181 = arith.constant 0 : i32
        %dma_wait3A_182 = arith.constant 0 : i32
        %dma_wait3A_183 = tpu.memref_slice %arg3[%dma_wait3A_181, %dma_wait3A_182] : memref<81920x128xf32, #tpu.memory_space<hbm>> -> memref<128x128xf32, #tpu.memory_space<hbm>>
        tpu.wait_dma2 semaphore(%arg15 : memref<!tpu.dma_semaphore, #tpu.memory_space<semaphore_mem>>) src(%dma_wait3A_183 : memref<128x128xf32, #tpu.memory_space<hbm>>) dst(%arg10 : memref<128x128xf32, #tpu.memory_space<vmem>>)
        "tpu.region"() ({
          %run_scoped3A = tpu.sem_alloc : memref<!tpu.dma_semaphore, #tpu.memory_space<semaphore_mem>>
          %dma_start3A_184 = arith.constant 0 : i32
          %dma_start3A_185 = arith.constant 0 : i32
          %dma_start3A_186 = tpu.memref_slice %arg13[%dma_start3A_184, %dma_start3A_185] : memref<10000x128xf32, #tpu.memory_space<vmem_shared>> -> memref<10000x128xf32, #tpu.memory_space<vmem_shared>>
          tpu.enqueue_indirect_dma source(%arg10 : memref<128x128xf32, #tpu.memory_space<vmem>>) target(%dma_start3A_186 : memref<10000x128xf32, #tpu.memory_space<vmem_shared>>) offsets(%arg12 : memref<128xi32, #tpu.memory_space<vmem>>) semaphore(%run_scoped3A : memref<!tpu.dma_semaphore, #tpu.memory_space<semaphore_mem>>) {add = true}
          %dma_wait3A_187 = arith.constant 0 : i32
          %dma_wait3A_188 = arith.constant 0 : i32
          %dma_wait3A_189 = tpu.memref_slice %arg13[%dma_wait3A_187, %dma_wait3A_188] : memref<10000x128xf32, #tpu.memory_space<vmem_shared>> -> memref<10000x128xf32, #tpu.memory_space<vmem_shared>>
          tpu.wait_indirect_dma semaphore(%run_scoped3A : memref<!tpu.dma_semaphore, #tpu.memory_space<semaphore_mem>>) src(%arg10 : memref<128x128xf32, #tpu.memory_space<vmem>>) dst(%dma_wait3A_189 : memref<10000x128xf32, #tpu.memory_space<vmem_shared>>)
          tpu.yield
        }) : () -> ()
      }
      %scan3A_103 = arith.constant 20 : i32
      %dma_wait3A_104 = arith.constant 0 : i32
      %dma_wait3A_105 = tpu.memref_slice %arg4[%dma_wait3A_104] : memref<160000xi32, #tpu.memory_space<hbm>> -> memref<128xi32, #tpu.memory_space<hbm>>
      %dma_wait3A_106 = arith.constant 0 : i32
      %dma_wait3A_107 = tpu.memref_slice %arg4[%dma_wait3A_106] : memref<160000xi32, #tpu.memory_space<hbm>> -> memref<128xi32, #tpu.memory_space<hbm>>
      tpu.wait_dma2 semaphore(%arg14 : memref<!tpu.dma_semaphore, #tpu.memory_space<semaphore_mem>>) src(%dma_wait3A_107 : memref<128xi32, #tpu.memory_space<hbm>>) dst(%arg11 : memref<128xi32, #tpu.memory_space<vmem>>)
      %dma_wait3A_108 = arith.constant 0 : i32
      %dma_wait3A_109 = arith.constant 0 : i32
      %dma_wait3A_110 = tpu.memref_slice %arg3[%dma_wait3A_108, %dma_wait3A_109] : memref<81920x128xf32, #tpu.memory_space<hbm>> -> memref<128x128xf32, #tpu.memory_space<hbm>>
      %dma_wait3A_111 = arith.constant 0 : i32
      %dma_wait3A_112 = arith.constant 0 : i32
      %dma_wait3A_113 = tpu.memref_slice %arg3[%dma_wait3A_111, %dma_wait3A_112] : memref<81920x128xf32, #tpu.memory_space<hbm>> -> memref<128x128xf32, #tpu.memory_space<hbm>>
      tpu.wait_dma2 semaphore(%arg14 : memref<!tpu.dma_semaphore, #tpu.memory_space<semaphore_mem>>) src(%dma_wait3A_113 : memref<128x128xf32, #tpu.memory_space<hbm>>) dst(%arg9 : memref<128x128xf32, #tpu.memory_space<vmem>>)
      %barrier3A_114 = arith.constant 0 : index
      tpu.barrier barrier_id(%barrier3A_114)
      %mul3A_115 = arith.constant 624 : i32
      %mul3A_116 = arith.muli %arg1, %mul3A_115 : i32
      %mul3A_117 = arith.constant 624 : i32
      %mul3A_118 = arith.muli %arg1, %mul3A_117 : i32
      "tpu.region"() ({
        %run_scoped3A = tpu.sem_alloc : memref<!tpu.dma_semaphore, #tpu.memory_space<semaphore_mem>>
        %dma_start3A_125 = arith.constant 0 : i32
        %dma_start3A_126 = tpu.memref_slice %arg8[%mul3A_118, %dma_start3A_125] : memref<10000x128xf32, #tpu.memory_space<hbm>> -> memref<624x128xf32, #tpu.memory_space<hbm>>
        %dma_start3A_127 = arith.constant 0 : i32
        %dma_start3A_128 = tpu.memref_slice %arg13[%mul3A_116, %dma_start3A_127] : memref<10000x128xf32, #tpu.memory_space<vmem_shared>> -> memref<624x128xf32, #tpu.memory_space<vmem_shared>>
        tpu.enqueue_dma source(%dma_start3A_128 : memref<624x128xf32, #tpu.memory_space<vmem_shared>>) target(%dma_start3A_126 : memref<624x128xf32, #tpu.memory_space<hbm>>) target_semaphore(%run_scoped3A : memref<!tpu.dma_semaphore, #tpu.memory_space<semaphore_mem>>)
        %dma_wait3A_129 = arith.constant 0 : i32
        %dma_wait3A_130 = tpu.memref_slice %arg8[%mul3A_118, %dma_wait3A_129] : memref<10000x128xf32, #tpu.memory_space<hbm>> -> memref<624x128xf32, #tpu.memory_space<hbm>>
        %dma_wait3A_131 = arith.constant 0 : i32
        %dma_wait3A_132 = tpu.memref_slice %arg13[%mul3A_116, %dma_wait3A_131] : memref<10000x128xf32, #tpu.memory_space<vmem_shared>> -> memref<624x128xf32, #tpu.memory_space<vmem_shared>>
        tpu.wait_dma2 semaphore(%run_scoped3A : memref<!tpu.dma_semaphore, #tpu.memory_space<semaphore_mem>>) src(%dma_wait3A_132 : memref<624x128xf32, #tpu.memory_space<vmem_shared>>) dst(%dma_wait3A_130 : memref<624x128xf32, #tpu.memory_space<hbm>>)
        tpu.yield
      }) : () -> ()
      %eq3A_119 = arith.constant 15 : i32
      %eq3A_120 = arith.cmpi eq, %arg1, %eq3A_119 : i32
      %convert_element_type3A_121 = arith.extui %eq3A_120 : i1 to i32
      %cond3A_122 = arith.constant 0 : i32
      %cond3A_123 = arith.cmpi ne, %convert_element_type3A_121, %cond3A_122 : i32
      scf.if %cond3A_123 {
        "tpu.region"() ({
          %run_scoped3A = tpu.sem_alloc : memref<!tpu.dma_semaphore, #tpu.memory_space<semaphore_mem>>
          %dma_start3A_125 = arith.constant 9984 : i32
          %dma_start3A_126 = arith.constant 0 : i32
          %dma_start3A_127 = tpu.memref_slice %arg8[%dma_start3A_125, %dma_start3A_126] : memref<10000x128xf32, #tpu.memory_space<hbm>> -> memref<16x128xf32, #tpu.memory_space<hbm>>
          %dma_start3A_128 = arith.constant 9984 : i32
          %dma_start3A_129 = arith.constant 0 : i32
          %dma_start3A_130 = tpu.memref_slice %arg13[%dma_start3A_128, %dma_start3A_129] : memref<10000x128xf32, #tpu.memory_space<vmem_shared>> -> memref<16x128xf32, #tpu.memory_space<vmem_shared>>
          tpu.enqueue_dma source(%dma_start3A_130 : memref<16x128xf32, #tpu.memory_space<vmem_shared>>) target(%dma_start3A_127 : memref<16x128xf32, #tpu.memory_space<hbm>>) target_semaphore(%run_scoped3A : memref<!tpu.dma_semaphore, #tpu.memory_space<semaphore_mem>>)
          %dma_wait3A_131 = arith.constant 9984 : i32
          %dma_wait3A_132 = arith.constant 0 : i32
          %dma_wait3A_133 = tpu.memref_slice %arg8[%dma_wait3A_131, %dma_wait3A_132] : memref<10000x128xf32, #tpu.memory_space<hbm>> -> memref<16x128xf32, #tpu.memory_space<hbm>>
          %dma_wait3A_134 = arith.constant 9984 : i32
          %dma_wait3A_135 = arith.constant 0 : i32
          %dma_wait3A_136 = tpu.memref_slice %arg13[%dma_wait3A_134, %dma_wait3A_135] : memref<10000x128xf32, #tpu.memory_space<vmem_shared>> -> memref<16x128xf32, #tpu.memory_space<vmem_shared>>
          tpu.wait_dma2 semaphore(%run_scoped3A : memref<!tpu.dma_semaphore, #tpu.memory_space<semaphore_mem>>) src(%dma_wait3A_136 : memref<16x128xf32, #tpu.memory_space<vmem_shared>>) dst(%dma_wait3A_133 : memref<16x128xf32, #tpu.memory_space<hbm>>)
          tpu.yield
        }) : () -> ()
      } else {
      }
      %barrier3A_124 = arith.constant 0 : index
      tpu.barrier barrier_id(%barrier3A_124)
    } else {
    }
    return
  }
}

#map = affine_map<(d0, d1) -> (0, 0, 0)>
#map1 = affine_map<(d0, d1) -> (0, 0)>
#map2 = affine_map<(d0, d1) -> (0)>
module attributes {stable_mosaic.version = 14 : i64} {
  func.func @_scatter_body(%arg0: i32, %arg1: i32, %arg2: memref<3x81920x128xf32, #tpu.memory_space<hbm>>, %arg3: memref<81920x128xf32, #tpu.memory_space<hbm>>, %arg4: memref<160000xi32, #tpu.memory_space<hbm>>, %arg5: memref<624x128xf32, #tpu.memory_space<hbm>>, %arg6: memref<624x128xf32, #tpu.memory_space<hbm>>, %arg7: memref<10000x384xf32, #tpu.memory_space<hbm>>, %arg8: memref<10000x128xf32, #tpu.memory_space<hbm>>, %arg9: memref<128x128xf32, #tpu.memory_space<vmem>>, %arg10: memref<128x128xf32, #tpu.memory_space<vmem>>, %arg11: memref<128xi32, #tpu.memory_space<vmem>>, %arg12: memref<128xi32, #tpu.memory_space<vmem>>, %arg13: memref<10000x128xf32, #tpu.memory_space<vmem_shared>>, %arg14: memref<!tpu.dma_semaphore, #tpu.memory_space<semaphore_mem>>, %arg15: memref<!tpu.dma_semaphore, #tpu.memory_space<semaphore_mem>>) attributes {dimension_semantics = [#tpu.dimension_semantics<core_parallel>, #tpu.dimension_semantics<subcore_parallel>], iteration_bounds = array<i64: 2, 16>, scalar_prefetch = 0 : i64, scratch_operands = 7 : i64, tpu.core_type = #tpu.core_type<sc_vector_subcore>, window_params = [{transform_indices = #map}, {transform_indices = #map1}, {transform_indices = #map2}, {transform_indices = #map1}, {transform_indices = #map1}, {transform_indices = #map1}, {transform_indices = #map1}]} {
    %eq3A = arith.constant 0 : i32
    %eq3A_0 = arith.cmpi eq, %arg0, %eq3A : i32
    %convert_element_type3A = arith.extui %eq3A_0 : i1 to i32
    %cond3A = arith.constant 0 : i32
    %cond3A_1 = arith.cmpi ne, %convert_element_type3A, %cond3A : i32
    scf.if %cond3A_1 {
      %mul3A = arith.constant 624 : i32
      %mul3A_7 = arith.muli %arg1, %mul3A : i32
      "tpu.region"() ({
        %run_scoped3A = tpu.sem_alloc : memref<!tpu.dma_semaphore, #tpu.memory_space<semaphore_mem>>
        %dma_start3A_140 = arith.constant 0 : i32
        %dma_start3A_141 = tpu.memref_slice %arg13[%mul3A_7, %dma_start3A_140] : memref<10000x128xf32, #tpu.memory_space<vmem_shared>> -> memref<624x128xf32, #tpu.memory_space<vmem_shared>>
        tpu.enqueue_dma source(%arg5 : memref<624x128xf32, #tpu.memory_space<hbm>>) target(%dma_start3A_141 : memref<624x128xf32, #tpu.memory_space<vmem_shared>>) target_semaphore(%run_scoped3A : memref<!tpu.dma_semaphore, #tpu.memory_space<semaphore_mem>>)
        %dma_wait3A_142 = arith.constant 0 : i32
        %dma_wait3A_143 = tpu.memref_slice %arg13[%mul3A_7, %dma_wait3A_142] : memref<10000x128xf32, #tpu.memory_space<vmem_shared>> -> memref<624x128xf32, #tpu.memory_space<vmem_shared>>
        tpu.wait_dma2 semaphore(%run_scoped3A : memref<!tpu.dma_semaphore, #tpu.memory_space<semaphore_mem>>) src(%arg5 : memref<624x128xf32, #tpu.memory_space<hbm>>) dst(%dma_wait3A_143 : memref<624x128xf32, #tpu.memory_space<vmem_shared>>)
        tpu.yield
      }) : () -> ()
      %eq3A_8 = arith.constant 15 : i32
      %eq3A_9 = arith.cmpi eq, %arg1, %eq3A_8 : i32
      %convert_element_type3A_10 = arith.extui %eq3A_9 : i1 to i32
      %cond3A_11 = arith.constant 0 : i32
      %cond3A_12 = arith.cmpi ne, %convert_element_type3A_10, %cond3A_11 : i32
      scf.if %cond3A_12 {
        "tpu.region"() ({
          %run_scoped3A = tpu.sem_alloc : memref<!tpu.dma_semaphore, #tpu.memory_space<semaphore_mem>>
          %dma_start3A_140 = arith.constant 9984 : i32
          %dma_start3A_141 = arith.constant 0 : i32
          %dma_start3A_142 = tpu.memref_slice %arg13[%dma_start3A_140, %dma_start3A_141] : memref<10000x128xf32, #tpu.memory_space<vmem_shared>> -> memref<16x128xf32, #tpu.memory_space<vmem_shared>>
          %dma_start3A_143 = arith.constant 0 : i32
          %dma_start3A_144 = arith.constant 0 : i32
          %dma_start3A_145 = tpu.memref_slice %arg5[%dma_start3A_143, %dma_start3A_144] : memref<624x128xf32, #tpu.memory_space<hbm>> -> memref<16x128xf32, #tpu.memory_space<hbm>>
          tpu.enqueue_dma source(%dma_start3A_145 : memref<16x128xf32, #tpu.memory_space<hbm>>) target(%dma_start3A_142 : memref<16x128xf32, #tpu.memory_space<vmem_shared>>) target_semaphore(%run_scoped3A : memref<!tpu.dma_semaphore, #tpu.memory_space<semaphore_mem>>)
          %dma_wait3A_146 = arith.constant 9984 : i32
          %dma_wait3A_147 = arith.constant 0 : i32
          %dma_wait3A_148 = tpu.memref_slice %arg13[%dma_wait3A_146, %dma_wait3A_147] : memref<10000x128xf32, #tpu.memory_space<vmem_shared>> -> memref<16x128xf32, #tpu.memory_space<vmem_shared>>
          %dma_wait3A_149 = arith.constant 0 : i32
          %dma_wait3A_150 = arith.constant 0 : i32
          %dma_wait3A_151 = tpu.memref_slice %arg5[%dma_wait3A_149, %dma_wait3A_150] : memref<624x128xf32, #tpu.memory_space<hbm>> -> memref<16x128xf32, #tpu.memory_space<hbm>>
          tpu.wait_dma2 semaphore(%run_scoped3A : memref<!tpu.dma_semaphore, #tpu.memory_space<semaphore_mem>>) src(%dma_wait3A_151 : memref<16x128xf32, #tpu.memory_space<hbm>>) dst(%dma_wait3A_148 : memref<16x128xf32, #tpu.memory_space<vmem_shared>>)
          tpu.yield
        }) : () -> ()
      } else {
      }
      %barrier3A = arith.constant 0 : index
      tpu.barrier barrier_id(%barrier3A)
      %mul3A_13 = arith.constant 5120 : i32
      %mul3A_14 = arith.muli %arg1, %mul3A_13 : i32
      %add3A = arith.constant 0 : i32
      %add3A_15 = arith.addi %mul3A_14, %add3A : i32
      %min3A = arith.constant 81792 : i32
      %min3A_16 = arith.minsi %add3A_15, %min3A : i32
      %add3A_17 = arith.constant 0 : i32
      %add3A_18 = arith.addi %add3A_17, %min3A_16 : i32
      %min3A_19 = arith.constant 159872 : i32
      %min3A_20 = arith.minsi %add3A_18, %min3A_19 : i32
      %dma_start3A = tpu.memref_slice %arg4[%min3A_20] : memref<160000xi32, #tpu.memory_space<hbm>> -> memref<128xi32, #tpu.memory_space<hbm>>
      %dma_start3A_21 = tpu.memref_slice %arg4[%min3A_20] : memref<160000xi32, #tpu.memory_space<hbm>> -> memref<128xi32, #tpu.memory_space<hbm>>
      tpu.enqueue_dma source(%dma_start3A_21 : memref<128xi32, #tpu.memory_space<hbm>>) target(%arg11 : memref<128xi32, #tpu.memory_space<vmem>>) target_semaphore(%arg14 : memref<!tpu.dma_semaphore, #tpu.memory_space<semaphore_mem>>)
      %dma_start3A_22 = arith.constant 0 : i32
      %dma_start3A_23 = arith.constant 0 : i32
      %dma_start3A_24 = arith.constant 0 : i32
      %dma_start3A_25 = tpu.memref_slice %arg2[%dma_start3A_22, %dma_start3A_23, %dma_start3A_24] : memref<3x81920x128xf32, #tpu.memory_space<hbm>> -> memref<1x81920x128xf32, #tpu.memory_space<hbm>>
      %dma_start3A_26 = tpu.memref_squeeze %dma_start3A_25 : memref<1x81920x128xf32, #tpu.memory_space<hbm>> -> memref<81920x128xf32, #tpu.memory_space<hbm>>
      %dma_start3A_27 = arith.constant 0 : i32
      %dma_start3A_28 = tpu.memref_slice %dma_start3A_26[%min3A_16, %dma_start3A_27] : memref<81920x128xf32, #tpu.memory_space<hbm>> -> memref<128x128xf32, #tpu.memory_space<hbm>>
      %dma_start3A_29 = arith.constant 0 : i32
      %dma_start3A_30 = arith.constant 0 : i32
      %dma_start3A_31 = tpu.memref_slice %arg2[%dma_start3A_22, %dma_start3A_29, %dma_start3A_30] : memref<3x81920x128xf32, #tpu.memory_space<hbm>> -> memref<1x81920x128xf32, #tpu.memory_space<hbm>>
      %dma_start3A_32 = tpu.memref_squeeze %dma_start3A_31 : memref<1x81920x128xf32, #tpu.memory_space<hbm>> -> memref<81920x128xf32, #tpu.memory_space<hbm>>
      %dma_start3A_33 = arith.constant 0 : i32
      %dma_start3A_34 = tpu.memref_slice %dma_start3A_32[%min3A_16, %dma_start3A_33] : memref<81920x128xf32, #tpu.memory_space<hbm>> -> memref<128x128xf32, #tpu.memory_space<hbm>>
      tpu.enqueue_dma source(%dma_start3A_34 : memref<128x128xf32, #tpu.memory_space<hbm>>) target(%arg9 : memref<128x128xf32, #tpu.memory_space<vmem>>) target_semaphore(%arg14 : memref<!tpu.dma_semaphore, #tpu.memory_space<semaphore_mem>>)
      %scan3A = arith.constant 0 : i32
      %scan3A_35 = arith.constant 0 : i32
      %scan3A_36 = arith.constant 0 : i32
      %scan3A_37 = arith.constant 20 : i32
      %scan3A_38 = arith.addi %scan3A_36, %scan3A_37 : i32
      %scan3A_39 = arith.constant 1 : i32
      scf.for %scan3A_140 = %scan3A_36 to %scan3A_38 step %scan3A_39  : i32 {
        %mul3A_141 = arith.constant 2 : i32
        %mul3A_142 = arith.muli %mul3A_141, %scan3A_140 : i32
        %add3A_143 = arith.constant 1 : i32
        %add3A_144 = arith.addi %mul3A_142, %add3A_143 : i32
        %mul3A_145 = arith.constant 128 : i32
        %mul3A_146 = arith.muli %add3A_144, %mul3A_145 : i32
        %add3A_147 = arith.addi %mul3A_14, %mul3A_146 : i32
        %min3A_148 = arith.constant 81792 : i32
        %min3A_149 = arith.minsi %add3A_147, %min3A_148 : i32
        %add3A_150 = arith.constant 0 : i32
        %add3A_151 = arith.addi %add3A_150, %min3A_149 : i32
        %min3A_152 = arith.constant 159872 : i32
        %min3A_153 = arith.minsi %add3A_151, %min3A_152 : i32
        %dma_start3A_154 = tpu.memref_slice %arg4[%min3A_153] : memref<160000xi32, #tpu.memory_space<hbm>> -> memref<128xi32, #tpu.memory_space<hbm>>
        %dma_start3A_155 = tpu.memref_slice %arg4[%min3A_153] : memref<160000xi32, #tpu.memory_space<hbm>> -> memref<128xi32, #tpu.memory_space<hbm>>
        tpu.enqueue_dma source(%dma_start3A_155 : memref<128xi32, #tpu.memory_space<hbm>>) target(%arg12 : memref<128xi32, #tpu.memory_space<vmem>>) target_semaphore(%arg15 : memref<!tpu.dma_semaphore, #tpu.memory_space<semaphore_mem>>)
        %dma_start3A_156 = arith.constant 0 : i32
        %dma_start3A_157 = arith.constant 0 : i32
        %dma_start3A_158 = tpu.memref_slice %arg2[%scan3A_35, %dma_start3A_156, %dma_start3A_157] : memref<3x81920x128xf32, #tpu.memory_space<hbm>> -> memref<1x81920x128xf32, #tpu.memory_space<hbm>>
        %dma_start3A_159 = tpu.memref_squeeze %dma_start3A_158 : memref<1x81920x128xf32, #tpu.memory_space<hbm>> -> memref<81920x128xf32, #tpu.memory_space<hbm>>
        %dma_start3A_160 = arith.constant 0 : i32
        %dma_start3A_161 = tpu.memref_slice %dma_start3A_159[%min3A_149, %dma_start3A_160] : memref<81920x128xf32, #tpu.memory_space<hbm>> -> memref<128x128xf32, #tpu.memory_space<hbm>>
        %dma_start3A_162 = arith.constant 0 : i32
        %dma_start3A_163 = arith.constant 0 : i32
        %dma_start3A_164 = tpu.memref_slice %arg2[%scan3A_35, %dma_start3A_162, %dma_start3A_163] : memref<3x81920x128xf32, #tpu.memory_space<hbm>> -> memref<1x81920x128xf32, #tpu.memory_space<hbm>>
        %dma_start3A_165 = tpu.memref_squeeze %dma_start3A_164 : memref<1x81920x128xf32, #tpu.memory_space<hbm>> -> memref<81920x128xf32, #tpu.memory_space<hbm>>
        %dma_start3A_166 = arith.constant 0 : i32
        %dma_start3A_167 = tpu.memref_slice %dma_start3A_165[%min3A_149, %dma_start3A_166] : memref<81920x128xf32, #tpu.memory_space<hbm>> -> memref<128x128xf32, #tpu.memory_space<hbm>>
        tpu.enqueue_dma source(%dma_start3A_167 : memref<128x128xf32, #tpu.memory_space<hbm>>) target(%arg10 : memref<128x128xf32, #tpu.memory_space<vmem>>) target_semaphore(%arg15 : memref<!tpu.dma_semaphore, #tpu.memory_space<semaphore_mem>>)
        %dma_wait3A_168 = arith.constant 0 : i32
        %dma_wait3A_169 = tpu.memref_slice %arg4[%dma_wait3A_168] : memref<160000xi32, #tpu.memory_space<hbm>> -> memref<128xi32, #tpu.memory_space<hbm>>
        %dma_wait3A_170 = arith.constant 0 : i32
        %dma_wait3A_171 = tpu.memref_slice %arg4[%dma_wait3A_170] : memref<160000xi32, #tpu.memory_space<hbm>> -> memref<128xi32, #tpu.memory_space<hbm>>
        tpu.wait_dma2 semaphore(%arg14 : memref<!tpu.dma_semaphore, #tpu.memory_space<semaphore_mem>>) src(%dma_wait3A_171 : memref<128xi32, #tpu.memory_space<hbm>>) dst(%arg11 : memref<128xi32, #tpu.memory_space<vmem>>)
        %dma_wait3A_172 = arith.constant 0 : i32
        %dma_wait3A_173 = arith.constant 0 : i32
        %dma_wait3A_174 = tpu.memref_slice %arg2[%scan3A_35, %dma_wait3A_172, %dma_wait3A_173] : memref<3x81920x128xf32, #tpu.memory_space<hbm>> -> memref<1x81920x128xf32, #tpu.memory_space<hbm>>
        %dma_wait3A_175 = tpu.memref_squeeze %dma_wait3A_174 : memref<1x81920x128xf32, #tpu.memory_space<hbm>> -> memref<81920x128xf32, #tpu.memory_space<hbm>>
        %dma_wait3A_176 = arith.constant 0 : i32
        %dma_wait3A_177 = arith.constant 0 : i32
        %dma_wait3A_178 = tpu.memref_slice %dma_wait3A_175[%dma_wait3A_176, %dma_wait3A_177] : memref<81920x128xf32, #tpu.memory_space<hbm>> -> memref<128x128xf32, #tpu.memory_space<hbm>>
        %dma_wait3A_179 = arith.constant 0 : i32
        %dma_wait3A_180 = arith.constant 0 : i32
        %dma_wait3A_181 = tpu.memref_slice %arg2[%scan3A_35, %dma_wait3A_179, %dma_wait3A_180] : memref<3x81920x128xf32, #tpu.memory_space<hbm>> -> memref<1x81920x128xf32, #tpu.memory_space<hbm>>
        %dma_wait3A_182 = tpu.memref_squeeze %dma_wait3A_181 : memref<1x81920x128xf32, #tpu.memory_space<hbm>> -> memref<81920x128xf32, #tpu.memory_space<hbm>>
        %dma_wait3A_183 = arith.constant 0 : i32
        %dma_wait3A_184 = arith.constant 0 : i32
        %dma_wait3A_185 = tpu.memref_slice %dma_wait3A_182[%dma_wait3A_183, %dma_wait3A_184] : memref<81920x128xf32, #tpu.memory_space<hbm>> -> memref<128x128xf32, #tpu.memory_space<hbm>>
        tpu.wait_dma2 semaphore(%arg14 : memref<!tpu.dma_semaphore, #tpu.memory_space<semaphore_mem>>) src(%dma_wait3A_185 : memref<128x128xf32, #tpu.memory_space<hbm>>) dst(%arg9 : memref<128x128xf32, #tpu.memory_space<vmem>>)
        "tpu.region"() ({
          %run_scoped3A = tpu.sem_alloc : memref<!tpu.dma_semaphore, #tpu.memory_space<semaphore_mem>>
          %dma_start3A_231 = arith.constant 0 : i32
          %dma_start3A_232 = arith.constant 0 : i32
          %dma_start3A_233 = tpu.memref_slice %arg13[%dma_start3A_231, %dma_start3A_232] : memref<10000x128xf32, #tpu.memory_space<vmem_shared>> -> memref<10000x128xf32, #tpu.memory_space<vmem_shared>>
          tpu.enqueue_indirect_dma source(%arg9 : memref<128x128xf32, #tpu.memory_space<vmem>>) target(%dma_start3A_233 : memref<10000x128xf32, #tpu.memory_space<vmem_shared>>) offsets(%arg11 : memref<128xi32, #tpu.memory_space<vmem>>) semaphore(%run_scoped3A : memref<!tpu.dma_semaphore, #tpu.memory_space<semaphore_mem>>) {add = true}
          %dma_wait3A_234 = arith.constant 0 : i32
          %dma_wait3A_235 = arith.constant 0 : i32
          %dma_wait3A_236 = tpu.memref_slice %arg13[%dma_wait3A_234, %dma_wait3A_235] : memref<10000x128xf32, #tpu.memory_space<vmem_shared>> -> memref<10000x128xf32, #tpu.memory_space<vmem_shared>>
          tpu.wait_indirect_dma semaphore(%run_scoped3A : memref<!tpu.dma_semaphore, #tpu.memory_space<semaphore_mem>>) src(%arg9 : memref<128x128xf32, #tpu.memory_space<vmem>>) dst(%dma_wait3A_236 : memref<10000x128xf32, #tpu.memory_space<vmem_shared>>)
          tpu.yield
        }) : () -> ()
        %mul3A_186 = arith.constant 2 : i32
        %mul3A_187 = arith.muli %mul3A_186, %scan3A_140 : i32
        %add3A_188 = arith.constant 2 : i32
        %add3A_189 = arith.addi %mul3A_187, %add3A_188 : i32
        %mul3A_190 = arith.constant 128 : i32
        %mul3A_191 = arith.muli %add3A_189, %mul3A_190 : i32
        %add3A_192 = arith.addi %mul3A_14, %mul3A_191 : i32
        %min3A_193 = arith.constant 81792 : i32
        %min3A_194 = arith.minsi %add3A_192, %min3A_193 : i32
        %add3A_195 = arith.constant 0 : i32
        %add3A_196 = arith.addi %add3A_195, %min3A_194 : i32
        %min3A_197 = arith.constant 159872 : i32
        %min3A_198 = arith.minsi %add3A_196, %min3A_197 : i32
        %dma_start3A_199 = tpu.memref_slice %arg4[%min3A_198] : memref<160000xi32, #tpu.memory_space<hbm>> -> memref<128xi32, #tpu.memory_space<hbm>>
        %dma_start3A_200 = tpu.memref_slice %arg4[%min3A_198] : memref<160000xi32, #tpu.memory_space<hbm>> -> memref<128xi32, #tpu.memory_space<hbm>>
        tpu.enqueue_dma source(%dma_start3A_200 : memref<128xi32, #tpu.memory_space<hbm>>) target(%arg11 : memref<128xi32, #tpu.memory_space<vmem>>) target_semaphore(%arg14 : memref<!tpu.dma_semaphore, #tpu.memory_space<semaphore_mem>>)
        %dma_start3A_201 = arith.constant 0 : i32
        %dma_start3A_202 = arith.constant 0 : i32
        %dma_start3A_203 = tpu.memref_slice %arg2[%scan3A_35, %dma_start3A_201, %dma_start3A_202] : memref<3x81920x128xf32, #tpu.memory_space<hbm>> -> memref<1x81920x128xf32, #tpu.memory_space<hbm>>
        %dma_start3A_204 = tpu.memref_squeeze %dma_start3A_203 : memref<1x81920x128xf32, #tpu.memory_space<hbm>> -> memref<81920x128xf32, #tpu.memory_space<hbm>>
        %dma_start3A_205 = arith.constant 0 : i32
        %dma_start3A_206 = tpu.memref_slice %dma_start3A_204[%min3A_194, %dma_start3A_205] : memref<81920x128xf32, #tpu.memory_space<hbm>> -> memref<128x128xf32, #tpu.memory_space<hbm>>
        %dma_start3A_207 = arith.constant 0 : i32
        %dma_start3A_208 = arith.constant 0 : i32
        %dma_start3A_209 = tpu.memref_slice %arg2[%scan3A_35, %dma_start3A_207, %dma_start3A_208] : memref<3x81920x128xf32, #tpu.memory_space<hbm>> -> memref<1x81920x128xf32, #tpu.memory_space<hbm>>
        %dma_start3A_210 = tpu.memref_squeeze %dma_start3A_209 : memref<1x81920x128xf32, #tpu.memory_space<hbm>> -> memref<81920x128xf32, #tpu.memory_space<hbm>>
        %dma_start3A_211 = arith.constant 0 : i32
        %dma_start3A_212 = tpu.memref_slice %dma_start3A_210[%min3A_194, %dma_start3A_211] : memref<81920x128xf32, #tpu.memory_space<hbm>> -> memref<128x128xf32, #tpu.memory_space<hbm>>
        tpu.enqueue_dma source(%dma_start3A_212 : memref<128x128xf32, #tpu.memory_space<hbm>>) target(%arg9 : memref<128x128xf32, #tpu.memory_space<vmem>>) target_semaphore(%arg14 : memref<!tpu.dma_semaphore, #tpu.memory_space<semaphore_mem>>)
        %dma_wait3A_213 = arith.constant 0 : i32
        %dma_wait3A_214 = tpu.memref_slice %arg4[%dma_wait3A_213] : memref<160000xi32, #tpu.memory_space<hbm>> -> memref<128xi32, #tpu.memory_space<hbm>>
        %dma_wait3A_215 = arith.constant 0 : i32
        %dma_wait3A_216 = tpu.memref_slice %arg4[%dma_wait3A_215] : memref<160000xi32, #tpu.memory_space<hbm>> -> memref<128xi32, #tpu.memory_space<hbm>>
        tpu.wait_dma2 semaphore(%arg15 : memref<!tpu.dma_semaphore, #tpu.memory_space<semaphore_mem>>) src(%dma_wait3A_216 : memref<128xi32, #tpu.memory_space<hbm>>) dst(%arg12 : memref<128xi32, #tpu.memory_space<vmem>>)
        %dma_wait3A_217 = arith.constant 0 : i32
        %dma_wait3A_218 = arith.constant 0 : i32
        %dma_wait3A_219 = tpu.memref_slice %arg2[%scan3A_35, %dma_wait3A_217, %dma_wait3A_218] : memref<3x81920x128xf32, #tpu.memory_space<hbm>> -> memref<1x81920x128xf32, #tpu.memory_space<hbm>>
        %dma_wait3A_220 = tpu.memref_squeeze %dma_wait3A_219 : memref<1x81920x128xf32, #tpu.memory_space<hbm>> -> memref<81920x128xf32, #tpu.memory_space<hbm>>
        %dma_wait3A_221 = arith.constant 0 : i32
        %dma_wait3A_222 = arith.constant 0 : i32
        %dma_wait3A_223 = tpu.memref_slice %dma_wait3A_220[%dma_wait3A_221, %dma_wait3A_222] : memref<81920x128xf32, #tpu.memory_space<hbm>> -> memref<128x128xf32, #tpu.memory_space<hbm>>
        %dma_wait3A_224 = arith.constant 0 : i32
        %dma_wait3A_225 = arith.constant 0 : i32
        %dma_wait3A_226 = tpu.memref_slice %arg2[%scan3A_35, %dma_wait3A_224, %dma_wait3A_225] : memref<3x81920x128xf32, #tpu.memory_space<hbm>> -> memref<1x81920x128xf32, #tpu.memory_space<hbm>>
        %dma_wait3A_227 = tpu.memref_squeeze %dma_wait3A_226 : memref<1x81920x128xf32, #tpu.memory_space<hbm>> -> memref<81920x128xf32, #tpu.memory_space<hbm>>
        %dma_wait3A_228 = arith.constant 0 : i32
        %dma_wait3A_229 = arith.constant 0 : i32
        %dma_wait3A_230 = tpu.memref_slice %dma_wait3A_227[%dma_wait3A_228, %dma_wait3A_229] : memref<81920x128xf32, #tpu.memory_space<hbm>> -> memref<128x128xf32, #tpu.memory_space<hbm>>
        tpu.wait_dma2 semaphore(%arg15 : memref<!tpu.dma_semaphore, #tpu.memory_space<semaphore_mem>>) src(%dma_wait3A_230 : memref<128x128xf32, #tpu.memory_space<hbm>>) dst(%arg10 : memref<128x128xf32, #tpu.memory_space<vmem>>)
        "tpu.region"() ({
          %run_scoped3A = tpu.sem_alloc : memref<!tpu.dma_semaphore, #tpu.memory_space<semaphore_mem>>
          %dma_start3A_231 = arith.constant 0 : i32
          %dma_start3A_232 = arith.constant 0 : i32
          %dma_start3A_233 = tpu.memref_slice %arg13[%dma_start3A_231, %dma_start3A_232] : memref<10000x128xf32, #tpu.memory_space<vmem_shared>> -> memref<10000x128xf32, #tpu.memory_space<vmem_shared>>
          tpu.enqueue_indirect_dma source(%arg10 : memref<128x128xf32, #tpu.memory_space<vmem>>) target(%dma_start3A_233 : memref<10000x128xf32, #tpu.memory_space<vmem_shared>>) offsets(%arg12 : memref<128xi32, #tpu.memory_space<vmem>>) semaphore(%run_scoped3A : memref<!tpu.dma_semaphore, #tpu.memory_space<semaphore_mem>>) {add = true}
          %dma_wait3A_234 = arith.constant 0 : i32
          %dma_wait3A_235 = arith.constant 0 : i32
          %dma_wait3A_236 = tpu.memref_slice %arg13[%dma_wait3A_234, %dma_wait3A_235] : memref<10000x128xf32, #tpu.memory_space<vmem_shared>> -> memref<10000x128xf32, #tpu.memory_space<vmem_shared>>
          tpu.wait_indirect_dma semaphore(%run_scoped3A : memref<!tpu.dma_semaphore, #tpu.memory_space<semaphore_mem>>) src(%arg10 : memref<128x128xf32, #tpu.memory_space<vmem>>) dst(%dma_wait3A_236 : memref<10000x128xf32, #tpu.memory_space<vmem_shared>>)
          tpu.yield
        }) : () -> ()
      }
      %scan3A_40 = arith.constant 20 : i32
      %dma_wait3A = arith.constant 0 : i32
      %dma_wait3A_41 = tpu.memref_slice %arg4[%dma_wait3A] : memref<160000xi32, #tpu.memory_space<hbm>> -> memref<128xi32, #tpu.memory_space<hbm>>
      %dma_wait3A_42 = arith.constant 0 : i32
      %dma_wait3A_43 = tpu.memref_slice %arg4[%dma_wait3A_42] : memref<160000xi32, #tpu.memory_space<hbm>> -> memref<128xi32, #tpu.memory_space<hbm>>
      tpu.wait_dma2 semaphore(%arg14 : memref<!tpu.dma_semaphore, #tpu.memory_space<semaphore_mem>>) src(%dma_wait3A_43 : memref<128xi32, #tpu.memory_space<hbm>>) dst(%arg11 : memref<128xi32, #tpu.memory_space<vmem>>)
      %dma_wait3A_44 = arith.constant 0 : i32
      %dma_wait3A_45 = arith.constant 0 : i32
      %dma_wait3A_46 = arith.constant 0 : i32
      %dma_wait3A_47 = tpu.memref_slice %arg2[%dma_wait3A_44, %dma_wait3A_45, %dma_wait3A_46] : memref<3x81920x128xf32, #tpu.memory_space<hbm>> -> memref<1x81920x128xf32, #tpu.memory_space<hbm>>
      %dma_wait3A_48 = tpu.memref_squeeze %dma_wait3A_47 : memref<1x81920x128xf32, #tpu.memory_space<hbm>> -> memref<81920x128xf32, #tpu.memory_space<hbm>>
      %dma_wait3A_49 = arith.constant 0 : i32
      %dma_wait3A_50 = arith.constant 0 : i32
      %dma_wait3A_51 = tpu.memref_slice %dma_wait3A_48[%dma_wait3A_49, %dma_wait3A_50] : memref<81920x128xf32, #tpu.memory_space<hbm>> -> memref<128x128xf32, #tpu.memory_space<hbm>>
      %dma_wait3A_52 = arith.constant 0 : i32
      %dma_wait3A_53 = arith.constant 0 : i32
      %dma_wait3A_54 = tpu.memref_slice %arg2[%dma_wait3A_44, %dma_wait3A_52, %dma_wait3A_53] : memref<3x81920x128xf32, #tpu.memory_space<hbm>> -> memref<1x81920x128xf32, #tpu.memory_space<hbm>>
      %dma_wait3A_55 = tpu.memref_squeeze %dma_wait3A_54 : memref<1x81920x128xf32, #tpu.memory_space<hbm>> -> memref<81920x128xf32, #tpu.memory_space<hbm>>
      %dma_wait3A_56 = arith.constant 0 : i32
      %dma_wait3A_57 = arith.constant 0 : i32
      %dma_wait3A_58 = tpu.memref_slice %dma_wait3A_55[%dma_wait3A_56, %dma_wait3A_57] : memref<81920x128xf32, #tpu.memory_space<hbm>> -> memref<128x128xf32, #tpu.memory_space<hbm>>
      tpu.wait_dma2 semaphore(%arg14 : memref<!tpu.dma_semaphore, #tpu.memory_space<semaphore_mem>>) src(%dma_wait3A_58 : memref<128x128xf32, #tpu.memory_space<hbm>>) dst(%arg9 : memref<128x128xf32, #tpu.memory_space<vmem>>)
      %barrier3A_59 = arith.constant 0 : index
      tpu.barrier barrier_id(%barrier3A_59)
      %mul3A_60 = arith.constant 624 : i32
      %mul3A_61 = arith.muli %arg1, %mul3A_60 : i32
      %mul3A_62 = arith.constant 624 : i32
      %mul3A_63 = arith.muli %arg1, %mul3A_62 : i32
      "tpu.region"() ({
        %run_scoped3A = tpu.sem_alloc : memref<!tpu.dma_semaphore, #tpu.memory_space<semaphore_mem>>
        %dma_start3A_140 = arith.constant 0 : i32
        %dma_start3A_141 = tpu.memref_slice %arg7[%mul3A_63, %dma_start3A_140] : memref<10000x384xf32, #tpu.memory_space<hbm>> -> memref<624x128xf32, #tpu.memory_space<hbm>>
        %dma_start3A_142 = arith.constant 0 : i32
        %dma_start3A_143 = tpu.memref_slice %arg13[%mul3A_61, %dma_start3A_142] : memref<10000x128xf32, #tpu.memory_space<vmem_shared>> -> memref<624x128xf32, #tpu.memory_space<vmem_shared>>
        tpu.enqueue_dma source(%dma_start3A_143 : memref<624x128xf32, #tpu.memory_space<vmem_shared>>) target(%dma_start3A_141 : memref<624x128xf32, #tpu.memory_space<hbm>>) target_semaphore(%run_scoped3A : memref<!tpu.dma_semaphore, #tpu.memory_space<semaphore_mem>>)
        %dma_wait3A_144 = arith.constant 0 : i32
        %dma_wait3A_145 = tpu.memref_slice %arg7[%mul3A_63, %dma_wait3A_144] : memref<10000x384xf32, #tpu.memory_space<hbm>> -> memref<624x128xf32, #tpu.memory_space<hbm>>
        %dma_wait3A_146 = arith.constant 0 : i32
        %dma_wait3A_147 = tpu.memref_slice %arg13[%mul3A_61, %dma_wait3A_146] : memref<10000x128xf32, #tpu.memory_space<vmem_shared>> -> memref<624x128xf32, #tpu.memory_space<vmem_shared>>
        tpu.wait_dma2 semaphore(%run_scoped3A : memref<!tpu.dma_semaphore, #tpu.memory_space<semaphore_mem>>) src(%dma_wait3A_147 : memref<624x128xf32, #tpu.memory_space<vmem_shared>>) dst(%dma_wait3A_145 : memref<624x128xf32, #tpu.memory_space<hbm>>)
        tpu.yield
      }) : () -> ()
      %eq3A_64 = arith.constant 15 : i32
      %eq3A_65 = arith.cmpi eq, %arg1, %eq3A_64 : i32
      %convert_element_type3A_66 = arith.extui %eq3A_65 : i1 to i32
      %cond3A_67 = arith.constant 0 : i32
      %cond3A_68 = arith.cmpi ne, %convert_element_type3A_66, %cond3A_67 : i32
      scf.if %cond3A_68 {
        "tpu.region"() ({
          %run_scoped3A = tpu.sem_alloc : memref<!tpu.dma_semaphore, #tpu.memory_space<semaphore_mem>>
          %dma_start3A_140 = arith.constant 9984 : i32
          %dma_start3A_141 = arith.constant 0 : i32
          %dma_start3A_142 = tpu.memref_slice %arg7[%dma_start3A_140, %dma_start3A_141] : memref<10000x384xf32, #tpu.memory_space<hbm>> -> memref<16x128xf32, #tpu.memory_space<hbm>>
          %dma_start3A_143 = arith.constant 9984 : i32
          %dma_start3A_144 = arith.constant 0 : i32
          %dma_start3A_145 = tpu.memref_slice %arg13[%dma_start3A_143, %dma_start3A_144] : memref<10000x128xf32, #tpu.memory_space<vmem_shared>> -> memref<16x128xf32, #tpu.memory_space<vmem_shared>>
          tpu.enqueue_dma source(%dma_start3A_145 : memref<16x128xf32, #tpu.memory_space<vmem_shared>>) target(%dma_start3A_142 : memref<16x128xf32, #tpu.memory_space<hbm>>) target_semaphore(%run_scoped3A : memref<!tpu.dma_semaphore, #tpu.memory_space<semaphore_mem>>)
          %dma_wait3A_146 = arith.constant 9984 : i32
          %dma_wait3A_147 = arith.constant 0 : i32
          %dma_wait3A_148 = tpu.memref_slice %arg7[%dma_wait3A_146, %dma_wait3A_147] : memref<10000x384xf32, #tpu.memory_space<hbm>> -> memref<16x128xf32, #tpu.memory_space<hbm>>
          %dma_wait3A_149 = arith.constant 9984 : i32
          %dma_wait3A_150 = arith.constant 0 : i32
          %dma_wait3A_151 = tpu.memref_slice %arg13[%dma_wait3A_149, %dma_wait3A_150] : memref<10000x128xf32, #tpu.memory_space<vmem_shared>> -> memref<16x128xf32, #tpu.memory_space<vmem_shared>>
          tpu.wait_dma2 semaphore(%run_scoped3A : memref<!tpu.dma_semaphore, #tpu.memory_space<semaphore_mem>>) src(%dma_wait3A_151 : memref<16x128xf32, #tpu.memory_space<vmem_shared>>) dst(%dma_wait3A_148 : memref<16x128xf32, #tpu.memory_space<hbm>>)
          tpu.yield
        }) : () -> ()
      } else {
      }
      %barrier3A_69 = arith.constant 0 : index
      tpu.barrier barrier_id(%barrier3A_69)
      %mul3A_70 = arith.constant 624 : i32
      %mul3A_71 = arith.muli %arg1, %mul3A_70 : i32
      "tpu.region"() ({
        %run_scoped3A = tpu.sem_alloc : memref<!tpu.dma_semaphore, #tpu.memory_space<semaphore_mem>>
        %dma_start3A_140 = arith.constant 0 : i32
        %dma_start3A_141 = tpu.memref_slice %arg13[%mul3A_71, %dma_start3A_140] : memref<10000x128xf32, #tpu.memory_space<vmem_shared>> -> memref<624x128xf32, #tpu.memory_space<vmem_shared>>
        tpu.enqueue_dma source(%arg5 : memref<624x128xf32, #tpu.memory_space<hbm>>) target(%dma_start3A_141 : memref<624x128xf32, #tpu.memory_space<vmem_shared>>) target_semaphore(%run_scoped3A : memref<!tpu.dma_semaphore, #tpu.memory_space<semaphore_mem>>)
        %dma_wait3A_142 = arith.constant 0 : i32
        %dma_wait3A_143 = tpu.memref_slice %arg13[%mul3A_71, %dma_wait3A_142] : memref<10000x128xf32, #tpu.memory_space<vmem_shared>> -> memref<624x128xf32, #tpu.memory_space<vmem_shared>>
        tpu.wait_dma2 semaphore(%run_scoped3A : memref<!tpu.dma_semaphore, #tpu.memory_space<semaphore_mem>>) src(%arg5 : memref<624x128xf32, #tpu.memory_space<hbm>>) dst(%dma_wait3A_143 : memref<624x128xf32, #tpu.memory_space<vmem_shared>>)
        tpu.yield
      }) : () -> ()
      %eq3A_72 = arith.constant 15 : i32
      %eq3A_73 = arith.cmpi eq, %arg1, %eq3A_72 : i32
      %convert_element_type3A_74 = arith.extui %eq3A_73 : i1 to i32
      %cond3A_75 = arith.constant 0 : i32
      %cond3A_76 = arith.cmpi ne, %convert_element_type3A_74, %cond3A_75 : i32
      scf.if %cond3A_76 {
        "tpu.region"() ({
          %run_scoped3A = tpu.sem_alloc : memref<!tpu.dma_semaphore, #tpu.memory_space<semaphore_mem>>
          %dma_start3A_140 = arith.constant 9984 : i32
          %dma_start3A_141 = arith.constant 0 : i32
          %dma_start3A_142 = tpu.memref_slice %arg13[%dma_start3A_140, %dma_start3A_141] : memref<10000x128xf32, #tpu.memory_space<vmem_shared>> -> memref<16x128xf32, #tpu.memory_space<vmem_shared>>
          %dma_start3A_143 = arith.constant 0 : i32
          %dma_start3A_144 = arith.constant 0 : i32
          %dma_start3A_145 = tpu.memref_slice %arg5[%dma_start3A_143, %dma_start3A_144] : memref<624x128xf32, #tpu.memory_space<hbm>> -> memref<16x128xf32, #tpu.memory_space<hbm>>
          tpu.enqueue_dma source(%dma_start3A_145 : memref<16x128xf32, #tpu.memory_space<hbm>>) target(%dma_start3A_142 : memref<16x128xf32, #tpu.memory_space<vmem_shared>>) target_semaphore(%run_scoped3A : memref<!tpu.dma_semaphore, #tpu.memory_space<semaphore_mem>>)
          %dma_wait3A_146 = arith.constant 9984 : i32
          %dma_wait3A_147 = arith.constant 0 : i32
          %dma_wait3A_148 = tpu.memref_slice %arg13[%dma_wait3A_146, %dma_wait3A_147] : memref<10000x128xf32, #tpu.memory_space<vmem_shared>> -> memref<16x128xf32, #tpu.memory_space<vmem_shared>>
          %dma_wait3A_149 = arith.constant 0 : i32
          %dma_wait3A_150 = arith.constant 0 : i32
          %dma_wait3A_151 = tpu.memref_slice %arg5[%dma_wait3A_149, %dma_wait3A_150] : memref<624x128xf32, #tpu.memory_space<hbm>> -> memref<16x128xf32, #tpu.memory_space<hbm>>
          tpu.wait_dma2 semaphore(%run_scoped3A : memref<!tpu.dma_semaphore, #tpu.memory_space<semaphore_mem>>) src(%dma_wait3A_151 : memref<16x128xf32, #tpu.memory_space<hbm>>) dst(%dma_wait3A_148 : memref<16x128xf32, #tpu.memory_space<vmem_shared>>)
          tpu.yield
        }) : () -> ()
      } else {
      }
      %barrier3A_77 = arith.constant 0 : index
      tpu.barrier barrier_id(%barrier3A_77)
      %mul3A_78 = arith.constant 5120 : i32
      %mul3A_79 = arith.muli %arg1, %mul3A_78 : i32
      %add3A_80 = arith.constant 0 : i32
      %add3A_81 = arith.addi %mul3A_79, %add3A_80 : i32
      %min3A_82 = arith.constant 81792 : i32
      %min3A_83 = arith.minsi %add3A_81, %min3A_82 : i32
      %add3A_84 = arith.constant 0 : i32
      %add3A_85 = arith.addi %add3A_84, %min3A_83 : i32
      %min3A_86 = arith.constant 159872 : i32
      %min3A_87 = arith.minsi %add3A_85, %min3A_86 : i32
      %dma_start3A_88 = tpu.memref_slice %arg4[%min3A_87] : memref<160000xi32, #tpu.memory_space<hbm>> -> memref<128xi32, #tpu.memory_space<hbm>>
      %dma_start3A_89 = tpu.memref_slice %arg4[%min3A_87] : memref<160000xi32, #tpu.memory_space<hbm>> -> memref<128xi32, #tpu.memory_space<hbm>>
      tpu.enqueue_dma source(%dma_start3A_89 : memref<128xi32, #tpu.memory_space<hbm>>) target(%arg11 : memref<128xi32, #tpu.memory_space<vmem>>) target_semaphore(%arg14 : memref<!tpu.dma_semaphore, #tpu.memory_space<semaphore_mem>>)
      %dma_start3A_90 = arith.constant 1 : i32
      %dma_start3A_91 = arith.constant 0 : i32
      %dma_start3A_92 = arith.constant 0 : i32
      %dma_start3A_93 = tpu.memref_slice %arg2[%dma_start3A_90, %dma_start3A_91, %dma_start3A_92] : memref<3x81920x128xf32, #tpu.memory_space<hbm>> -> memref<1x81920x128xf32, #tpu.memory_space<hbm>>
      %dma_start3A_94 = tpu.memref_squeeze %dma_start3A_93 : memref<1x81920x128xf32, #tpu.memory_space<hbm>> -> memref<81920x128xf32, #tpu.memory_space<hbm>>
      %dma_start3A_95 = arith.constant 0 : i32
      %dma_start3A_96 = tpu.memref_slice %dma_start3A_94[%min3A_83, %dma_start3A_95] : memref<81920x128xf32, #tpu.memory_space<hbm>> -> memref<128x128xf32, #tpu.memory_space<hbm>>
      %dma_start3A_97 = arith.constant 0 : i32
      %dma_start3A_98 = arith.constant 0 : i32
      %dma_start3A_99 = tpu.memref_slice %arg2[%dma_start3A_90, %dma_start3A_97, %dma_start3A_98] : memref<3x81920x128xf32, #tpu.memory_space<hbm>> -> memref<1x81920x128xf32, #tpu.memory_space<hbm>>
      %dma_start3A_100 = tpu.memref_squeeze %dma_start3A_99 : memref<1x81920x128xf32, #tpu.memory_space<hbm>> -> memref<81920x128xf32, #tpu.memory_space<hbm>>
      %dma_start3A_101 = arith.constant 0 : i32
      %dma_start3A_102 = tpu.memref_slice %dma_start3A_100[%min3A_83, %dma_start3A_101] : memref<81920x128xf32, #tpu.memory_space<hbm>> -> memref<128x128xf32, #tpu.memory_space<hbm>>
      tpu.enqueue_dma source(%dma_start3A_102 : memref<128x128xf32, #tpu.memory_space<hbm>>) target(%arg9 : memref<128x128xf32, #tpu.memory_space<vmem>>) target_semaphore(%arg14 : memref<!tpu.dma_semaphore, #tpu.memory_space<semaphore_mem>>)
      %scan3A_103 = arith.constant 0 : i32
      %scan3A_104 = arith.constant 1 : i32
      %scan3A_105 = arith.constant 0 : i32
      %scan3A_106 = arith.constant 20 : i32
      %scan3A_107 = arith.addi %scan3A_105, %scan3A_106 : i32
      %scan3A_108 = arith.constant 1 : i32
      scf.for %scan3A_140 = %scan3A_105 to %scan3A_107 step %scan3A_108  : i32 {
        %mul3A_141 = arith.constant 2 : i32
        %mul3A_142 = arith.muli %mul3A_141, %scan3A_140 : i32
        %add3A_143 = arith.constant 1 : i32
        %add3A_144 = arith.addi %mul3A_142, %add3A_143 : i32
        %mul3A_145 = arith.constant 128 : i32
        %mul3A_146 = arith.muli %add3A_144, %mul3A_145 : i32
        %add3A_147 = arith.addi %mul3A_79, %mul3A_146 : i32
        %min3A_148 = arith.constant 81792 : i32
        %min3A_149 = arith.minsi %add3A_147, %min3A_148 : i32
        %add3A_150 = arith.constant 0 : i32
        %add3A_151 = arith.addi %add3A_150, %min3A_149 : i32
        %min3A_152 = arith.constant 159872 : i32
        %min3A_153 = arith.minsi %add3A_151, %min3A_152 : i32
        %dma_start3A_154 = tpu.memref_slice %arg4[%min3A_153] : memref<160000xi32, #tpu.memory_space<hbm>> -> memref<128xi32, #tpu.memory_space<hbm>>
        %dma_start3A_155 = tpu.memref_slice %arg4[%min3A_153] : memref<160000xi32, #tpu.memory_space<hbm>> -> memref<128xi32, #tpu.memory_space<hbm>>
        tpu.enqueue_dma source(%dma_start3A_155 : memref<128xi32, #tpu.memory_space<hbm>>) target(%arg12 : memref<128xi32, #tpu.memory_space<vmem>>) target_semaphore(%arg15 : memref<!tpu.dma_semaphore, #tpu.memory_space<semaphore_mem>>)
        %dma_start3A_156 = arith.constant 0 : i32
        %dma_start3A_157 = arith.constant 0 : i32
        %dma_start3A_158 = tpu.memref_slice %arg2[%scan3A_104, %dma_start3A_156, %dma_start3A_157] : memref<3x81920x128xf32, #tpu.memory_space<hbm>> -> memref<1x81920x128xf32, #tpu.memory_space<hbm>>
        %dma_start3A_159 = tpu.memref_squeeze %dma_start3A_158 : memref<1x81920x128xf32, #tpu.memory_space<hbm>> -> memref<81920x128xf32, #tpu.memory_space<hbm>>
        %dma_start3A_160 = arith.constant 0 : i32
        %dma_start3A_161 = tpu.memref_slice %dma_start3A_159[%min3A_149, %dma_start3A_160] : memref<81920x128xf32, #tpu.memory_space<hbm>> -> memref<128x128xf32, #tpu.memory_space<hbm>>
        %dma_start3A_162 = arith.constant 0 : i32
        %dma_start3A_163 = arith.constant 0 : i32
        %dma_start3A_164 = tpu.memref_slice %arg2[%scan3A_104, %dma_start3A_162, %dma_start3A_163] : memref<3x81920x128xf32, #tpu.memory_space<hbm>> -> memref<1x81920x128xf32, #tpu.memory_space<hbm>>
        %dma_start3A_165 = tpu.memref_squeeze %dma_start3A_164 : memref<1x81920x128xf32, #tpu.memory_space<hbm>> -> memref<81920x128xf32, #tpu.memory_space<hbm>>
        %dma_start3A_166 = arith.constant 0 : i32
        %dma_start3A_167 = tpu.memref_slice %dma_start3A_165[%min3A_149, %dma_start3A_166] : memref<81920x128xf32, #tpu.memory_space<hbm>> -> memref<128x128xf32, #tpu.memory_space<hbm>>
        tpu.enqueue_dma source(%dma_start3A_167 : memref<128x128xf32, #tpu.memory_space<hbm>>) target(%arg10 : memref<128x128xf32, #tpu.memory_space<vmem>>) target_semaphore(%arg15 : memref<!tpu.dma_semaphore, #tpu.memory_space<semaphore_mem>>)
        %dma_wait3A_168 = arith.constant 0 : i32
        %dma_wait3A_169 = tpu.memref_slice %arg4[%dma_wait3A_168] : memref<160000xi32, #tpu.memory_space<hbm>> -> memref<128xi32, #tpu.memory_space<hbm>>
        %dma_wait3A_170 = arith.constant 0 : i32
        %dma_wait3A_171 = tpu.memref_slice %arg4[%dma_wait3A_170] : memref<160000xi32, #tpu.memory_space<hbm>> -> memref<128xi32, #tpu.memory_space<hbm>>
        tpu.wait_dma2 semaphore(%arg14 : memref<!tpu.dma_semaphore, #tpu.memory_space<semaphore_mem>>) src(%dma_wait3A_171 : memref<128xi32, #tpu.memory_space<hbm>>) dst(%arg11 : memref<128xi32, #tpu.memory_space<vmem>>)
        %dma_wait3A_172 = arith.constant 0 : i32
        %dma_wait3A_173 = arith.constant 0 : i32
        %dma_wait3A_174 = tpu.memref_slice %arg2[%scan3A_104, %dma_wait3A_172, %dma_wait3A_173] : memref<3x81920x128xf32, #tpu.memory_space<hbm>> -> memref<1x81920x128xf32, #tpu.memory_space<hbm>>
        %dma_wait3A_175 = tpu.memref_squeeze %dma_wait3A_174 : memref<1x81920x128xf32, #tpu.memory_space<hbm>> -> memref<81920x128xf32, #tpu.memory_space<hbm>>
        %dma_wait3A_176 = arith.constant 0 : i32
        %dma_wait3A_177 = arith.constant 0 : i32
        %dma_wait3A_178 = tpu.memref_slice %dma_wait3A_175[%dma_wait3A_176, %dma_wait3A_177] : memref<81920x128xf32, #tpu.memory_space<hbm>> -> memref<128x128xf32, #tpu.memory_space<hbm>>
        %dma_wait3A_179 = arith.constant 0 : i32
        %dma_wait3A_180 = arith.constant 0 : i32
        %dma_wait3A_181 = tpu.memref_slice %arg2[%scan3A_104, %dma_wait3A_179, %dma_wait3A_180] : memref<3x81920x128xf32, #tpu.memory_space<hbm>> -> memref<1x81920x128xf32, #tpu.memory_space<hbm>>
        %dma_wait3A_182 = tpu.memref_squeeze %dma_wait3A_181 : memref<1x81920x128xf32, #tpu.memory_space<hbm>> -> memref<81920x128xf32, #tpu.memory_space<hbm>>
        %dma_wait3A_183 = arith.constant 0 : i32
        %dma_wait3A_184 = arith.constant 0 : i32
        %dma_wait3A_185 = tpu.memref_slice %dma_wait3A_182[%dma_wait3A_183, %dma_wait3A_184] : memref<81920x128xf32, #tpu.memory_space<hbm>> -> memref<128x128xf32, #tpu.memory_space<hbm>>
        tpu.wait_dma2 semaphore(%arg14 : memref<!tpu.dma_semaphore, #tpu.memory_space<semaphore_mem>>) src(%dma_wait3A_185 : memref<128x128xf32, #tpu.memory_space<hbm>>) dst(%arg9 : memref<128x128xf32, #tpu.memory_space<vmem>>)
        "tpu.region"() ({
          %run_scoped3A = tpu.sem_alloc : memref<!tpu.dma_semaphore, #tpu.memory_space<semaphore_mem>>
          %dma_start3A_231 = arith.constant 0 : i32
          %dma_start3A_232 = arith.constant 0 : i32
          %dma_start3A_233 = tpu.memref_slice %arg13[%dma_start3A_231, %dma_start3A_232] : memref<10000x128xf32, #tpu.memory_space<vmem_shared>> -> memref<10000x128xf32, #tpu.memory_space<vmem_shared>>
          tpu.enqueue_indirect_dma source(%arg9 : memref<128x128xf32, #tpu.memory_space<vmem>>) target(%dma_start3A_233 : memref<10000x128xf32, #tpu.memory_space<vmem_shared>>) offsets(%arg11 : memref<128xi32, #tpu.memory_space<vmem>>) semaphore(%run_scoped3A : memref<!tpu.dma_semaphore, #tpu.memory_space<semaphore_mem>>) {add = true}
          %dma_wait3A_234 = arith.constant 0 : i32
          %dma_wait3A_235 = arith.constant 0 : i32
          %dma_wait3A_236 = tpu.memref_slice %arg13[%dma_wait3A_234, %dma_wait3A_235] : memref<10000x128xf32, #tpu.memory_space<vmem_shared>> -> memref<10000x128xf32, #tpu.memory_space<vmem_shared>>
          tpu.wait_indirect_dma semaphore(%run_scoped3A : memref<!tpu.dma_semaphore, #tpu.memory_space<semaphore_mem>>) src(%arg9 : memref<128x128xf32, #tpu.memory_space<vmem>>) dst(%dma_wait3A_236 : memref<10000x128xf32, #tpu.memory_space<vmem_shared>>)
          tpu.yield
        }) : () -> ()
        %mul3A_186 = arith.constant 2 : i32
        %mul3A_187 = arith.muli %mul3A_186, %scan3A_140 : i32
        %add3A_188 = arith.constant 2 : i32
        %add3A_189 = arith.addi %mul3A_187, %add3A_188 : i32
        %mul3A_190 = arith.constant 128 : i32
        %mul3A_191 = arith.muli %add3A_189, %mul3A_190 : i32
        %add3A_192 = arith.addi %mul3A_79, %mul3A_191 : i32
        %min3A_193 = arith.constant 81792 : i32
        %min3A_194 = arith.minsi %add3A_192, %min3A_193 : i32
        %add3A_195 = arith.constant 0 : i32
        %add3A_196 = arith.addi %add3A_195, %min3A_194 : i32
        %min3A_197 = arith.constant 159872 : i32
        %min3A_198 = arith.minsi %add3A_196, %min3A_197 : i32
        %dma_start3A_199 = tpu.memref_slice %arg4[%min3A_198] : memref<160000xi32, #tpu.memory_space<hbm>> -> memref<128xi32, #tpu.memory_space<hbm>>
        %dma_start3A_200 = tpu.memref_slice %arg4[%min3A_198] : memref<160000xi32, #tpu.memory_space<hbm>> -> memref<128xi32, #tpu.memory_space<hbm>>
        tpu.enqueue_dma source(%dma_start3A_200 : memref<128xi32, #tpu.memory_space<hbm>>) target(%arg11 : memref<128xi32, #tpu.memory_space<vmem>>) target_semaphore(%arg14 : memref<!tpu.dma_semaphore, #tpu.memory_space<semaphore_mem>>)
        %dma_start3A_201 = arith.constant 0 : i32
        %dma_start3A_202 = arith.constant 0 : i32
        %dma_start3A_203 = tpu.memref_slice %arg2[%scan3A_104, %dma_start3A_201, %dma_start3A_202] : memref<3x81920x128xf32, #tpu.memory_space<hbm>> -> memref<1x81920x128xf32, #tpu.memory_space<hbm>>
        %dma_start3A_204 = tpu.memref_squeeze %dma_start3A_203 : memref<1x81920x128xf32, #tpu.memory_space<hbm>> -> memref<81920x128xf32, #tpu.memory_space<hbm>>
        %dma_start3A_205 = arith.constant 0 : i32
        %dma_start3A_206 = tpu.memref_slice %dma_start3A_204[%min3A_194, %dma_start3A_205] : memref<81920x128xf32, #tpu.memory_space<hbm>> -> memref<128x128xf32, #tpu.memory_space<hbm>>
        %dma_start3A_207 = arith.constant 0 : i32
        %dma_start3A_208 = arith.constant 0 : i32
        %dma_start3A_209 = tpu.memref_slice %arg2[%scan3A_104, %dma_start3A_207, %dma_start3A_208] : memref<3x81920x128xf32, #tpu.memory_space<hbm>> -> memref<1x81920x128xf32, #tpu.memory_space<hbm>>
        %dma_start3A_210 = tpu.memref_squeeze %dma_start3A_209 : memref<1x81920x128xf32, #tpu.memory_space<hbm>> -> memref<81920x128xf32, #tpu.memory_space<hbm>>
        %dma_start3A_211 = arith.constant 0 : i32
        %dma_start3A_212 = tpu.memref_slice %dma_start3A_210[%min3A_194, %dma_start3A_211] : memref<81920x128xf32, #tpu.memory_space<hbm>> -> memref<128x128xf32, #tpu.memory_space<hbm>>
        tpu.enqueue_dma source(%dma_start3A_212 : memref<128x128xf32, #tpu.memory_space<hbm>>) target(%arg9 : memref<128x128xf32, #tpu.memory_space<vmem>>) target_semaphore(%arg14 : memref<!tpu.dma_semaphore, #tpu.memory_space<semaphore_mem>>)
        %dma_wait3A_213 = arith.constant 0 : i32
        %dma_wait3A_214 = tpu.memref_slice %arg4[%dma_wait3A_213] : memref<160000xi32, #tpu.memory_space<hbm>> -> memref<128xi32, #tpu.memory_space<hbm>>
        %dma_wait3A_215 = arith.constant 0 : i32
        %dma_wait3A_216 = tpu.memref_slice %arg4[%dma_wait3A_215] : memref<160000xi32, #tpu.memory_space<hbm>> -> memref<128xi32, #tpu.memory_space<hbm>>
        tpu.wait_dma2 semaphore(%arg15 : memref<!tpu.dma_semaphore, #tpu.memory_space<semaphore_mem>>) src(%dma_wait3A_216 : memref<128xi32, #tpu.memory_space<hbm>>) dst(%arg12 : memref<128xi32, #tpu.memory_space<vmem>>)
        %dma_wait3A_217 = arith.constant 0 : i32
        %dma_wait3A_218 = arith.constant 0 : i32
        %dma_wait3A_219 = tpu.memref_slice %arg2[%scan3A_104, %dma_wait3A_217, %dma_wait3A_218] : memref<3x81920x128xf32, #tpu.memory_space<hbm>> -> memref<1x81920x128xf32, #tpu.memory_space<hbm>>
        %dma_wait3A_220 = tpu.memref_squeeze %dma_wait3A_219 : memref<1x81920x128xf32, #tpu.memory_space<hbm>> -> memref<81920x128xf32, #tpu.memory_space<hbm>>
        %dma_wait3A_221 = arith.constant 0 : i32
        %dma_wait3A_222 = arith.constant 0 : i32
        %dma_wait3A_223 = tpu.memref_slice %dma_wait3A_220[%dma_wait3A_221, %dma_wait3A_222] : memref<81920x128xf32, #tpu.memory_space<hbm>> -> memref<128x128xf32, #tpu.memory_space<hbm>>
        %dma_wait3A_224 = arith.constant 0 : i32
        %dma_wait3A_225 = arith.constant 0 : i32
        %dma_wait3A_226 = tpu.memref_slice %arg2[%scan3A_104, %dma_wait3A_224, %dma_wait3A_225] : memref<3x81920x128xf32, #tpu.memory_space<hbm>> -> memref<1x81920x128xf32, #tpu.memory_space<hbm>>
        %dma_wait3A_227 = tpu.memref_squeeze %dma_wait3A_226 : memref<1x81920x128xf32, #tpu.memory_space<hbm>> -> memref<81920x128xf32, #tpu.memory_space<hbm>>
        %dma_wait3A_228 = arith.constant 0 : i32
        %dma_wait3A_229 = arith.constant 0 : i32
        %dma_wait3A_230 = tpu.memref_slice %dma_wait3A_227[%dma_wait3A_228, %dma_wait3A_229] : memref<81920x128xf32, #tpu.memory_space<hbm>> -> memref<128x128xf32, #tpu.memory_space<hbm>>
        tpu.wait_dma2 semaphore(%arg15 : memref<!tpu.dma_semaphore, #tpu.memory_space<semaphore_mem>>) src(%dma_wait3A_230 : memref<128x128xf32, #tpu.memory_space<hbm>>) dst(%arg10 : memref<128x128xf32, #tpu.memory_space<vmem>>)
        "tpu.region"() ({
          %run_scoped3A = tpu.sem_alloc : memref<!tpu.dma_semaphore, #tpu.memory_space<semaphore_mem>>
          %dma_start3A_231 = arith.constant 0 : i32
          %dma_start3A_232 = arith.constant 0 : i32
          %dma_start3A_233 = tpu.memref_slice %arg13[%dma_start3A_231, %dma_start3A_232] : memref<10000x128xf32, #tpu.memory_space<vmem_shared>> -> memref<10000x128xf32, #tpu.memory_space<vmem_shared>>
          tpu.enqueue_indirect_dma source(%arg10 : memref<128x128xf32, #tpu.memory_space<vmem>>) target(%dma_start3A_233 : memref<10000x128xf32, #tpu.memory_space<vmem_shared>>) offsets(%arg12 : memref<128xi32, #tpu.memory_space<vmem>>) semaphore(%run_scoped3A : memref<!tpu.dma_semaphore, #tpu.memory_space<semaphore_mem>>) {add = true}
          %dma_wait3A_234 = arith.constant 0 : i32
          %dma_wait3A_235 = arith.constant 0 : i32
          %dma_wait3A_236 = tpu.memref_slice %arg13[%dma_wait3A_234, %dma_wait3A_235] : memref<10000x128xf32, #tpu.memory_space<vmem_shared>> -> memref<10000x128xf32, #tpu.memory_space<vmem_shared>>
          tpu.wait_indirect_dma semaphore(%run_scoped3A : memref<!tpu.dma_semaphore, #tpu.memory_space<semaphore_mem>>) src(%arg10 : memref<128x128xf32, #tpu.memory_space<vmem>>) dst(%dma_wait3A_236 : memref<10000x128xf32, #tpu.memory_space<vmem_shared>>)
          tpu.yield
        }) : () -> ()
      }
      %scan3A_109 = arith.constant 20 : i32
      %dma_wait3A_110 = arith.constant 0 : i32
      %dma_wait3A_111 = tpu.memref_slice %arg4[%dma_wait3A_110] : memref<160000xi32, #tpu.memory_space<hbm>> -> memref<128xi32, #tpu.memory_space<hbm>>
      %dma_wait3A_112 = arith.constant 0 : i32
      %dma_wait3A_113 = tpu.memref_slice %arg4[%dma_wait3A_112] : memref<160000xi32, #tpu.memory_space<hbm>> -> memref<128xi32, #tpu.memory_space<hbm>>
      tpu.wait_dma2 semaphore(%arg14 : memref<!tpu.dma_semaphore, #tpu.memory_space<semaphore_mem>>) src(%dma_wait3A_113 : memref<128xi32, #tpu.memory_space<hbm>>) dst(%arg11 : memref<128xi32, #tpu.memory_space<vmem>>)
      %dma_wait3A_114 = arith.constant 1 : i32
      %dma_wait3A_115 = arith.constant 0 : i32
      %dma_wait3A_116 = arith.constant 0 : i32
      %dma_wait3A_117 = tpu.memref_slice %arg2[%dma_wait3A_114, %dma_wait3A_115, %dma_wait3A_116] : memref<3x81920x128xf32, #tpu.memory_space<hbm>> -> memref<1x81920x128xf32, #tpu.memory_space<hbm>>
      %dma_wait3A_118 = tpu.memref_squeeze %dma_wait3A_117 : memref<1x81920x128xf32, #tpu.memory_space<hbm>> -> memref<81920x128xf32, #tpu.memory_space<hbm>>
      %dma_wait3A_119 = arith.constant 0 : i32
      %dma_wait3A_120 = arith.constant 0 : i32
      %dma_wait3A_121 = tpu.memref_slice %dma_wait3A_118[%dma_wait3A_119, %dma_wait3A_120] : memref<81920x128xf32, #tpu.memory_space<hbm>> -> memref<128x128xf32, #tpu.memory_space<hbm>>
      %dma_wait3A_122 = arith.constant 0 : i32
      %dma_wait3A_123 = arith.constant 0 : i32
      %dma_wait3A_124 = tpu.memref_slice %arg2[%dma_wait3A_114, %dma_wait3A_122, %dma_wait3A_123] : memref<3x81920x128xf32, #tpu.memory_space<hbm>> -> memref<1x81920x128xf32, #tpu.memory_space<hbm>>
      %dma_wait3A_125 = tpu.memref_squeeze %dma_wait3A_124 : memref<1x81920x128xf32, #tpu.memory_space<hbm>> -> memref<81920x128xf32, #tpu.memory_space<hbm>>
      %dma_wait3A_126 = arith.constant 0 : i32
      %dma_wait3A_127 = arith.constant 0 : i32
      %dma_wait3A_128 = tpu.memref_slice %dma_wait3A_125[%dma_wait3A_126, %dma_wait3A_127] : memref<81920x128xf32, #tpu.memory_space<hbm>> -> memref<128x128xf32, #tpu.memory_space<hbm>>
      tpu.wait_dma2 semaphore(%arg14 : memref<!tpu.dma_semaphore, #tpu.memory_space<semaphore_mem>>) src(%dma_wait3A_128 : memref<128x128xf32, #tpu.memory_space<hbm>>) dst(%arg9 : memref<128x128xf32, #tpu.memory_space<vmem>>)
      %barrier3A_129 = arith.constant 0 : index
      tpu.barrier barrier_id(%barrier3A_129)
      %mul3A_130 = arith.constant 624 : i32
      %mul3A_131 = arith.muli %arg1, %mul3A_130 : i32
      %mul3A_132 = arith.constant 624 : i32
      %mul3A_133 = arith.muli %arg1, %mul3A_132 : i32
      "tpu.region"() ({
        %run_scoped3A = tpu.sem_alloc : memref<!tpu.dma_semaphore, #tpu.memory_space<semaphore_mem>>
        %dma_start3A_140 = arith.constant 128 : i32
        %dma_start3A_141 = tpu.memref_slice %arg7[%mul3A_133, %dma_start3A_140] : memref<10000x384xf32, #tpu.memory_space<hbm>> -> memref<624x128xf32, #tpu.memory_space<hbm>>
        %dma_start3A_142 = arith.constant 0 : i32
        %dma_start3A_143 = tpu.memref_slice %arg13[%mul3A_131, %dma_start3A_142] : memref<10000x128xf32, #tpu.memory_space<vmem_shared>> -> memref<624x128xf32, #tpu.memory_space<vmem_shared>>
        tpu.enqueue_dma source(%dma_start3A_143 : memref<624x128xf32, #tpu.memory_space<vmem_shared>>) target(%dma_start3A_141 : memref<624x128xf32, #tpu.memory_space<hbm>>) target_semaphore(%run_scoped3A : memref<!tpu.dma_semaphore, #tpu.memory_space<semaphore_mem>>)
        %dma_wait3A_144 = arith.constant 128 : i32
        %dma_wait3A_145 = tpu.memref_slice %arg7[%mul3A_133, %dma_wait3A_144] : memref<10000x384xf32, #tpu.memory_space<hbm>> -> memref<624x128xf32, #tpu.memory_space<hbm>>
        %dma_wait3A_146 = arith.constant 0 : i32
        %dma_wait3A_147 = tpu.memref_slice %arg13[%mul3A_131, %dma_wait3A_146] : memref<10000x128xf32, #tpu.memory_space<vmem_shared>> -> memref<624x128xf32, #tpu.memory_space<vmem_shared>>
        tpu.wait_dma2 semaphore(%run_scoped3A : memref<!tpu.dma_semaphore, #tpu.memory_space<semaphore_mem>>) src(%dma_wait3A_147 : memref<624x128xf32, #tpu.memory_space<vmem_shared>>) dst(%dma_wait3A_145 : memref<624x128xf32, #tpu.memory_space<hbm>>)
        tpu.yield
      }) : () -> ()
      %eq3A_134 = arith.constant 15 : i32
      %eq3A_135 = arith.cmpi eq, %arg1, %eq3A_134 : i32
      %convert_element_type3A_136 = arith.extui %eq3A_135 : i1 to i32
      %cond3A_137 = arith.constant 0 : i32
      %cond3A_138 = arith.cmpi ne, %convert_element_type3A_136, %cond3A_137 : i32
      scf.if %cond3A_138 {
        "tpu.region"() ({
          %run_scoped3A = tpu.sem_alloc : memref<!tpu.dma_semaphore, #tpu.memory_space<semaphore_mem>>
          %dma_start3A_140 = arith.constant 9984 : i32
          %dma_start3A_141 = arith.constant 128 : i32
          %dma_start3A_142 = tpu.memref_slice %arg7[%dma_start3A_140, %dma_start3A_141] : memref<10000x384xf32, #tpu.memory_space<hbm>> -> memref<16x128xf32, #tpu.memory_space<hbm>>
          %dma_start3A_143 = arith.constant 9984 : i32
          %dma_start3A_144 = arith.constant 0 : i32
          %dma_start3A_145 = tpu.memref_slice %arg13[%dma_start3A_143, %dma_start3A_144] : memref<10000x128xf32, #tpu.memory_space<vmem_shared>> -> memref<16x128xf32, #tpu.memory_space<vmem_shared>>
          tpu.enqueue_dma source(%dma_start3A_145 : memref<16x128xf32, #tpu.memory_space<vmem_shared>>) target(%dma_start3A_142 : memref<16x128xf32, #tpu.memory_space<hbm>>) target_semaphore(%run_scoped3A : memref<!tpu.dma_semaphore, #tpu.memory_space<semaphore_mem>>)
          %dma_wait3A_146 = arith.constant 9984 : i32
          %dma_wait3A_147 = arith.constant 128 : i32
          %dma_wait3A_148 = tpu.memref_slice %arg7[%dma_wait3A_146, %dma_wait3A_147] : memref<10000x384xf32, #tpu.memory_space<hbm>> -> memref<16x128xf32, #tpu.memory_space<hbm>>
          %dma_wait3A_149 = arith.constant 9984 : i32
          %dma_wait3A_150 = arith.constant 0 : i32
          %dma_wait3A_151 = tpu.memref_slice %arg13[%dma_wait3A_149, %dma_wait3A_150] : memref<10000x128xf32, #tpu.memory_space<vmem_shared>> -> memref<16x128xf32, #tpu.memory_space<vmem_shared>>
          tpu.wait_dma2 semaphore(%run_scoped3A : memref<!tpu.dma_semaphore, #tpu.memory_space<semaphore_mem>>) src(%dma_wait3A_151 : memref<16x128xf32, #tpu.memory_space<vmem_shared>>) dst(%dma_wait3A_148 : memref<16x128xf32, #tpu.memory_space<hbm>>)
          tpu.yield
        }) : () -> ()
      } else {
      }
      %barrier3A_139 = arith.constant 0 : index
      tpu.barrier barrier_id(%barrier3A_139)
    } else {
    }
    %eq3A_2 = arith.constant 1 : i32
    %eq3A_3 = arith.cmpi eq, %arg0, %eq3A_2 : i32
    %convert_element_type3A_4 = arith.extui %eq3A_3 : i1 to i32
    %cond3A_5 = arith.constant 0 : i32
    %cond3A_6 = arith.cmpi ne, %convert_element_type3A_4, %cond3A_5 : i32
    scf.if %cond3A_6 {
      %mul3A = arith.constant 624 : i32
      %mul3A_7 = arith.muli %arg1, %mul3A : i32
      "tpu.region"() ({
        %run_scoped3A = tpu.sem_alloc : memref<!tpu.dma_semaphore, #tpu.memory_space<semaphore_mem>>
        %dma_start3A_121 = arith.constant 0 : i32
        %dma_start3A_122 = tpu.memref_slice %arg13[%mul3A_7, %dma_start3A_121] : memref<10000x128xf32, #tpu.memory_space<vmem_shared>> -> memref<624x128xf32, #tpu.memory_space<vmem_shared>>
        tpu.enqueue_dma source(%arg5 : memref<624x128xf32, #tpu.memory_space<hbm>>) target(%dma_start3A_122 : memref<624x128xf32, #tpu.memory_space<vmem_shared>>) target_semaphore(%run_scoped3A : memref<!tpu.dma_semaphore, #tpu.memory_space<semaphore_mem>>)
        %dma_wait3A_123 = arith.constant 0 : i32
        %dma_wait3A_124 = tpu.memref_slice %arg13[%mul3A_7, %dma_wait3A_123] : memref<10000x128xf32, #tpu.memory_space<vmem_shared>> -> memref<624x128xf32, #tpu.memory_space<vmem_shared>>
        tpu.wait_dma2 semaphore(%run_scoped3A : memref<!tpu.dma_semaphore, #tpu.memory_space<semaphore_mem>>) src(%arg5 : memref<624x128xf32, #tpu.memory_space<hbm>>) dst(%dma_wait3A_124 : memref<624x128xf32, #tpu.memory_space<vmem_shared>>)
        tpu.yield
      }) : () -> ()
      %eq3A_8 = arith.constant 15 : i32
      %eq3A_9 = arith.cmpi eq, %arg1, %eq3A_8 : i32
      %convert_element_type3A_10 = arith.extui %eq3A_9 : i1 to i32
      %cond3A_11 = arith.constant 0 : i32
      %cond3A_12 = arith.cmpi ne, %convert_element_type3A_10, %cond3A_11 : i32
      scf.if %cond3A_12 {
        "tpu.region"() ({
          %run_scoped3A = tpu.sem_alloc : memref<!tpu.dma_semaphore, #tpu.memory_space<semaphore_mem>>
          %dma_start3A_121 = arith.constant 9984 : i32
          %dma_start3A_122 = arith.constant 0 : i32
          %dma_start3A_123 = tpu.memref_slice %arg13[%dma_start3A_121, %dma_start3A_122] : memref<10000x128xf32, #tpu.memory_space<vmem_shared>> -> memref<16x128xf32, #tpu.memory_space<vmem_shared>>
          %dma_start3A_124 = arith.constant 0 : i32
          %dma_start3A_125 = arith.constant 0 : i32
          %dma_start3A_126 = tpu.memref_slice %arg5[%dma_start3A_124, %dma_start3A_125] : memref<624x128xf32, #tpu.memory_space<hbm>> -> memref<16x128xf32, #tpu.memory_space<hbm>>
          tpu.enqueue_dma source(%dma_start3A_126 : memref<16x128xf32, #tpu.memory_space<hbm>>) target(%dma_start3A_123 : memref<16x128xf32, #tpu.memory_space<vmem_shared>>) target_semaphore(%run_scoped3A : memref<!tpu.dma_semaphore, #tpu.memory_space<semaphore_mem>>)
          %dma_wait3A_127 = arith.constant 9984 : i32
          %dma_wait3A_128 = arith.constant 0 : i32
          %dma_wait3A_129 = tpu.memref_slice %arg13[%dma_wait3A_127, %dma_wait3A_128] : memref<10000x128xf32, #tpu.memory_space<vmem_shared>> -> memref<16x128xf32, #tpu.memory_space<vmem_shared>>
          %dma_wait3A_130 = arith.constant 0 : i32
          %dma_wait3A_131 = arith.constant 0 : i32
          %dma_wait3A_132 = tpu.memref_slice %arg5[%dma_wait3A_130, %dma_wait3A_131] : memref<624x128xf32, #tpu.memory_space<hbm>> -> memref<16x128xf32, #tpu.memory_space<hbm>>
          tpu.wait_dma2 semaphore(%run_scoped3A : memref<!tpu.dma_semaphore, #tpu.memory_space<semaphore_mem>>) src(%dma_wait3A_132 : memref<16x128xf32, #tpu.memory_space<hbm>>) dst(%dma_wait3A_129 : memref<16x128xf32, #tpu.memory_space<vmem_shared>>)
          tpu.yield
        }) : () -> ()
      } else {
      }
      %barrier3A = arith.constant 0 : index
      tpu.barrier barrier_id(%barrier3A)
      %mul3A_13 = arith.constant 5120 : i32
      %mul3A_14 = arith.muli %arg1, %mul3A_13 : i32
      %add3A = arith.constant 0 : i32
      %add3A_15 = arith.addi %mul3A_14, %add3A : i32
      %min3A = arith.constant 81792 : i32
      %min3A_16 = arith.minsi %add3A_15, %min3A : i32
      %add3A_17 = arith.constant 0 : i32
      %add3A_18 = arith.addi %add3A_17, %min3A_16 : i32
      %min3A_19 = arith.constant 159872 : i32
      %min3A_20 = arith.minsi %add3A_18, %min3A_19 : i32
      %dma_start3A = tpu.memref_slice %arg4[%min3A_20] : memref<160000xi32, #tpu.memory_space<hbm>> -> memref<128xi32, #tpu.memory_space<hbm>>
      %dma_start3A_21 = tpu.memref_slice %arg4[%min3A_20] : memref<160000xi32, #tpu.memory_space<hbm>> -> memref<128xi32, #tpu.memory_space<hbm>>
      tpu.enqueue_dma source(%dma_start3A_21 : memref<128xi32, #tpu.memory_space<hbm>>) target(%arg11 : memref<128xi32, #tpu.memory_space<vmem>>) target_semaphore(%arg14 : memref<!tpu.dma_semaphore, #tpu.memory_space<semaphore_mem>>)
      %dma_start3A_22 = arith.constant 2 : i32
      %dma_start3A_23 = arith.constant 0 : i32
      %dma_start3A_24 = arith.constant 0 : i32
      %dma_start3A_25 = tpu.memref_slice %arg2[%dma_start3A_22, %dma_start3A_23, %dma_start3A_24] : memref<3x81920x128xf32, #tpu.memory_space<hbm>> -> memref<1x81920x128xf32, #tpu.memory_space<hbm>>
      %dma_start3A_26 = tpu.memref_squeeze %dma_start3A_25 : memref<1x81920x128xf32, #tpu.memory_space<hbm>> -> memref<81920x128xf32, #tpu.memory_space<hbm>>
      %dma_start3A_27 = arith.constant 0 : i32
      %dma_start3A_28 = tpu.memref_slice %dma_start3A_26[%min3A_16, %dma_start3A_27] : memref<81920x128xf32, #tpu.memory_space<hbm>> -> memref<128x128xf32, #tpu.memory_space<hbm>>
      %dma_start3A_29 = arith.constant 0 : i32
      %dma_start3A_30 = arith.constant 0 : i32
      %dma_start3A_31 = tpu.memref_slice %arg2[%dma_start3A_22, %dma_start3A_29, %dma_start3A_30] : memref<3x81920x128xf32, #tpu.memory_space<hbm>> -> memref<1x81920x128xf32, #tpu.memory_space<hbm>>
      %dma_start3A_32 = tpu.memref_squeeze %dma_start3A_31 : memref<1x81920x128xf32, #tpu.memory_space<hbm>> -> memref<81920x128xf32, #tpu.memory_space<hbm>>
      %dma_start3A_33 = arith.constant 0 : i32
      %dma_start3A_34 = tpu.memref_slice %dma_start3A_32[%min3A_16, %dma_start3A_33] : memref<81920x128xf32, #tpu.memory_space<hbm>> -> memref<128x128xf32, #tpu.memory_space<hbm>>
      tpu.enqueue_dma source(%dma_start3A_34 : memref<128x128xf32, #tpu.memory_space<hbm>>) target(%arg9 : memref<128x128xf32, #tpu.memory_space<vmem>>) target_semaphore(%arg14 : memref<!tpu.dma_semaphore, #tpu.memory_space<semaphore_mem>>)
      %scan3A = arith.constant 0 : i32
      %scan3A_35 = arith.constant 2 : i32
      %scan3A_36 = arith.constant 0 : i32
      %scan3A_37 = arith.constant 20 : i32
      %scan3A_38 = arith.addi %scan3A_36, %scan3A_37 : i32
      %scan3A_39 = arith.constant 1 : i32
      scf.for %scan3A_121 = %scan3A_36 to %scan3A_38 step %scan3A_39  : i32 {
        %mul3A_122 = arith.constant 2 : i32
        %mul3A_123 = arith.muli %mul3A_122, %scan3A_121 : i32
        %add3A_124 = arith.constant 1 : i32
        %add3A_125 = arith.addi %mul3A_123, %add3A_124 : i32
        %mul3A_126 = arith.constant 128 : i32
        %mul3A_127 = arith.muli %add3A_125, %mul3A_126 : i32
        %add3A_128 = arith.addi %mul3A_14, %mul3A_127 : i32
        %min3A_129 = arith.constant 81792 : i32
        %min3A_130 = arith.minsi %add3A_128, %min3A_129 : i32
        %add3A_131 = arith.constant 0 : i32
        %add3A_132 = arith.addi %add3A_131, %min3A_130 : i32
        %min3A_133 = arith.constant 159872 : i32
        %min3A_134 = arith.minsi %add3A_132, %min3A_133 : i32
        %dma_start3A_135 = tpu.memref_slice %arg4[%min3A_134] : memref<160000xi32, #tpu.memory_space<hbm>> -> memref<128xi32, #tpu.memory_space<hbm>>
        %dma_start3A_136 = tpu.memref_slice %arg4[%min3A_134] : memref<160000xi32, #tpu.memory_space<hbm>> -> memref<128xi32, #tpu.memory_space<hbm>>
        tpu.enqueue_dma source(%dma_start3A_136 : memref<128xi32, #tpu.memory_space<hbm>>) target(%arg12 : memref<128xi32, #tpu.memory_space<vmem>>) target_semaphore(%arg15 : memref<!tpu.dma_semaphore, #tpu.memory_space<semaphore_mem>>)
        %dma_start3A_137 = arith.constant 0 : i32
        %dma_start3A_138 = arith.constant 0 : i32
        %dma_start3A_139 = tpu.memref_slice %arg2[%scan3A_35, %dma_start3A_137, %dma_start3A_138] : memref<3x81920x128xf32, #tpu.memory_space<hbm>> -> memref<1x81920x128xf32, #tpu.memory_space<hbm>>
        %dma_start3A_140 = tpu.memref_squeeze %dma_start3A_139 : memref<1x81920x128xf32, #tpu.memory_space<hbm>> -> memref<81920x128xf32, #tpu.memory_space<hbm>>
        %dma_start3A_141 = arith.constant 0 : i32
        %dma_start3A_142 = tpu.memref_slice %dma_start3A_140[%min3A_130, %dma_start3A_141] : memref<81920x128xf32, #tpu.memory_space<hbm>> -> memref<128x128xf32, #tpu.memory_space<hbm>>
        %dma_start3A_143 = arith.constant 0 : i32
        %dma_start3A_144 = arith.constant 0 : i32
        %dma_start3A_145 = tpu.memref_slice %arg2[%scan3A_35, %dma_start3A_143, %dma_start3A_144] : memref<3x81920x128xf32, #tpu.memory_space<hbm>> -> memref<1x81920x128xf32, #tpu.memory_space<hbm>>
        %dma_start3A_146 = tpu.memref_squeeze %dma_start3A_145 : memref<1x81920x128xf32, #tpu.memory_space<hbm>> -> memref<81920x128xf32, #tpu.memory_space<hbm>>
        %dma_start3A_147 = arith.constant 0 : i32
        %dma_start3A_148 = tpu.memref_slice %dma_start3A_146[%min3A_130, %dma_start3A_147] : memref<81920x128xf32, #tpu.memory_space<hbm>> -> memref<128x128xf32, #tpu.memory_space<hbm>>
        tpu.enqueue_dma source(%dma_start3A_148 : memref<128x128xf32, #tpu.memory_space<hbm>>) target(%arg10 : memref<128x128xf32, #tpu.memory_space<vmem>>) target_semaphore(%arg15 : memref<!tpu.dma_semaphore, #tpu.memory_space<semaphore_mem>>)
        %dma_wait3A_149 = arith.constant 0 : i32
        %dma_wait3A_150 = tpu.memref_slice %arg4[%dma_wait3A_149] : memref<160000xi32, #tpu.memory_space<hbm>> -> memref<128xi32, #tpu.memory_space<hbm>>
        %dma_wait3A_151 = arith.constant 0 : i32
        %dma_wait3A_152 = tpu.memref_slice %arg4[%dma_wait3A_151] : memref<160000xi32, #tpu.memory_space<hbm>> -> memref<128xi32, #tpu.memory_space<hbm>>
        tpu.wait_dma2 semaphore(%arg14 : memref<!tpu.dma_semaphore, #tpu.memory_space<semaphore_mem>>) src(%dma_wait3A_152 : memref<128xi32, #tpu.memory_space<hbm>>) dst(%arg11 : memref<128xi32, #tpu.memory_space<vmem>>)
        %dma_wait3A_153 = arith.constant 0 : i32
        %dma_wait3A_154 = arith.constant 0 : i32
        %dma_wait3A_155 = tpu.memref_slice %arg2[%scan3A_35, %dma_wait3A_153, %dma_wait3A_154] : memref<3x81920x128xf32, #tpu.memory_space<hbm>> -> memref<1x81920x128xf32, #tpu.memory_space<hbm>>
        %dma_wait3A_156 = tpu.memref_squeeze %dma_wait3A_155 : memref<1x81920x128xf32, #tpu.memory_space<hbm>> -> memref<81920x128xf32, #tpu.memory_space<hbm>>
        %dma_wait3A_157 = arith.constant 0 : i32
        %dma_wait3A_158 = arith.constant 0 : i32
        %dma_wait3A_159 = tpu.memref_slice %dma_wait3A_156[%dma_wait3A_157, %dma_wait3A_158] : memref<81920x128xf32, #tpu.memory_space<hbm>> -> memref<128x128xf32, #tpu.memory_space<hbm>>
        %dma_wait3A_160 = arith.constant 0 : i32
        %dma_wait3A_161 = arith.constant 0 : i32
        %dma_wait3A_162 = tpu.memref_slice %arg2[%scan3A_35, %dma_wait3A_160, %dma_wait3A_161] : memref<3x81920x128xf32, #tpu.memory_space<hbm>> -> memref<1x81920x128xf32, #tpu.memory_space<hbm>>
        %dma_wait3A_163 = tpu.memref_squeeze %dma_wait3A_162 : memref<1x81920x128xf32, #tpu.memory_space<hbm>> -> memref<81920x128xf32, #tpu.memory_space<hbm>>
        %dma_wait3A_164 = arith.constant 0 : i32
        %dma_wait3A_165 = arith.constant 0 : i32
        %dma_wait3A_166 = tpu.memref_slice %dma_wait3A_163[%dma_wait3A_164, %dma_wait3A_165] : memref<81920x128xf32, #tpu.memory_space<hbm>> -> memref<128x128xf32, #tpu.memory_space<hbm>>
        tpu.wait_dma2 semaphore(%arg14 : memref<!tpu.dma_semaphore, #tpu.memory_space<semaphore_mem>>) src(%dma_wait3A_166 : memref<128x128xf32, #tpu.memory_space<hbm>>) dst(%arg9 : memref<128x128xf32, #tpu.memory_space<vmem>>)
        "tpu.region"() ({
          %run_scoped3A = tpu.sem_alloc : memref<!tpu.dma_semaphore, #tpu.memory_space<semaphore_mem>>
          %dma_start3A_212 = arith.constant 0 : i32
          %dma_start3A_213 = arith.constant 0 : i32
          %dma_start3A_214 = tpu.memref_slice %arg13[%dma_start3A_212, %dma_start3A_213] : memref<10000x128xf32, #tpu.memory_space<vmem_shared>> -> memref<10000x128xf32, #tpu.memory_space<vmem_shared>>
          tpu.enqueue_indirect_dma source(%arg9 : memref<128x128xf32, #tpu.memory_space<vmem>>) target(%dma_start3A_214 : memref<10000x128xf32, #tpu.memory_space<vmem_shared>>) offsets(%arg11 : memref<128xi32, #tpu.memory_space<vmem>>) semaphore(%run_scoped3A : memref<!tpu.dma_semaphore, #tpu.memory_space<semaphore_mem>>) {add = true}
          %dma_wait3A_215 = arith.constant 0 : i32
          %dma_wait3A_216 = arith.constant 0 : i32
          %dma_wait3A_217 = tpu.memref_slice %arg13[%dma_wait3A_215, %dma_wait3A_216] : memref<10000x128xf32, #tpu.memory_space<vmem_shared>> -> memref<10000x128xf32, #tpu.memory_space<vmem_shared>>
          tpu.wait_indirect_dma semaphore(%run_scoped3A : memref<!tpu.dma_semaphore, #tpu.memory_space<semaphore_mem>>) src(%arg9 : memref<128x128xf32, #tpu.memory_space<vmem>>) dst(%dma_wait3A_217 : memref<10000x128xf32, #tpu.memory_space<vmem_shared>>)
          tpu.yield
        }) : () -> ()
        %mul3A_167 = arith.constant 2 : i32
        %mul3A_168 = arith.muli %mul3A_167, %scan3A_121 : i32
        %add3A_169 = arith.constant 2 : i32
        %add3A_170 = arith.addi %mul3A_168, %add3A_169 : i32
        %mul3A_171 = arith.constant 128 : i32
        %mul3A_172 = arith.muli %add3A_170, %mul3A_171 : i32
        %add3A_173 = arith.addi %mul3A_14, %mul3A_172 : i32
        %min3A_174 = arith.constant 81792 : i32
        %min3A_175 = arith.minsi %add3A_173, %min3A_174 : i32
        %add3A_176 = arith.constant 0 : i32
        %add3A_177 = arith.addi %add3A_176, %min3A_175 : i32
        %min3A_178 = arith.constant 159872 : i32
        %min3A_179 = arith.minsi %add3A_177, %min3A_178 : i32
        %dma_start3A_180 = tpu.memref_slice %arg4[%min3A_179] : memref<160000xi32, #tpu.memory_space<hbm>> -> memref<128xi32, #tpu.memory_space<hbm>>
        %dma_start3A_181 = tpu.memref_slice %arg4[%min3A_179] : memref<160000xi32, #tpu.memory_space<hbm>> -> memref<128xi32, #tpu.memory_space<hbm>>
        tpu.enqueue_dma source(%dma_start3A_181 : memref<128xi32, #tpu.memory_space<hbm>>) target(%arg11 : memref<128xi32, #tpu.memory_space<vmem>>) target_semaphore(%arg14 : memref<!tpu.dma_semaphore, #tpu.memory_space<semaphore_mem>>)
        %dma_start3A_182 = arith.constant 0 : i32
        %dma_start3A_183 = arith.constant 0 : i32
        %dma_start3A_184 = tpu.memref_slice %arg2[%scan3A_35, %dma_start3A_182, %dma_start3A_183] : memref<3x81920x128xf32, #tpu.memory_space<hbm>> -> memref<1x81920x128xf32, #tpu.memory_space<hbm>>
        %dma_start3A_185 = tpu.memref_squeeze %dma_start3A_184 : memref<1x81920x128xf32, #tpu.memory_space<hbm>> -> memref<81920x128xf32, #tpu.memory_space<hbm>>
        %dma_start3A_186 = arith.constant 0 : i32
        %dma_start3A_187 = tpu.memref_slice %dma_start3A_185[%min3A_175, %dma_start3A_186] : memref<81920x128xf32, #tpu.memory_space<hbm>> -> memref<128x128xf32, #tpu.memory_space<hbm>>
        %dma_start3A_188 = arith.constant 0 : i32
        %dma_start3A_189 = arith.constant 0 : i32
        %dma_start3A_190 = tpu.memref_slice %arg2[%scan3A_35, %dma_start3A_188, %dma_start3A_189] : memref<3x81920x128xf32, #tpu.memory_space<hbm>> -> memref<1x81920x128xf32, #tpu.memory_space<hbm>>
        %dma_start3A_191 = tpu.memref_squeeze %dma_start3A_190 : memref<1x81920x128xf32, #tpu.memory_space<hbm>> -> memref<81920x128xf32, #tpu.memory_space<hbm>>
        %dma_start3A_192 = arith.constant 0 : i32
        %dma_start3A_193 = tpu.memref_slice %dma_start3A_191[%min3A_175, %dma_start3A_192] : memref<81920x128xf32, #tpu.memory_space<hbm>> -> memref<128x128xf32, #tpu.memory_space<hbm>>
        tpu.enqueue_dma source(%dma_start3A_193 : memref<128x128xf32, #tpu.memory_space<hbm>>) target(%arg9 : memref<128x128xf32, #tpu.memory_space<vmem>>) target_semaphore(%arg14 : memref<!tpu.dma_semaphore, #tpu.memory_space<semaphore_mem>>)
        %dma_wait3A_194 = arith.constant 0 : i32
        %dma_wait3A_195 = tpu.memref_slice %arg4[%dma_wait3A_194] : memref<160000xi32, #tpu.memory_space<hbm>> -> memref<128xi32, #tpu.memory_space<hbm>>
        %dma_wait3A_196 = arith.constant 0 : i32
        %dma_wait3A_197 = tpu.memref_slice %arg4[%dma_wait3A_196] : memref<160000xi32, #tpu.memory_space<hbm>> -> memref<128xi32, #tpu.memory_space<hbm>>
        tpu.wait_dma2 semaphore(%arg15 : memref<!tpu.dma_semaphore, #tpu.memory_space<semaphore_mem>>) src(%dma_wait3A_197 : memref<128xi32, #tpu.memory_space<hbm>>) dst(%arg12 : memref<128xi32, #tpu.memory_space<vmem>>)
        %dma_wait3A_198 = arith.constant 0 : i32
        %dma_wait3A_199 = arith.constant 0 : i32
        %dma_wait3A_200 = tpu.memref_slice %arg2[%scan3A_35, %dma_wait3A_198, %dma_wait3A_199] : memref<3x81920x128xf32, #tpu.memory_space<hbm>> -> memref<1x81920x128xf32, #tpu.memory_space<hbm>>
        %dma_wait3A_201 = tpu.memref_squeeze %dma_wait3A_200 : memref<1x81920x128xf32, #tpu.memory_space<hbm>> -> memref<81920x128xf32, #tpu.memory_space<hbm>>
        %dma_wait3A_202 = arith.constant 0 : i32
        %dma_wait3A_203 = arith.constant 0 : i32
        %dma_wait3A_204 = tpu.memref_slice %dma_wait3A_201[%dma_wait3A_202, %dma_wait3A_203] : memref<81920x128xf32, #tpu.memory_space<hbm>> -> memref<128x128xf32, #tpu.memory_space<hbm>>
        %dma_wait3A_205 = arith.constant 0 : i32
        %dma_wait3A_206 = arith.constant 0 : i32
        %dma_wait3A_207 = tpu.memref_slice %arg2[%scan3A_35, %dma_wait3A_205, %dma_wait3A_206] : memref<3x81920x128xf32, #tpu.memory_space<hbm>> -> memref<1x81920x128xf32, #tpu.memory_space<hbm>>
        %dma_wait3A_208 = tpu.memref_squeeze %dma_wait3A_207 : memref<1x81920x128xf32, #tpu.memory_space<hbm>> -> memref<81920x128xf32, #tpu.memory_space<hbm>>
        %dma_wait3A_209 = arith.constant 0 : i32
        %dma_wait3A_210 = arith.constant 0 : i32
        %dma_wait3A_211 = tpu.memref_slice %dma_wait3A_208[%dma_wait3A_209, %dma_wait3A_210] : memref<81920x128xf32, #tpu.memory_space<hbm>> -> memref<128x128xf32, #tpu.memory_space<hbm>>
        tpu.wait_dma2 semaphore(%arg15 : memref<!tpu.dma_semaphore, #tpu.memory_space<semaphore_mem>>) src(%dma_wait3A_211 : memref<128x128xf32, #tpu.memory_space<hbm>>) dst(%arg10 : memref<128x128xf32, #tpu.memory_space<vmem>>)
        "tpu.region"() ({
          %run_scoped3A = tpu.sem_alloc : memref<!tpu.dma_semaphore, #tpu.memory_space<semaphore_mem>>
          %dma_start3A_212 = arith.constant 0 : i32
          %dma_start3A_213 = arith.constant 0 : i32
          %dma_start3A_214 = tpu.memref_slice %arg13[%dma_start3A_212, %dma_start3A_213] : memref<10000x128xf32, #tpu.memory_space<vmem_shared>> -> memref<10000x128xf32, #tpu.memory_space<vmem_shared>>
          tpu.enqueue_indirect_dma source(%arg10 : memref<128x128xf32, #tpu.memory_space<vmem>>) target(%dma_start3A_214 : memref<10000x128xf32, #tpu.memory_space<vmem_shared>>) offsets(%arg12 : memref<128xi32, #tpu.memory_space<vmem>>) semaphore(%run_scoped3A : memref<!tpu.dma_semaphore, #tpu.memory_space<semaphore_mem>>) {add = true}
          %dma_wait3A_215 = arith.constant 0 : i32
          %dma_wait3A_216 = arith.constant 0 : i32
          %dma_wait3A_217 = tpu.memref_slice %arg13[%dma_wait3A_215, %dma_wait3A_216] : memref<10000x128xf32, #tpu.memory_space<vmem_shared>> -> memref<10000x128xf32, #tpu.memory_space<vmem_shared>>
          tpu.wait_indirect_dma semaphore(%run_scoped3A : memref<!tpu.dma_semaphore, #tpu.memory_space<semaphore_mem>>) src(%arg10 : memref<128x128xf32, #tpu.memory_space<vmem>>) dst(%dma_wait3A_217 : memref<10000x128xf32, #tpu.memory_space<vmem_shared>>)
          tpu.yield
        }) : () -> ()
      }
      %scan3A_40 = arith.constant 20 : i32
      %dma_wait3A = arith.constant 0 : i32
      %dma_wait3A_41 = tpu.memref_slice %arg4[%dma_wait3A] : memref<160000xi32, #tpu.memory_space<hbm>> -> memref<128xi32, #tpu.memory_space<hbm>>
      %dma_wait3A_42 = arith.constant 0 : i32
      %dma_wait3A_43 = tpu.memref_slice %arg4[%dma_wait3A_42] : memref<160000xi32, #tpu.memory_space<hbm>> -> memref<128xi32, #tpu.memory_space<hbm>>
      tpu.wait_dma2 semaphore(%arg14 : memref<!tpu.dma_semaphore, #tpu.memory_space<semaphore_mem>>) src(%dma_wait3A_43 : memref<128xi32, #tpu.memory_space<hbm>>) dst(%arg11 : memref<128xi32, #tpu.memory_space<vmem>>)
      %dma_wait3A_44 = arith.constant 2 : i32
      %dma_wait3A_45 = arith.constant 0 : i32
      %dma_wait3A_46 = arith.constant 0 : i32
      %dma_wait3A_47 = tpu.memref_slice %arg2[%dma_wait3A_44, %dma_wait3A_45, %dma_wait3A_46] : memref<3x81920x128xf32, #tpu.memory_space<hbm>> -> memref<1x81920x128xf32, #tpu.memory_space<hbm>>
      %dma_wait3A_48 = tpu.memref_squeeze %dma_wait3A_47 : memref<1x81920x128xf32, #tpu.memory_space<hbm>> -> memref<81920x128xf32, #tpu.memory_space<hbm>>
      %dma_wait3A_49 = arith.constant 0 : i32
      %dma_wait3A_50 = arith.constant 0 : i32
      %dma_wait3A_51 = tpu.memref_slice %dma_wait3A_48[%dma_wait3A_49, %dma_wait3A_50] : memref<81920x128xf32, #tpu.memory_space<hbm>> -> memref<128x128xf32, #tpu.memory_space<hbm>>
      %dma_wait3A_52 = arith.constant 0 : i32
      %dma_wait3A_53 = arith.constant 0 : i32
      %dma_wait3A_54 = tpu.memref_slice %arg2[%dma_wait3A_44, %dma_wait3A_52, %dma_wait3A_53] : memref<3x81920x128xf32, #tpu.memory_space<hbm>> -> memref<1x81920x128xf32, #tpu.memory_space<hbm>>
      %dma_wait3A_55 = tpu.memref_squeeze %dma_wait3A_54 : memref<1x81920x128xf32, #tpu.memory_space<hbm>> -> memref<81920x128xf32, #tpu.memory_space<hbm>>
      %dma_wait3A_56 = arith.constant 0 : i32
      %dma_wait3A_57 = arith.constant 0 : i32
      %dma_wait3A_58 = tpu.memref_slice %dma_wait3A_55[%dma_wait3A_56, %dma_wait3A_57] : memref<81920x128xf32, #tpu.memory_space<hbm>> -> memref<128x128xf32, #tpu.memory_space<hbm>>
      tpu.wait_dma2 semaphore(%arg14 : memref<!tpu.dma_semaphore, #tpu.memory_space<semaphore_mem>>) src(%dma_wait3A_58 : memref<128x128xf32, #tpu.memory_space<hbm>>) dst(%arg9 : memref<128x128xf32, #tpu.memory_space<vmem>>)
      %barrier3A_59 = arith.constant 0 : index
      tpu.barrier barrier_id(%barrier3A_59)
      %mul3A_60 = arith.constant 624 : i32
      %mul3A_61 = arith.muli %arg1, %mul3A_60 : i32
      %mul3A_62 = arith.constant 624 : i32
      %mul3A_63 = arith.muli %arg1, %mul3A_62 : i32
      "tpu.region"() ({
        %run_scoped3A = tpu.sem_alloc : memref<!tpu.dma_semaphore, #tpu.memory_space<semaphore_mem>>
        %dma_start3A_121 = arith.constant 256 : i32
        %dma_start3A_122 = tpu.memref_slice %arg7[%mul3A_63, %dma_start3A_121] : memref<10000x384xf32, #tpu.memory_space<hbm>> -> memref<624x128xf32, #tpu.memory_space<hbm>>
        %dma_start3A_123 = arith.constant 0 : i32
        %dma_start3A_124 = tpu.memref_slice %arg13[%mul3A_61, %dma_start3A_123] : memref<10000x128xf32, #tpu.memory_space<vmem_shared>> -> memref<624x128xf32, #tpu.memory_space<vmem_shared>>
        tpu.enqueue_dma source(%dma_start3A_124 : memref<624x128xf32, #tpu.memory_space<vmem_shared>>) target(%dma_start3A_122 : memref<624x128xf32, #tpu.memory_space<hbm>>) target_semaphore(%run_scoped3A : memref<!tpu.dma_semaphore, #tpu.memory_space<semaphore_mem>>)
        %dma_wait3A_125 = arith.constant 256 : i32
        %dma_wait3A_126 = tpu.memref_slice %arg7[%mul3A_63, %dma_wait3A_125] : memref<10000x384xf32, #tpu.memory_space<hbm>> -> memref<624x128xf32, #tpu.memory_space<hbm>>
        %dma_wait3A_127 = arith.constant 0 : i32
        %dma_wait3A_128 = tpu.memref_slice %arg13[%mul3A_61, %dma_wait3A_127] : memref<10000x128xf32, #tpu.memory_space<vmem_shared>> -> memref<624x128xf32, #tpu.memory_space<vmem_shared>>
        tpu.wait_dma2 semaphore(%run_scoped3A : memref<!tpu.dma_semaphore, #tpu.memory_space<semaphore_mem>>) src(%dma_wait3A_128 : memref<624x128xf32, #tpu.memory_space<vmem_shared>>) dst(%dma_wait3A_126 : memref<624x128xf32, #tpu.memory_space<hbm>>)
        tpu.yield
      }) : () -> ()
      %eq3A_64 = arith.constant 15 : i32
      %eq3A_65 = arith.cmpi eq, %arg1, %eq3A_64 : i32
      %convert_element_type3A_66 = arith.extui %eq3A_65 : i1 to i32
      %cond3A_67 = arith.constant 0 : i32
      %cond3A_68 = arith.cmpi ne, %convert_element_type3A_66, %cond3A_67 : i32
      scf.if %cond3A_68 {
        "tpu.region"() ({
          %run_scoped3A = tpu.sem_alloc : memref<!tpu.dma_semaphore, #tpu.memory_space<semaphore_mem>>
          %dma_start3A_121 = arith.constant 9984 : i32
          %dma_start3A_122 = arith.constant 256 : i32
          %dma_start3A_123 = tpu.memref_slice %arg7[%dma_start3A_121, %dma_start3A_122] : memref<10000x384xf32, #tpu.memory_space<hbm>> -> memref<16x128xf32, #tpu.memory_space<hbm>>
          %dma_start3A_124 = arith.constant 9984 : i32
          %dma_start3A_125 = arith.constant 0 : i32
          %dma_start3A_126 = tpu.memref_slice %arg13[%dma_start3A_124, %dma_start3A_125] : memref<10000x128xf32, #tpu.memory_space<vmem_shared>> -> memref<16x128xf32, #tpu.memory_space<vmem_shared>>
          tpu.enqueue_dma source(%dma_start3A_126 : memref<16x128xf32, #tpu.memory_space<vmem_shared>>) target(%dma_start3A_123 : memref<16x128xf32, #tpu.memory_space<hbm>>) target_semaphore(%run_scoped3A : memref<!tpu.dma_semaphore, #tpu.memory_space<semaphore_mem>>)
          %dma_wait3A_127 = arith.constant 9984 : i32
          %dma_wait3A_128 = arith.constant 256 : i32
          %dma_wait3A_129 = tpu.memref_slice %arg7[%dma_wait3A_127, %dma_wait3A_128] : memref<10000x384xf32, #tpu.memory_space<hbm>> -> memref<16x128xf32, #tpu.memory_space<hbm>>
          %dma_wait3A_130 = arith.constant 9984 : i32
          %dma_wait3A_131 = arith.constant 0 : i32
          %dma_wait3A_132 = tpu.memref_slice %arg13[%dma_wait3A_130, %dma_wait3A_131] : memref<10000x128xf32, #tpu.memory_space<vmem_shared>> -> memref<16x128xf32, #tpu.memory_space<vmem_shared>>
          tpu.wait_dma2 semaphore(%run_scoped3A : memref<!tpu.dma_semaphore, #tpu.memory_space<semaphore_mem>>) src(%dma_wait3A_132 : memref<16x128xf32, #tpu.memory_space<vmem_shared>>) dst(%dma_wait3A_129 : memref<16x128xf32, #tpu.memory_space<hbm>>)
          tpu.yield
        }) : () -> ()
      } else {
      }
      %barrier3A_69 = arith.constant 0 : index
      tpu.barrier barrier_id(%barrier3A_69)
      %mul3A_70 = arith.constant 624 : i32
      %mul3A_71 = arith.muli %arg1, %mul3A_70 : i32
      "tpu.region"() ({
        %run_scoped3A = tpu.sem_alloc : memref<!tpu.dma_semaphore, #tpu.memory_space<semaphore_mem>>
        %dma_start3A_121 = arith.constant 0 : i32
        %dma_start3A_122 = tpu.memref_slice %arg13[%mul3A_71, %dma_start3A_121] : memref<10000x128xf32, #tpu.memory_space<vmem_shared>> -> memref<624x128xf32, #tpu.memory_space<vmem_shared>>
        tpu.enqueue_dma source(%arg5 : memref<624x128xf32, #tpu.memory_space<hbm>>) target(%dma_start3A_122 : memref<624x128xf32, #tpu.memory_space<vmem_shared>>) target_semaphore(%run_scoped3A : memref<!tpu.dma_semaphore, #tpu.memory_space<semaphore_mem>>)
        %dma_wait3A_123 = arith.constant 0 : i32
        %dma_wait3A_124 = tpu.memref_slice %arg13[%mul3A_71, %dma_wait3A_123] : memref<10000x128xf32, #tpu.memory_space<vmem_shared>> -> memref<624x128xf32, #tpu.memory_space<vmem_shared>>
        tpu.wait_dma2 semaphore(%run_scoped3A : memref<!tpu.dma_semaphore, #tpu.memory_space<semaphore_mem>>) src(%arg5 : memref<624x128xf32, #tpu.memory_space<hbm>>) dst(%dma_wait3A_124 : memref<624x128xf32, #tpu.memory_space<vmem_shared>>)
        tpu.yield
      }) : () -> ()
      %eq3A_72 = arith.constant 15 : i32
      %eq3A_73 = arith.cmpi eq, %arg1, %eq3A_72 : i32
      %convert_element_type3A_74 = arith.extui %eq3A_73 : i1 to i32
      %cond3A_75 = arith.constant 0 : i32
      %cond3A_76 = arith.cmpi ne, %convert_element_type3A_74, %cond3A_75 : i32
      scf.if %cond3A_76 {
        "tpu.region"() ({
          %run_scoped3A = tpu.sem_alloc : memref<!tpu.dma_semaphore, #tpu.memory_space<semaphore_mem>>
          %dma_start3A_121 = arith.constant 9984 : i32
          %dma_start3A_122 = arith.constant 0 : i32
          %dma_start3A_123 = tpu.memref_slice %arg13[%dma_start3A_121, %dma_start3A_122] : memref<10000x128xf32, #tpu.memory_space<vmem_shared>> -> memref<16x128xf32, #tpu.memory_space<vmem_shared>>
          %dma_start3A_124 = arith.constant 0 : i32
          %dma_start3A_125 = arith.constant 0 : i32
          %dma_start3A_126 = tpu.memref_slice %arg5[%dma_start3A_124, %dma_start3A_125] : memref<624x128xf32, #tpu.memory_space<hbm>> -> memref<16x128xf32, #tpu.memory_space<hbm>>
          tpu.enqueue_dma source(%dma_start3A_126 : memref<16x128xf32, #tpu.memory_space<hbm>>) target(%dma_start3A_123 : memref<16x128xf32, #tpu.memory_space<vmem_shared>>) target_semaphore(%run_scoped3A : memref<!tpu.dma_semaphore, #tpu.memory_space<semaphore_mem>>)
          %dma_wait3A_127 = arith.constant 9984 : i32
          %dma_wait3A_128 = arith.constant 0 : i32
          %dma_wait3A_129 = tpu.memref_slice %arg13[%dma_wait3A_127, %dma_wait3A_128] : memref<10000x128xf32, #tpu.memory_space<vmem_shared>> -> memref<16x128xf32, #tpu.memory_space<vmem_shared>>
          %dma_wait3A_130 = arith.constant 0 : i32
          %dma_wait3A_131 = arith.constant 0 : i32
          %dma_wait3A_132 = tpu.memref_slice %arg5[%dma_wait3A_130, %dma_wait3A_131] : memref<624x128xf32, #tpu.memory_space<hbm>> -> memref<16x128xf32, #tpu.memory_space<hbm>>
          tpu.wait_dma2 semaphore(%run_scoped3A : memref<!tpu.dma_semaphore, #tpu.memory_space<semaphore_mem>>) src(%dma_wait3A_132 : memref<16x128xf32, #tpu.memory_space<hbm>>) dst(%dma_wait3A_129 : memref<16x128xf32, #tpu.memory_space<vmem_shared>>)
          tpu.yield
        }) : () -> ()
      } else {
      }
      %barrier3A_77 = arith.constant 0 : index
      tpu.barrier barrier_id(%barrier3A_77)
      %mul3A_78 = arith.constant 5120 : i32
      %mul3A_79 = arith.muli %arg1, %mul3A_78 : i32
      %add3A_80 = arith.constant 0 : i32
      %add3A_81 = arith.addi %mul3A_79, %add3A_80 : i32
      %min3A_82 = arith.constant 81792 : i32
      %min3A_83 = arith.minsi %add3A_81, %min3A_82 : i32
      %add3A_84 = arith.constant 0 : i32
      %add3A_85 = arith.addi %add3A_84, %min3A_83 : i32
      %min3A_86 = arith.constant 159872 : i32
      %min3A_87 = arith.minsi %add3A_85, %min3A_86 : i32
      %dma_start3A_88 = tpu.memref_slice %arg4[%min3A_87] : memref<160000xi32, #tpu.memory_space<hbm>> -> memref<128xi32, #tpu.memory_space<hbm>>
      %dma_start3A_89 = tpu.memref_slice %arg4[%min3A_87] : memref<160000xi32, #tpu.memory_space<hbm>> -> memref<128xi32, #tpu.memory_space<hbm>>
      tpu.enqueue_dma source(%dma_start3A_89 : memref<128xi32, #tpu.memory_space<hbm>>) target(%arg11 : memref<128xi32, #tpu.memory_space<vmem>>) target_semaphore(%arg14 : memref<!tpu.dma_semaphore, #tpu.memory_space<semaphore_mem>>)
      %dma_start3A_90 = arith.constant 0 : i32
      %dma_start3A_91 = tpu.memref_slice %arg3[%min3A_83, %dma_start3A_90] : memref<81920x128xf32, #tpu.memory_space<hbm>> -> memref<128x128xf32, #tpu.memory_space<hbm>>
      %dma_start3A_92 = arith.constant 0 : i32
      %dma_start3A_93 = tpu.memref_slice %arg3[%min3A_83, %dma_start3A_92] : memref<81920x128xf32, #tpu.memory_space<hbm>> -> memref<128x128xf32, #tpu.memory_space<hbm>>
      tpu.enqueue_dma source(%dma_start3A_93 : memref<128x128xf32, #tpu.memory_space<hbm>>) target(%arg9 : memref<128x128xf32, #tpu.memory_space<vmem>>) target_semaphore(%arg14 : memref<!tpu.dma_semaphore, #tpu.memory_space<semaphore_mem>>)
      %scan3A_94 = arith.constant 0 : i32
      %scan3A_95 = arith.constant 0 : i32
      %scan3A_96 = arith.constant 20 : i32
      %scan3A_97 = arith.addi %scan3A_95, %scan3A_96 : i32
      %scan3A_98 = arith.constant 1 : i32
      scf.for %scan3A_121 = %scan3A_95 to %scan3A_97 step %scan3A_98  : i32 {
        %mul3A_122 = arith.constant 2 : i32
        %mul3A_123 = arith.muli %mul3A_122, %scan3A_121 : i32
        %add3A_124 = arith.constant 1 : i32
        %add3A_125 = arith.addi %mul3A_123, %add3A_124 : i32
        %mul3A_126 = arith.constant 128 : i32
        %mul3A_127 = arith.muli %add3A_125, %mul3A_126 : i32
        %add3A_128 = arith.addi %mul3A_79, %mul3A_127 : i32
        %min3A_129 = arith.constant 81792 : i32
        %min3A_130 = arith.minsi %add3A_128, %min3A_129 : i32
        %add3A_131 = arith.constant 0 : i32
        %add3A_132 = arith.addi %add3A_131, %min3A_130 : i32
        %min3A_133 = arith.constant 159872 : i32
        %min3A_134 = arith.minsi %add3A_132, %min3A_133 : i32
        %dma_start3A_135 = tpu.memref_slice %arg4[%min3A_134] : memref<160000xi32, #tpu.memory_space<hbm>> -> memref<128xi32, #tpu.memory_space<hbm>>
        %dma_start3A_136 = tpu.memref_slice %arg4[%min3A_134] : memref<160000xi32, #tpu.memory_space<hbm>> -> memref<128xi32, #tpu.memory_space<hbm>>
        tpu.enqueue_dma source(%dma_start3A_136 : memref<128xi32, #tpu.memory_space<hbm>>) target(%arg12 : memref<128xi32, #tpu.memory_space<vmem>>) target_semaphore(%arg15 : memref<!tpu.dma_semaphore, #tpu.memory_space<semaphore_mem>>)
        %dma_start3A_137 = arith.constant 0 : i32
        %dma_start3A_138 = tpu.memref_slice %arg3[%min3A_130, %dma_start3A_137] : memref<81920x128xf32, #tpu.memory_space<hbm>> -> memref<128x128xf32, #tpu.memory_space<hbm>>
        %dma_start3A_139 = arith.constant 0 : i32
        %dma_start3A_140 = tpu.memref_slice %arg3[%min3A_130, %dma_start3A_139] : memref<81920x128xf32, #tpu.memory_space<hbm>> -> memref<128x128xf32, #tpu.memory_space<hbm>>
        tpu.enqueue_dma source(%dma_start3A_140 : memref<128x128xf32, #tpu.memory_space<hbm>>) target(%arg10 : memref<128x128xf32, #tpu.memory_space<vmem>>) target_semaphore(%arg15 : memref<!tpu.dma_semaphore, #tpu.memory_space<semaphore_mem>>)
        %dma_wait3A_141 = arith.constant 0 : i32
        %dma_wait3A_142 = tpu.memref_slice %arg4[%dma_wait3A_141] : memref<160000xi32, #tpu.memory_space<hbm>> -> memref<128xi32, #tpu.memory_space<hbm>>
        %dma_wait3A_143 = arith.constant 0 : i32
        %dma_wait3A_144 = tpu.memref_slice %arg4[%dma_wait3A_143] : memref<160000xi32, #tpu.memory_space<hbm>> -> memref<128xi32, #tpu.memory_space<hbm>>
        tpu.wait_dma2 semaphore(%arg14 : memref<!tpu.dma_semaphore, #tpu.memory_space<semaphore_mem>>) src(%dma_wait3A_144 : memref<128xi32, #tpu.memory_space<hbm>>) dst(%arg11 : memref<128xi32, #tpu.memory_space<vmem>>)
        %dma_wait3A_145 = arith.constant 0 : i32
        %dma_wait3A_146 = arith.constant 0 : i32
        %dma_wait3A_147 = tpu.memref_slice %arg3[%dma_wait3A_145, %dma_wait3A_146] : memref<81920x128xf32, #tpu.memory_space<hbm>> -> memref<128x128xf32, #tpu.memory_space<hbm>>
        %dma_wait3A_148 = arith.constant 0 : i32
        %dma_wait3A_149 = arith.constant 0 : i32
        %dma_wait3A_150 = tpu.memref_slice %arg3[%dma_wait3A_148, %dma_wait3A_149] : memref<81920x128xf32, #tpu.memory_space<hbm>> -> memref<128x128xf32, #tpu.memory_space<hbm>>
        tpu.wait_dma2 semaphore(%arg14 : memref<!tpu.dma_semaphore, #tpu.memory_space<semaphore_mem>>) src(%dma_wait3A_150 : memref<128x128xf32, #tpu.memory_space<hbm>>) dst(%arg9 : memref<128x128xf32, #tpu.memory_space<vmem>>)
        "tpu.region"() ({
          %run_scoped3A = tpu.sem_alloc : memref<!tpu.dma_semaphore, #tpu.memory_space<semaphore_mem>>
          %dma_start3A_180 = arith.constant 0 : i32
          %dma_start3A_181 = arith.constant 0 : i32
          %dma_start3A_182 = tpu.memref_slice %arg13[%dma_start3A_180, %dma_start3A_181] : memref<10000x128xf32, #tpu.memory_space<vmem_shared>> -> memref<10000x128xf32, #tpu.memory_space<vmem_shared>>
          tpu.enqueue_indirect_dma source(%arg9 : memref<128x128xf32, #tpu.memory_space<vmem>>) target(%dma_start3A_182 : memref<10000x128xf32, #tpu.memory_space<vmem_shared>>) offsets(%arg11 : memref<128xi32, #tpu.memory_space<vmem>>) semaphore(%run_scoped3A : memref<!tpu.dma_semaphore, #tpu.memory_space<semaphore_mem>>) {add = true}
          %dma_wait3A_183 = arith.constant 0 : i32
          %dma_wait3A_184 = arith.constant 0 : i32
          %dma_wait3A_185 = tpu.memref_slice %arg13[%dma_wait3A_183, %dma_wait3A_184] : memref<10000x128xf32, #tpu.memory_space<vmem_shared>> -> memref<10000x128xf32, #tpu.memory_space<vmem_shared>>
          tpu.wait_indirect_dma semaphore(%run_scoped3A : memref<!tpu.dma_semaphore, #tpu.memory_space<semaphore_mem>>) src(%arg9 : memref<128x128xf32, #tpu.memory_space<vmem>>) dst(%dma_wait3A_185 : memref<10000x128xf32, #tpu.memory_space<vmem_shared>>)
          tpu.yield
        }) : () -> ()
        %mul3A_151 = arith.constant 2 : i32
        %mul3A_152 = arith.muli %mul3A_151, %scan3A_121 : i32
        %add3A_153 = arith.constant 2 : i32
        %add3A_154 = arith.addi %mul3A_152, %add3A_153 : i32
        %mul3A_155 = arith.constant 128 : i32
        %mul3A_156 = arith.muli %add3A_154, %mul3A_155 : i32
        %add3A_157 = arith.addi %mul3A_79, %mul3A_156 : i32
        %min3A_158 = arith.constant 81792 : i32
        %min3A_159 = arith.minsi %add3A_157, %min3A_158 : i32
        %add3A_160 = arith.constant 0 : i32
        %add3A_161 = arith.addi %add3A_160, %min3A_159 : i32
        %min3A_162 = arith.constant 159872 : i32
        %min3A_163 = arith.minsi %add3A_161, %min3A_162 : i32
        %dma_start3A_164 = tpu.memref_slice %arg4[%min3A_163] : memref<160000xi32, #tpu.memory_space<hbm>> -> memref<128xi32, #tpu.memory_space<hbm>>
        %dma_start3A_165 = tpu.memref_slice %arg4[%min3A_163] : memref<160000xi32, #tpu.memory_space<hbm>> -> memref<128xi32, #tpu.memory_space<hbm>>
        tpu.enqueue_dma source(%dma_start3A_165 : memref<128xi32, #tpu.memory_space<hbm>>) target(%arg11 : memref<128xi32, #tpu.memory_space<vmem>>) target_semaphore(%arg14 : memref<!tpu.dma_semaphore, #tpu.memory_space<semaphore_mem>>)
        %dma_start3A_166 = arith.constant 0 : i32
        %dma_start3A_167 = tpu.memref_slice %arg3[%min3A_159, %dma_start3A_166] : memref<81920x128xf32, #tpu.memory_space<hbm>> -> memref<128x128xf32, #tpu.memory_space<hbm>>
        %dma_start3A_168 = arith.constant 0 : i32
        %dma_start3A_169 = tpu.memref_slice %arg3[%min3A_159, %dma_start3A_168] : memref<81920x128xf32, #tpu.memory_space<hbm>> -> memref<128x128xf32, #tpu.memory_space<hbm>>
        tpu.enqueue_dma source(%dma_start3A_169 : memref<128x128xf32, #tpu.memory_space<hbm>>) target(%arg9 : memref<128x128xf32, #tpu.memory_space<vmem>>) target_semaphore(%arg14 : memref<!tpu.dma_semaphore, #tpu.memory_space<semaphore_mem>>)
        %dma_wait3A_170 = arith.constant 0 : i32
        %dma_wait3A_171 = tpu.memref_slice %arg4[%dma_wait3A_170] : memref<160000xi32, #tpu.memory_space<hbm>> -> memref<128xi32, #tpu.memory_space<hbm>>
        %dma_wait3A_172 = arith.constant 0 : i32
        %dma_wait3A_173 = tpu.memref_slice %arg4[%dma_wait3A_172] : memref<160000xi32, #tpu.memory_space<hbm>> -> memref<128xi32, #tpu.memory_space<hbm>>
        tpu.wait_dma2 semaphore(%arg15 : memref<!tpu.dma_semaphore, #tpu.memory_space<semaphore_mem>>) src(%dma_wait3A_173 : memref<128xi32, #tpu.memory_space<hbm>>) dst(%arg12 : memref<128xi32, #tpu.memory_space<vmem>>)
        %dma_wait3A_174 = arith.constant 0 : i32
        %dma_wait3A_175 = arith.constant 0 : i32
        %dma_wait3A_176 = tpu.memref_slice %arg3[%dma_wait3A_174, %dma_wait3A_175] : memref<81920x128xf32, #tpu.memory_space<hbm>> -> memref<128x128xf32, #tpu.memory_space<hbm>>
        %dma_wait3A_177 = arith.constant 0 : i32
        %dma_wait3A_178 = arith.constant 0 : i32
        %dma_wait3A_179 = tpu.memref_slice %arg3[%dma_wait3A_177, %dma_wait3A_178] : memref<81920x128xf32, #tpu.memory_space<hbm>> -> memref<128x128xf32, #tpu.memory_space<hbm>>
        tpu.wait_dma2 semaphore(%arg15 : memref<!tpu.dma_semaphore, #tpu.memory_space<semaphore_mem>>) src(%dma_wait3A_179 : memref<128x128xf32, #tpu.memory_space<hbm>>) dst(%arg10 : memref<128x128xf32, #tpu.memory_space<vmem>>)
        "tpu.region"() ({
          %run_scoped3A = tpu.sem_alloc : memref<!tpu.dma_semaphore, #tpu.memory_space<semaphore_mem>>
          %dma_start3A_180 = arith.constant 0 : i32
          %dma_start3A_181 = arith.constant 0 : i32
          %dma_start3A_182 = tpu.memref_slice %arg13[%dma_start3A_180, %dma_start3A_181] : memref<10000x128xf32, #tpu.memory_space<vmem_shared>> -> memref<10000x128xf32, #tpu.memory_space<vmem_shared>>
          tpu.enqueue_indirect_dma source(%arg10 : memref<128x128xf32, #tpu.memory_space<vmem>>) target(%dma_start3A_182 : memref<10000x128xf32, #tpu.memory_space<vmem_shared>>) offsets(%arg12 : memref<128xi32, #tpu.memory_space<vmem>>) semaphore(%run_scoped3A : memref<!tpu.dma_semaphore, #tpu.memory_space<semaphore_mem>>) {add = true}
          %dma_wait3A_183 = arith.constant 0 : i32
          %dma_wait3A_184 = arith.constant 0 : i32
          %dma_wait3A_185 = tpu.memref_slice %arg13[%dma_wait3A_183, %dma_wait3A_184] : memref<10000x128xf32, #tpu.memory_space<vmem_shared>> -> memref<10000x128xf32, #tpu.memory_space<vmem_shared>>
          tpu.wait_indirect_dma semaphore(%run_scoped3A : memref<!tpu.dma_semaphore, #tpu.memory_space<semaphore_mem>>) src(%arg10 : memref<128x128xf32, #tpu.memory_space<vmem>>) dst(%dma_wait3A_185 : memref<10000x128xf32, #tpu.memory_space<vmem_shared>>)
          tpu.yield
        }) : () -> ()
      }
      %scan3A_99 = arith.constant 20 : i32
      %dma_wait3A_100 = arith.constant 0 : i32
      %dma_wait3A_101 = tpu.memref_slice %arg4[%dma_wait3A_100] : memref<160000xi32, #tpu.memory_space<hbm>> -> memref<128xi32, #tpu.memory_space<hbm>>
      %dma_wait3A_102 = arith.constant 0 : i32
      %dma_wait3A_103 = tpu.memref_slice %arg4[%dma_wait3A_102] : memref<160000xi32, #tpu.memory_space<hbm>> -> memref<128xi32, #tpu.memory_space<hbm>>
      tpu.wait_dma2 semaphore(%arg14 : memref<!tpu.dma_semaphore, #tpu.memory_space<semaphore_mem>>) src(%dma_wait3A_103 : memref<128xi32, #tpu.memory_space<hbm>>) dst(%arg11 : memref<128xi32, #tpu.memory_space<vmem>>)
      %dma_wait3A_104 = arith.constant 0 : i32
      %dma_wait3A_105 = arith.constant 0 : i32
      %dma_wait3A_106 = tpu.memref_slice %arg3[%dma_wait3A_104, %dma_wait3A_105] : memref<81920x128xf32, #tpu.memory_space<hbm>> -> memref<128x128xf32, #tpu.memory_space<hbm>>
      %dma_wait3A_107 = arith.constant 0 : i32
      %dma_wait3A_108 = arith.constant 0 : i32
      %dma_wait3A_109 = tpu.memref_slice %arg3[%dma_wait3A_107, %dma_wait3A_108] : memref<81920x128xf32, #tpu.memory_space<hbm>> -> memref<128x128xf32, #tpu.memory_space<hbm>>
      tpu.wait_dma2 semaphore(%arg14 : memref<!tpu.dma_semaphore, #tpu.memory_space<semaphore_mem>>) src(%dma_wait3A_109 : memref<128x128xf32, #tpu.memory_space<hbm>>) dst(%arg9 : memref<128x128xf32, #tpu.memory_space<vmem>>)
      %barrier3A_110 = arith.constant 0 : index
      tpu.barrier barrier_id(%barrier3A_110)
      %mul3A_111 = arith.constant 624 : i32
      %mul3A_112 = arith.muli %arg1, %mul3A_111 : i32
      %mul3A_113 = arith.constant 624 : i32
      %mul3A_114 = arith.muli %arg1, %mul3A_113 : i32
      "tpu.region"() ({
        %run_scoped3A = tpu.sem_alloc : memref<!tpu.dma_semaphore, #tpu.memory_space<semaphore_mem>>
        %dma_start3A_121 = arith.constant 0 : i32
        %dma_start3A_122 = tpu.memref_slice %arg8[%mul3A_114, %dma_start3A_121] : memref<10000x128xf32, #tpu.memory_space<hbm>> -> memref<624x128xf32, #tpu.memory_space<hbm>>
        %dma_start3A_123 = arith.constant 0 : i32
        %dma_start3A_124 = tpu.memref_slice %arg13[%mul3A_112, %dma_start3A_123] : memref<10000x128xf32, #tpu.memory_space<vmem_shared>> -> memref<624x128xf32, #tpu.memory_space<vmem_shared>>
        tpu.enqueue_dma source(%dma_start3A_124 : memref<624x128xf32, #tpu.memory_space<vmem_shared>>) target(%dma_start3A_122 : memref<624x128xf32, #tpu.memory_space<hbm>>) target_semaphore(%run_scoped3A : memref<!tpu.dma_semaphore, #tpu.memory_space<semaphore_mem>>)
        %dma_wait3A_125 = arith.constant 0 : i32
        %dma_wait3A_126 = tpu.memref_slice %arg8[%mul3A_114, %dma_wait3A_125] : memref<10000x128xf32, #tpu.memory_space<hbm>> -> memref<624x128xf32, #tpu.memory_space<hbm>>
        %dma_wait3A_127 = arith.constant 0 : i32
        %dma_wait3A_128 = tpu.memref_slice %arg13[%mul3A_112, %dma_wait3A_127] : memref<10000x128xf32, #tpu.memory_space<vmem_shared>> -> memref<624x128xf32, #tpu.memory_space<vmem_shared>>
        tpu.wait_dma2 semaphore(%run_scoped3A : memref<!tpu.dma_semaphore, #tpu.memory_space<semaphore_mem>>) src(%dma_wait3A_128 : memref<624x128xf32, #tpu.memory_space<vmem_shared>>) dst(%dma_wait3A_126 : memref<624x128xf32, #tpu.memory_space<hbm>>)
        tpu.yield
      }) : () -> ()
      %eq3A_115 = arith.constant 15 : i32
      %eq3A_116 = arith.cmpi eq, %arg1, %eq3A_115 : i32
      %convert_element_type3A_117 = arith.extui %eq3A_116 : i1 to i32
      %cond3A_118 = arith.constant 0 : i32
      %cond3A_119 = arith.cmpi ne, %convert_element_type3A_117, %cond3A_118 : i32
      scf.if %cond3A_119 {
        "tpu.region"() ({
          %run_scoped3A = tpu.sem_alloc : memref<!tpu.dma_semaphore, #tpu.memory_space<semaphore_mem>>
          %dma_start3A_121 = arith.constant 9984 : i32
          %dma_start3A_122 = arith.constant 0 : i32
          %dma_start3A_123 = tpu.memref_slice %arg8[%dma_start3A_121, %dma_start3A_122] : memref<10000x128xf32, #tpu.memory_space<hbm>> -> memref<16x128xf32, #tpu.memory_space<hbm>>
          %dma_start3A_124 = arith.constant 9984 : i32
          %dma_start3A_125 = arith.constant 0 : i32
          %dma_start3A_126 = tpu.memref_slice %arg13[%dma_start3A_124, %dma_start3A_125] : memref<10000x128xf32, #tpu.memory_space<vmem_shared>> -> memref<16x128xf32, #tpu.memory_space<vmem_shared>>
          tpu.enqueue_dma source(%dma_start3A_126 : memref<16x128xf32, #tpu.memory_space<vmem_shared>>) target(%dma_start3A_123 : memref<16x128xf32, #tpu.memory_space<hbm>>) target_semaphore(%run_scoped3A : memref<!tpu.dma_semaphore, #tpu.memory_space<semaphore_mem>>)
          %dma_wait3A_127 = arith.constant 9984 : i32
          %dma_wait3A_128 = arith.constant 0 : i32
          %dma_wait3A_129 = tpu.memref_slice %arg8[%dma_wait3A_127, %dma_wait3A_128] : memref<10000x128xf32, #tpu.memory_space<hbm>> -> memref<16x128xf32, #tpu.memory_space<hbm>>
          %dma_wait3A_130 = arith.constant 9984 : i32
          %dma_wait3A_131 = arith.constant 0 : i32
          %dma_wait3A_132 = tpu.memref_slice %arg13[%dma_wait3A_130, %dma_wait3A_131] : memref<10000x128xf32, #tpu.memory_space<vmem_shared>> -> memref<16x128xf32, #tpu.memory_space<vmem_shared>>
          tpu.wait_dma2 semaphore(%run_scoped3A : memref<!tpu.dma_semaphore, #tpu.memory_space<semaphore_mem>>) src(%dma_wait3A_132 : memref<16x128xf32, #tpu.memory_space<vmem_shared>>) dst(%dma_wait3A_129 : memref<16x128xf32, #tpu.memory_space<hbm>>)
          tpu.yield
        }) : () -> ()
      } else {
      }
      %barrier3A_120 = arith.constant 0 : index
      tpu.barrier barrier_id(%barrier3A_120)
    } else {
    }
    return
  }
}

module attributes {stable_mosaic.version = 14 : i64} {
  func.func @_dense_body(%arg0: i32, %arg1: memref<8x1280xf32, #tpu.memory_space<vmem>>, %arg2: memref<1280x128xf32, #tpu.memory_space<vmem>>, %arg3: memref<1280x384xf32, #tpu.memory_space<vmem>>, %arg4: memref<128x128xf32, #tpu.memory_space<vmem>>, %arg5: memref<1x128xf32, #tpu.memory_space<vmem>>, %arg6: memref<128x384xf32, #tpu.memory_space<vmem>>, %arg7: memref<1x384xf32, #tpu.memory_space<vmem>>, %arg8: memref<32x384xf32, #tpu.memory_space<vmem>>, %arg9: memref<128x384xf32, #tpu.memory_space<vmem>>, %arg10: memref<3x384xf32, #tpu.memory_space<vmem>>, %arg11: memref<3x1280x128xf32, #tpu.memory_space<vmem>>, %arg12: memref<1280x128xf32, #tpu.memory_space<vmem>>) attributes {dimension_semantics = [#tpu.dimension_semantics<arbitrary>], iteration_bounds = array<i64: 64>, scalar_prefetch = 0 : i64, scratch_operands = 0 : i64, tpu.core_type = #tpu.core_type<tc>, window_params = [{transform_indices = @transform_0, window_bounds = array<i64: 8, 1280>}, {transform_indices = @transform_1, window_bounds = array<i64: 1280, 128>}, {transform_indices = @transform_2, window_bounds = array<i64: 1280, 384>}, {pipeline_mode = #tpu.pipeline_mode<synchronous>, transform_indices = @transform_3, window_bounds = array<i64: 128, 128>}, {pipeline_mode = #tpu.pipeline_mode<synchronous>, transform_indices = @transform_4, window_bounds = array<i64: 1, 128>}, {pipeline_mode = #tpu.pipeline_mode<synchronous>, transform_indices = @transform_5, window_bounds = array<i64: 128, 384>}, {pipeline_mode = #tpu.pipeline_mode<synchronous>, transform_indices = @transform_6, window_bounds = array<i64: 1, 384>}, {pipeline_mode = #tpu.pipeline_mode<synchronous>, transform_indices = @transform_7, window_bounds = array<i64: 32, 384>}, {pipeline_mode = #tpu.pipeline_mode<synchronous>, transform_indices = @transform_8, window_bounds = array<i64: 128, 384>}, {pipeline_mode = #tpu.pipeline_mode<synchronous>, transform_indices = @transform_9, window_bounds = array<i64: 3, 384>}, {transform_indices = @transform_10, window_bounds = array<i64: 3, 1280, 128>}, {transform_indices = @transform_11, window_bounds = array<i64: 1280, 128>}]} {
    %add3A = arith.constant 0 : i32
    %add3A_0 = arith.addi %arg0, %add3A : i32
    %lt3A = arith.constant 125 : i32
    %lt3A_1 = arith.cmpi slt, %add3A_0, %lt3A : i32
    %convert_element_type3A = arith.extui %lt3A_1 : i1 to i32
    %cond3A = arith.constant 0 : i32
    %cond3A_2 = arith.cmpi ne, %convert_element_type3A, %cond3A : i32
    scf.if %cond3A_2 {
      %get3A = arith.constant 0 : index
      %get3A_9 = arith.constant 0 : index
      %get3A_10 = vector.load %arg1[%get3A, %get3A_9] : memref<8x1280xf32, #tpu.memory_space<vmem>>, vector<3x1280xf32>
      %slice3A = vector.extract_strided_slice %get3A_10 {offsets = [0, 0], sizes = [1, 1280], strides = [1, 1]} : vector<3x1280xf32> to vector<1x1280xf32>
      %slice3A_11 = vector.extract_strided_slice %get3A_10 {offsets = [1, 0], sizes = [1, 1280], strides = [1, 1]} : vector<3x1280xf32> to vector<1x1280xf32>
      %slice3A_12 = vector.extract_strided_slice %get3A_10 {offsets = [2, 0], sizes = [1, 1280], strides = [1, 1]} : vector<3x1280xf32> to vector<1x1280xf32>
      %mul3A = arith.mulf %slice3A, %slice3A : vector<1x1280xf32>
      %mul3A_13 = arith.mulf %slice3A_11, %slice3A_11 : vector<1x1280xf32>
      %add3A_14 = arith.addf %mul3A, %mul3A_13 : vector<1x1280xf32>
      %mul3A_15 = arith.mulf %slice3A_12, %slice3A_12 : vector<1x1280xf32>
      %add3A_16 = arith.addf %add3A_14, %mul3A_15 : vector<1x1280xf32>
      %sqrt3A = math.sqrt %add3A_16 : vector<1x1280xf32>
      %add3A_17 = arith.constant 9.99999993E-9 : f32
      %add3A_18 = vector.broadcast %add3A_17 : f32 to vector<1x1280xf32>
      %add3A_19 = arith.addf %sqrt3A, %add3A_18 : vector<1x1280xf32>
      %div3A = arith.constant 1.000000e+00 : f32
      %div3A_20 = vector.broadcast %div3A : f32 to vector<1x1280xf32>
      %div3A_21 = arith.divf %div3A_20, %add3A_19 : vector<1x1280xf32>
      %gt3A = arith.constant 5.000000e+00 : f32
      %gt3A_22 = vector.broadcast %gt3A : f32 to vector<1x1280xf32>
      %gt3A_23 = arith.cmpf ogt, %sqrt3A, %gt3A_22 : vector<1x1280xf32>
      %mul3A_24 = arith.constant 0.628318548 : f32
      %mul3A_25 = vector.broadcast %mul3A_24 : f32 to vector<1x1280xf32>
      %mul3A_26 = arith.mulf %sqrt3A, %mul3A_25 : vector<1x1280xf32>
      %cos3A = math.cos %mul3A_26 : vector<1x1280xf32>
      %add3A_27 = arith.constant 1.000000e+00 : f32
      %add3A_28 = vector.broadcast %add3A_27 : f32 to vector<1x1280xf32>
      %add3A_29 = arith.addf %cos3A, %add3A_28 : vector<1x1280xf32>
      %mul3A_30 = arith.constant 5.000000e-01 : f32
      %mul3A_31 = vector.broadcast %mul3A_30 : f32 to vector<1x1280xf32>
      %mul3A_32 = arith.mulf %mul3A_31, %add3A_29 : vector<1x1280xf32>
      %jit3A = arith.constant 0.000000e+00 : f32
      %broadcast_in_dim3A = vector.broadcast %jit3A : f32 to vector<1x1280xf32>
      %select_n3A = arith.select %gt3A_23, %broadcast_in_dim3A, %mul3A_32 : vector<1x1280xi1>, vector<1x1280xf32>
      %iota3A = tpu.iota {dimensions = array<i32: 0>} : vector<32x1xi32>
      %convert_element_type3A_33 = arith.sitofp %iota3A : vector<32x1xi32> to vector<32x1xf32>
      %add3A_34 = arith.constant 1.000000e+00 : f32
      %add3A_35 = vector.broadcast %add3A_34 : f32 to vector<32x1xf32>
      %add3A_36 = arith.addf %convert_element_type3A_33, %add3A_35 : vector<32x1xf32>
      %le3A = arith.constant 2.000000e+01 : f32
      %le3A_37 = vector.broadcast %le3A : f32 to vector<32x1xf32>
      %le3A_38 = arith.cmpf ole, %add3A_36, %le3A_37 : vector<32x1xf32>
      %jit3A_39 = arith.constant 0.000000e+00 : f32
      %broadcast_in_dim3A_40 = vector.broadcast %jit3A_39 : f32 to vector<32x1xf32>
      %select_n3A_41 = arith.select %le3A_38, %add3A_36, %broadcast_in_dim3A_40 : vector<32x1xi1>, vector<32x1xf32>
      %mul3A_42 = arith.constant 0.628318548 : f32
      %mul3A_43 = vector.broadcast %mul3A_42 : f32 to vector<1x1280xf32>
      %mul3A_44 = arith.mulf %mul3A_43, %sqrt3A : vector<1x1280xf32>
      %mul3A_45 = vector.broadcast %select_n3A_41 : vector<32x1xf32> to vector<32x1280xf32>
      %mul3A_46 = vector.broadcast %mul3A_44 : vector<1x1280xf32> to vector<32x1280xf32>
      %mul3A_47 = arith.mulf %mul3A_45, %mul3A_46 : vector<32x1280xf32>
      %sin3A = math.sin %mul3A_47 : vector<32x1280xf32>
      %mul3A_48 = arith.mulf %div3A_21, %select_n3A : vector<1x1280xf32>
      %mul3A_49 = vector.broadcast %mul3A_48 : vector<1x1280xf32> to vector<32x1280xf32>
      %mul3A_50 = arith.mulf %sin3A, %mul3A_49 : vector<32x1280xf32>
      %eq3A = arith.constant 2.100000e+01 : f32
      %eq3A_51 = vector.broadcast %eq3A : f32 to vector<32x1xf32>
      %eq3A_52 = arith.cmpf oeq, %add3A_36, %eq3A_51 : vector<32x1xf32>
      %jit3A_53 = arith.constant 0.000000e+00 : f32
      %broadcast_in_dim3A_54 = vector.shape_cast %eq3A_52 : vector<32x1xi1> to vector<32x1xi1>
      %broadcast_in_dim3A_55 = vector.broadcast %broadcast_in_dim3A_54 : vector<32x1xi1> to vector<32x1280xi1>
      %broadcast_in_dim3A_56 = vector.shape_cast %select_n3A : vector<1x1280xf32> to vector<1x1280xf32>
      %broadcast_in_dim3A_57 = vector.broadcast %broadcast_in_dim3A_56 : vector<1x1280xf32> to vector<32x1280xf32>
      %broadcast_in_dim3A_58 = vector.broadcast %jit3A_53 : f32 to vector<32x1280xf32>
      %select_n3A_59 = arith.select %broadcast_in_dim3A_55, %broadcast_in_dim3A_57, %broadcast_in_dim3A_58 : vector<32x1280xi1>, vector<32x1280xf32>
      %add3A_60 = arith.addf %mul3A_50, %select_n3A_59 : vector<32x1280xf32>
      %get3A_61 = arith.constant 0 : index
      %get3A_62 = arith.constant 0 : index
      %get3A_63 = vector.load %arg8[%get3A_61, %get3A_62] : memref<32x384xf32, #tpu.memory_space<vmem>>, vector<32x384xf32>
      %dot_general3A = arith.constant dense<0.000000e+00> : vector<1280x384xf32>
      %dot_general3A_64 = tpu.matmul %add3A_60, %get3A_63, %dot_general3A {dimension_numbers = #tpu.dot_dimension_numbers<[0], [0], [1], [1], [0, 1, 1, 1], [], []>, transpose_lhs_hint = false} : vector<32x1280xf32>, vector<32x384xf32>, vector<1280x384xf32> -> vector<1280x384xf32>
      %mul3A_65 = vector.broadcast %div3A_21 : vector<1x1280xf32> to vector<3x1280xf32>
      %mul3A_66 = arith.mulf %get3A_10, %mul3A_65 : vector<3x1280xf32>
      %get3A_67 = arith.constant 0 : index
      %get3A_68 = arith.constant 0 : index
      %get3A_69 = vector.load %arg10[%get3A_67, %get3A_68] : memref<3x384xf32, #tpu.memory_space<vmem>>, vector<3x384xf32>
      %dot_general3A_70 = arith.constant dense<0.000000e+00> : vector<1280x384xf32>
      %dot_general3A_71 = tpu.matmul %mul3A_66, %get3A_69, %dot_general3A_70 {dimension_numbers = #tpu.dot_dimension_numbers<[0], [0], [1], [1], [0, 1, 1, 1], [], []>, transpose_lhs_hint = false} : vector<3x1280xf32>, vector<3x384xf32>, vector<1280x384xf32> -> vector<1280x384xf32>
      %get3A_72 = arith.constant 0 : index
      %get3A_73 = arith.constant 0 : index
      %get3A_74 = vector.load %arg2[%get3A_72, %get3A_73] : memref<1280x128xf32, #tpu.memory_space<vmem>>, vector<1280x128xf32>
      %get3A_75 = arith.constant 0 : index
      %get3A_76 = arith.constant 0 : index
      %get3A_77 = vector.load %arg4[%get3A_75, %get3A_76] : memref<128x128xf32, #tpu.memory_space<vmem>>, vector<128x128xf32>
      %dot_general3A_78 = arith.constant dense<0.000000e+00> : vector<1280x128xf32>
      %dot_general3A_79 = tpu.matmul %get3A_74, %get3A_77, %dot_general3A_78 {dimension_numbers = #tpu.dot_dimension_numbers<[1], [0], [0], [1], [0, 0, 1, 1], [], []>, transpose_lhs_hint = false} : vector<1280x128xf32>, vector<128x128xf32>, vector<1280x128xf32> -> vector<1280x128xf32>
      %get3A_80 = arith.constant 0 : index
      %get3A_81 = arith.constant 0 : index
      %get3A_82 = vector.load %arg5[%get3A_80, %get3A_81] : memref<1x128xf32, #tpu.memory_space<vmem>>, vector<1x128xf32>
      %add3A_83 = vector.broadcast %get3A_82 : vector<1x128xf32> to vector<1280x128xf32>
      %add3A_84 = arith.addf %dot_general3A_79, %add3A_83 : vector<1280x128xf32>
      %neg3A = arith.constant 0.000000e+00 : f32
      %neg3A_85 = vector.broadcast %neg3A : f32 to vector<1280x128xf32>
      %neg3A_86 = arith.subf %neg3A_85, %add3A_84 : vector<1280x128xf32>
      %exp3A = math.exp %neg3A_86 : vector<1280x128xf32>
      %add3A_87 = arith.constant 1.000000e+00 : f32
      %add3A_88 = vector.broadcast %add3A_87 : f32 to vector<1280x128xf32>
      %add3A_89 = arith.addf %add3A_88, %exp3A : vector<1280x128xf32>
      %div3A_90 = arith.constant 1.000000e+00 : f32
      %div3A_91 = vector.broadcast %div3A_90 : f32 to vector<1280x128xf32>
      %div3A_92 = arith.divf %div3A_91, %add3A_89 : vector<1280x128xf32>
      %mul3A_93 = arith.mulf %add3A_84, %div3A_92 : vector<1280x128xf32>
      %get3A_94 = arith.constant 0 : index
      %get3A_95 = arith.constant 0 : index
      %get3A_96 = vector.load %arg6[%get3A_94, %get3A_95] : memref<128x384xf32, #tpu.memory_space<vmem>>, vector<128x384xf32>
      %dot_general3A_97 = arith.constant dense<0.000000e+00> : vector<1280x384xf32>
      %dot_general3A_98 = tpu.matmul %mul3A_93, %get3A_96, %dot_general3A_97 {dimension_numbers = #tpu.dot_dimension_numbers<[1], [0], [0], [1], [0, 0, 1, 1], [], []>, transpose_lhs_hint = false} : vector<1280x128xf32>, vector<128x384xf32>, vector<1280x384xf32> -> vector<1280x384xf32>
      %get3A_99 = arith.constant 0 : index
      %get3A_100 = arith.constant 0 : index
      %get3A_101 = vector.load %arg7[%get3A_99, %get3A_100] : memref<1x384xf32, #tpu.memory_space<vmem>>, vector<1x384xf32>
      %add3A_102 = vector.broadcast %get3A_101 : vector<1x384xf32> to vector<1280x384xf32>
      %add3A_103 = arith.addf %dot_general3A_98, %add3A_102 : vector<1280x384xf32>
      %mul3A_104 = arith.mulf %add3A_103, %dot_general3A_64 : vector<1280x384xf32>
      %slice3A_105 = vector.extract_strided_slice %mul3A_104 {offsets = [0, 0], sizes = [1280, 128], strides = [1, 1]} : vector<1280x384xf32> to vector<1280x128xf32>
      %slice3A_106 = vector.extract_strided_slice %mul3A_104 {offsets = [0, 128], sizes = [1280, 128], strides = [1, 1]} : vector<1280x384xf32> to vector<1280x128xf32>
      %slice3A_107 = vector.extract_strided_slice %mul3A_104 {offsets = [0, 256], sizes = [1280, 128], strides = [1, 1]} : vector<1280x384xf32> to vector<1280x128xf32>
      %get3A_108 = arith.constant 0 : index
      %get3A_109 = arith.constant 0 : index
      %get3A_110 = vector.load %arg9[%get3A_108, %get3A_109] : memref<128x384xf32, #tpu.memory_space<vmem>>, vector<128x384xf32>
      %dot_general3A_111 = arith.constant dense<0.000000e+00> : vector<1280x384xf32>
      %dot_general3A_112 = tpu.matmul %slice3A_105, %get3A_110, %dot_general3A_111 {dimension_numbers = #tpu.dot_dimension_numbers<[1], [0], [0], [1], [0, 0, 1, 1], [], []>, transpose_lhs_hint = false} : vector<1280x128xf32>, vector<128x384xf32>, vector<1280x384xf32> -> vector<1280x384xf32>
      %get3A_113 = arith.constant 0 : index
      %get3A_114 = arith.constant 0 : index
      %get3A_115 = vector.load %arg9[%get3A_113, %get3A_114] : memref<128x384xf32, #tpu.memory_space<vmem>>, vector<128x384xf32>
      %dot_general3A_116 = arith.constant dense<0.000000e+00> : vector<1280x384xf32>
      %dot_general3A_117 = tpu.matmul %slice3A_107, %get3A_115, %dot_general3A_116 {dimension_numbers = #tpu.dot_dimension_numbers<[1], [0], [0], [1], [0, 0, 1, 1], [], []>, transpose_lhs_hint = false} : vector<1280x128xf32>, vector<128x384xf32>, vector<1280x384xf32> -> vector<1280x384xf32>
      %get3A_118 = arith.constant 0 : index
      %get3A_119 = arith.constant 0 : index
      %get3A_120 = vector.load %arg3[%get3A_118, %get3A_119] : memref<1280x384xf32, #tpu.memory_space<vmem>>, vector<1280x384xf32>
      %mul3A_121 = arith.mulf %get3A_120, %dot_general3A_112 : vector<1280x384xf32>
      %mul3A_122 = arith.mulf %dot_general3A_117, %dot_general3A_71 : vector<1280x384xf32>
      %add3A_123 = arith.addf %mul3A_121, %mul3A_122 : vector<1280x384xf32>
      %slice3A_124 = vector.extract_strided_slice %add3A_123 {offsets = [0, 0], sizes = [1280, 128], strides = [1, 1]} : vector<1280x384xf32> to vector<1280x128xf32>
      %swap3A = arith.constant 0 : index
      %swap3A_125 = arith.constant 0 : index
      %swap3A_126 = arith.constant 0 : index
      %swap3A_127 = vector.load %arg11[%swap3A, %swap3A_125, %swap3A_126] : memref<3x1280x128xf32, #tpu.memory_space<vmem>>, vector<1x1280x128xf32>
      %swap3A_128 = vector.shape_cast %swap3A_127 : vector<1x1280x128xf32> to vector<1280x128xf32>
      %swap3A_129 = vector.shape_cast %slice3A_124 : vector<1280x128xf32> to vector<1x1280x128xf32>
      tpu.vector_store %arg11[%swap3A, %swap3A_125, %swap3A_126], %swap3A_129 {strides = array<i32>} : memref<3x1280x128xf32, #tpu.memory_space<vmem>>, vector<1x1280x128xf32>,
      %slice3A_130 = vector.extract_strided_slice %add3A_123 {offsets = [0, 128], sizes = [1280, 128], strides = [1, 1]} : vector<1280x384xf32> to vector<1280x128xf32>
      %swap3A_131 = arith.constant 1 : index
      %swap3A_132 = arith.constant 0 : index
      %swap3A_133 = arith.constant 0 : index
      %swap3A_134 = vector.load %arg11[%swap3A_131, %swap3A_132, %swap3A_133] : memref<3x1280x128xf32, #tpu.memory_space<vmem>>, vector<1x1280x128xf32>
      %swap3A_135 = vector.shape_cast %swap3A_134 : vector<1x1280x128xf32> to vector<1280x128xf32>
      %swap3A_136 = vector.shape_cast %slice3A_130 : vector<1280x128xf32> to vector<1x1280x128xf32>
      tpu.vector_store %arg11[%swap3A_131, %swap3A_132, %swap3A_133], %swap3A_136 {strides = array<i32>} : memref<3x1280x128xf32, #tpu.memory_space<vmem>>, vector<1x1280x128xf32>,
      %slice3A_137 = vector.extract_strided_slice %add3A_123 {offsets = [0, 256], sizes = [1280, 128], strides = [1, 1]} : vector<1280x384xf32> to vector<1280x128xf32>
      %swap3A_138 = arith.constant 2 : index
      %swap3A_139 = arith.constant 0 : index
      %swap3A_140 = arith.constant 0 : index
      %swap3A_141 = vector.load %arg11[%swap3A_138, %swap3A_139, %swap3A_140] : memref<3x1280x128xf32, #tpu.memory_space<vmem>>, vector<1x1280x128xf32>
      %swap3A_142 = vector.shape_cast %swap3A_141 : vector<1x1280x128xf32> to vector<1280x128xf32>
      %swap3A_143 = vector.shape_cast %slice3A_137 : vector<1280x128xf32> to vector<1x1280x128xf32>
      tpu.vector_store %arg11[%swap3A_138, %swap3A_139, %swap3A_140], %swap3A_143 {strides = array<i32>} : memref<3x1280x128xf32, #tpu.memory_space<vmem>>, vector<1x1280x128xf32>,
      %swap3A_144 = arith.constant 0 : index
      %swap3A_145 = arith.constant 0 : index
      %swap3A_146 = vector.load %arg12[%swap3A_144, %swap3A_145] : memref<1280x128xf32, #tpu.memory_space<vmem>>, vector<1280x128xf32>
      tpu.vector_store %arg12[%swap3A_144, %swap3A_145], %slice3A_106 {strides = array<i32>} : memref<1280x128xf32, #tpu.memory_space<vmem>>, vector<1280x128xf32>,
    } else {
    }
    %add3A_3 = arith.constant 0 : i32
    %add3A_4 = arith.addi %arg0, %add3A_3 : i32
    %ge3A = arith.constant 125 : i32
    %ge3A_5 = arith.cmpi sge, %add3A_4, %ge3A : i32
    %convert_element_type3A_6 = arith.extui %ge3A_5 : i1 to i32
    %cond3A_7 = arith.constant 0 : i32
    %cond3A_8 = arith.cmpi ne, %convert_element_type3A_6, %cond3A_7 : i32
    scf.if %cond3A_8 {
      %broadcast_in_dim3A = arith.constant 0.000000e+00 : f32
      %broadcast_in_dim3A_9 = vector.broadcast %broadcast_in_dim3A : f32 to vector<3x1280x128xf32>
      %swap3A = arith.constant 0 : index
      %swap3A_10 = arith.constant 0 : index
      %swap3A_11 = arith.constant 0 : index
      %swap3A_12 = vector.load %arg11[%swap3A, %swap3A_10, %swap3A_11] : memref<3x1280x128xf32, #tpu.memory_space<vmem>>, vector<3x1280x128xf32>
      tpu.vector_store %arg11[%swap3A, %swap3A_10, %swap3A_11], %broadcast_in_dim3A_9 {strides = array<i32>} : memref<3x1280x128xf32, #tpu.memory_space<vmem>>, vector<3x1280x128xf32>,
      %broadcast_in_dim3A_13 = arith.constant 0.000000e+00 : f32
      %broadcast_in_dim3A_14 = vector.broadcast %broadcast_in_dim3A_13 : f32 to vector<1280x128xf32>
      %swap3A_15 = arith.constant 0 : index
      %swap3A_16 = arith.constant 0 : index
      %swap3A_17 = vector.load %arg12[%swap3A_15, %swap3A_16] : memref<1280x128xf32, #tpu.memory_space<vmem>>, vector<1280x128xf32>
      tpu.vector_store %arg12[%swap3A_15, %swap3A_16], %broadcast_in_dim3A_14 {strides = array<i32>} : memref<1280x128xf32, #tpu.memory_space<vmem>>, vector<1280x128xf32>,
    } else {
    }
    return
  }
  func.func @transform_0(%arg0: i32) -> (i32, i32) {
    %add3A = arith.constant 0 : i32
    %add3A_0 = arith.addi %arg0, %add3A : i32
    %min3A = arith.constant 124 : i32
    %min3A_1 = arith.minsi %add3A_0, %min3A : i32
    %c0_i32 = arith.constant 0 : i32
    %c0_i32_2 = arith.constant 0 : i32
    return %c0_i32, %min3A_1 : i32, i32
  }
  func.func @transform_1(%arg0: i32) -> (i32, i32) {
    %add3A = arith.constant 0 : i32
    %add3A_0 = arith.addi %arg0, %add3A : i32
    %min3A = arith.constant 124 : i32
    %min3A_1 = arith.minsi %add3A_0, %min3A : i32
    %c0_i32 = arith.constant 0 : i32
    %c0_i32_2 = arith.constant 0 : i32
    return %min3A_1, %c0_i32 : i32, i32
  }
  func.func @transform_2(%arg0: i32) -> (i32, i32) {
    %add3A = arith.constant 0 : i32
    %add3A_0 = arith.addi %arg0, %add3A : i32
    %min3A = arith.constant 124 : i32
    %min3A_1 = arith.minsi %add3A_0, %min3A : i32
    %c0_i32 = arith.constant 0 : i32
    %c0_i32_2 = arith.constant 0 : i32
    return %min3A_1, %c0_i32 : i32, i32
  }
  func.func @transform_3(%arg0: i32) -> (i32, i32) {
    %c0_i32 = arith.constant 0 : i32
    %c0_i32_0 = arith.constant 0 : i32
    %c0_i32_1 = arith.constant 0 : i32
    return %c0_i32, %c0_i32_0 : i32, i32
  }
  func.func @transform_4(%arg0: i32) -> (i32, i32) {
    %c0_i32 = arith.constant 0 : i32
    %c0_i32_0 = arith.constant 0 : i32
    %c0_i32_1 = arith.constant 0 : i32
    return %c0_i32, %c0_i32_0 : i32, i32
  }
  func.func @transform_5(%arg0: i32) -> (i32, i32) {
    %c0_i32 = arith.constant 0 : i32
    %c0_i32_0 = arith.constant 0 : i32
    %c0_i32_1 = arith.constant 0 : i32
    return %c0_i32, %c0_i32_0 : i32, i32
  }
  func.func @transform_6(%arg0: i32) -> (i32, i32) {
    %c0_i32 = arith.constant 0 : i32
    %c0_i32_0 = arith.constant 0 : i32
    %c0_i32_1 = arith.constant 0 : i32
    return %c0_i32, %c0_i32_0 : i32, i32
  }
  func.func @transform_7(%arg0: i32) -> (i32, i32) {
    %c0_i32 = arith.constant 0 : i32
    %c0_i32_0 = arith.constant 0 : i32
    %c0_i32_1 = arith.constant 0 : i32
    return %c0_i32, %c0_i32_0 : i32, i32
  }
  func.func @transform_8(%arg0: i32) -> (i32, i32) {
    %c0_i32 = arith.constant 0 : i32
    %c0_i32_0 = arith.constant 0 : i32
    %c0_i32_1 = arith.constant 0 : i32
    return %c0_i32, %c0_i32_0 : i32, i32
  }
  func.func @transform_9(%arg0: i32) -> (i32, i32) {
    %c0_i32 = arith.constant 0 : i32
    %c0_i32_0 = arith.constant 0 : i32
    %c0_i32_1 = arith.constant 0 : i32
    return %c0_i32, %c0_i32_0 : i32, i32
  }
  func.func @transform_10(%arg0: i32) -> (i32, i32, i32) {
    %c0_i32 = arith.constant 0 : i32
    %c0_i32_0 = arith.constant 0 : i32
    %c0_i32_1 = arith.constant 0 : i32
    return %c0_i32, %arg0, %c0_i32_0 : i32, i32, i32
  }
  func.func @transform_11(%arg0: i32) -> (i32, i32) {
    %c0_i32 = arith.constant 0 : i32
    %c0_i32_0 = arith.constant 0 : i32
    return %arg0, %c0_i32 : i32, i32
  }
}

module attributes {stable_mosaic.version = 14 : i64} {
  func.func @_dense_body(%arg0: i32, %arg1: memref<8x1280xf32, #tpu.memory_space<vmem>>, %arg2: memref<1280x128xf32, #tpu.memory_space<vmem>>, %arg3: memref<1280x384xf32, #tpu.memory_space<vmem>>, %arg4: memref<128x128xf32, #tpu.memory_space<vmem>>, %arg5: memref<1x128xf32, #tpu.memory_space<vmem>>, %arg6: memref<128x384xf32, #tpu.memory_space<vmem>>, %arg7: memref<1x384xf32, #tpu.memory_space<vmem>>, %arg8: memref<32x384xf32, #tpu.memory_space<vmem>>, %arg9: memref<128x384xf32, #tpu.memory_space<vmem>>, %arg10: memref<3x384xf32, #tpu.memory_space<vmem>>, %arg11: memref<3x1280x128xf32, #tpu.memory_space<vmem>>, %arg12: memref<1280x128xf32, #tpu.memory_space<vmem>>) attributes {dimension_semantics = [#tpu.dimension_semantics<arbitrary>], iteration_bounds = array<i64: 64>, scalar_prefetch = 0 : i64, scratch_operands = 0 : i64, tpu.core_type = #tpu.core_type<tc>, window_params = [{transform_indices = @transform_0, window_bounds = array<i64: 8, 1280>}, {transform_indices = @transform_1, window_bounds = array<i64: 1280, 128>}, {transform_indices = @transform_2, window_bounds = array<i64: 1280, 384>}, {pipeline_mode = #tpu.pipeline_mode<synchronous>, transform_indices = @transform_3, window_bounds = array<i64: 128, 128>}, {pipeline_mode = #tpu.pipeline_mode<synchronous>, transform_indices = @transform_4, window_bounds = array<i64: 1, 128>}, {pipeline_mode = #tpu.pipeline_mode<synchronous>, transform_indices = @transform_5, window_bounds = array<i64: 128, 384>}, {pipeline_mode = #tpu.pipeline_mode<synchronous>, transform_indices = @transform_6, window_bounds = array<i64: 1, 384>}, {pipeline_mode = #tpu.pipeline_mode<synchronous>, transform_indices = @transform_7, window_bounds = array<i64: 32, 384>}, {pipeline_mode = #tpu.pipeline_mode<synchronous>, transform_indices = @transform_8, window_bounds = array<i64: 128, 384>}, {pipeline_mode = #tpu.pipeline_mode<synchronous>, transform_indices = @transform_9, window_bounds = array<i64: 3, 384>}, {transform_indices = @transform_10, window_bounds = array<i64: 3, 1280, 128>}, {transform_indices = @transform_11, window_bounds = array<i64: 1280, 128>}]} {
    %add3A = arith.constant 64 : i32
    %add3A_0 = arith.addi %arg0, %add3A : i32
    %lt3A = arith.constant 125 : i32
    %lt3A_1 = arith.cmpi slt, %add3A_0, %lt3A : i32
    %convert_element_type3A = arith.extui %lt3A_1 : i1 to i32
    %cond3A = arith.constant 0 : i32
    %cond3A_2 = arith.cmpi ne, %convert_element_type3A, %cond3A : i32
    scf.if %cond3A_2 {
      %get3A = arith.constant 0 : index
      %get3A_9 = arith.constant 0 : index
      %get3A_10 = vector.load %arg1[%get3A, %get3A_9] : memref<8x1280xf32, #tpu.memory_space<vmem>>, vector<3x1280xf32>
      %slice3A = vector.extract_strided_slice %get3A_10 {offsets = [0, 0], sizes = [1, 1280], strides = [1, 1]} : vector<3x1280xf32> to vector<1x1280xf32>
      %slice3A_11 = vector.extract_strided_slice %get3A_10 {offsets = [1, 0], sizes = [1, 1280], strides = [1, 1]} : vector<3x1280xf32> to vector<1x1280xf32>
      %slice3A_12 = vector.extract_strided_slice %get3A_10 {offsets = [2, 0], sizes = [1, 1280], strides = [1, 1]} : vector<3x1280xf32> to vector<1x1280xf32>
      %mul3A = arith.mulf %slice3A, %slice3A : vector<1x1280xf32>
      %mul3A_13 = arith.mulf %slice3A_11, %slice3A_11 : vector<1x1280xf32>
      %add3A_14 = arith.addf %mul3A, %mul3A_13 : vector<1x1280xf32>
      %mul3A_15 = arith.mulf %slice3A_12, %slice3A_12 : vector<1x1280xf32>
      %add3A_16 = arith.addf %add3A_14, %mul3A_15 : vector<1x1280xf32>
      %sqrt3A = math.sqrt %add3A_16 : vector<1x1280xf32>
      %add3A_17 = arith.constant 9.99999993E-9 : f32
      %add3A_18 = vector.broadcast %add3A_17 : f32 to vector<1x1280xf32>
      %add3A_19 = arith.addf %sqrt3A, %add3A_18 : vector<1x1280xf32>
      %div3A = arith.constant 1.000000e+00 : f32
      %div3A_20 = vector.broadcast %div3A : f32 to vector<1x1280xf32>
      %div3A_21 = arith.divf %div3A_20, %add3A_19 : vector<1x1280xf32>
      %gt3A = arith.constant 5.000000e+00 : f32
      %gt3A_22 = vector.broadcast %gt3A : f32 to vector<1x1280xf32>
      %gt3A_23 = arith.cmpf ogt, %sqrt3A, %gt3A_22 : vector<1x1280xf32>
      %mul3A_24 = arith.constant 0.628318548 : f32
      %mul3A_25 = vector.broadcast %mul3A_24 : f32 to vector<1x1280xf32>
      %mul3A_26 = arith.mulf %sqrt3A, %mul3A_25 : vector<1x1280xf32>
      %cos3A = math.cos %mul3A_26 : vector<1x1280xf32>
      %add3A_27 = arith.constant 1.000000e+00 : f32
      %add3A_28 = vector.broadcast %add3A_27 : f32 to vector<1x1280xf32>
      %add3A_29 = arith.addf %cos3A, %add3A_28 : vector<1x1280xf32>
      %mul3A_30 = arith.constant 5.000000e-01 : f32
      %mul3A_31 = vector.broadcast %mul3A_30 : f32 to vector<1x1280xf32>
      %mul3A_32 = arith.mulf %mul3A_31, %add3A_29 : vector<1x1280xf32>
      %jit3A = arith.constant 0.000000e+00 : f32
      %broadcast_in_dim3A = vector.broadcast %jit3A : f32 to vector<1x1280xf32>
      %select_n3A = arith.select %gt3A_23, %broadcast_in_dim3A, %mul3A_32 : vector<1x1280xi1>, vector<1x1280xf32>
      %iota3A = tpu.iota {dimensions = array<i32: 0>} : vector<32x1xi32>
      %convert_element_type3A_33 = arith.sitofp %iota3A : vector<32x1xi32> to vector<32x1xf32>
      %add3A_34 = arith.constant 1.000000e+00 : f32
      %add3A_35 = vector.broadcast %add3A_34 : f32 to vector<32x1xf32>
      %add3A_36 = arith.addf %convert_element_type3A_33, %add3A_35 : vector<32x1xf32>
      %le3A = arith.constant 2.000000e+01 : f32
      %le3A_37 = vector.broadcast %le3A : f32 to vector<32x1xf32>
      %le3A_38 = arith.cmpf ole, %add3A_36, %le3A_37 : vector<32x1xf32>
      %jit3A_39 = arith.constant 0.000000e+00 : f32
      %broadcast_in_dim3A_40 = vector.broadcast %jit3A_39 : f32 to vector<32x1xf32>
      %select_n3A_41 = arith.select %le3A_38, %add3A_36, %broadcast_in_dim3A_40 : vector<32x1xi1>, vector<32x1xf32>
      %mul3A_42 = arith.constant 0.628318548 : f32
      %mul3A_43 = vector.broadcast %mul3A_42 : f32 to vector<1x1280xf32>
      %mul3A_44 = arith.mulf %mul3A_43, %sqrt3A : vector<1x1280xf32>
      %mul3A_45 = vector.broadcast %select_n3A_41 : vector<32x1xf32> to vector<32x1280xf32>
      %mul3A_46 = vector.broadcast %mul3A_44 : vector<1x1280xf32> to vector<32x1280xf32>
      %mul3A_47 = arith.mulf %mul3A_45, %mul3A_46 : vector<32x1280xf32>
      %sin3A = math.sin %mul3A_47 : vector<32x1280xf32>
      %mul3A_48 = arith.mulf %div3A_21, %select_n3A : vector<1x1280xf32>
      %mul3A_49 = vector.broadcast %mul3A_48 : vector<1x1280xf32> to vector<32x1280xf32>
      %mul3A_50 = arith.mulf %sin3A, %mul3A_49 : vector<32x1280xf32>
      %eq3A = arith.constant 2.100000e+01 : f32
      %eq3A_51 = vector.broadcast %eq3A : f32 to vector<32x1xf32>
      %eq3A_52 = arith.cmpf oeq, %add3A_36, %eq3A_51 : vector<32x1xf32>
      %jit3A_53 = arith.constant 0.000000e+00 : f32
      %broadcast_in_dim3A_54 = vector.shape_cast %eq3A_52 : vector<32x1xi1> to vector<32x1xi1>
      %broadcast_in_dim3A_55 = vector.broadcast %broadcast_in_dim3A_54 : vector<32x1xi1> to vector<32x1280xi1>
      %broadcast_in_dim3A_56 = vector.shape_cast %select_n3A : vector<1x1280xf32> to vector<1x1280xf32>
      %broadcast_in_dim3A_57 = vector.broadcast %broadcast_in_dim3A_56 : vector<1x1280xf32> to vector<32x1280xf32>
      %broadcast_in_dim3A_58 = vector.broadcast %jit3A_53 : f32 to vector<32x1280xf32>
      %select_n3A_59 = arith.select %broadcast_in_dim3A_55, %broadcast_in_dim3A_57, %broadcast_in_dim3A_58 : vector<32x1280xi1>, vector<32x1280xf32>
      %add3A_60 = arith.addf %mul3A_50, %select_n3A_59 : vector<32x1280xf32>
      %get3A_61 = arith.constant 0 : index
      %get3A_62 = arith.constant 0 : index
      %get3A_63 = vector.load %arg8[%get3A_61, %get3A_62] : memref<32x384xf32, #tpu.memory_space<vmem>>, vector<32x384xf32>
      %dot_general3A = arith.constant dense<0.000000e+00> : vector<1280x384xf32>
      %dot_general3A_64 = tpu.matmul %add3A_60, %get3A_63, %dot_general3A {dimension_numbers = #tpu.dot_dimension_numbers<[0], [0], [1], [1], [0, 1, 1, 1], [], []>, transpose_lhs_hint = false} : vector<32x1280xf32>, vector<32x384xf32>, vector<1280x384xf32> -> vector<1280x384xf32>
      %mul3A_65 = vector.broadcast %div3A_21 : vector<1x1280xf32> to vector<3x1280xf32>
      %mul3A_66 = arith.mulf %get3A_10, %mul3A_65 : vector<3x1280xf32>
      %get3A_67 = arith.constant 0 : index
      %get3A_68 = arith.constant 0 : index
      %get3A_69 = vector.load %arg10[%get3A_67, %get3A_68] : memref<3x384xf32, #tpu.memory_space<vmem>>, vector<3x384xf32>
      %dot_general3A_70 = arith.constant dense<0.000000e+00> : vector<1280x384xf32>
      %dot_general3A_71 = tpu.matmul %mul3A_66, %get3A_69, %dot_general3A_70 {dimension_numbers = #tpu.dot_dimension_numbers<[0], [0], [1], [1], [0, 1, 1, 1], [], []>, transpose_lhs_hint = false} : vector<3x1280xf32>, vector<3x384xf32>, vector<1280x384xf32> -> vector<1280x384xf32>
      %get3A_72 = arith.constant 0 : index
      %get3A_73 = arith.constant 0 : index
      %get3A_74 = vector.load %arg2[%get3A_72, %get3A_73] : memref<1280x128xf32, #tpu.memory_space<vmem>>, vector<1280x128xf32>
      %get3A_75 = arith.constant 0 : index
      %get3A_76 = arith.constant 0 : index
      %get3A_77 = vector.load %arg4[%get3A_75, %get3A_76] : memref<128x128xf32, #tpu.memory_space<vmem>>, vector<128x128xf32>
      %dot_general3A_78 = arith.constant dense<0.000000e+00> : vector<1280x128xf32>
      %dot_general3A_79 = tpu.matmul %get3A_74, %get3A_77, %dot_general3A_78 {dimension_numbers = #tpu.dot_dimension_numbers<[1], [0], [0], [1], [0, 0, 1, 1], [], []>, transpose_lhs_hint = false} : vector<1280x128xf32>, vector<128x128xf32>, vector<1280x128xf32> -> vector<1280x128xf32>
      %get3A_80 = arith.constant 0 : index
      %get3A_81 = arith.constant 0 : index
      %get3A_82 = vector.load %arg5[%get3A_80, %get3A_81] : memref<1x128xf32, #tpu.memory_space<vmem>>, vector<1x128xf32>
      %add3A_83 = vector.broadcast %get3A_82 : vector<1x128xf32> to vector<1280x128xf32>
      %add3A_84 = arith.addf %dot_general3A_79, %add3A_83 : vector<1280x128xf32>
      %neg3A = arith.constant 0.000000e+00 : f32
      %neg3A_85 = vector.broadcast %neg3A : f32 to vector<1280x128xf32>
      %neg3A_86 = arith.subf %neg3A_85, %add3A_84 : vector<1280x128xf32>
      %exp3A = math.exp %neg3A_86 : vector<1280x128xf32>
      %add3A_87 = arith.constant 1.000000e+00 : f32
      %add3A_88 = vector.broadcast %add3A_87 : f32 to vector<1280x128xf32>
      %add3A_89 = arith.addf %add3A_88, %exp3A : vector<1280x128xf32>
      %div3A_90 = arith.constant 1.000000e+00 : f32
      %div3A_91 = vector.broadcast %div3A_90 : f32 to vector<1280x128xf32>
      %div3A_92 = arith.divf %div3A_91, %add3A_89 : vector<1280x128xf32>
      %mul3A_93 = arith.mulf %add3A_84, %div3A_92 : vector<1280x128xf32>
      %get3A_94 = arith.constant 0 : index
      %get3A_95 = arith.constant 0 : index
      %get3A_96 = vector.load %arg6[%get3A_94, %get3A_95] : memref<128x384xf32, #tpu.memory_space<vmem>>, vector<128x384xf32>
      %dot_general3A_97 = arith.constant dense<0.000000e+00> : vector<1280x384xf32>
      %dot_general3A_98 = tpu.matmul %mul3A_93, %get3A_96, %dot_general3A_97 {dimension_numbers = #tpu.dot_dimension_numbers<[1], [0], [0], [1], [0, 0, 1, 1], [], []>, transpose_lhs_hint = false} : vector<1280x128xf32>, vector<128x384xf32>, vector<1280x384xf32> -> vector<1280x384xf32>
      %get3A_99 = arith.constant 0 : index
      %get3A_100 = arith.constant 0 : index
      %get3A_101 = vector.load %arg7[%get3A_99, %get3A_100] : memref<1x384xf32, #tpu.memory_space<vmem>>, vector<1x384xf32>
      %add3A_102 = vector.broadcast %get3A_101 : vector<1x384xf32> to vector<1280x384xf32>
      %add3A_103 = arith.addf %dot_general3A_98, %add3A_102 : vector<1280x384xf32>
      %mul3A_104 = arith.mulf %add3A_103, %dot_general3A_64 : vector<1280x384xf32>
      %slice3A_105 = vector.extract_strided_slice %mul3A_104 {offsets = [0, 0], sizes = [1280, 128], strides = [1, 1]} : vector<1280x384xf32> to vector<1280x128xf32>
      %slice3A_106 = vector.extract_strided_slice %mul3A_104 {offsets = [0, 128], sizes = [1280, 128], strides = [1, 1]} : vector<1280x384xf32> to vector<1280x128xf32>
      %slice3A_107 = vector.extract_strided_slice %mul3A_104 {offsets = [0, 256], sizes = [1280, 128], strides = [1, 1]} : vector<1280x384xf32> to vector<1280x128xf32>
      %get3A_108 = arith.constant 0 : index
      %get3A_109 = arith.constant 0 : index
      %get3A_110 = vector.load %arg9[%get3A_108, %get3A_109] : memref<128x384xf32, #tpu.memory_space<vmem>>, vector<128x384xf32>
      %dot_general3A_111 = arith.constant dense<0.000000e+00> : vector<1280x384xf32>
      %dot_general3A_112 = tpu.matmul %slice3A_105, %get3A_110, %dot_general3A_111 {dimension_numbers = #tpu.dot_dimension_numbers<[1], [0], [0], [1], [0, 0, 1, 1], [], []>, transpose_lhs_hint = false} : vector<1280x128xf32>, vector<128x384xf32>, vector<1280x384xf32> -> vector<1280x384xf32>
      %get3A_113 = arith.constant 0 : index
      %get3A_114 = arith.constant 0 : index
      %get3A_115 = vector.load %arg9[%get3A_113, %get3A_114] : memref<128x384xf32, #tpu.memory_space<vmem>>, vector<128x384xf32>
      %dot_general3A_116 = arith.constant dense<0.000000e+00> : vector<1280x384xf32>
      %dot_general3A_117 = tpu.matmul %slice3A_107, %get3A_115, %dot_general3A_116 {dimension_numbers = #tpu.dot_dimension_numbers<[1], [0], [0], [1], [0, 0, 1, 1], [], []>, transpose_lhs_hint = false} : vector<1280x128xf32>, vector<128x384xf32>, vector<1280x384xf32> -> vector<1280x384xf32>
      %get3A_118 = arith.constant 0 : index
      %get3A_119 = arith.constant 0 : index
      %get3A_120 = vector.load %arg3[%get3A_118, %get3A_119] : memref<1280x384xf32, #tpu.memory_space<vmem>>, vector<1280x384xf32>
      %mul3A_121 = arith.mulf %get3A_120, %dot_general3A_112 : vector<1280x384xf32>
      %mul3A_122 = arith.mulf %dot_general3A_117, %dot_general3A_71 : vector<1280x384xf32>
      %add3A_123 = arith.addf %mul3A_121, %mul3A_122 : vector<1280x384xf32>
      %slice3A_124 = vector.extract_strided_slice %add3A_123 {offsets = [0, 0], sizes = [1280, 128], strides = [1, 1]} : vector<1280x384xf32> to vector<1280x128xf32>
      %swap3A = arith.constant 0 : index
      %swap3A_125 = arith.constant 0 : index
      %swap3A_126 = arith.constant 0 : index
      %swap3A_127 = vector.load %arg11[%swap3A, %swap3A_125, %swap3A_126] : memref<3x1280x128xf32, #tpu.memory_space<vmem>>, vector<1x1280x128xf32>
      %swap3A_128 = vector.shape_cast %swap3A_127 : vector<1x1280x128xf32> to vector<1280x128xf32>
      %swap3A_129 = vector.shape_cast %slice3A_124 : vector<1280x128xf32> to vector<1x1280x128xf32>
      tpu.vector_store %arg11[%swap3A, %swap3A_125, %swap3A_126], %swap3A_129 {strides = array<i32>} : memref<3x1280x128xf32, #tpu.memory_space<vmem>>, vector<1x1280x128xf32>,
      %slice3A_130 = vector.extract_strided_slice %add3A_123 {offsets = [0, 128], sizes = [1280, 128], strides = [1, 1]} : vector<1280x384xf32> to vector<1280x128xf32>
      %swap3A_131 = arith.constant 1 : index
      %swap3A_132 = arith.constant 0 : index
      %swap3A_133 = arith.constant 0 : index
      %swap3A_134 = vector.load %arg11[%swap3A_131, %swap3A_132, %swap3A_133] : memref<3x1280x128xf32, #tpu.memory_space<vmem>>, vector<1x1280x128xf32>
      %swap3A_135 = vector.shape_cast %swap3A_134 : vector<1x1280x128xf32> to vector<1280x128xf32>
      %swap3A_136 = vector.shape_cast %slice3A_130 : vector<1280x128xf32> to vector<1x1280x128xf32>
      tpu.vector_store %arg11[%swap3A_131, %swap3A_132, %swap3A_133], %swap3A_136 {strides = array<i32>} : memref<3x1280x128xf32, #tpu.memory_space<vmem>>, vector<1x1280x128xf32>,
      %slice3A_137 = vector.extract_strided_slice %add3A_123 {offsets = [0, 256], sizes = [1280, 128], strides = [1, 1]} : vector<1280x384xf32> to vector<1280x128xf32>
      %swap3A_138 = arith.constant 2 : index
      %swap3A_139 = arith.constant 0 : index
      %swap3A_140 = arith.constant 0 : index
      %swap3A_141 = vector.load %arg11[%swap3A_138, %swap3A_139, %swap3A_140] : memref<3x1280x128xf32, #tpu.memory_space<vmem>>, vector<1x1280x128xf32>
      %swap3A_142 = vector.shape_cast %swap3A_141 : vector<1x1280x128xf32> to vector<1280x128xf32>
      %swap3A_143 = vector.shape_cast %slice3A_137 : vector<1280x128xf32> to vector<1x1280x128xf32>
      tpu.vector_store %arg11[%swap3A_138, %swap3A_139, %swap3A_140], %swap3A_143 {strides = array<i32>} : memref<3x1280x128xf32, #tpu.memory_space<vmem>>, vector<1x1280x128xf32>,
      %swap3A_144 = arith.constant 0 : index
      %swap3A_145 = arith.constant 0 : index
      %swap3A_146 = vector.load %arg12[%swap3A_144, %swap3A_145] : memref<1280x128xf32, #tpu.memory_space<vmem>>, vector<1280x128xf32>
      tpu.vector_store %arg12[%swap3A_144, %swap3A_145], %slice3A_106 {strides = array<i32>} : memref<1280x128xf32, #tpu.memory_space<vmem>>, vector<1280x128xf32>,
    } else {
    }
    %add3A_3 = arith.constant 64 : i32
    %add3A_4 = arith.addi %arg0, %add3A_3 : i32
    %ge3A = arith.constant 125 : i32
    %ge3A_5 = arith.cmpi sge, %add3A_4, %ge3A : i32
    %convert_element_type3A_6 = arith.extui %ge3A_5 : i1 to i32
    %cond3A_7 = arith.constant 0 : i32
    %cond3A_8 = arith.cmpi ne, %convert_element_type3A_6, %cond3A_7 : i32
    scf.if %cond3A_8 {
      %broadcast_in_dim3A = arith.constant 0.000000e+00 : f32
      %broadcast_in_dim3A_9 = vector.broadcast %broadcast_in_dim3A : f32 to vector<3x1280x128xf32>
      %swap3A = arith.constant 0 : index
      %swap3A_10 = arith.constant 0 : index
      %swap3A_11 = arith.constant 0 : index
      %swap3A_12 = vector.load %arg11[%swap3A, %swap3A_10, %swap3A_11] : memref<3x1280x128xf32, #tpu.memory_space<vmem>>, vector<3x1280x128xf32>
      tpu.vector_store %arg11[%swap3A, %swap3A_10, %swap3A_11], %broadcast_in_dim3A_9 {strides = array<i32>} : memref<3x1280x128xf32, #tpu.memory_space<vmem>>, vector<3x1280x128xf32>,
      %broadcast_in_dim3A_13 = arith.constant 0.000000e+00 : f32
      %broadcast_in_dim3A_14 = vector.broadcast %broadcast_in_dim3A_13 : f32 to vector<1280x128xf32>
      %swap3A_15 = arith.constant 0 : index
      %swap3A_16 = arith.constant 0 : index
      %swap3A_17 = vector.load %arg12[%swap3A_15, %swap3A_16] : memref<1280x128xf32, #tpu.memory_space<vmem>>, vector<1280x128xf32>
      tpu.vector_store %arg12[%swap3A_15, %swap3A_16], %broadcast_in_dim3A_14 {strides = array<i32>} : memref<1280x128xf32, #tpu.memory_space<vmem>>, vector<1280x128xf32>,
    } else {
    }
    return
  }
  func.func @transform_0(%arg0: i32) -> (i32, i32) {
    %add3A = arith.constant 64 : i32
    %add3A_0 = arith.addi %arg0, %add3A : i32
    %min3A = arith.constant 124 : i32
    %min3A_1 = arith.minsi %add3A_0, %min3A : i32
    %c0_i32 = arith.constant 0 : i32
    %c0_i32_2 = arith.constant 0 : i32
    return %c0_i32, %min3A_1 : i32, i32
  }
  func.func @transform_1(%arg0: i32) -> (i32, i32) {
    %add3A = arith.constant 64 : i32
    %add3A_0 = arith.addi %arg0, %add3A : i32
    %min3A = arith.constant 124 : i32
    %min3A_1 = arith.minsi %add3A_0, %min3A : i32
    %c0_i32 = arith.constant 0 : i32
    %c0_i32_2 = arith.constant 0 : i32
    return %min3A_1, %c0_i32 : i32, i32
  }
  func.func @transform_2(%arg0: i32) -> (i32, i32) {
    %add3A = arith.constant 64 : i32
    %add3A_0 = arith.addi %arg0, %add3A : i32
    %min3A = arith.constant 124 : i32
    %min3A_1 = arith.minsi %add3A_0, %min3A : i32
    %c0_i32 = arith.constant 0 : i32
    %c0_i32_2 = arith.constant 0 : i32
    return %min3A_1, %c0_i32 : i32, i32
  }
  func.func @transform_3(%arg0: i32) -> (i32, i32) {
    %c0_i32 = arith.constant 0 : i32
    %c0_i32_0 = arith.constant 0 : i32
    %c0_i32_1 = arith.constant 0 : i32
    return %c0_i32, %c0_i32_0 : i32, i32
  }
  func.func @transform_4(%arg0: i32) -> (i32, i32) {
    %c0_i32 = arith.constant 0 : i32
    %c0_i32_0 = arith.constant 0 : i32
    %c0_i32_1 = arith.constant 0 : i32
    return %c0_i32, %c0_i32_0 : i32, i32
  }
  func.func @transform_5(%arg0: i32) -> (i32, i32) {
    %c0_i32 = arith.constant 0 : i32
    %c0_i32_0 = arith.constant 0 : i32
    %c0_i32_1 = arith.constant 0 : i32
    return %c0_i32, %c0_i32_0 : i32, i32
  }
  func.func @transform_6(%arg0: i32) -> (i32, i32) {
    %c0_i32 = arith.constant 0 : i32
    %c0_i32_0 = arith.constant 0 : i32
    %c0_i32_1 = arith.constant 0 : i32
    return %c0_i32, %c0_i32_0 : i32, i32
  }
  func.func @transform_7(%arg0: i32) -> (i32, i32) {
    %c0_i32 = arith.constant 0 : i32
    %c0_i32_0 = arith.constant 0 : i32
    %c0_i32_1 = arith.constant 0 : i32
    return %c0_i32, %c0_i32_0 : i32, i32
  }
  func.func @transform_8(%arg0: i32) -> (i32, i32) {
    %c0_i32 = arith.constant 0 : i32
    %c0_i32_0 = arith.constant 0 : i32
    %c0_i32_1 = arith.constant 0 : i32
    return %c0_i32, %c0_i32_0 : i32, i32
  }
  func.func @transform_9(%arg0: i32) -> (i32, i32) {
    %c0_i32 = arith.constant 0 : i32
    %c0_i32_0 = arith.constant 0 : i32
    %c0_i32_1 = arith.constant 0 : i32
    return %c0_i32, %c0_i32_0 : i32, i32
  }
  func.func @transform_10(%arg0: i32) -> (i32, i32, i32) {
    %c0_i32 = arith.constant 0 : i32
    %c0_i32_0 = arith.constant 0 : i32
    %c0_i32_1 = arith.constant 0 : i32
    return %c0_i32, %arg0, %c0_i32_0 : i32, i32, i32
  }
  func.func @transform_11(%arg0: i32) -> (i32, i32) {
    %c0_i32 = arith.constant 0 : i32
    %c0_i32_0 = arith.constant 0 : i32
    return %arg0, %c0_i32 : i32, i32
  }
}

</mosaic_0001>

<sc_bundles>
// kernel: kernel.6.cloned.1.call-start
scs
__scs_entry_jumppad:
0x0: {  	(pc) =	sbr.rel $0x88, $3  }
0x1: {  	(tag) =	ssettag $0x0;
	lr =	simm.s32 $0x1  }
0x2: {  	[smem:$0x3F97] =	sst lr;
	_ =	strace $0xD0000000  }
0x3: {  	_ = 	snop  }
0x4: {  	_ = 	snop  }
0x5: {  	_ = 	snop  }
0x6: {  	_ = 	snop  }
0x7: {  	_ = 	snop  }
__scs_overlays_trampoline_lowered:
0x8: {  	[smem:$0x3FA6] =	sst s0  }
0x9: {  	[smem:$0x3FA7] =	sst s1  }
0xa: {  	[smem:$0x3FA8] =	sst s2  }
0xb: {  	[smem:$0x3FA9] =	sst s3  }
0xc: {  	[smem:$0x3FAA] =	sst s4  }
0xd: {  	[smem:$0x3FAB] =	sst s5  }
0xe: {  	[smem:$0x3FAC] =	sst s6  }
0xf: {  	[smem:$0x3FAD] =	sst s7  }
0x10: {  	[smem:$0x3FAE] =	sst s8  }
0x11: {  	[smem:$0x3FAF] =	sst s9;
	s0 =	simm.s32 @!p0 $0x0  }
0x12: {  	s1 =	sld [smem:$0x3F95];
	s0 =	simm.s32 @p0 $0x1  }
0x13: {  	[smem:$0x3FB0] =	sst s0;
	s0 =	simm.s32 @!p1 $0x0  }
0x14: {  	s2 =	sld [smem:$0x3F94];
	s0 =	simm.s32 @p1 $0x1  }
0x15: {  	[smem:$0x3FB1] =	sst s0;
	s0 =	simm.s32 @!p2 $0x0  }
0x16: {  	s3 =	sld [smem:$0x3FDB];
	s0 =	simm.s32 @p2 $0x1  }
0x17: {  	s4 =	simm.s32 $0x1BF5;
	[smem:$0x3FB3] =	sst s0  }
0x18: {  	s0 =	sld [smem:$0x3F96];
	_ =	swait.ge [sflag:s4], $0x0  }
0x19: {  	s7 =	sld [smem:$0x3F97]  }
0x1a: {  	s8 =	sadd.s32 $0xFFFFE003, lr  }
0x1b: {  	s9 =	sadd.s32 $0xFFFFFEF7, lr;
	s5 =	simm.s32 $0xFFFFFFFF;
	p2 =	slt.u32 s8, $0xFFFFF086  }
0x1c: {  	p1 =	slt.u32 s9, $0xF7A;
	s5 =	simm.s32 @!p2 $0x0  }
0x1d: {  	s5 =	simm.s32 @p1 $0x1;
	p0 =	seq.s32 s7, s2  }
0x1e: {  	s7 =	smul.u32 @!p0 $0xF7A, s2;
	p2 =	seq.s32 @!p0 s5, $0x0  }
0x1f: {  	s9 =	smul.u32 $0xF7A, s1;
	s8 =	simm.s32 @!p0 $0x1BF5;
	p2 =	por !p2, p0  }
0x20: {  	[sflag:s8] =	ssyncset.s32 @!p0 $0xFFFFF086;
	s6 =	sadd.s32 @!p0 s3, s7;
	s7 =	simm.s32 @!p0 $0x108  }
0x21: {  	s3 =	sadd.s32 s3, s9;
	s6 =	sadd.s32 @!p0 $0x88, s6;
	s7 =	simm.s32 @p2 $0x1082  }
0x22: {  	[simem:s7], [sflag:s8] =	dma.local @!p0 [hbm:s6], $0xF7A  }
0x23: {  	s9 =	sor.u32 $0xD0000000, s2;
	s6 =	simm.s32 $0x108;
	_ =	swait.ge @!p0 [sflag:s8], $0x0  }
0x24: {  	s3 =	sadd.s32 $0x88, s3;
	s6 =	simm.s32 @!p1 $0x1082;
	[sflag:s4] =	ssyncset.s32 $0xFFFFF086  }
0x25: {  	[simem:s6], [sflag:s4] =	dma.local [hbm:s3], $0xF7A  }
0x26: {  	[smem:$0x3F97] =	sst s1;
	(tag) =	ssettag s2;
	_ =	strace s9  }
0x27: {  	s1 =	sld [smem:$0x3FA7]  }
0x28: {  	s2 =	sld [smem:$0x3FA8]  }
0x29: {  	s4 =	sld [smem:$0x3FAA]  }
0x2a: {  	p0 =	seq.s32 s5, $0x0;
	s5 =	sld [smem:$0x3FAB]  }
0x2b: {  	s6 =	sld [smem:$0x3FAC]  }
0x2c: {  	s7 =	sld [smem:$0x3FAD]  }
0x2d: {  	s3 =	simm.s32 $0x108;
	s8 =	sld [smem:$0x3FAE]  }
0x2e: {  	s3 =	simm.s32 @!p0 $0x1082;
	s9 =	sld [smem:$0x3FAF]  }
0x2f: {  	lr =	sadd.s32 s0, s3;
	s0 =	sld [smem:$0x3FA6]  }
0x30: {  	s3 =	sld [smem:$0x3FA9]  }
0x31: {  	[smem:$0x3FB2] =	sst s10  }
0x32: {  	s10 =	sld [smem:$0x3FB0];
	_ =	sdelay $0x3  }
0x33: {  	p0 =	seq.s32 s10, $0x1;
	s10 =	sld [smem:$0x3FB2];
	_ =	sdelay $0x3  }
0x34: {  	[smem:$0x3FB2] =	sst s10  }
0x35: {  	s10 =	sld [smem:$0x3FB1];
	_ =	sdelay $0x3  }
0x36: {  	p1 =	seq.s32 s10, $0x1;
	s10 =	sld [smem:$0x3FB2];
	_ =	sdelay $0x3  }
0x37: {  	[smem:$0x3FB2] =	sst s10  }
0x38: {  	s10 =	sld [smem:$0x3FB3]  }
0x39: {  	_ = 	snop;
	(pc) =	sbr.ind lr, $3  }
0x3a: {  	_ = 	snop  }
0x3b: {  	_ = 	snop  }
0x3c: {  	p2 =	seq.s32 s10, $0x1;
	s10 =	sld [smem:$0x3FB2]  }
0x3d: {  	_ =	shalt  }
0x3e: {  	_ =	shalt  }
0x3f: {  	_ =	shalt  }
0x40: {  	_ =	shalt  }
0x41: {  	_ =	shalt  }
0x42: {  	_ =	shalt  }
0x43: {  	_ =	shalt  }
0x44: {  	_ =	shalt  }
0x45: {  	_ =	shalt  }
0x46: {  	_ =	shalt  }
0x47: {  	_ =	shalt  }
0x48: {  	_ =	shalt  }
0x49: {  	_ =	shalt  }
0x4a: {  	_ =	shalt  }
0x4b: {  	_ =	shalt  }
0x4c: {  	_ =	shalt  }
0x4d: {  	_ =	shalt  }
0x4e: {  	_ =	shalt  }
0x4f: {  	_ =	shalt  }
0x50: {  	_ =	shalt  }
0x51: {  	_ =	shalt  }
0x52: {  	_ =	shalt  }
0x53: {  	_ =	shalt  }
0x54: {  	_ =	shalt  }
0x55: {  	_ =	shalt  }
0x56: {  	_ =	shalt  }
0x57: {  	_ =	shalt  }
0x58: {  	_ =	shalt  }
0x59: {  	_ =	shalt  }
0x5a: {  	_ =	shalt  }
0x5b: {  	_ =	shalt  }
0x5c: {  	_ =	shalt  }
0x5d: {  	_ =	shalt  }
0x5e: {  	_ =	shalt  }
0x5f: {  	_ =	shalt  }
0x60: {  	_ =	shalt  }
0x61: {  	_ =	shalt  }
0x62: {  	_ =	shalt  }
0x63: {  	_ =	shalt  }
0x64: {  	_ =	shalt  }
0x65: {  	_ =	shalt  }
0x66: {  	_ =	shalt  }
0x67: {  	_ =	shalt  }
0x68: {  	_ =	shalt  }
0x69: {  	_ =	shalt  }
0x6a: {  	_ =	shalt  }
0x6b: {  	_ =	shalt  }
0x6c: {  	_ =	shalt  }
0x6d: {  	_ =	shalt  }
0x6e: {  	_ =	shalt  }
0x6f: {  	_ =	shalt  }
0x70: {  	_ =	shalt  }
0x71: {  	_ =	shalt  }
0x72: {  	_ =	shalt  }
0x73: {  	_ =	shalt  }
0x74: {  	_ =	shalt  }
0x75: {  	_ =	shalt  }
0x76: {  	_ =	shalt  }
0x77: {  	_ =	shalt  }
0x78: {  	_ =	shalt  }
0x79: {  	_ =	shalt  }
0x7a: {  	_ =	shalt  }
0x7b: {  	_ =	shalt  }
0x7c: {  	_ =	shalt  }
0x7d: {  	_ =	shalt  }
0x7e: {  	_ =	shalt  }
0x7f: {  	_ =	shalt  }
0x80: {  	_ =	shalt  }
0x81: {  	_ =	shalt  }
0x82: {  	_ =	shalt  }
0x83: {  	_ =	shalt  }
0x84: {  	_ =	shalt  }
0x85: {  	_ =	shalt  }
0x86: {  	_ =	shalt  }
0x87: {  	_ =	shalt  }
.Lfunc_end0:
.L_simem_size_0:
called_computation_lowered:
.L_overlay_start_0:
0x88: {  	s2 =	sld [smem:$0x3FD9]  }
0x89: {  	s3 =	sld [smem:$0x3FFE];
	_ =	sdelay $0x1  }
0x8a: {  	s1 =	srdreg.scid  }
0x8b: {  	s0 =	sand.u32 $0x1, s1  }
0x8c: {  	s14 =	sshll.u32 s0, $0xA;
	s2 =	sadd.s32 s3, s2  }
0x8d: {  	s2 =	sadd.s32 s2, s14  }
0x8e: {  	[smem:$0x3FBE] =	sst s2  }
0x8f: {  	_ = 	snop  }
0x90: {  	s2 =	sld [smem:$0x3FD0];
	_ =	sdelay $0x2  }
0x91: {  	s15 =	simm.s32 $0xA;
	s4 =	simm.s32 $0x10  }
0x92: {  	[smem:s4], [sflag:s15] =	dma.local [hbm:s2], $0x1  }
0x93: {  	_ =	swait.eq [sflag:s15], $0x1  }
0x94: {  	[sflag:s15] =	ssyncset.done $0x0  }
0x95: {  	[sflag:s15] =	ssyncadd.s32 $0xFFFFFFFF  }
0x96: {  	s16 =	sld [smem:$0x11];
	(tm) =	ssettm $0x1  }
0x97: {  	s17 =	sld [smem:$0x3FFB];
	_ =	sdelay $0x3  }
0x98: {  	_ =	strace s17  }
0x99: {  	s3 =	sld [smem:$0x3FFC];
	_ =	sdelay $0x3  }
0x9a: {  	_ =	strace s3  }
0x9b: {  	s3 =	sld [smem:$0x3FFD];
	_ =	sdelay $0x3  }
0x9c: {  	_ =	strace s3  }
0x9d: {  	_ =	strace $0x8FFFFFFF  }
0x9e: {  	s18 =	sld [smem:$0x3FDB];
	_ =	sdelay $0x1  }
0x9f: {  	s19 =	simm.s32 $_scs_section_size  }
0xa0: {  	s5 =	simm.s32 $_size__tile_overlayer_lowered;
	s6 =	simm.s32 $_tile_overlayer_lowered  }
0xa1: {  	s22 =	simm.s32 $0x1BFF;
	s21 =	sshll.u32 s6, $0x1;
	s3 =	sadd.s32 s19, s18  }
0xa2: {  	s7 =	simm.s32 $0x0;
	s20 =	sshll.u32 s5, $0x1;
	s5 =	sadd.s32 s21, s3  }
0xa3: {  	[timem:s7], [sflag:s22] =	dma.local [hbm:s5], s20  }
0xa4: {  	_ =	swait.ge [sflag:s22], s20  }
0xa5: {  	s4 =	ssub.s32 $0x0, s20;
	[sflag:s22] =	ssyncset.done $0x0  }
0xa6: {  	[sflag:s22] =	ssyncadd.s32 s4;
	_ =	sdelay $0x1  }
0xa7: {  	s23 =	simm.s32 $0x1B8B  }
0xa8: {  	_ =	swait.ge [sflag:s23], $0x1  }
0xa9: {  	[sflag:s23] =	ssyncset.done $0x0  }
0xaa: {  	s25 =	simm.s32 $0x1B8E;
	s24 =	sld [smem:$0x3FFE];
	[sflag:s23] =	ssyncadd.s32 $0xFFFFFFFF  }
0xab: {  	s26 =	simm.s32 $execute0_lowered;
	[smem:$0x3FD2] =	sst s25  }
0xac: {  	s5 =	sshll.u32 s26, $0x1;
	_ =	strace $0x80000046;
	[dreg:$0x1] =	wrdreg $0xFFFFFFFF  }
0xad: {  	s28 =	simm.s32 $_size_execute0_lowered;
	s3 =	sadd.s32 s3, s5;
	[dreg:$0x0] =	wrdreg $0x0  }
0xae: {  	s5 =	sshll.u32 s28, $0x1;
	[dreg:$0x2] =	wrdreg s3  }
0xaf: {  	[dreg:$0x3] =	wrdreg s5  }
0xb0: {  	[dreg:$0x4] =	wrdreg $0xC0  }
0xb1: {  	_ =	task [dreg:s7], $0x5FFFF  }
0xb2: {  	[dreg:$0x1] =	wrdreg $0xFFFFFFFF  }
0xb3: {  	[dreg:$0x0] =	wrdreg $0x60  }
0xb4: {  	[dreg:$0x2] =	wrdreg s24  }
0xb5: {  	[dreg:$0x3] =	wrdreg s16  }
0xb6: {  	[dreg:$0x4] =	wrdreg $0x81000  }
0xb7: {  	[dreg:$0x5] =	wrdreg $0x9  }
0xb8: {  	_ =	task.clear_ibuf [dreg:s7], $0x6FFFF;
	_ =	strace $0x90000046  }
0xb9: {  	s29 =	simm.s32 $0x9;
	_ =	strace $0x80000048  }
0xba: {  	_ =	swait.ge [sflag:s29], $0x1  }
0xbb: {  	[sflag:s29] =	ssyncadd.s32 $0xFFFFFFFF  }
0xbc: {  	_ =	strace $0x90000048  }
0xbd: {  	_ =	sfence  }
0xbe: {  	s30 =	sld [smem:$0x0];
	_ =	sdelay $0x2  }
0xbf: {  	s31 =	sshll.u32 s1, $0xD;
	s1 =	sshrl.u32 s1, $0x2  }
0xc0: {  	s3 =	sand.u32 $0x4000, s31;
	s1 =	sadd.s32 s1, s30  }
0xc1: {  	s0 =	sor.u32 s3, s0;
	s1 =	sshll.u32 s1, $0x11  }
0xc2: {  	s0 =	sor.u32 s1, s0  }
0xc3: {  	s0 =	sadd.s32 $0x8F2B, s0  }
0xc4: {  	[sflag:s0] =	ssyncadd.remote.s32 $0x1  }
0xc5: {  	_ =	sfence.sel $0xFFFF  }
0xc6: {  	[dreg:$0x0] =	wrdreg $0xFFFFFFFF;
	(pc) =	sbr.abs _section_cstart, $3  }
0xc7: {  	[dreg:$0x1] =	wrdreg $0xFFFFFFFF  }
0xc8: {  	_ =	task.clear_ibuf [dreg:s7], $0x2FFFF;
	_ =	strace $0x9FFFFFFF  }
0xc9: {  	(tm) =	ssettm $0x7FFFFFFF  }
tec
execute0_lowered:
.L_overlay_start_1:
0x0: {  	(tag) =	ssettag $0x1  }
0x1: {  	s0 =	rddreg [dreg:$0x0]  }
0x2: {  	s29 =	rddreg [dreg:$0x1]  }
0x3: {  	s2 =	rddreg [dreg:$0x2];
	s1 =	stileid.u32  }
0x4: {  	s4 =	simm.s32 $0x0;
	s5 =	sadd.s32 $0x75A400, s0;
	s8 =	smul.u32 $0x2700, s1  }
0x5: {  	s3 =	srdreg.scid;
	s6 =	sadd.s32 $0xB1A400, s0;
	s10 =	smul.u32 $0x4E000, s1  }
0x6: {  	s28 =	simm.s32 $0x0;
	s7 =	sadd.s32 $0x755400, s0;
	s13 =	smul.u32 $0x1400, s1  }
0x7: {  	[smem:$0x7FF] =	sst s4;
	s12 =	sadd.s32 $0xC5A400, s0;
	s23 =	smul.u32 $0x7500, s1  }
0x8: {  	s15 =	smul.u32 $0x3A800, s1;
	s16 =	sadd.s32 $0x138000, s2;
	s25 =	sadd.s32 $0xCCF400, s0  }
0x9: {  	s3 =	sand.u32 $0x1, s3;
	s17 =	sadd.s32 $0xCCF480, s0;
	s30 =	sadd.s32 $0xCCF500, s0  }
0xa: {  	s18 =	sshll.u32 s1, $0x6;
	_ =	strace $0x80000047;
	[dreg:$0x5] =	wrdreg s16  }
0xb: {  	s19 =	smul.u32 $0x280, s1;
	p1 =	sne.s32 s1, $0xF;
	[dreg:$0x9] =	wrdreg s25  }
0xc: {  	s9 =	ssub.s32 $0x2, s3;
	p0 =	seq.s32 s3, $0x1;
	[dreg:$0xa] =	wrdreg s17  }
0xd: {  	s17 =	sadd.s32 $0x9DA400, s0;
	[dreg:$0xc] =	wrdreg s30;
	s11 =	sshrl.u32 s9, $0x1  }
0xe: {  	s8 =	sadd.s32 s8, s0;
	s22 =	sshrl.u32 s10, $0x2;
	s24 =	sshrl.u32 s13, $0x3  }
0xf: {  	s26 =	sshrl.u32 s15, $0x3;
	s15 =	sadd.s32 $0x89A400, s0;
	s0 =	sadd.s32 $0xCF6800, s0  }
0x10: {  	s10 =	sadd.s32 s12, s23;
	s23 =	sor.u32 $0x1C03, s18;
	[dreg:$0xe] =	wrdreg s0  }
0x11: {  	s3 =	sadd.s32 s12, s26;
	s12 =	sadd.s32 $0xCCF800, s8;
	[dreg:$0x8] =	wrdreg s10  }
0x12: {  	s25 =	sadd.s32 s19, s7;
	s21 =	sadd.s32 $0x80, s10;
	[dreg:$0xd] =	wrdreg s12  }
0x13: {  	s18 =	simm.s32 $0x80;
	s31 =	sadd.s32 s7, s24;
	[dreg:$0x10] =	wrdreg s21  }
0x14: {  	s14 =	ssub.s32 s9, s11;
	s3 =	sadd.s32 $0x100, s3;
	[dreg:$0x6] =	wrdreg s31  }
0x15: {  	s11 =	smul.u32 $0x14000, s1;
	s20 =	smax.u32 s14, $0x1;
	[dreg:$0xb] =	wrdreg s3  }
0x16: {  	s19 =	simm.s32 $0x2;
	s9 =	sadd.s32 s22, s2;
	[dreg:$0xf] =	wrdreg s20  }
0x17: {  	s24 =	sor.u32 $0x100, s13;
	s22 =	sadd.s32 s6, s11;
	[dreg:$0x4] =	wrdreg s11  }
.Ltmp0:
0x18: {  	s16 =	sadd.s32 s5, s11;
	[dreg:$0x11] =	wrdreg s22;
	(pc) =	sbr.rel .LBB2_1-.Ltmp0, $4  }
0x19: {  	s21 =	simm.s32 $0x4000;
	s26 =	sor.u32 $0x800, s11;
	[dreg:$0x7] =	wrdreg s16  }
0x1a: {  	s14 =	simm.s32 $0x1;
	s30 =	sadd.s32 $0x800, s16;
	[dreg:$0x12] =	wrdreg s26  }
0x1b: {  	s3 =	simm.s32 $0x8000;
	s0 =	sadd.s32 s6, s26;
	[dreg:$0x13] =	wrdreg s30  }
0x1c: {  	s16 =	simm.s32 $0x8080;
	[dreg:$0x14] =	wrdreg s0;
	s0 =	simm.s32 $0x3  }
.LBB2_14:
0x1d: {  	_ =	swait.ge [sflag:s0], $0x100  }
0x1e: {  	[sflag:s0] =	ssyncset.done $0x0  }
0x1f: {  	[sflag:s0] =	ssyncadd.s32 $0xFFFFFF00  }
.LBB2_15:
0x20: {  	s28 =	sadd.s32 $0x1, s28;
	s1 =	rddreg [dreg:$0xf]  }
0x21: {  	p2 =	sne.s32 s28, s1  }
.Ltmp1:
0x22: {  	_ = 	snop;
	(pc) =	sbr.rel @!p2 .LBB2_16-.Ltmp1, $2  }
0x23: {  	_ =	sdelay $0x1  }
0x24: {  	[bflag:$0x0] =	sbarrier.arrive $0xFFFF;
	_ =	sdelay $0x1  }
.LBB2_1:
.Ltmp2:
0x25: {  	s12 =	sshrl.u32 s9, $0x3;
	(pc) =	sbr.rel @!p0 .LBB2_2-.Ltmp2, $4  }
0x26: {  	[spmem:s12], [sflag:s23] =	dma.local [hbm:s29], $0x2700  }
0x27: {  	_ =	swait.ge [sflag:s0], $0x2700  }
0x28: {  	s26 =	sshrl.u32 @p1 s9, $0x3;
	[sflag:s0] =	ssyncset.done $0x0;
	s1 =	rddreg [dreg:$0x5]  }
0x29: {  	s20 =	sshrl.u32 @!p1 s9, $0x3;
	[sflag:s0] =	ssyncadd.s32 $0xFFFFD900;
	s13 =	sshrl.u32 @!p1 s1, $0x3  }
0x2a: {  	[spmem:s13], [sflag:s23] =	dma.local @!p1 [hbm:s29], $0x100  }
0x2b: {  	s1 =	simm.s32 @!p1 $0x3  }
0x2c: {  	_ =	swait.ge @!p1 [sflag:s1], $0x100  }
0x2d: {  	[sflag:s1] =	ssyncset.done @!p1 $0x0  }
0x2e: {  	[sflag:s1] =	ssyncadd.s32 @!p1 $0xFFFFFF00  }
0x2f: {  	[bflag:$0x0] =	sbarrier.arrive $0xFFFF  }
0x30: {  	[tilespmem:s3], [sflag:$0x1] =	stream.linear.gather [hbm4b:s31+s4], $0x80, $0x38;
	[tilespmem:$0x1B980] =	vst v63  }
0x31: {  	s10 =	rddreg [dreg:$0x4]  }
0x32: {  	s1 =	sadd.s32 s10, s17  }
0x33: {  	[tilespmem:s4], [sflag:$0x1] =	stream.linear.gather [hbm4b:s1+s4], $0x4000, $0x38;
	[tilespmem:$0x1B980] =	vst v63  }
0x34: {  	s11 =	sadd.s32 $0x10, s25;
	s22 =	rddreg [dreg:$0x12]  }
0x35: {  	[tilespmem:s16], [sflag:$0x2] =	stream.linear.gather [hbm4b:s11+s4], $0x80, $0x38;
	[tilespmem:$0x1B980] =	vst v63  }
0x36: {  	s1 =	sadd.s32 s17, s22  }
0x37: {  	[tilespmem:s21], [sflag:$0x2] =	stream.linear.gather [hbm4b:s1+s4], $0x4000, $0x38;
	[tilespmem:$0x1B980] =	vst v63  }
0x38: {  	_ =	swait.ge [sflag:s14], $0x80  }
0x39: {  	[sflag:s14] =	ssyncset.done $0x0  }
0x3a: {  	[sflag:s14] =	ssyncadd.s32 $0xFFFFFF80  }
0x3b: {  	_ =	swait.ge [sflag:s14], $0x4000  }
0x3c: {  	[sflag:s14] =	ssyncset.done $0x0  }
0x3d: {  	p2 =	slt.s32 s24, $0x13F80;
	s8 =	smov.u32 s24;
	[sflag:s14] =	ssyncadd.s32 $0xFFFFC000  }
0x3e: {  	[spmem:s2] =	stream.indirect.scatter.add.f32 [tilespmem:s4], [sflag:$0x3], $0x80, s3, s18, $0xb8;
	[tilespmem:$0x1B980] =	vst v63  }
0x3f: {  	s8 =	simm.s32 @!p2 $0x13F80;
	_ =	swait.ge [sflag:s0], $0x4000  }
0x40: {  	s10 =	sshrl.u32 s8, $0x3;
	[sflag:s0] =	ssyncset.done $0x0  }
0x41: {  	s22 =	sshll.u32 s8, $0x4;
	s30 =	sadd.s32 s7, s10;
	[sflag:s0] =	ssyncadd.s32 $0xFFFFC000  }
0x42: {  	[tilespmem:s3], [sflag:$0x1] =	stream.linear.gather [hbm4b:s30+s4], $0x80, $0x38;
	[tilespmem:$0x1B980] =	vst v63  }
0x43: {  	s8 =	sadd.s32 s17, s22  }
0x44: {  	[tilespmem:s4], [sflag:$0x1] =	stream.linear.gather [hbm4b:s8+s4], $0x4000, $0x38;
	[tilespmem:$0x1B980] =	vst v63  }
0x45: {  	_ =	swait.ge [sflag:s19], $0x80  }
0x46: {  	[sflag:s19] =	ssyncset.done $0x0  }
0x47: {  	[sflag:s19] =	ssyncadd.s32 $0xFFFFFF80  }
0x48: {  	_ =	swait.ge [sflag:s19], $0x4000  }
0x49: {  	[sflag:s19] =	ssyncset.done $0x0  }
0x4a: {  	[sflag:s19] =	ssyncadd.s32 $0xFFFFC000  }
0x4b: {  	[spmem:s2] =	stream.indirect.scatter.add.f32 [tilespmem:s21], [sflag:$0x3], $0x80, s16, s18, $0xb8;
	[tilespmem:$0x1B980] =	vst v63  }
0x4c: {  	s29 =	simm.s32 $0x30;
	s31 =	sadd.s32 $0x100, s24;
	_ =	swait.ge [sflag:s0], $0x4000  }
0x4d: {  	s10 =	simm.s32 $0x50;
	s8 =	sadd.s32 $0x1000, s1;
	[sflag:s0] =	ssyncset.done $0x0  }
.LBB2_9:
0x4e: {  	s1 =	sadd.s32 s29, s25  }
0x4f: {  	[sflag:s0] =	ssyncadd.s32 $0xFFFFC000;
	s29 =	smov.u32 s10;
	s11 =	sadd.s32 $0x20, s10  }
0x50: {  	[tilespmem:s16], [sflag:$0x2] =	stream.linear.gather [hbm4b:s1+s4], $0x80, $0x38;
	[tilespmem:$0x1B980] =	vst v63  }
0x51: {  	p2 =	sne.s32 s10, $0x270  }
0x52: {  	[tilespmem:s21], [sflag:$0x2] =	stream.linear.gather [hbm4b:s8+s4], $0x4000, $0x38;
	[tilespmem:$0x1B980] =	vst v63  }
0x53: {  	_ =	swait.ge [sflag:s14], $0x80  }
0x54: {  	[sflag:s14] =	ssyncset.done $0x0  }
0x55: {  	[sflag:s14] =	ssyncadd.s32 $0xFFFFFF80  }
0x56: {  	_ =	swait.ge [sflag:s14], $0x4000  }
0x57: {  	[sflag:s14] =	ssyncset.done $0x0  }
0x58: {  	p3 =	slt.s32 s31, $0x13F80;
	s1 =	smov.u32 s31;
	[sflag:s14] =	ssyncadd.s32 $0xFFFFC000  }
0x59: {  	[spmem:s2] =	stream.indirect.scatter.add.f32 [tilespmem:s4], [sflag:$0x3], $0x80, s3, s18, $0xb8;
	[tilespmem:$0x1B980] =	vst v63  }
0x5a: {  	s1 =	simm.s32 @!p3 $0x13F80;
	_ =	swait.ge [sflag:s0], $0x4000  }
0x5b: {  	s10 =	sshrl.u32 s1, $0x3;
	s1 =	sshll.u32 s1, $0x4;
	[sflag:s0] =	ssyncset.done $0x0  }
0x5c: {  	s10 =	sadd.s32 s7, s10;
	[sflag:s0] =	ssyncadd.s32 $0xFFFFC000  }
0x5d: {  	[tilespmem:s3], [sflag:$0x1] =	stream.linear.gather [hbm4b:s10+s4], $0x80, $0x38;
	[tilespmem:$0x1B980] =	vst v63  }
0x5e: {  	s1 =	sadd.s32 s17, s1  }
0x5f: {  	[tilespmem:s4], [sflag:$0x1] =	stream.linear.gather [hbm4b:s1+s4], $0x4000, $0x38;
	[tilespmem:$0x1B980] =	vst v63  }
0x60: {  	_ =	swait.ge [sflag:s19], $0x80  }
0x61: {  	[sflag:s19] =	ssyncset.done $0x0  }
0x62: {  	[sflag:s19] =	ssyncadd.s32 $0xFFFFFF80  }
0x63: {  	_ =	swait.ge [sflag:s19], $0x4000  }
.Ltmp3:
0x64: {  	[sflag:s19] =	ssyncset.done $0x0;
	(pc) =	sbr.rel @p2 .LBB2_9-.Ltmp3, $4  }
0x65: {  	[sflag:s19] =	ssyncadd.s32 $0xFFFFC000  }
0x66: {  	[spmem:s2] =	stream.indirect.scatter.add.f32 [tilespmem:s21], [sflag:$0x3], $0x80, s16, s18, $0xb8;
	[tilespmem:$0x1B980] =	vst v63  }
0x67: {  	s31 =	sadd.s32 $0x100, s31;
	_ =	swait.ge [sflag:s0], $0x4000  }
0x68: {  	s8 =	sadd.s32 $0x1000, s8;
	s10 =	smov.u32 s11;
	[sflag:s0] =	ssyncset.done $0x0  }
0x69: {  	s1 =	sadd.s32 s29, s25;
	[sflag:s0] =	ssyncadd.s32 $0xFFFFC000  }
0x6a: {  	[tilespmem:s16], [sflag:$0x2] =	stream.linear.gather [hbm4b:s1+s4], $0x80, $0x38;
	[tilespmem:$0x1B980] =	vst v63  }
0x6b: {  	_ = 	snop  }
0x6c: {  	[tilespmem:s21], [sflag:$0x2] =	stream.linear.gather [hbm4b:s8+s4], $0x4000, $0x38;
	[tilespmem:$0x1B980] =	vst v63  }
0x6d: {  	_ =	swait.ge [sflag:s14], $0x80  }
0x6e: {  	[sflag:s14] =	ssyncset.done $0x0  }
0x6f: {  	[sflag:s14] =	ssyncadd.s32 $0xFFFFFF80  }
0x70: {  	_ =	swait.ge [sflag:s14], $0x4000  }
0x71: {  	[sflag:s14] =	ssyncset.done $0x0  }
0x72: {  	p2 =	slt.s32 s31, $0x13F80;
	[sflag:s14] =	ssyncadd.s32 $0xFFFFC000  }
0x73: {  	[spmem:s2] =	stream.indirect.scatter.add.f32 [tilespmem:s4], [sflag:$0x3], $0x80, s3, s18, $0xb8;
	[tilespmem:$0x1B980] =	vst v63  }
0x74: {  	s31 =	simm.s32 @!p2 $0x13F80;
	_ =	swait.ge [sflag:s0], $0x4000  }
0x75: {  	s8 =	sshrl.u32 s31, $0x3;
	[sflag:s0] =	ssyncset.done $0x0  }
0x76: {  	s10 =	sshll.u32 s31, $0x4;
	s1 =	sadd.s32 s7, s8;
	[sflag:s0] =	ssyncadd.s32 $0xFFFFC000  }
0x77: {  	[tilespmem:s3], [sflag:$0x1] =	stream.linear.gather [hbm4b:s1+s4], $0x80, $0x38;
	[tilespmem:$0x1B980] =	vst v63  }
0x78: {  	s11 =	sadd.s32 s17, s10  }
0x79: {  	[tilespmem:s4], [sflag:$0x1] =	stream.linear.gather [hbm4b:s11+s4], $0x4000, $0x38;
	[tilespmem:$0x1B980] =	vst v63  }
0x7a: {  	_ =	swait.ge [sflag:s19], $0x80  }
0x7b: {  	[sflag:s19] =	ssyncset.done $0x0  }
0x7c: {  	[sflag:s19] =	ssyncadd.s32 $0xFFFFFF80  }
0x7d: {  	_ =	swait.ge [sflag:s19], $0x4000  }
0x7e: {  	[sflag:s19] =	ssyncset.done $0x0  }
0x7f: {  	[sflag:s19] =	ssyncadd.s32 $0xFFFFC000  }
0x80: {  	[spmem:s2] =	stream.indirect.scatter.add.f32 [tilespmem:s21], [sflag:$0x3], $0x80, s16, s18, $0xb8;
	[tilespmem:$0x1B980] =	vst v63  }
0x81: {  	_ =	swait.ge [sflag:s0], $0x4000  }
0x82: {  	[sflag:s0] =	ssyncset.done $0x0  }
0x83: {  	[sflag:s0] =	ssyncadd.s32 $0xFFFFC000  }
0x84: {  	_ =	swait.ge [sflag:s14], $0x80  }
0x85: {  	[sflag:s14] =	ssyncset.done $0x0  }
0x86: {  	[sflag:s14] =	ssyncadd.s32 $0xFFFFFF80  }
0x87: {  	_ =	swait.ge [sflag:s14], $0x4000  }
0x88: {  	[sflag:s14] =	ssyncset.done $0x0  }
0x89: {  	[sflag:s14] =	ssyncadd.s32 $0xFFFFC000  }
0x8a: {  	[bflag:$0x0] =	sbarrier.arrive $0xFFFF  }
0x8b: {  	s10 =	simm.s32 $0x180;
	s11 =	simm.s32 $0x8;
	s8 =	rddreg [dreg:$0xb]  }
0x8c: {  	[hbm:s8@s10], [sflag:s23] =	dma.strided [spmem:s12@s18], $0x2700, s11, $0x10   }
0x8d: {  	_ =	swait.ge [sflag:s0], $0x2700  }
0x8e: {  	[sflag:s0] =	ssyncset.done $0x0  }
0x8f: {  	[sflag:s0] =	ssyncadd.s32 $0xFFFFD900  }
0x90: {  	[bflag:$0x0] =	sbarrier.arrive @p1 $0xFFFF  }
0x91: {  	s1 =	simm.s32 @p1 $0x3;
	s29 =	rddreg [dreg:$0x1]  }
0x92: {  	[spmem:s26], [sflag:s23] =	dma.local @p1 [hbm:s29], $0x2700  }
0x93: {  	_ =	swait.ge @p1 [sflag:s1], $0x2700  }
0x94: {  	s8 =	simm.s32 @!p1 $0x180;
	s10 =	simm.s32 @!p1 $0x80;
	[sflag:s1] =	ssyncset.done @p1 $0x0  }
0x95: {  	s11 =	rddreg [dreg:$0xc];
	[sflag:s1] =	ssyncadd.s32 @p1 $0xFFFFD900;
	s1 =	simm.s32 @!p1 $0x8  }
0x96: {  	[hbm:s11@s8], [sflag:s23] =	dma.strided @!p1 [spmem:s13@s10], $0x100, s1, $0x10   }
0x97: {  	s1 =	simm.s32 @!p1 $0x3  }
0x98: {  	_ =	swait.ge @!p1 [sflag:s1], $0x100  }
0x99: {  	[sflag:s1] =	ssyncset.done @!p1 $0x0  }
0x9a: {  	[sflag:s1] =	ssyncadd.s32 @!p1 $0xFFFFFF00  }
0x9b: {  	[bflag:$0x0] =	sbarrier.arrive @!p1 $0xFFFF  }
0x9c: {  	[spmem:s20], [sflag:s23] =	dma.local @!p1 [hbm:s29], $0x2700  }
0x9d: {  	_ =	swait.ge @!p1 [sflag:s1], $0x2700  }
0x9e: {  	[sflag:s1] =	ssyncset.done @!p1 $0x0  }
0x9f: {  	[sflag:s1] =	ssyncadd.s32 @!p1 $0xFFFFD900  }
0xa0: {  	[spmem:s13], [sflag:s23] =	dma.local @!p1 [hbm:s29], $0x100  }
0xa1: {  	_ =	swait.ge @!p1 [sflag:s1], $0x100  }
0xa2: {  	[sflag:s1] =	ssyncset.done @!p1 $0x0  }
0xa3: {  	[sflag:s1] =	ssyncadd.s32 @!p1 $0xFFFFFF00  }
0xa4: {  	[bflag:$0x0] =	sbarrier.arrive $0xFFFF  }
0xa5: {  	s31 =	rddreg [dreg:$0x6]  }
0xa6: {  	[tilespmem:s3], [sflag:$0x1] =	stream.linear.gather [hbm4b:s31+s4], $0x80, $0x38;
	[tilespmem:$0x1B980] =	vst v63  }
0xa7: {  	s13 =	rddreg [dreg:$0x11]  }
0xa8: {  	[tilespmem:s4], [sflag:$0x1] =	stream.linear.gather [hbm4b:s13+s4], $0x4000, $0x38;
	[tilespmem:$0x1B980] =	vst v63  }
0xa9: {  	s20 =	sadd.s32 $0x10, s25  }
0xaa: {  	[tilespmem:s16], [sflag:$0x2] =	stream.linear.gather [hbm4b:s20+s4], $0x80, $0x38;
	[tilespmem:$0x1B980] =	vst v63  }
0xab: {  	s26 =	rddreg [dreg:$0x14]  }
0xac: {  	[tilespmem:s21], [sflag:$0x2] =	stream.linear.gather [hbm4b:s26+s4], $0x4000, $0x38;
	[tilespmem:$0x1B980] =	vst v63  }
0xad: {  	_ =	swait.ge [sflag:s14], $0x80  }
0xae: {  	[sflag:s14] =	ssyncset.done $0x0  }
0xaf: {  	[sflag:s14] =	ssyncadd.s32 $0xFFFFFF80  }
0xb0: {  	_ =	swait.ge [sflag:s14], $0x4000  }
0xb1: {  	[sflag:s14] =	ssyncset.done $0x0  }
0xb2: {  	[sflag:s14] =	ssyncadd.s32 $0xFFFFC000  }
0xb3: {  	[spmem:s2] =	stream.indirect.scatter.add.f32 [tilespmem:s4], [sflag:$0x3], $0x80, s3, s18, $0xb8;
	[tilespmem:$0x1B980] =	vst v63  }
0xb4: {  	_ =	swait.ge [sflag:s0], $0x4000  }
0xb5: {  	[sflag:s0] =	ssyncset.done $0x0  }
0xb6: {  	[sflag:s0] =	ssyncadd.s32 $0xFFFFC000  }
0xb7: {  	[tilespmem:s3], [sflag:$0x1] =	stream.linear.gather [hbm4b:s30+s4], $0x80, $0x38;
	[tilespmem:$0x1B980] =	vst v63  }
0xb8: {  	s30 =	sadd.s32 s6, s22  }
0xb9: {  	[tilespmem:s4], [sflag:$0x1] =	stream.linear.gather [hbm4b:s30+s4], $0x4000, $0x38;
	[tilespmem:$0x1B980] =	vst v63  }
0xba: {  	_ =	swait.ge [sflag:s19], $0x80  }
0xbb: {  	[sflag:s19] =	ssyncset.done $0x0  }
0xbc: {  	[sflag:s19] =	ssyncadd.s32 $0xFFFFFF80  }
0xbd: {  	_ =	swait.ge [sflag:s19], $0x4000  }
0xbe: {  	[sflag:s19] =	ssyncset.done $0x0  }
0xbf: {  	[sflag:s19] =	ssyncadd.s32 $0xFFFFC000  }
0xc0: {  	[spmem:s2] =	stream.indirect.scatter.add.f32 [tilespmem:s21], [sflag:$0x3], $0x80, s16, s18, $0xb8;
	[tilespmem:$0x1B980] =	vst v63  }
0xc1: {  	s10 =	simm.s32 $0x50;
	s8 =	sadd.s32 $0x1000, s26;
	_ =	swait.ge [sflag:s0], $0x4000  }
0xc2: {  	s13 =	sadd.s32 $0x100, s24;
	s20 =	simm.s32 $0x30;
	[sflag:s0] =	ssyncset.done $0x0  }
.LBB2_11:
0xc3: {  	s1 =	sadd.s32 s20, s25  }
0xc4: {  	[sflag:s0] =	ssyncadd.s32 $0xFFFFC000;
	s20 =	smov.u32 s10;
	s11 =	sadd.s32 $0x20, s10  }
0xc5: {  	[tilespmem:s16], [sflag:$0x2] =	stream.linear.gather [hbm4b:s1+s4], $0x80, $0x38;
	[tilespmem:$0x1B980] =	vst v63  }
0xc6: {  	p2 =	sne.s32 s10, $0x270  }
0xc7: {  	[tilespmem:s21], [sflag:$0x2] =	stream.linear.gather [hbm4b:s8+s4], $0x4000, $0x38;
	[tilespmem:$0x1B980] =	vst v63  }
0xc8: {  	_ =	swait.ge [sflag:s14], $0x80  }
0xc9: {  	[sflag:s14] =	ssyncset.done $0x0  }
0xca: {  	[sflag:s14] =	ssyncadd.s32 $0xFFFFFF80  }
0xcb: {  	_ =	swait.ge [sflag:s14], $0x4000  }
0xcc: {  	[sflag:s14] =	ssyncset.done $0x0  }
0xcd: {  	p3 =	slt.s32 s13, $0x13F80;
	s1 =	smov.u32 s13;
	[sflag:s14] =	ssyncadd.s32 $0xFFFFC000  }
0xce: {  	[spmem:s2] =	stream.indirect.scatter.add.f32 [tilespmem:s4], [sflag:$0x3], $0x80, s3, s18, $0xb8;
	[tilespmem:$0x1B980] =	vst v63  }
0xcf: {  	s1 =	simm.s32 @!p3 $0x13F80;
	_ =	swait.ge [sflag:s0], $0x4000  }
0xd0: {  	s10 =	sshrl.u32 s1, $0x3;
	s1 =	sshll.u32 s1, $0x4;
	[sflag:s0] =	ssyncset.done $0x0  }
0xd1: {  	s10 =	sadd.s32 s7, s10;
	[sflag:s0] =	ssyncadd.s32 $0xFFFFC000  }
0xd2: {  	[tilespmem:s3], [sflag:$0x1] =	stream.linear.gather [hbm4b:s10+s4], $0x80, $0x38;
	[tilespmem:$0x1B980] =	vst v63  }
0xd3: {  	s1 =	sadd.s32 s6, s1  }
0xd4: {  	[tilespmem:s4], [sflag:$0x1] =	stream.linear.gather [hbm4b:s1+s4], $0x4000, $0x38;
	[tilespmem:$0x1B980] =	vst v63  }
0xd5: {  	_ =	swait.ge [sflag:s19], $0x80  }
0xd6: {  	[sflag:s19] =	ssyncset.done $0x0  }
0xd7: {  	[sflag:s19] =	ssyncadd.s32 $0xFFFFFF80  }
0xd8: {  	_ =	swait.ge [sflag:s19], $0x4000  }
.Ltmp4:
0xd9: {  	[sflag:s19] =	ssyncset.done $0x0;
	(pc) =	sbr.rel @p2 .LBB2_11-.Ltmp4, $4  }
0xda: {  	[sflag:s19] =	ssyncadd.s32 $0xFFFFC000  }
0xdb: {  	[spmem:s2] =	stream.indirect.scatter.add.f32 [tilespmem:s21], [sflag:$0x3], $0x80, s16, s18, $0xb8;
	[tilespmem:$0x1B980] =	vst v63  }
0xdc: {  	s13 =	sadd.s32 $0x100, s13;
	_ =	swait.ge [sflag:s0], $0x4000  }
0xdd: {  	s8 =	sadd.s32 $0x1000, s8;
	s10 =	smov.u32 s11;
	[sflag:s0] =	ssyncset.done $0x0  }
0xde: {  	s1 =	sadd.s32 s20, s25;
	[sflag:s0] =	ssyncadd.s32 $0xFFFFC000  }
0xdf: {  	[tilespmem:s16], [sflag:$0x2] =	stream.linear.gather [hbm4b:s1+s4], $0x80, $0x38;
	[tilespmem:$0x1B980] =	vst v63  }
0xe0: {  	_ = 	snop  }
0xe1: {  	[tilespmem:s21], [sflag:$0x2] =	stream.linear.gather [hbm4b:s8+s4], $0x4000, $0x38;
	[tilespmem:$0x1B980] =	vst v63  }
0xe2: {  	_ =	swait.ge [sflag:s14], $0x80  }
0xe3: {  	[sflag:s14] =	ssyncset.done $0x0  }
0xe4: {  	[sflag:s14] =	ssyncadd.s32 $0xFFFFFF80  }
0xe5: {  	_ =	swait.ge [sflag:s14], $0x4000  }
0xe6: {  	[sflag:s14] =	ssyncset.done $0x0  }
0xe7: {  	p2 =	slt.s32 s13, $0x13F80;
	[sflag:s14] =	ssyncadd.s32 $0xFFFFC000  }
0xe8: {  	[spmem:s2] =	stream.indirect.scatter.add.f32 [tilespmem:s4], [sflag:$0x3], $0x80, s3, s18, $0xb8;
	[tilespmem:$0x1B980] =	vst v63  }
0xe9: {  	s13 =	simm.s32 @!p2 $0x13F80;
	_ =	swait.ge [sflag:s0], $0x4000  }
0xea: {  	s20 =	sshrl.u32 s13, $0x3;
	[sflag:s0] =	ssyncset.done $0x0  }
0xeb: {  	s22 =	sshll.u32 s13, $0x4;
	s1 =	sadd.s32 s7, s20;
	[sflag:s0] =	ssyncadd.s32 $0xFFFFC000  }
0xec: {  	[tilespmem:s3], [sflag:$0x1] =	stream.linear.gather [hbm4b:s1+s4], $0x80, $0x38;
	[tilespmem:$0x1B980] =	vst v63  }
0xed: {  	s26 =	sadd.s32 s6, s22  }
0xee: {  	[tilespmem:s4], [sflag:$0x1] =	stream.linear.gather [hbm4b:s26+s4], $0x4000, $0x38;
	[tilespmem:$0x1B980] =	vst v63  }
0xef: {  	_ =	swait.ge [sflag:s19], $0x80  }
0xf0: {  	[sflag:s19] =	ssyncset.done $0x0  }
0xf1: {  	[sflag:s19] =	ssyncadd.s32 $0xFFFFFF80  }
0xf2: {  	_ =	swait.ge [sflag:s19], $0x4000  }
0xf3: {  	[sflag:s19] =	ssyncset.done $0x0  }
0xf4: {  	[sflag:s19] =	ssyncadd.s32 $0xFFFFC000  }
0xf5: {  	[spmem:s2] =	stream.indirect.scatter.add.f32 [tilespmem:s21], [sflag:$0x3], $0x80, s16, s18, $0xb8;
	[tilespmem:$0x1B980] =	vst v63  }
0xf6: {  	_ =	swait.ge [sflag:s0], $0x4000  }
0xf7: {  	[sflag:s0] =	ssyncset.done $0x0  }
0xf8: {  	[sflag:s0] =	ssyncadd.s32 $0xFFFFC000  }
0xf9: {  	_ =	swait.ge [sflag:s14], $0x80  }
0xfa: {  	[sflag:s14] =	ssyncset.done $0x0  }
0xfb: {  	[sflag:s14] =	ssyncadd.s32 $0xFFFFFF80  }
0xfc: {  	_ =	swait.ge [sflag:s14], $0x4000  }
0xfd: {  	[sflag:s14] =	ssyncset.done $0x0  }
0xfe: {  	[sflag:s14] =	ssyncadd.s32 $0xFFFFC000  }
0xff: {  	[bflag:$0x0] =	sbarrier.arrive $0xFFFF  }
.Ltmp5:
0x100: {  	s30 =	rddreg [dreg:$0xd];
	(pc) =	sbr.rel @p1 .LBB2_15-.Ltmp5, $4  }
0x101: {  	[hbm:s30], [sflag:s23] =	dma.local [spmem:s12], $0x2700  }
0x102: {  	_ =	swait.ge [sflag:s0], $0x2700  }
0x103: {  	[sflag:s0] =	ssyncset.done $0x0  }
0x104: {  	[sflag:s0] =	ssyncadd.s32 $0xFFFFD900  }
.Ltmp6:
0x105: {  	(pc) =	sbr.rel .LBB2_14-.Ltmp6, $4  }
0x106: {  	_ = 	snop  }
0x107: {  	s1 =	rddreg [dreg:$0x5]  }
0x108: {  	s8 =	rddreg [dreg:$0xe];
	s1 =	sshrl.u32 s1, $0x3  }
0x109: {  	[hbm:s8], [sflag:s23] =	dma.local [spmem:s1], $0x100  }
.LBB2_2:
0x10a: {  	[spmem:s13], [sflag:s23] =	dma.local @!p1 [hbm:s29], $0x100  }
0x10b: {  	s8 =	simm.s32 @!p1 $0x3  }
0x10c: {  	_ =	swait.ge @!p1 [sflag:s8], $0x100  }
0x10d: {  	[sflag:s8] =	ssyncset.done @!p1 $0x0  }
0x10e: {  	[sflag:s8] =	ssyncadd.s32 @!p1 $0xFFFFFF00  }
0x10f: {  	[bflag:$0x0] =	sbarrier.arrive $0xFFFF  }
0x110: {  	[tilespmem:s3], [sflag:$0x1] =	stream.linear.gather [hbm4b:s31+s4], $0x80, $0x38;
	[tilespmem:$0x1B980] =	vst v63  }
0x111: {  	s1 =	rddreg [dreg:$0x7]  }
0x112: {  	[tilespmem:s4], [sflag:$0x1] =	stream.linear.gather [hbm4b:s1+s4], $0x4000, $0x38;
	[tilespmem:$0x1B980] =	vst v63  }
0x113: {  	s10 =	sadd.s32 $0x10, s25  }
0x114: {  	[tilespmem:s16], [sflag:$0x2] =	stream.linear.gather [hbm4b:s10+s4], $0x80, $0x38;
	[tilespmem:$0x1B980] =	vst v63  }
0x115: {  	s11 =	rddreg [dreg:$0x13]  }
0x116: {  	[tilespmem:s21], [sflag:$0x2] =	stream.linear.gather [hbm4b:s11+s4], $0x4000, $0x38;
	[tilespmem:$0x1B980] =	vst v63  }
0x117: {  	_ =	swait.ge [sflag:s14], $0x80  }
0x118: {  	[sflag:s14] =	ssyncset.done $0x0  }
0x119: {  	[sflag:s14] =	ssyncadd.s32 $0xFFFFFF80  }
0x11a: {  	_ =	swait.ge [sflag:s14], $0x4000  }
0x11b: {  	[sflag:s14] =	ssyncset.done $0x0  }
0x11c: {  	p2 =	slt.s32 s24, $0x13F80;
	s8 =	smov.u32 s24;
	[sflag:s14] =	ssyncadd.s32 $0xFFFFC000  }
0x11d: {  	[spmem:s2] =	stream.indirect.scatter.add.f32 [tilespmem:s4], [sflag:$0x3], $0x80, s3, s18, $0xb8;
	[tilespmem:$0x1B980] =	vst v63  }
0x11e: {  	s8 =	simm.s32 @!p2 $0x13F80;
	_ =	swait.ge [sflag:s0], $0x4000  }
0x11f: {  	s10 =	sshrl.u32 s8, $0x3;
	[sflag:s0] =	ssyncset.done $0x0  }
0x120: {  	s22 =	sshll.u32 s8, $0x4;
	s30 =	sadd.s32 s7, s10;
	[sflag:s0] =	ssyncadd.s32 $0xFFFFC000  }
0x121: {  	[tilespmem:s3], [sflag:$0x1] =	stream.linear.gather [hbm4b:s30+s4], $0x80, $0x38;
	[tilespmem:$0x1B980] =	vst v63  }
0x122: {  	s8 =	sadd.s32 s5, s22  }
0x123: {  	[tilespmem:s4], [sflag:$0x1] =	stream.linear.gather [hbm4b:s8+s4], $0x4000, $0x38;
	[tilespmem:$0x1B980] =	vst v63  }
0x124: {  	_ =	swait.ge [sflag:s19], $0x80  }
0x125: {  	[sflag:s19] =	ssyncset.done $0x0  }
0x126: {  	[sflag:s19] =	ssyncadd.s32 $0xFFFFFF80  }
0x127: {  	_ =	swait.ge [sflag:s19], $0x4000  }
0x128: {  	[sflag:s19] =	ssyncset.done $0x0  }
0x129: {  	[sflag:s19] =	ssyncadd.s32 $0xFFFFC000  }
0x12a: {  	[spmem:s2] =	stream.indirect.scatter.add.f32 [tilespmem:s21], [sflag:$0x3], $0x80, s16, s18, $0xb8;
	[tilespmem:$0x1B980] =	vst v63  }
0x12b: {  	s29 =	simm.s32 $0x30;
	s31 =	sadd.s32 $0x100, s24;
	_ =	swait.ge [sflag:s0], $0x4000  }
0x12c: {  	s10 =	simm.s32 $0x50;
	s8 =	sadd.s32 $0x1000, s11;
	[sflag:s0] =	ssyncset.done $0x0  }
.LBB2_3:
0x12d: {  	s11 =	sadd.s32 s29, s25  }
0x12e: {  	[sflag:s0] =	ssyncadd.s32 $0xFFFFC000;
	s29 =	smov.u32 s10;
	s1 =	sadd.s32 $0x20, s10  }
0x12f: {  	[tilespmem:s16], [sflag:$0x2] =	stream.linear.gather [hbm4b:s11+s4], $0x80, $0x38;
	[tilespmem:$0x1B980] =	vst v63  }
0x130: {  	p2 =	sne.s32 s10, $0x270  }
0x131: {  	[tilespmem:s21], [sflag:$0x2] =	stream.linear.gather [hbm4b:s8+s4], $0x4000, $0x38;
	[tilespmem:$0x1B980] =	vst v63  }
0x132: {  	_ =	swait.ge [sflag:s14], $0x80  }
0x133: {  	[sflag:s14] =	ssyncset.done $0x0  }
0x134: {  	[sflag:s14] =	ssyncadd.s32 $0xFFFFFF80  }
0x135: {  	_ =	swait.ge [sflag:s14], $0x4000  }
0x136: {  	[sflag:s14] =	ssyncset.done $0x0  }
0x137: {  	p3 =	slt.s32 s31, $0x13F80;
	s10 =	smov.u32 s31;
	[sflag:s14] =	ssyncadd.s32 $0xFFFFC000  }
0x138: {  	[spmem:s2] =	stream.indirect.scatter.add.f32 [tilespmem:s4], [sflag:$0x3], $0x80, s3, s18, $0xb8;
	[tilespmem:$0x1B980] =	vst v63  }
0x139: {  	s10 =	simm.s32 @!p3 $0x13F80;
	_ =	swait.ge [sflag:s0], $0x4000  }
0x13a: {  	s11 =	sshrl.u32 s10, $0x3;
	s10 =	sshll.u32 s10, $0x4;
	[sflag:s0] =	ssyncset.done $0x0  }
0x13b: {  	s11 =	sadd.s32 s7, s11;
	[sflag:s0] =	ssyncadd.s32 $0xFFFFC000  }
0x13c: {  	[tilespmem:s3], [sflag:$0x1] =	stream.linear.gather [hbm4b:s11+s4], $0x80, $0x38;
	[tilespmem:$0x1B980] =	vst v63  }
0x13d: {  	s10 =	sadd.s32 s5, s10  }
0x13e: {  	[tilespmem:s4], [sflag:$0x1] =	stream.linear.gather [hbm4b:s10+s4], $0x4000, $0x38;
	[tilespmem:$0x1B980] =	vst v63  }
0x13f: {  	_ =	swait.ge [sflag:s19], $0x80  }
0x140: {  	[sflag:s19] =	ssyncset.done $0x0  }
0x141: {  	[sflag:s19] =	ssyncadd.s32 $0xFFFFFF80  }
0x142: {  	_ =	swait.ge [sflag:s19], $0x4000  }
.Ltmp7:
0x143: {  	[sflag:s19] =	ssyncset.done $0x0;
	(pc) =	sbr.rel @p2 .LBB2_3-.Ltmp7, $4  }
0x144: {  	[sflag:s19] =	ssyncadd.s32 $0xFFFFC000  }
0x145: {  	[spmem:s2] =	stream.indirect.scatter.add.f32 [tilespmem:s21], [sflag:$0x3], $0x80, s16, s18, $0xb8;
	[tilespmem:$0x1B980] =	vst v63  }
0x146: {  	s31 =	sadd.s32 $0x100, s31;
	_ =	swait.ge [sflag:s0], $0x4000  }
0x147: {  	s8 =	sadd.s32 $0x1000, s8;
	s10 =	smov.u32 s1;
	[sflag:s0] =	ssyncset.done $0x0  }
0x148: {  	s1 =	sadd.s32 s29, s25;
	[sflag:s0] =	ssyncadd.s32 $0xFFFFC000  }
0x149: {  	[tilespmem:s16], [sflag:$0x2] =	stream.linear.gather [hbm4b:s1+s4], $0x80, $0x38;
	[tilespmem:$0x1B980] =	vst v63  }
0x14a: {  	_ = 	snop  }
0x14b: {  	[tilespmem:s21], [sflag:$0x2] =	stream.linear.gather [hbm4b:s8+s4], $0x4000, $0x38;
	[tilespmem:$0x1B980] =	vst v63  }
0x14c: {  	_ =	swait.ge [sflag:s14], $0x80  }
0x14d: {  	[sflag:s14] =	ssyncset.done $0x0  }
0x14e: {  	[sflag:s14] =	ssyncadd.s32 $0xFFFFFF80  }
0x14f: {  	_ =	swait.ge [sflag:s14], $0x4000  }
0x150: {  	[sflag:s14] =	ssyncset.done $0x0  }
0x151: {  	p2 =	slt.s32 s31, $0x13F80;
	[sflag:s14] =	ssyncadd.s32 $0xFFFFC000  }
0x152: {  	[spmem:s2] =	stream.indirect.scatter.add.f32 [tilespmem:s4], [sflag:$0x3], $0x80, s3, s18, $0xb8;
	[tilespmem:$0x1B980] =	vst v63  }
0x153: {  	s31 =	simm.s32 @!p2 $0x13F80;
	_ =	swait.ge [sflag:s0], $0x4000  }
0x154: {  	s8 =	sshrl.u32 s31, $0x3;
	[sflag:s0] =	ssyncset.done $0x0  }
0x155: {  	s10 =	sshll.u32 s31, $0x4;
	s1 =	sadd.s32 s7, s8;
	[sflag:s0] =	ssyncadd.s32 $0xFFFFC000  }
0x156: {  	[tilespmem:s3], [sflag:$0x1] =	stream.linear.gather [hbm4b:s1+s4], $0x80, $0x38;
	[tilespmem:$0x1B980] =	vst v63  }
0x157: {  	s11 =	sadd.s32 s5, s10  }
0x158: {  	[tilespmem:s4], [sflag:$0x1] =	stream.linear.gather [hbm4b:s11+s4], $0x4000, $0x38;
	[tilespmem:$0x1B980] =	vst v63  }
0x159: {  	_ =	swait.ge [sflag:s19], $0x80  }
0x15a: {  	[sflag:s19] =	ssyncset.done $0x0  }
0x15b: {  	[sflag:s19] =	ssyncadd.s32 $0xFFFFFF80  }
0x15c: {  	_ =	swait.ge [sflag:s19], $0x4000  }
0x15d: {  	[sflag:s19] =	ssyncset.done $0x0  }
0x15e: {  	[sflag:s19] =	ssyncadd.s32 $0xFFFFC000  }
0x15f: {  	[spmem:s2] =	stream.indirect.scatter.add.f32 [tilespmem:s21], [sflag:$0x3], $0x80, s16, s18, $0xb8;
	[tilespmem:$0x1B980] =	vst v63  }
0x160: {  	_ =	swait.ge [sflag:s0], $0x4000  }
0x161: {  	[sflag:s0] =	ssyncset.done $0x0  }
0x162: {  	[sflag:s0] =	ssyncadd.s32 $0xFFFFC000  }
0x163: {  	_ =	swait.ge [sflag:s14], $0x80  }
0x164: {  	[sflag:s14] =	ssyncset.done $0x0  }
0x165: {  	[sflag:s14] =	ssyncadd.s32 $0xFFFFFF80  }
0x166: {  	_ =	swait.ge [sflag:s14], $0x4000  }
0x167: {  	[sflag:s14] =	ssyncset.done $0x0  }
0x168: {  	[sflag:s14] =	ssyncadd.s32 $0xFFFFC000  }
0x169: {  	[bflag:$0x0] =	sbarrier.arrive $0xFFFF  }
0x16a: {  	s10 =	simm.s32 $0x180;
	s11 =	simm.s32 $0x8;
	s8 =	rddreg [dreg:$0x8]  }
0x16b: {  	[hbm:s8@s10], [sflag:s23] =	dma.strided [spmem:s12@s18], $0x2700, s11, $0x10   }
0x16c: {  	_ =	swait.ge [sflag:s0], $0x2700  }
0x16d: {  	[sflag:s0] =	ssyncset.done $0x0  }
0x16e: {  	[sflag:s0] =	ssyncadd.s32 $0xFFFFD900  }
0x16f: {  	[bflag:$0x0] =	sbarrier.arrive @p1 $0xFFFF  }
0x170: {  	s1 =	simm.s32 @p1 $0x3;
	s29 =	rddreg [dreg:$0x1]  }
0x171: {  	[spmem:s26], [sflag:s23] =	dma.local @p1 [hbm:s29], $0x2700  }
0x172: {  	_ =	swait.ge @p1 [sflag:s1], $0x2700  }
0x173: {  	s8 =	simm.s32 @!p1 $0x180;
	s10 =	simm.s32 @!p1 $0x80;
	[sflag:s1] =	ssyncset.done @p1 $0x0  }
0x174: {  	s11 =	rddreg [dreg:$0x9];
	[sflag:s1] =	ssyncadd.s32 @p1 $0xFFFFD900;
	s1 =	simm.s32 @!p1 $0x8  }
0x175: {  	[hbm:s11@s8], [sflag:s23] =	dma.strided @!p1 [spmem:s13@s10], $0x100, s1, $0x10   }
0x176: {  	s1 =	simm.s32 @!p1 $0x3  }
0x177: {  	_ =	swait.ge @!p1 [sflag:s1], $0x100  }
0x178: {  	[sflag:s1] =	ssyncset.done @!p1 $0x0  }
0x179: {  	[sflag:s1] =	ssyncadd.s32 @!p1 $0xFFFFFF00  }
0x17a: {  	[bflag:$0x0] =	sbarrier.arrive @!p1 $0xFFFF  }
0x17b: {  	[spmem:s20], [sflag:s23] =	dma.local @!p1 [hbm:s29], $0x2700  }
0x17c: {  	_ =	swait.ge @!p1 [sflag:s1], $0x2700  }
0x17d: {  	[sflag:s1] =	ssyncset.done @!p1 $0x0  }
0x17e: {  	[sflag:s1] =	ssyncadd.s32 @!p1 $0xFFFFD900  }
0x17f: {  	[spmem:s13], [sflag:s23] =	dma.local @!p1 [hbm:s29], $0x100  }
0x180: {  	_ =	swait.ge @!p1 [sflag:s1], $0x100  }
0x181: {  	[sflag:s1] =	ssyncset.done @!p1 $0x0  }
0x182: {  	[sflag:s1] =	ssyncadd.s32 @!p1 $0xFFFFFF00  }
0x183: {  	[bflag:$0x0] =	sbarrier.arrive $0xFFFF  }
0x184: {  	s31 =	rddreg [dreg:$0x6]  }
0x185: {  	s13 =	rddreg [dreg:$0x4]  }
0x186: {  	[tilespmem:s3], [sflag:$0x1] =	stream.linear.gather [hbm4b:s31+s4], $0x80, $0x38;
	[tilespmem:$0x1B980] =	vst v63  }
0x187: {  	s1 =	sadd.s32 s13, s15  }
0x188: {  	[tilespmem:s4], [sflag:$0x1] =	stream.linear.gather [hbm4b:s1+s4], $0x4000, $0x38;
	[tilespmem:$0x1B980] =	vst v63  }
0x189: {  	s20 =	sadd.s32 $0x10, s25;
	s26 =	rddreg [dreg:$0x12]  }
0x18a: {  	[tilespmem:s16], [sflag:$0x2] =	stream.linear.gather [hbm4b:s20+s4], $0x80, $0x38;
	[tilespmem:$0x1B980] =	vst v63  }
0x18b: {  	s1 =	sadd.s32 s15, s26  }
0x18c: {  	[tilespmem:s21], [sflag:$0x2] =	stream.linear.gather [hbm4b:s1+s4], $0x4000, $0x38;
	[tilespmem:$0x1B980] =	vst v63  }
0x18d: {  	_ =	swait.ge [sflag:s14], $0x80  }
0x18e: {  	[sflag:s14] =	ssyncset.done $0x0  }
0x18f: {  	[sflag:s14] =	ssyncadd.s32 $0xFFFFFF80  }
0x190: {  	_ =	swait.ge [sflag:s14], $0x4000  }
0x191: {  	[sflag:s14] =	ssyncset.done $0x0  }
0x192: {  	[sflag:s14] =	ssyncadd.s32 $0xFFFFC000  }
0x193: {  	[spmem:s2] =	stream.indirect.scatter.add.f32 [tilespmem:s4], [sflag:$0x3], $0x80, s3, s18, $0xb8;
	[tilespmem:$0x1B980] =	vst v63  }
0x194: {  	_ =	swait.ge [sflag:s0], $0x4000  }
0x195: {  	[sflag:s0] =	ssyncset.done $0x0  }
0x196: {  	[sflag:s0] =	ssyncadd.s32 $0xFFFFC000  }
0x197: {  	[tilespmem:s3], [sflag:$0x1] =	stream.linear.gather [hbm4b:s30+s4], $0x80, $0x38;
	[tilespmem:$0x1B980] =	vst v63  }
0x198: {  	s30 =	sadd.s32 s15, s22  }
0x199: {  	[tilespmem:s4], [sflag:$0x1] =	stream.linear.gather [hbm4b:s30+s4], $0x4000, $0x38;
	[tilespmem:$0x1B980] =	vst v63  }
0x19a: {  	_ =	swait.ge [sflag:s19], $0x80  }
0x19b: {  	[sflag:s19] =	ssyncset.done $0x0  }
0x19c: {  	[sflag:s19] =	ssyncadd.s32 $0xFFFFFF80  }
0x19d: {  	_ =	swait.ge [sflag:s19], $0x4000  }
0x19e: {  	[sflag:s19] =	ssyncset.done $0x0  }
0x19f: {  	[sflag:s19] =	ssyncadd.s32 $0xFFFFC000  }
0x1a0: {  	[spmem:s2] =	stream.indirect.scatter.add.f32 [tilespmem:s21], [sflag:$0x3], $0x80, s16, s18, $0xb8;
	[tilespmem:$0x1B980] =	vst v63  }
0x1a1: {  	s10 =	simm.s32 $0x50;
	s13 =	sadd.s32 $0x100, s24;
	_ =	swait.ge [sflag:s0], $0x4000  }
0x1a2: {  	s8 =	sadd.s32 $0x1000, s1;
	s20 =	simm.s32 $0x30;
	[sflag:s0] =	ssyncset.done $0x0  }
.LBB2_5:
0x1a3: {  	s1 =	sadd.s32 s20, s25  }
0x1a4: {  	[sflag:s0] =	ssyncadd.s32 $0xFFFFC000;
	s20 =	smov.u32 s10;
	s11 =	sadd.s32 $0x20, s10  }
0x1a5: {  	[tilespmem:s16], [sflag:$0x2] =	stream.linear.gather [hbm4b:s1+s4], $0x80, $0x38;
	[tilespmem:$0x1B980] =	vst v63  }
0x1a6: {  	p2 =	sne.s32 s10, $0x270  }
0x1a7: {  	[tilespmem:s21], [sflag:$0x2] =	stream.linear.gather [hbm4b:s8+s4], $0x4000, $0x38;
	[tilespmem:$0x1B980] =	vst v63  }
0x1a8: {  	_ =	swait.ge [sflag:s14], $0x80  }
0x1a9: {  	[sflag:s14] =	ssyncset.done $0x0  }
0x1aa: {  	[sflag:s14] =	ssyncadd.s32 $0xFFFFFF80  }
0x1ab: {  	_ =	swait.ge [sflag:s14], $0x4000  }
0x1ac: {  	[sflag:s14] =	ssyncset.done $0x0  }
0x1ad: {  	p3 =	slt.s32 s13, $0x13F80;
	s1 =	smov.u32 s13;
	[sflag:s14] =	ssyncadd.s32 $0xFFFFC000  }
0x1ae: {  	[spmem:s2] =	stream.indirect.scatter.add.f32 [tilespmem:s4], [sflag:$0x3], $0x80, s3, s18, $0xb8;
	[tilespmem:$0x1B980] =	vst v63  }
0x1af: {  	s1 =	simm.s32 @!p3 $0x13F80;
	_ =	swait.ge [sflag:s0], $0x4000  }
0x1b0: {  	s10 =	sshrl.u32 s1, $0x3;
	s1 =	sshll.u32 s1, $0x4;
	[sflag:s0] =	ssyncset.done $0x0  }
0x1b1: {  	s10 =	sadd.s32 s7, s10;
	[sflag:s0] =	ssyncadd.s32 $0xFFFFC000  }
0x1b2: {  	[tilespmem:s3], [sflag:$0x1] =	stream.linear.gather [hbm4b:s10+s4], $0x80, $0x38;
	[tilespmem:$0x1B980] =	vst v63  }
0x1b3: {  	s1 =	sadd.s32 s15, s1  }
0x1b4: {  	[tilespmem:s4], [sflag:$0x1] =	stream.linear.gather [hbm4b:s1+s4], $0x4000, $0x38;
	[tilespmem:$0x1B980] =	vst v63  }
0x1b5: {  	_ =	swait.ge [sflag:s19], $0x80  }
0x1b6: {  	[sflag:s19] =	ssyncset.done $0x0  }
0x1b7: {  	[sflag:s19] =	ssyncadd.s32 $0xFFFFFF80  }
0x1b8: {  	_ =	swait.ge [sflag:s19], $0x4000  }
.Ltmp8:
0x1b9: {  	[sflag:s19] =	ssyncset.done $0x0;
	(pc) =	sbr.rel @p2 .LBB2_5-.Ltmp8, $4  }
0x1ba: {  	[sflag:s19] =	ssyncadd.s32 $0xFFFFC000  }
0x1bb: {  	[spmem:s2] =	stream.indirect.scatter.add.f32 [tilespmem:s21], [sflag:$0x3], $0x80, s16, s18, $0xb8;
	[tilespmem:$0x1B980] =	vst v63  }
0x1bc: {  	s13 =	sadd.s32 $0x100, s13;
	_ =	swait.ge [sflag:s0], $0x4000  }
0x1bd: {  	s8 =	sadd.s32 $0x1000, s8;
	s10 =	smov.u32 s11;
	[sflag:s0] =	ssyncset.done $0x0  }
0x1be: {  	s1 =	sadd.s32 s20, s25;
	[sflag:s0] =	ssyncadd.s32 $0xFFFFC000  }
0x1bf: {  	[tilespmem:s16], [sflag:$0x2] =	stream.linear.gather [hbm4b:s1+s4], $0x80, $0x38;
	[tilespmem:$0x1B980] =	vst v63  }
0x1c0: {  	_ = 	snop  }
0x1c1: {  	[tilespmem:s21], [sflag:$0x2] =	stream.linear.gather [hbm4b:s8+s4], $0x4000, $0x38;
	[tilespmem:$0x1B980] =	vst v63  }
0x1c2: {  	_ =	swait.ge [sflag:s14], $0x80  }
0x1c3: {  	[sflag:s14] =	ssyncset.done $0x0  }
0x1c4: {  	[sflag:s14] =	ssyncadd.s32 $0xFFFFFF80  }
0x1c5: {  	_ =	swait.ge [sflag:s14], $0x4000  }
0x1c6: {  	[sflag:s14] =	ssyncset.done $0x0  }
0x1c7: {  	p2 =	slt.s32 s13, $0x13F80;
	[sflag:s14] =	ssyncadd.s32 $0xFFFFC000  }
0x1c8: {  	[spmem:s2] =	stream.indirect.scatter.add.f32 [tilespmem:s4], [sflag:$0x3], $0x80, s3, s18, $0xb8;
	[tilespmem:$0x1B980] =	vst v63  }
0x1c9: {  	s13 =	simm.s32 @!p2 $0x13F80;
	_ =	swait.ge [sflag:s0], $0x4000  }
0x1ca: {  	s11 =	sshrl.u32 s13, $0x3;
	[sflag:s0] =	ssyncset.done $0x0  }
0x1cb: {  	s20 =	sshll.u32 s13, $0x4;
	s1 =	sadd.s32 s7, s11;
	[sflag:s0] =	ssyncadd.s32 $0xFFFFC000  }
0x1cc: {  	[tilespmem:s3], [sflag:$0x1] =	stream.linear.gather [hbm4b:s1+s4], $0x80, $0x38;
	[tilespmem:$0x1B980] =	vst v63  }
0x1cd: {  	s22 =	sadd.s32 s15, s20  }
0x1ce: {  	[tilespmem:s4], [sflag:$0x1] =	stream.linear.gather [hbm4b:s22+s4], $0x4000, $0x38;
	[tilespmem:$0x1B980] =	vst v63  }
0x1cf: {  	_ =	swait.ge [sflag:s19], $0x80  }
0x1d0: {  	[sflag:s19] =	ssyncset.done $0x0  }
0x1d1: {  	[sflag:s19] =	ssyncadd.s32 $0xFFFFFF80  }
0x1d2: {  	_ =	swait.ge [sflag:s19], $0x4000  }
0x1d3: {  	[sflag:s19] =	ssyncset.done $0x0  }
0x1d4: {  	[sflag:s19] =	ssyncadd.s32 $0xFFFFC000  }
0x1d5: {  	[spmem:s2] =	stream.indirect.scatter.add.f32 [tilespmem:s21], [sflag:$0x3], $0x80, s16, s18, $0xb8;
	[tilespmem:$0x1B980] =	vst v63  }
0x1d6: {  	_ =	swait.ge [sflag:s0], $0x4000  }
0x1d7: {  	[sflag:s0] =	ssyncset.done $0x0  }
0x1d8: {  	[sflag:s0] =	ssyncadd.s32 $0xFFFFC000  }
0x1d9: {  	_ =	swait.ge [sflag:s14], $0x80  }
0x1da: {  	[sflag:s14] =	ssyncset.done $0x0  }
0x1db: {  	[sflag:s14] =	ssyncadd.s32 $0xFFFFFF80  }
0x1dc: {  	_ =	swait.ge [sflag:s14], $0x4000  }
0x1dd: {  	[sflag:s14] =	ssyncset.done $0x0  }
0x1de: {  	[sflag:s14] =	ssyncadd.s32 $0xFFFFC000  }
0x1df: {  	s30 =	simm.s32 $0x8;
	[bflag:$0x0] =	sbarrier.arrive $0xFFFF  }
.Ltmp9:
0x1e0: {  	s10 =	simm.s32 $0x180;
	s26 =	rddreg [dreg:$0x10];
	(pc) =	sbr.rel @p1 .LBB2_15-.Ltmp9, $4  }
0x1e1: {  	[hbm:s26@s10], [sflag:s23] =	dma.strided [spmem:s12@s18], $0x2700, s30, $0x10   }
0x1e2: {  	_ =	swait.ge [sflag:s0], $0x2700  }
0x1e3: {  	[sflag:s0] =	ssyncset.done $0x0  }
0x1e4: {  	[sflag:s0] =	ssyncadd.s32 $0xFFFFD900  }
.Ltmp10:
0x1e5: {  	(pc) =	sbr.rel .LBB2_14-.Ltmp10, $4  }
0x1e6: {  	s1 =	rddreg [dreg:$0x5]  }
0x1e7: {  	s8 =	rddreg [dreg:$0xa]  }
0x1e8: {  	s10 =	simm.s32 $0x8;
	s11 =	simm.s32 $0x180;
	s1 =	sshrl.u32 s1, $0x3  }
0x1e9: {  	[hbm:s8@s11], [sflag:s23] =	dma.strided [spmem:s1@s18], $0x100, s10, $0x10   }
.LBB2_16:
0x1ea: {  	_ =	sfence.sel $0x180000  }
0x1eb: {  	[bflag:$0x0] =	sbarrier.arrive $0xFFFF  }
0x1ec: {  	_ =	strace $0x90000047  }
0x1ed: {  	s0 =	stileid.u32;
	[bflag:$0x2] =	sbarrier.arrive $0xFFFF  }
0x1ee: {  	p0 =	sne.s32 s0, $0x0;
	s0 =	rddreg [dreg:$0x3]  }
0x1ef: {  	s0 =	sadd.s32 @!p0 $0x100000, s0  }
0x1f0: {  	[sflag:s0] =	ssyncadd.tile.s32 @!p0 $0x1;
	_ =	shalt  }
.Lfunc_end2:
_tile_overlayer_lowered:
.L_overlay_start_2:
0x1f1: {  	(tag) =	ssettag $0x2  }
0x1f2: {  	s0 =	rddreg [dreg:$0x0];
	s2 =	stileid.u32  }
0x1f3: {  	s1 =	rddreg [dreg:$0x1];
	p0 =	sne.s32 s2, $0x0  }
0x1f4: {  	s3 =	rddreg [dreg:$0x2];
	[bflag:$0x3] =	sbarrier.arrive $0xFFFF;
	s2 =	simm.s32 @!p0 $0x1C03  }
0x1f5: {  	[timem:s3], [sflag:s2] =	dma.local @!p0 [hbm:s0], s1  }
0x1f6: {  	s0 =	simm.s32 @!p0 $0x3  }
0x1f7: {  	_ =	swait.ge @!p0 [sflag:s0], s1  }
0x1f8: {  	s1 =	ssub.s32 @!p0 $0x0, s1;
	[sflag:s0] =	ssyncset.done @!p0 $0x0  }
0x1f9: {  	[sflag:s0] =	ssyncadd.s32 @!p0 s1  }
0x1fa: {  	[bflag:$0x3] =	sbarrier.arrive $0xFFFF  }
0x1fb: {  	_ =	shalt  }

// kernel: kernel.9.cloned.1.call-start
scs
__scs_entry_jumppad:
0x0: {  	(pc) =	sbr.rel $0x88, $3  }
0x1: {  	(tag) =	ssettag $0x0;
	lr =	simm.s32 $0x1  }
0x2: {  	[smem:$0x3F97] =	sst lr;
	_ =	strace $0xD0000000  }
0x3: {  	_ = 	snop  }
0x4: {  	_ = 	snop  }
0x5: {  	_ = 	snop  }
0x6: {  	_ = 	snop  }
0x7: {  	_ = 	snop  }
__scs_overlays_trampoline_lowered:
0x8: {  	[smem:$0x3FA6] =	sst s0  }
0x9: {  	[smem:$0x3FA7] =	sst s1  }
0xa: {  	[smem:$0x3FA8] =	sst s2  }
0xb: {  	[smem:$0x3FA9] =	sst s3  }
0xc: {  	[smem:$0x3FAA] =	sst s4  }
0xd: {  	[smem:$0x3FAB] =	sst s5  }
0xe: {  	[smem:$0x3FAC] =	sst s6  }
0xf: {  	[smem:$0x3FAD] =	sst s7  }
0x10: {  	[smem:$0x3FAE] =	sst s8  }
0x11: {  	[smem:$0x3FAF] =	sst s9;
	s0 =	simm.s32 @!p0 $0x0  }
0x12: {  	s1 =	sld [smem:$0x3F95];
	s0 =	simm.s32 @p0 $0x1  }
0x13: {  	[smem:$0x3FB0] =	sst s0;
	s0 =	simm.s32 @!p1 $0x0  }
0x14: {  	s2 =	sld [smem:$0x3F94];
	s0 =	simm.s32 @p1 $0x1  }
0x15: {  	[smem:$0x3FB1] =	sst s0;
	s0 =	simm.s32 @!p2 $0x0  }
0x16: {  	s3 =	sld [smem:$0x3FDB];
	s0 =	simm.s32 @p2 $0x1  }
0x17: {  	s4 =	simm.s32 $0x1BF5;
	[smem:$0x3FB3] =	sst s0  }
0x18: {  	s0 =	sld [smem:$0x3F96];
	_ =	swait.ge [sflag:s4], $0x0  }
0x19: {  	s7 =	sld [smem:$0x3F97]  }
0x1a: {  	s8 =	sadd.s32 $0xFFFFE003, lr  }
0x1b: {  	s9 =	sadd.s32 $0xFFFFFEF7, lr;
	s5 =	simm.s32 $0xFFFFFFFF;
	p2 =	slt.u32 s8, $0xFFFFF086  }
0x1c: {  	p1 =	slt.u32 s9, $0xF7A;
	s5 =	simm.s32 @!p2 $0x0  }
0x1d: {  	s5 =	simm.s32 @p1 $0x1;
	p0 =	seq.s32 s7, s2  }
0x1e: {  	s7 =	smul.u32 @!p0 $0xF7A, s2;
	p2 =	seq.s32 @!p0 s5, $0x0  }
0x1f: {  	s9 =	smul.u32 $0xF7A, s1;
	s8 =	simm.s32 @!p0 $0x1BF5;
	p2 =	por !p2, p0  }
0x20: {  	[sflag:s8] =	ssyncset.s32 @!p0 $0xFFFFF086;
	s6 =	sadd.s32 @!p0 s3, s7;
	s7 =	simm.s32 @!p0 $0x108  }
0x21: {  	s3 =	sadd.s32 s3, s9;
	s6 =	sadd.s32 @!p0 $0x88, s6;
	s7 =	simm.s32 @p2 $0x1082  }
0x22: {  	[simem:s7], [sflag:s8] =	dma.local @!p0 [hbm:s6], $0xF7A  }
0x23: {  	s9 =	sor.u32 $0xD0000000, s2;
	s6 =	simm.s32 $0x108;
	_ =	swait.ge @!p0 [sflag:s8], $0x0  }
0x24: {  	s3 =	sadd.s32 $0x88, s3;
	s6 =	simm.s32 @!p1 $0x1082;
	[sflag:s4] =	ssyncset.s32 $0xFFFFF086  }
0x25: {  	[simem:s6], [sflag:s4] =	dma.local [hbm:s3], $0xF7A  }
0x26: {  	[smem:$0x3F97] =	sst s1;
	(tag) =	ssettag s2;
	_ =	strace s9  }
0x27: {  	s1 =	sld [smem:$0x3FA7]  }
0x28: {  	s2 =	sld [smem:$0x3FA8]  }
0x29: {  	s4 =	sld [smem:$0x3FAA]  }
0x2a: {  	p0 =	seq.s32 s5, $0x0;
	s5 =	sld [smem:$0x3FAB]  }
0x2b: {  	s6 =	sld [smem:$0x3FAC]  }
0x2c: {  	s7 =	sld [smem:$0x3FAD]  }
0x2d: {  	s3 =	simm.s32 $0x108;
	s8 =	sld [smem:$0x3FAE]  }
0x2e: {  	s3 =	simm.s32 @!p0 $0x1082;
	s9 =	sld [smem:$0x3FAF]  }
0x2f: {  	lr =	sadd.s32 s0, s3;
	s0 =	sld [smem:$0x3FA6]  }
0x30: {  	s3 =	sld [smem:$0x3FA9]  }
0x31: {  	[smem:$0x3FB2] =	sst s10  }
0x32: {  	s10 =	sld [smem:$0x3FB0];
	_ =	sdelay $0x3  }
0x33: {  	p0 =	seq.s32 s10, $0x1;
	s10 =	sld [smem:$0x3FB2];
	_ =	sdelay $0x3  }
0x34: {  	[smem:$0x3FB2] =	sst s10  }
0x35: {  	s10 =	sld [smem:$0x3FB1];
	_ =	sdelay $0x3  }
0x36: {  	p1 =	seq.s32 s10, $0x1;
	s10 =	sld [smem:$0x3FB2];
	_ =	sdelay $0x3  }
0x37: {  	[smem:$0x3FB2] =	sst s10  }
0x38: {  	s10 =	sld [smem:$0x3FB3]  }
0x39: {  	_ = 	snop;
	(pc) =	sbr.ind lr, $3  }
0x3a: {  	_ = 	snop  }
0x3b: {  	_ = 	snop  }
0x3c: {  	p2 =	seq.s32 s10, $0x1;
	s10 =	sld [smem:$0x3FB2]  }
0x3d: {  	_ =	shalt  }
0x3e: {  	_ =	shalt  }
0x3f: {  	_ =	shalt  }
0x40: {  	_ =	shalt  }
0x41: {  	_ =	shalt  }
0x42: {  	_ =	shalt  }
0x43: {  	_ =	shalt  }
0x44: {  	_ =	shalt  }
0x45: {  	_ =	shalt  }
0x46: {  	_ =	shalt  }
0x47: {  	_ =	shalt  }
0x48: {  	_ =	shalt  }
0x49: {  	_ =	shalt  }
0x4a: {  	_ =	shalt  }
0x4b: {  	_ =	shalt  }
0x4c: {  	_ =	shalt  }
0x4d: {  	_ =	shalt  }
0x4e: {  	_ =	shalt  }
0x4f: {  	_ =	shalt  }
0x50: {  	_ =	shalt  }
0x51: {  	_ =	shalt  }
0x52: {  	_ =	shalt  }
0x53: {  	_ =	shalt  }
0x54: {  	_ =	shalt  }
0x55: {  	_ =	shalt  }
0x56: {  	_ =	shalt  }
0x57: {  	_ =	shalt  }
0x58: {  	_ =	shalt  }
0x59: {  	_ =	shalt  }
0x5a: {  	_ =	shalt  }
0x5b: {  	_ =	shalt  }
0x5c: {  	_ =	shalt  }
0x5d: {  	_ =	shalt  }
0x5e: {  	_ =	shalt  }
0x5f: {  	_ =	shalt  }
0x60: {  	_ =	shalt  }
0x61: {  	_ =	shalt  }
0x62: {  	_ =	shalt  }
0x63: {  	_ =	shalt  }
0x64: {  	_ =	shalt  }
0x65: {  	_ =	shalt  }
0x66: {  	_ =	shalt  }
0x67: {  	_ =	shalt  }
0x68: {  	_ =	shalt  }
0x69: {  	_ =	shalt  }
0x6a: {  	_ =	shalt  }
0x6b: {  	_ =	shalt  }
0x6c: {  	_ =	shalt  }
0x6d: {  	_ =	shalt  }
0x6e: {  	_ =	shalt  }
0x6f: {  	_ =	shalt  }
0x70: {  	_ =	shalt  }
0x71: {  	_ =	shalt  }
0x72: {  	_ =	shalt  }
0x73: {  	_ =	shalt  }
0x74: {  	_ =	shalt  }
0x75: {  	_ =	shalt  }
0x76: {  	_ =	shalt  }
0x77: {  	_ =	shalt  }
0x78: {  	_ =	shalt  }
0x79: {  	_ =	shalt  }
0x7a: {  	_ =	shalt  }
0x7b: {  	_ =	shalt  }
0x7c: {  	_ =	shalt  }
0x7d: {  	_ =	shalt  }
0x7e: {  	_ =	shalt  }
0x7f: {  	_ =	shalt  }
0x80: {  	_ =	shalt  }
0x81: {  	_ =	shalt  }
0x82: {  	_ =	shalt  }
0x83: {  	_ =	shalt  }
0x84: {  	_ =	shalt  }
0x85: {  	_ =	shalt  }
0x86: {  	_ =	shalt  }
0x87: {  	_ =	shalt  }
.Lfunc_end0:
.L_simem_size_0:
called_computation.1_lowered:
.L_overlay_start_0:
0x88: {  	s2 =	sld [smem:$0x3FD9]  }
0x89: {  	s3 =	sld [smem:$0x3FFE];
	_ =	sdelay $0x1  }
0x8a: {  	s1 =	srdreg.scid  }
0x8b: {  	s0 =	sand.u32 $0x1, s1  }
0x8c: {  	s14 =	sshll.u32 s0, $0xA;
	s2 =	sadd.s32 s3, s2  }
0x8d: {  	s2 =	sadd.s32 s2, s14  }
0x8e: {  	[smem:$0x3FBE] =	sst s2  }
0x8f: {  	_ = 	snop  }
0x90: {  	s2 =	sld [smem:$0x3FD0];
	_ =	sdelay $0x2  }
0x91: {  	s15 =	simm.s32 $0xA;
	s4 =	simm.s32 $0x10  }
0x92: {  	[smem:s4], [sflag:s15] =	dma.local [hbm:s2], $0x1  }
0x93: {  	_ =	swait.eq [sflag:s15], $0x1  }
0x94: {  	[sflag:s15] =	ssyncset.done $0x0  }
0x95: {  	s16 =	sld [smem:$0x10];
	[sflag:s15] =	ssyncadd.s32 $0xFFFFFFFF  }
0x96: {  	s17 =	sld [smem:$0x11];
	(tm) =	ssettm $0x1  }
0x97: {  	s18 =	sld [smem:$0x3FFB];
	_ =	sdelay $0x3  }
0x98: {  	_ =	strace s18  }
0x99: {  	s4 =	sld [smem:$0x3FFC];
	_ =	sdelay $0x3  }
0x9a: {  	_ =	strace s4  }
0x9b: {  	s4 =	sld [smem:$0x3FFD];
	_ =	sdelay $0x3  }
0x9c: {  	_ =	strace s4  }
0x9d: {  	_ =	strace $0x8FFFFFFF  }
0x9e: {  	s19 =	sld [smem:$0x3FDB];
	_ =	sdelay $0x1  }
0x9f: {  	s5 =	simm.s32 $_scs_section_size  }
0xa0: {  	s6 =	simm.s32 $_size__tile_overlayer_lowered;
	s7 =	simm.s32 $_tile_overlayer_lowered  }
0xa1: {  	s22 =	simm.s32 $0x1BFF;
	s21 =	sshll.u32 s7, $0x1;
	s4 =	sadd.s32 s5, s19  }
0xa2: {  	s8 =	simm.s32 $0x0;
	s20 =	sshll.u32 s6, $0x1;
	s6 =	sadd.s32 s21, s4  }
0xa3: {  	[timem:s8], [sflag:s22] =	dma.local [hbm:s6], s20  }
0xa4: {  	_ =	swait.ge [sflag:s22], s20  }
0xa5: {  	s5 =	ssub.s32 $0x0, s20;
	[sflag:s22] =	ssyncset.done $0x0  }
0xa6: {  	[sflag:s22] =	ssyncadd.s32 s5;
	_ =	sdelay $0x1  }
0xa7: {  	s23 =	simm.s32 $0x1B8B  }
0xa8: {  	_ =	swait.ge [sflag:s23], $0x1  }
0xa9: {  	[sflag:s23] =	ssyncset.done $0x0  }
0xaa: {  	s25 =	simm.s32 $0x1B8E;
	s24 =	sld [smem:$0x3FFE];
	[sflag:s23] =	ssyncadd.s32 $0xFFFFFFFF  }
0xab: {  	s26 =	simm.s32 $execute0_lowered;
	[smem:$0x3FD2] =	sst s25  }
0xac: {  	s6 =	sshll.u32 s26, $0x1;
	_ =	strace $0x80000049;
	[dreg:$0x1] =	wrdreg $0xFFFFFFFF  }
0xad: {  	s28 =	simm.s32 $_size_execute0_lowered;
	s4 =	sadd.s32 s4, s6;
	[dreg:$0x0] =	wrdreg $0x0  }
0xae: {  	s6 =	sshll.u32 s28, $0x1;
	[dreg:$0x2] =	wrdreg s4  }
0xaf: {  	[dreg:$0x3] =	wrdreg s6  }
0xb0: {  	[dreg:$0x4] =	wrdreg $0xC0  }
0xb1: {  	_ =	task [dreg:s8], $0x5FFFF  }
0xb2: {  	[dreg:$0x1] =	wrdreg $0xFFFFFFFF  }
0xb3: {  	[dreg:$0x0] =	wrdreg $0x60  }
0xb4: {  	[dreg:$0x2] =	wrdreg s24  }
0xb5: {  	[dreg:$0x3] =	wrdreg s16  }
0xb6: {  	[dreg:$0x4] =	wrdreg s17  }
0xb7: {  	[dreg:$0x5] =	wrdreg $0x81000  }
0xb8: {  	[dreg:$0x6] =	wrdreg $0x9  }
0xb9: {  	_ =	task.clear_ibuf [dreg:s8], $0x7FFFF;
	_ =	strace $0x90000049  }
0xba: {  	s29 =	simm.s32 $0x9;
	_ =	strace $0x8000004B  }
0xbb: {  	_ =	swait.ge [sflag:s29], $0x1  }
0xbc: {  	[sflag:s29] =	ssyncadd.s32 $0xFFFFFFFF  }
0xbd: {  	_ =	strace $0x9000004B  }
0xbe: {  	_ =	sfence  }
0xbf: {  	s30 =	sld [smem:$0x0];
	_ =	sdelay $0x2  }
0xc0: {  	s31 =	sshll.u32 s1, $0xD;
	s1 =	sshrl.u32 s1, $0x2  }
0xc1: {  	s3 =	sand.u32 $0x4000, s31;
	s1 =	sadd.s32 s1, s30  }
0xc2: {  	s0 =	sor.u32 s3, s0;
	s1 =	sshll.u32 s1, $0x11  }
0xc3: {  	s0 =	sor.u32 s1, s0  }
0xc4: {  	s0 =	sadd.s32 $0x8F2B, s0  }
0xc5: {  	[sflag:s0] =	ssyncadd.remote.s32 $0x1  }
0xc6: {  	_ =	sfence.sel $0xFFFF  }
0xc7: {  	[dreg:$0x0] =	wrdreg $0xFFFFFFFF;
	(pc) =	sbr.abs _section_cstart, $3  }
0xc8: {  	[dreg:$0x1] =	wrdreg $0xFFFFFFFF  }
0xc9: {  	_ =	task.clear_ibuf [dreg:s8], $0x2FFFF;
	_ =	strace $0x9FFFFFFF  }
0xca: {  	(tm) =	ssettm $0x7FFFFFFF  }
0xcb: {  	_ =	shalt  }
tec
execute0_lowered:
.L_overlay_start_1:
0x0: {  	(tag) =	ssettag $0x1  }
0x1: {  	s0 =	rddreg [dreg:$0x0]  }
0x2: {  	s2 =	rddreg [dreg:$0x1]  }
0x3: {  	s7 =	rddreg [dreg:$0x2]  }
0x4: {  	s1 =	rddreg [dreg:$0x3]  }
0x5: {  	s3 =	simm.s32 $0x0;
	s17 =	stileid.u32;
	s4 =	sadd.s32 $0xCF6A00, s0  }
0x6: {  	s6 =	srdreg.scid;
	s5 =	sadd.s32 $0x10B6A00, s0;
	s8 =	smul.u32 $0x2700, s17  }
0x7: {  	s9 =	sand.u32 $0x1, s6;
	s6 =	sadd.s32 $0x755400, s0;
	s11 =	smul.u32 $0x4E000, s17  }
0x8: {  	s31 =	simm.s32 $0x8;
	s12 =	sadd.s32 $0xC5A400, s0;
	s14 =	smul.u32 $0x1400, s17  }
0x9: {  	[smem:$0x7FF] =	sst s3;
	s28 =	smul.u32 $0x7500, s17;
	s18 =	sadd.s32 $0xCCF400, s0  }
0xa: {  	s20 =	smul.u32 $0x3A800, s17;
	s22 =	sadd.s32 $0x75000, s2;
	s26 =	sadd.s32 $0xCCF480, s0  }
0xb: {  	p1 =	sne.s32 s17, $0xF;
	_ =	strace $0x8000004A;
	[dreg:$0x6] =	wrdreg s18  }
0xc: {  	s10 =	ssub.s32 $0x2, s9;
	p0 =	seq.s32 s9, $0x1;
	[dreg:$0x9] =	wrdreg s22  }
0xd: {  	[dreg:$0xb] =	wrdreg s26;
	s26 =	smul.u32 $0x14000, s17;
	s17 =	simm.s32 $0x2  }
0xe: {  	s13 =	sshrl.u32 s10, $0x1;
	s15 =	sadd.s32 s8, s0;
	s16 =	sadd.s32 s12, s28  }
0xf: {  	s9 =	sshrl.u32 s11, $0x2;
	s21 =	sadd.s32 s2, s28;
	[dreg:$0x5] =	wrdreg s16  }
0x10: {  	s23 =	sor.u32 $0x80, s28;
	s28 =	sadd.s32 $0x75080, s2;
	[dreg:$0x8] =	wrdreg s21  }
0x11: {  	s24 =	sshrl.u32 s20, $0x3;
	s20 =	sadd.s32 $0xCCF500, s0;
	[dreg:$0xd] =	wrdreg s28  }
0x12: {  	s19 =	sshrl.u32 s14, $0x3;
	s22 =	sadd.s32 s7, s8;
	[dreg:$0x13] =	wrdreg s20  }
0x13: {  	s30 =	sor.u32 $0x100, s14;
	s14 =	simm.s32 $0x4000;
	[dreg:$0x15] =	wrdreg s22  }
0x14: {  	s10 =	ssub.s32 s10, s13;
	s25 =	sadd.s32 s12, s23;
	[dreg:$0x18] =	wrdreg s26  }
0x15: {  	s11 =	sadd.s32 s6, s19;
	s18 =	sadd.s32 $0xCCF800, s15;
	[dreg:$0xa] =	wrdreg s25  }
0x16: {  	s13 =	sadd.s32 $0x100, s24;
	s19 =	sadd.s32 s9, s1;
	[dreg:$0x11] =	wrdreg s18  }
0x17: {  	s21 =	sadd.s32 $0xE36A00, s0;
	s24 =	sadd.s32 $0x27000, s7;
	[dreg:$0x12] =	wrdreg s19  }
0x18: {  	s28 =	sadd.s32 $0x138000, s1;
	s15 =	sadd.s32 s5, s26;
	[dreg:$0x16] =	wrdreg s24  }
0x19: {  	s29 =	sadd.s32 $0x2800, s11;
	s11 =	sadd.s32 s2, s23;
	[dreg:$0x19] =	wrdreg s28  }
0x1a: {  	s7 =	simm.s32 $0x80;
	s12 =	sadd.s32 s12, s13;
	[dreg:$0xc] =	wrdreg s11  }
0x1b: {  	s16 =	sadd.s32 s2, s13;
	s2 =	sadd.s32 $0x75100, s2;
	[dreg:$0xe] =	wrdreg s12  }
.Ltmp0:
0x1c: {  	s23 =	sadd.s32 $0xF76A00, s0;
	[dreg:$0xf] =	wrdreg s16;
	(pc) =	sbr.rel .LBB2_1-.Ltmp0, $4  }
0x1d: {  	s0 =	sadd.s32 $0xCF6800, s0;
	s25 =	smax.u32 s10, $0x1;
	[dreg:$0x10] =	wrdreg s2  }
0x1e: {  	s10 =	simm.s32 $0x3;
	s13 =	simm.s32 $0x8080;
	[dreg:$0x14] =	wrdreg s0  }
0x1f: {  	s18 =	simm.s32 $0x0;
	[dreg:$0x17] =	wrdreg s25;
	s0 =	sadd.s32 s4, s26  }
0x20: {  	s11 =	simm.s32 $0x8000;
	s16 =	simm.s32 $0x1;
	[dreg:$0x7] =	wrdreg s29  }
.LBB2_14:
0x21: {  	_ =	swait.ge [sflag:s10], $0x100  }
0x22: {  	[sflag:s10] =	ssyncset.done $0x0  }
0x23: {  	[sflag:s10] =	ssyncadd.s32 $0xFFFFFF00  }
.LBB2_15:
0x24: {  	s18 =	sadd.s32 $0x1, s18;
	s2 =	rddreg [dreg:$0x17]  }
0x25: {  	p2 =	sne.s32 s18, s2  }
.Ltmp1:
0x26: {  	_ = 	snop;
	(pc) =	sbr.rel @!p2 .LBB2_16-.Ltmp1, $2  }
0x27: {  	_ =	sdelay $0x1  }
0x28: {  	[bflag:$0x0] =	sbarrier.arrive $0xFFFF;
	_ =	sdelay $0x1  }
.LBB2_1:
.Ltmp2:
0x29: {  	(pc) =	sbr.rel @!p0 .LBB2_2-.Ltmp2, $4  }
0x2a: {  	s2 =	stileid.u32;
	s9 =	rddreg [dreg:$0x19]  }
0x2b: {  	s8 =	sshll.u32 s2, $0x6;
	s2 =	rddreg [dreg:$0x12]  }
0x2c: {  	s24 =	sshrl.u32 s2, $0x3;
	s12 =	sshrl.u32 @p1 s2, $0x3;
	s2 =	sshrl.u32 @!p1 s2, $0x3  }
0x2d: {  	s25 =	sshrl.u32 @!p1 s9, $0x3;
	s22 =	sor.u32 $0x1C03, s8;
	[dreg:$0x1a] =	wrdreg s2  }
0x2e: {  	s2 =	rddreg [dreg:$0xe];
	s8 =	simm.s32 $0x180  }
0x2f: {  	[spmem:s24@s7], [sflag:s22] =	dma.strided [hbm:s2@s8], $0x2700, s31, $0x10   }
0x30: {  	_ =	swait.ge [sflag:s10], $0x2700  }
0x31: {  	s9 =	simm.s32 @!p1 $0x80;
	s19 =	simm.s32 @!p1 $0x180;
	[sflag:s10] =	ssyncset.done $0x0  }
0x32: {  	s8 =	simm.s32 @!p1 $0x8;
	s2 =	rddreg [dreg:$0x13];
	[sflag:s10] =	ssyncadd.s32 $0xFFFFD900  }
0x33: {  	[spmem:s25@s9], [sflag:s22] =	dma.strided @!p1 [hbm:s2@s19], $0x100, s8, $0x10   }
0x34: {  	s8 =	simm.s32 @!p1 $0x3  }
0x35: {  	_ =	swait.ge @!p1 [sflag:s8], $0x100  }
0x36: {  	[sflag:s8] =	ssyncset.done @!p1 $0x0  }
0x37: {  	[sflag:s8] =	ssyncadd.s32 @!p1 $0xFFFFFF00;
	s8 =	sadd.s32 $0xFFFFFF80, s30  }
0x38: {  	[bflag:$0x0] =	sbarrier.arrive $0xFFFF;
	p2 =	slt.s32 s8, $0x13080  }
0x39: {  	[tilespmem:s11], [sflag:$0x1] =	stream.linear.gather [hbm4b:s29+s3], $0x80, $0x38;
	[tilespmem:$0x1B980] =	vst v63  }
0x3a: {  	s19 =	rddreg [dreg:$0x18];
	s8 =	simm.s32 @!p2 $0x13080  }
0x3b: {  	s20 =	sadd.s32 s19, s23;
	s8 =	sshrl.u32 s8, $0x3  }
0x3c: {  	[tilespmem:s3], [sflag:$0x1] =	stream.linear.gather [hbm4b:s20+s3], $0x4000, $0x38;
	[tilespmem:$0x1B980] =	vst v63  }
0x3d: {  	s26 =	sadd.s32 s6, s8  }
0x3e: {  	s8 =	sadd.s32 s23, s19;
	s19 =	sadd.s32 $0x2800, s26  }
0x3f: {  	[tilespmem:s13], [sflag:$0x2] =	stream.linear.gather [hbm4b:s19+s3], $0x80, $0x38;
	[tilespmem:$0x1B980] =	vst v63  }
0x40: {  	s2 =	sadd.s32 $0x800, s8  }
0x41: {  	[tilespmem:s14], [sflag:$0x2] =	stream.linear.gather [hbm4b:s2+s3], $0x4000, $0x38;
	[tilespmem:$0x1B980] =	vst v63  }
0x42: {  	_ =	swait.ge [sflag:s16], $0x80  }
0x43: {  	[sflag:s16] =	ssyncset.done $0x0  }
0x44: {  	[sflag:s16] =	ssyncadd.s32 $0xFFFFFF80  }
0x45: {  	_ =	swait.ge [sflag:s16], $0x4000  }
0x46: {  	s9 =	smov.u32 s30;
	p2 =	slt.s32 s30, $0x13080;
	[sflag:s16] =	ssyncset.done $0x0  }
0x47: {  	s9 =	simm.s32 @!p2 $0x13080;
	p2 =	slt.s32 s30, $0x13F80;
	[sflag:s16] =	ssyncadd.s32 $0xFFFFC000  }
0x48: {  	[spmem:s1] =	stream.indirect.scatter.add.f32 [tilespmem:s3], [sflag:$0x3], $0x80, s11, s7, $0xb8;
	[tilespmem:$0x1B980] =	vst v63  }
0x49: {  	s9 =	sshrl.u32 s9, $0x3;
	s20 =	smov.u32 s30;
	_ =	swait.ge [sflag:s10], $0x4000  }
0x4a: {  	s20 =	simm.s32 @!p2 $0x13F80;
	s9 =	sadd.s32 s6, s9;
	[sflag:s10] =	ssyncset.done $0x0  }
0x4b: {  	s26 =	sadd.s32 $0x2800, s9;
	s28 =	sshll.u32 s20, $0x4;
	[sflag:s10] =	ssyncadd.s32 $0xFFFFC000  }
0x4c: {  	[tilespmem:s11], [sflag:$0x1] =	stream.linear.gather [hbm4b:s26+s3], $0x80, $0x38;
	[tilespmem:$0x1B980] =	vst v63  }
0x4d: {  	s31 =	sadd.s32 $0x100, s30;
	s20 =	sadd.s32 s23, s28  }
0x4e: {  	[tilespmem:s3], [sflag:$0x1] =	stream.linear.gather [hbm4b:s20+s3], $0x4000, $0x38;
	[tilespmem:$0x1B980] =	vst v63  }
0x4f: {  	s20 =	sadd.s32 $0xFFFFFF80, s31;
	_ =	swait.ge [sflag:s17], $0x80  }
0x50: {  	p2 =	slt.s32 s20, $0x13080;
	[sflag:s17] =	ssyncset.done $0x0  }
0x51: {  	s20 =	simm.s32 @!p2 $0x13080;
	[sflag:s17] =	ssyncadd.s32 $0xFFFFFF80  }
0x52: {  	s29 =	simm.s32 $0x2800;
	s20 =	sshrl.u32 s20, $0x3;
	_ =	swait.ge [sflag:s17], $0x4000  }
0x53: {  	s9 =	simm.s32 $0x1800;
	s20 =	sadd.s32 s6, s20;
	[sflag:s17] =	ssyncset.done $0x0  }
.LBB2_9:
0x54: {  	p2 =	sne.s32 s29, $0x13800  }
0x55: {  	[sflag:s17] =	ssyncadd.s32 $0xFFFFC000;
	s2 =	smov.u32 s29;
	s29 =	sadd.s32 $0x1000, s29  }
0x56: {  	[spmem:s1] =	stream.indirect.scatter.add.f32 [tilespmem:s14], [sflag:$0x3], $0x80, s13, s7, $0xb8;
	[tilespmem:$0x1B980] =	vst v63  }
0x57: {  	_ =	swait.ge [sflag:s10], $0x4000  }
0x58: {  	s20 =	sadd.s32 $0x2800, s20;
	[sflag:s10] =	ssyncset.done $0x0  }
0x59: {  	[sflag:s10] =	ssyncadd.s32 $0xFFFFC000  }
0x5a: {  	[tilespmem:s13], [sflag:$0x2] =	stream.linear.gather [hbm4b:s20+s3], $0x80, $0x38;
	[tilespmem:$0x1B980] =	vst v63  }
0x5b: {  	s20 =	sadd.s32 s9, s8;
	s9 =	smov.u32 s2  }
0x5c: {  	[tilespmem:s14], [sflag:$0x2] =	stream.linear.gather [hbm4b:s20+s3], $0x4000, $0x38;
	[tilespmem:$0x1B980] =	vst v63  }
0x5d: {  	_ =	swait.ge [sflag:s16], $0x80  }
0x5e: {  	[sflag:s16] =	ssyncset.done $0x0  }
0x5f: {  	[sflag:s16] =	ssyncadd.s32 $0xFFFFFF80  }
0x60: {  	_ =	swait.ge [sflag:s16], $0x4000  }
0x61: {  	p3 =	slt.s32 s31, $0x13080;
	s2 =	smov.u32 s31;
	[sflag:s16] =	ssyncset.done $0x0  }
0x62: {  	s2 =	simm.s32 @!p3 $0x13080;
	p3 =	slt.s32 s31, $0x13F80;
	[sflag:s16] =	ssyncadd.s32 $0xFFFFC000  }
0x63: {  	[spmem:s1] =	stream.indirect.scatter.add.f32 [tilespmem:s3], [sflag:$0x3], $0x80, s11, s7, $0xb8;
	[tilespmem:$0x1B980] =	vst v63  }
0x64: {  	s2 =	sshrl.u32 s2, $0x3;
	s20 =	smov.u32 s31;
	_ =	swait.ge [sflag:s10], $0x4000  }
0x65: {  	s20 =	simm.s32 @!p3 $0x13F80;
	s2 =	sadd.s32 s6, s2;
	[sflag:s10] =	ssyncset.done $0x0  }
0x66: {  	s2 =	sadd.s32 $0x2800, s2;
	s20 =	sshll.u32 s20, $0x4;
	[sflag:s10] =	ssyncadd.s32 $0xFFFFC000  }
0x67: {  	[tilespmem:s11], [sflag:$0x1] =	stream.linear.gather [hbm4b:s2+s3], $0x80, $0x38;
	[tilespmem:$0x1B980] =	vst v63  }
0x68: {  	s31 =	sadd.s32 $0x100, s31;
	s2 =	sadd.s32 s23, s20  }
0x69: {  	[tilespmem:s3], [sflag:$0x1] =	stream.linear.gather [hbm4b:s2+s3], $0x4000, $0x38;
	[tilespmem:$0x1B980] =	vst v63  }
.Ltmp3:
0x6a: {  	s2 =	sadd.s32 $0xFFFFFF80, s31;
	_ =	swait.ge [sflag:s17], $0x80;
	(pc) =	sbr.rel @p2 .LBB2_9-.Ltmp3, $4  }
0x6b: {  	p3 =	slt.s32 s2, $0x13080;
	[sflag:s17] =	ssyncset.done $0x0  }
0x6c: {  	s2 =	simm.s32 @!p3 $0x13080;
	[sflag:s17] =	ssyncadd.s32 $0xFFFFFF80  }
0x6d: {  	s2 =	sshrl.u32 s2, $0x3;
	_ =	swait.ge [sflag:s17], $0x4000  }
0x6e: {  	s20 =	sadd.s32 s6, s2;
	[sflag:s17] =	ssyncset.done $0x0  }
0x6f: {  	[sflag:s17] =	ssyncadd.s32 $0xFFFFC000  }
0x70: {  	[spmem:s1] =	stream.indirect.scatter.add.f32 [tilespmem:s14], [sflag:$0x3], $0x80, s13, s7, $0xb8;
	[tilespmem:$0x1B980] =	vst v63  }
0x71: {  	_ =	swait.ge [sflag:s10], $0x4000  }
0x72: {  	[sflag:s10] =	ssyncset.done $0x0  }
0x73: {  	s2 =	sadd.s32 $0x2800, s20;
	[sflag:s10] =	ssyncadd.s32 $0xFFFFC000  }
0x74: {  	[tilespmem:s13], [sflag:$0x2] =	stream.linear.gather [hbm4b:s2+s3], $0x80, $0x38;
	[tilespmem:$0x1B980] =	vst v63  }
0x75: {  	s9 =	sadd.s32 s9, s8  }
0x76: {  	[tilespmem:s14], [sflag:$0x2] =	stream.linear.gather [hbm4b:s9+s3], $0x4000, $0x38;
	[tilespmem:$0x1B980] =	vst v63  }
0x77: {  	_ =	swait.ge [sflag:s16], $0x80  }
0x78: {  	[sflag:s16] =	ssyncset.done $0x0  }
0x79: {  	[sflag:s16] =	ssyncadd.s32 $0xFFFFFF80  }
0x7a: {  	_ =	swait.ge [sflag:s16], $0x4000  }
0x7b: {  	p2 =	slt.s32 s31, $0x13080;
	s2 =	smov.u32 s31;
	[sflag:s16] =	ssyncset.done $0x0  }
0x7c: {  	s2 =	simm.s32 @!p2 $0x13080;
	[sflag:s16] =	ssyncadd.s32 $0xFFFFC000  }
0x7d: {  	[spmem:s1] =	stream.indirect.scatter.add.f32 [tilespmem:s3], [sflag:$0x3], $0x80, s11, s7, $0xb8;
	[tilespmem:$0x1B980] =	vst v63  }
0x7e: {  	p2 =	slt.s32 s31, $0x13F80;
	s2 =	sshrl.u32 s2, $0x3;
	_ =	swait.ge [sflag:s10], $0x4000  }
0x7f: {  	s31 =	simm.s32 @!p2 $0x13F80;
	s2 =	sadd.s32 s6, s2;
	[sflag:s10] =	ssyncset.done $0x0  }
0x80: {  	s20 =	sshll.u32 s31, $0x4;
	s2 =	sadd.s32 $0x2800, s2;
	[sflag:s10] =	ssyncadd.s32 $0xFFFFC000  }
0x81: {  	[tilespmem:s11], [sflag:$0x1] =	stream.linear.gather [hbm4b:s2+s3], $0x80, $0x38;
	[tilespmem:$0x1B980] =	vst v63  }
0x82: {  	s8 =	sadd.s32 s23, s20  }
0x83: {  	[tilespmem:s3], [sflag:$0x1] =	stream.linear.gather [hbm4b:s8+s3], $0x4000, $0x38;
	[tilespmem:$0x1B980] =	vst v63  }
0x84: {  	_ =	swait.ge [sflag:s17], $0x80  }
0x85: {  	[sflag:s17] =	ssyncset.done $0x0  }
0x86: {  	[sflag:s17] =	ssyncadd.s32 $0xFFFFFF80  }
0x87: {  	_ =	swait.ge [sflag:s17], $0x4000  }
0x88: {  	[sflag:s17] =	ssyncset.done $0x0  }
0x89: {  	[sflag:s17] =	ssyncadd.s32 $0xFFFFC000  }
0x8a: {  	[spmem:s1] =	stream.indirect.scatter.add.f32 [tilespmem:s14], [sflag:$0x3], $0x80, s13, s7, $0xb8;
	[tilespmem:$0x1B980] =	vst v63  }
0x8b: {  	_ =	swait.ge [sflag:s10], $0x4000  }
0x8c: {  	[sflag:s10] =	ssyncset.done $0x0  }
0x8d: {  	[sflag:s10] =	ssyncadd.s32 $0xFFFFC000  }
0x8e: {  	_ =	swait.ge [sflag:s16], $0x80  }
0x8f: {  	[sflag:s16] =	ssyncset.done $0x0  }
0x90: {  	[sflag:s16] =	ssyncadd.s32 $0xFFFFFF80  }
0x91: {  	_ =	swait.ge [sflag:s16], $0x4000  }
0x92: {  	[sflag:s16] =	ssyncset.done $0x0  }
0x93: {  	[sflag:s16] =	ssyncadd.s32 $0xFFFFC000  }
0x94: {  	[bflag:$0x0] =	sbarrier.arrive $0xFFFF  }
0x95: {  	s31 =	simm.s32 $0x8;
	s20 =	simm.s32 $0x180;
	s9 =	rddreg [dreg:$0xf]  }
0x96: {  	[hbm:s9@s20], [sflag:s22] =	dma.strided [spmem:s24@s7], $0x2700, s31, $0x10   }
0x97: {  	_ =	swait.ge [sflag:s10], $0x2700  }
0x98: {  	[sflag:s10] =	ssyncset.done $0x0  }
0x99: {  	[sflag:s10] =	ssyncadd.s32 $0xFFFFD900  }
0x9a: {  	[bflag:$0x0] =	sbarrier.arrive @p1 $0xFFFF  }
0x9b: {  	s2 =	simm.s32 @p1 $0x3;
	s20 =	rddreg [dreg:$0x11]  }
0x9c: {  	[spmem:s12], [sflag:s22] =	dma.local @p1 [hbm:s20], $0x2700  }
0x9d: {  	_ =	swait.ge @p1 [sflag:s2], $0x2700  }
0x9e: {  	s8 =	simm.s32 @!p1 $0x180;
	s9 =	simm.s32 @!p1 $0x80;
	[sflag:s2] =	ssyncset.done @p1 $0x0  }
0x9f: {  	s12 =	rddreg [dreg:$0x10];
	[sflag:s2] =	ssyncadd.s32 @p1 $0xFFFFD900;
	s2 =	simm.s32 @!p1 $0x8  }
0xa0: {  	[hbm:s12@s8], [sflag:s22] =	dma.strided @!p1 [spmem:s25@s9], $0x100, s2, $0x10   }
0xa1: {  	s2 =	simm.s32 @!p1 $0x3  }
0xa2: {  	_ =	swait.ge @!p1 [sflag:s2], $0x100  }
0xa3: {  	[sflag:s2] =	ssyncset.done @!p1 $0x0  }
0xa4: {  	[sflag:s2] =	ssyncadd.s32 @!p1 $0xFFFFFF00  }
0xa5: {  	[bflag:$0x0] =	sbarrier.arrive @!p1 $0xFFFF  }
0xa6: {  	s8 =	rddreg [dreg:$0x1a]  }
0xa7: {  	[spmem:s8], [sflag:s22] =	dma.local @!p1 [hbm:s20], $0x2700  }
0xa8: {  	_ =	swait.ge @!p1 [sflag:s2], $0x2700  }
0xa9: {  	[sflag:s2] =	ssyncset.done @!p1 $0x0  }
0xaa: {  	s8 =	rddreg [dreg:$0x14];
	[sflag:s2] =	ssyncadd.s32 @!p1 $0xFFFFD900  }
0xab: {  	[spmem:s25], [sflag:s22] =	dma.local @!p1 [hbm:s8], $0x100  }
0xac: {  	_ =	swait.ge @!p1 [sflag:s2], $0x100  }
0xad: {  	[sflag:s2] =	ssyncset.done @!p1 $0x0  }
0xae: {  	[sflag:s2] =	ssyncadd.s32 @!p1 $0xFFFFFF00  }
0xaf: {  	[bflag:$0x0] =	sbarrier.arrive $0xFFFF  }
0xb0: {  	s29 =	rddreg [dreg:$0x7]  }
0xb1: {  	[tilespmem:s11], [sflag:$0x1] =	stream.linear.gather [hbm4b:s29+s3], $0x80, $0x38;
	[tilespmem:$0x1B980] =	vst v63  }
0xb2: {  	_ = 	snop  }
0xb3: {  	[tilespmem:s3], [sflag:$0x1] =	stream.linear.gather [hbm4b:s15+s3], $0x4000, $0x38;
	[tilespmem:$0x1B980] =	vst v63  }
0xb4: {  	_ = 	snop  }
0xb5: {  	[tilespmem:s13], [sflag:$0x2] =	stream.linear.gather [hbm4b:s19+s3], $0x80, $0x38;
	[tilespmem:$0x1B980] =	vst v63  }
0xb6: {  	s25 =	sadd.s32 $0x800, s15  }
0xb7: {  	[tilespmem:s14], [sflag:$0x2] =	stream.linear.gather [hbm4b:s25+s3], $0x4000, $0x38;
	[tilespmem:$0x1B980] =	vst v63  }
0xb8: {  	_ =	swait.ge [sflag:s16], $0x80  }
0xb9: {  	[sflag:s16] =	ssyncset.done $0x0  }
0xba: {  	[sflag:s16] =	ssyncadd.s32 $0xFFFFFF80  }
0xbb: {  	_ =	swait.ge [sflag:s16], $0x4000  }
0xbc: {  	[sflag:s16] =	ssyncset.done $0x0  }
0xbd: {  	[sflag:s16] =	ssyncadd.s32 $0xFFFFC000  }
0xbe: {  	[spmem:s1] =	stream.indirect.scatter.add.f32 [tilespmem:s3], [sflag:$0x3], $0x80, s11, s7, $0xb8;
	[tilespmem:$0x1B980] =	vst v63  }
0xbf: {  	_ =	swait.ge [sflag:s10], $0x4000  }
0xc0: {  	[sflag:s10] =	ssyncset.done $0x0  }
0xc1: {  	[sflag:s10] =	ssyncadd.s32 $0xFFFFC000  }
0xc2: {  	[tilespmem:s11], [sflag:$0x1] =	stream.linear.gather [hbm4b:s26+s3], $0x80, $0x38;
	[tilespmem:$0x1B980] =	vst v63  }
0xc3: {  	s2 =	sadd.s32 $0x100, s30;
	s26 =	sadd.s32 s5, s28  }
0xc4: {  	[tilespmem:s3], [sflag:$0x1] =	stream.linear.gather [hbm4b:s26+s3], $0x4000, $0x38;
	[tilespmem:$0x1B980] =	vst v63  }
0xc5: {  	s9 =	sadd.s32 $0xFFFFFF80, s2;
	_ =	swait.ge [sflag:s17], $0x80  }
0xc6: {  	p2 =	slt.s32 s9, $0x13080;
	[sflag:s17] =	ssyncset.done $0x0  }
0xc7: {  	s9 =	simm.s32 @!p2 $0x13080;
	[sflag:s17] =	ssyncadd.s32 $0xFFFFFF80  }
0xc8: {  	s8 =	simm.s32 $0x1800;
	s28 =	sshrl.u32 s9, $0x3;
	_ =	swait.ge [sflag:s17], $0x4000  }
0xc9: {  	s9 =	simm.s32 $0x2800;
	s12 =	sadd.s32 s6, s28;
	[sflag:s17] =	ssyncset.done $0x0  }
.LBB2_11:
0xca: {  	p2 =	sne.s32 s9, $0x13800  }
0xcb: {  	[sflag:s17] =	ssyncadd.s32 $0xFFFFC000;
	s19 =	smov.u32 s9;
	s9 =	sadd.s32 $0x1000, s9  }
0xcc: {  	[spmem:s1] =	stream.indirect.scatter.add.f32 [tilespmem:s14], [sflag:$0x3], $0x80, s13, s7, $0xb8;
	[tilespmem:$0x1B980] =	vst v63  }
0xcd: {  	_ =	swait.ge [sflag:s10], $0x4000  }
0xce: {  	s12 =	sadd.s32 $0x2800, s12;
	[sflag:s10] =	ssyncset.done $0x0  }
0xcf: {  	[sflag:s10] =	ssyncadd.s32 $0xFFFFC000  }
0xd0: {  	[tilespmem:s13], [sflag:$0x2] =	stream.linear.gather [hbm4b:s12+s3], $0x80, $0x38;
	[tilespmem:$0x1B980] =	vst v63  }
0xd1: {  	s12 =	sadd.s32 s8, s15;
	s8 =	smov.u32 s19  }
0xd2: {  	[tilespmem:s14], [sflag:$0x2] =	stream.linear.gather [hbm4b:s12+s3], $0x4000, $0x38;
	[tilespmem:$0x1B980] =	vst v63  }
0xd3: {  	_ =	swait.ge [sflag:s16], $0x80  }
0xd4: {  	[sflag:s16] =	ssyncset.done $0x0  }
0xd5: {  	[sflag:s16] =	ssyncadd.s32 $0xFFFFFF80  }
0xd6: {  	_ =	swait.ge [sflag:s16], $0x4000  }
0xd7: {  	p3 =	slt.s32 s2, $0x13080;
	s12 =	smov.u32 s2;
	[sflag:s16] =	ssyncset.done $0x0  }
0xd8: {  	s19 =	smov.u32 s2;
	s12 =	simm.s32 @!p3 $0x13080;
	[sflag:s16] =	ssyncadd.s32 $0xFFFFC000  }
0xd9: {  	[spmem:s1] =	stream.indirect.scatter.add.f32 [tilespmem:s3], [sflag:$0x3], $0x80, s11, s7, $0xb8;
	[tilespmem:$0x1B980] =	vst v63  }
0xda: {  	p3 =	slt.s32 s2, $0x13F80;
	s12 =	sshrl.u32 s12, $0x3;
	_ =	swait.ge [sflag:s10], $0x4000  }
0xdb: {  	s19 =	simm.s32 @!p3 $0x13F80;
	s12 =	sadd.s32 s6, s12;
	[sflag:s10] =	ssyncset.done $0x0  }
0xdc: {  	s19 =	sshll.u32 s19, $0x4;
	s12 =	sadd.s32 $0x2800, s12;
	[sflag:s10] =	ssyncadd.s32 $0xFFFFC000  }
0xdd: {  	[tilespmem:s11], [sflag:$0x1] =	stream.linear.gather [hbm4b:s12+s3], $0x80, $0x38;
	[tilespmem:$0x1B980] =	vst v63  }
0xde: {  	s2 =	sadd.s32 $0x100, s2;
	s12 =	sadd.s32 s5, s19  }
0xdf: {  	[tilespmem:s3], [sflag:$0x1] =	stream.linear.gather [hbm4b:s12+s3], $0x4000, $0x38;
	[tilespmem:$0x1B980] =	vst v63  }
.Ltmp4:
0xe0: {  	s12 =	sadd.s32 $0xFFFFFF80, s2;
	_ =	swait.ge [sflag:s17], $0x80;
	(pc) =	sbr.rel @p2 .LBB2_11-.Ltmp4, $4  }
0xe1: {  	p3 =	slt.s32 s12, $0x13080;
	[sflag:s17] =	ssyncset.done $0x0  }
0xe2: {  	s12 =	simm.s32 @!p3 $0x13080;
	[sflag:s17] =	ssyncadd.s32 $0xFFFFFF80  }
0xe3: {  	s12 =	sshrl.u32 s12, $0x3;
	_ =	swait.ge [sflag:s17], $0x4000  }
0xe4: {  	s12 =	sadd.s32 s6, s12;
	[sflag:s17] =	ssyncset.done $0x0  }
0xe5: {  	[sflag:s17] =	ssyncadd.s32 $0xFFFFC000  }
0xe6: {  	[spmem:s1] =	stream.indirect.scatter.add.f32 [tilespmem:s14], [sflag:$0x3], $0x80, s13, s7, $0xb8;
	[tilespmem:$0x1B980] =	vst v63  }
0xe7: {  	_ =	swait.ge [sflag:s10], $0x4000  }
0xe8: {  	[sflag:s10] =	ssyncset.done $0x0  }
0xe9: {  	s9 =	sadd.s32 $0x2800, s12;
	[sflag:s10] =	ssyncadd.s32 $0xFFFFC000  }
0xea: {  	[tilespmem:s13], [sflag:$0x2] =	stream.linear.gather [hbm4b:s9+s3], $0x80, $0x38;
	[tilespmem:$0x1B980] =	vst v63  }
0xeb: {  	s8 =	sadd.s32 s8, s15  }
0xec: {  	[tilespmem:s14], [sflag:$0x2] =	stream.linear.gather [hbm4b:s8+s3], $0x4000, $0x38;
	[tilespmem:$0x1B980] =	vst v63  }
0xed: {  	_ =	swait.ge [sflag:s16], $0x80  }
0xee: {  	[sflag:s16] =	ssyncset.done $0x0  }
0xef: {  	[sflag:s16] =	ssyncadd.s32 $0xFFFFFF80  }
0xf0: {  	_ =	swait.ge [sflag:s16], $0x4000  }
0xf1: {  	p2 =	slt.s32 s2, $0x13080;
	s8 =	smov.u32 s2;
	[sflag:s16] =	ssyncset.done $0x0  }
0xf2: {  	s8 =	simm.s32 @!p2 $0x13080;
	[sflag:s16] =	ssyncadd.s32 $0xFFFFC000  }
0xf3: {  	[spmem:s1] =	stream.indirect.scatter.add.f32 [tilespmem:s3], [sflag:$0x3], $0x80, s11, s7, $0xb8;
	[tilespmem:$0x1B980] =	vst v63  }
0xf4: {  	p2 =	slt.s32 s2, $0x13F80;
	s8 =	sshrl.u32 s8, $0x3;
	_ =	swait.ge [sflag:s10], $0x4000  }
0xf5: {  	s2 =	simm.s32 @!p2 $0x13F80;
	s8 =	sadd.s32 s6, s8;
	[sflag:s10] =	ssyncset.done $0x0  }
0xf6: {  	s2 =	sshll.u32 s2, $0x4;
	s8 =	sadd.s32 $0x2800, s8;
	[sflag:s10] =	ssyncadd.s32 $0xFFFFC000  }
0xf7: {  	[tilespmem:s11], [sflag:$0x1] =	stream.linear.gather [hbm4b:s8+s3], $0x80, $0x38;
	[tilespmem:$0x1B980] =	vst v63  }
0xf8: {  	s2 =	sadd.s32 s5, s2  }
0xf9: {  	[tilespmem:s3], [sflag:$0x1] =	stream.linear.gather [hbm4b:s2+s3], $0x4000, $0x38;
	[tilespmem:$0x1B980] =	vst v63  }
0xfa: {  	_ =	swait.ge [sflag:s17], $0x80  }
0xfb: {  	[sflag:s17] =	ssyncset.done $0x0  }
0xfc: {  	[sflag:s17] =	ssyncadd.s32 $0xFFFFFF80  }
0xfd: {  	_ =	swait.ge [sflag:s17], $0x4000  }
0xfe: {  	[sflag:s17] =	ssyncset.done $0x0  }
0xff: {  	[sflag:s17] =	ssyncadd.s32 $0xFFFFC000  }
0x100: {  	[spmem:s1] =	stream.indirect.scatter.add.f32 [tilespmem:s14], [sflag:$0x3], $0x80, s13, s7, $0xb8;
	[tilespmem:$0x1B980] =	vst v63  }
0x101: {  	_ =	swait.ge [sflag:s10], $0x4000  }
0x102: {  	[sflag:s10] =	ssyncset.done $0x0  }
0x103: {  	[sflag:s10] =	ssyncadd.s32 $0xFFFFC000  }
0x104: {  	_ =	swait.ge [sflag:s16], $0x80  }
0x105: {  	[sflag:s16] =	ssyncset.done $0x0  }
0x106: {  	[sflag:s16] =	ssyncadd.s32 $0xFFFFFF80  }
0x107: {  	_ =	swait.ge [sflag:s16], $0x4000  }
0x108: {  	[sflag:s16] =	ssyncset.done $0x0  }
0x109: {  	[sflag:s16] =	ssyncadd.s32 $0xFFFFC000  }
0x10a: {  	[bflag:$0x0] =	sbarrier.arrive $0xFFFF  }
.Ltmp5:
0x10b: {  	s28 =	rddreg [dreg:$0x15];
	(pc) =	sbr.rel @p1 .LBB2_15-.Ltmp5, $4  }
0x10c: {  	[hbm:s28], [sflag:s22] =	dma.local [spmem:s24], $0x2700  }
0x10d: {  	_ =	swait.ge [sflag:s10], $0x2700  }
0x10e: {  	[sflag:s10] =	ssyncset.done $0x0  }
0x10f: {  	[sflag:s10] =	ssyncadd.s32 $0xFFFFD900  }
.Ltmp6:
0x110: {  	(pc) =	sbr.rel .LBB2_14-.Ltmp6, $4  }
0x111: {  	_ = 	snop  }
0x112: {  	s2 =	rddreg [dreg:$0x19]  }
0x113: {  	s8 =	rddreg [dreg:$0x16];
	s2 =	sshrl.u32 s2, $0x3  }
0x114: {  	[hbm:s8], [sflag:s22] =	dma.local [spmem:s2], $0x100  }
.LBB2_2:
0x115: {  	s2 =	rddreg [dreg:$0x5];
	s8 =	simm.s32 $0x180  }
0x116: {  	[spmem:s24@s7], [sflag:s22] =	dma.strided [hbm:s2@s8], $0x2700, s31, $0x10   }
0x117: {  	_ =	swait.ge [sflag:s10], $0x2700  }
0x118: {  	s9 =	simm.s32 @!p1 $0x80;
	s19 =	simm.s32 @!p1 $0x180;
	[sflag:s10] =	ssyncset.done $0x0  }
0x119: {  	s8 =	simm.s32 @!p1 $0x8;
	s2 =	rddreg [dreg:$0x6];
	[sflag:s10] =	ssyncadd.s32 $0xFFFFD900  }
0x11a: {  	[spmem:s25@s9], [sflag:s22] =	dma.strided @!p1 [hbm:s2@s19], $0x100, s8, $0x10   }
0x11b: {  	s8 =	simm.s32 @!p1 $0x3  }
0x11c: {  	_ =	swait.ge @!p1 [sflag:s8], $0x100  }
0x11d: {  	[sflag:s8] =	ssyncset.done @!p1 $0x0  }
0x11e: {  	[sflag:s8] =	ssyncadd.s32 @!p1 $0xFFFFFF00;
	s8 =	sadd.s32 $0xFFFFFF80, s30  }
0x11f: {  	[bflag:$0x0] =	sbarrier.arrive $0xFFFF;
	p2 =	slt.s32 s8, $0x13080  }
0x120: {  	[tilespmem:s11], [sflag:$0x1] =	stream.linear.gather [hbm4b:s29+s3], $0x80, $0x38;
	[tilespmem:$0x1B980] =	vst v63  }
0x121: {  	s8 =	simm.s32 @!p2 $0x13080  }
0x122: {  	s8 =	sshrl.u32 s8, $0x3  }
0x123: {  	[tilespmem:s3], [sflag:$0x1] =	stream.linear.gather [hbm4b:s0+s3], $0x4000, $0x38;
	[tilespmem:$0x1B980] =	vst v63  }
0x124: {  	s8 =	sadd.s32 s6, s8  }
0x125: {  	s19 =	sadd.s32 $0x2800, s8  }
0x126: {  	[tilespmem:s13], [sflag:$0x2] =	stream.linear.gather [hbm4b:s19+s3], $0x80, $0x38;
	[tilespmem:$0x1B980] =	vst v63  }
0x127: {  	s26 =	sadd.s32 $0x800, s0  }
0x128: {  	[tilespmem:s14], [sflag:$0x2] =	stream.linear.gather [hbm4b:s26+s3], $0x4000, $0x38;
	[tilespmem:$0x1B980] =	vst v63  }
0x129: {  	_ =	swait.ge [sflag:s16], $0x80  }
0x12a: {  	[sflag:s16] =	ssyncset.done $0x0  }
0x12b: {  	[sflag:s16] =	ssyncadd.s32 $0xFFFFFF80  }
0x12c: {  	_ =	swait.ge [sflag:s16], $0x4000  }
0x12d: {  	p2 =	slt.s32 s30, $0x13080;
	s8 =	smov.u32 s30;
	[sflag:s16] =	ssyncset.done $0x0  }
0x12e: {  	s9 =	smov.u32 s30;
	s8 =	simm.s32 @!p2 $0x13080;
	[sflag:s16] =	ssyncadd.s32 $0xFFFFC000  }
0x12f: {  	[spmem:s1] =	stream.indirect.scatter.add.f32 [tilespmem:s3], [sflag:$0x3], $0x80, s11, s7, $0xb8;
	[tilespmem:$0x1B980] =	vst v63  }
0x130: {  	p2 =	slt.s32 s30, $0x13F80;
	s8 =	sshrl.u32 s8, $0x3;
	_ =	swait.ge [sflag:s10], $0x4000  }
0x131: {  	s9 =	simm.s32 @!p2 $0x13F80;
	s8 =	sadd.s32 s6, s8;
	[sflag:s10] =	ssyncset.done $0x0  }
0x132: {  	s26 =	sshll.u32 s9, $0x4;
	s28 =	sadd.s32 $0x2800, s8;
	[sflag:s10] =	ssyncadd.s32 $0xFFFFC000  }
0x133: {  	[tilespmem:s11], [sflag:$0x1] =	stream.linear.gather [hbm4b:s28+s3], $0x80, $0x38;
	[tilespmem:$0x1B980] =	vst v63  }
0x134: {  	s9 =	sadd.s32 s4, s26;
	s8 =	sadd.s32 $0x100, s30  }
0x135: {  	[tilespmem:s3], [sflag:$0x1] =	stream.linear.gather [hbm4b:s9+s3], $0x4000, $0x38;
	[tilespmem:$0x1B980] =	vst v63  }
0x136: {  	s9 =	sadd.s32 $0xFFFFFF80, s8;
	_ =	swait.ge [sflag:s17], $0x80  }
0x137: {  	p2 =	slt.s32 s9, $0x13080;
	[sflag:s17] =	ssyncset.done $0x0  }
0x138: {  	s9 =	simm.s32 @!p2 $0x13080;
	[sflag:s17] =	ssyncadd.s32 $0xFFFFFF80  }
0x139: {  	s31 =	simm.s32 $0x1800;
	s20 =	sshrl.u32 s9, $0x3;
	_ =	swait.ge [sflag:s17], $0x4000  }
0x13a: {  	s9 =	simm.s32 $0x2800;
	s29 =	sadd.s32 s6, s20;
	[sflag:s17] =	ssyncset.done $0x0  }
.LBB2_3:
0x13b: {  	p2 =	sne.s32 s9, $0x13800  }
0x13c: {  	[sflag:s17] =	ssyncadd.s32 $0xFFFFC000;
	s20 =	smov.u32 s9;
	s9 =	sadd.s32 $0x1000, s9  }
0x13d: {  	[spmem:s1] =	stream.indirect.scatter.add.f32 [tilespmem:s14], [sflag:$0x3], $0x80, s13, s7, $0xb8;
	[tilespmem:$0x1B980] =	vst v63  }
0x13e: {  	_ =	swait.ge [sflag:s10], $0x4000  }
0x13f: {  	s29 =	sadd.s32 $0x2800, s29;
	[sflag:s10] =	ssyncset.done $0x0  }
0x140: {  	[sflag:s10] =	ssyncadd.s32 $0xFFFFC000  }
0x141: {  	[tilespmem:s13], [sflag:$0x2] =	stream.linear.gather [hbm4b:s29+s3], $0x80, $0x38;
	[tilespmem:$0x1B980] =	vst v63  }
0x142: {  	s29 =	sadd.s32 s31, s0;
	s31 =	smov.u32 s20  }
0x143: {  	[tilespmem:s14], [sflag:$0x2] =	stream.linear.gather [hbm4b:s29+s3], $0x4000, $0x38;
	[tilespmem:$0x1B980] =	vst v63  }
0x144: {  	_ =	swait.ge [sflag:s16], $0x80  }
0x145: {  	[sflag:s16] =	ssyncset.done $0x0  }
0x146: {  	[sflag:s16] =	ssyncadd.s32 $0xFFFFFF80  }
0x147: {  	_ =	swait.ge [sflag:s16], $0x4000  }
0x148: {  	p3 =	slt.s32 s8, $0x13080;
	s20 =	smov.u32 s8;
	[sflag:s16] =	ssyncset.done $0x0  }
0x149: {  	s20 =	simm.s32 @!p3 $0x13080;
	p3 =	slt.s32 s8, $0x13F80;
	[sflag:s16] =	ssyncadd.s32 $0xFFFFC000  }
0x14a: {  	[spmem:s1] =	stream.indirect.scatter.add.f32 [tilespmem:s3], [sflag:$0x3], $0x80, s11, s7, $0xb8;
	[tilespmem:$0x1B980] =	vst v63  }
0x14b: {  	s20 =	sshrl.u32 s20, $0x3;
	s29 =	smov.u32 s8;
	_ =	swait.ge [sflag:s10], $0x4000  }
0x14c: {  	s29 =	simm.s32 @!p3 $0x13F80;
	s20 =	sadd.s32 s6, s20;
	[sflag:s10] =	ssyncset.done $0x0  }
0x14d: {  	s20 =	sadd.s32 $0x2800, s20;
	s29 =	sshll.u32 s29, $0x4;
	[sflag:s10] =	ssyncadd.s32 $0xFFFFC000  }
0x14e: {  	[tilespmem:s11], [sflag:$0x1] =	stream.linear.gather [hbm4b:s20+s3], $0x80, $0x38;
	[tilespmem:$0x1B980] =	vst v63  }
0x14f: {  	s8 =	sadd.s32 $0x100, s8;
	s20 =	sadd.s32 s4, s29  }
0x150: {  	[tilespmem:s3], [sflag:$0x1] =	stream.linear.gather [hbm4b:s20+s3], $0x4000, $0x38;
	[tilespmem:$0x1B980] =	vst v63  }
.Ltmp7:
0x151: {  	s20 =	sadd.s32 $0xFFFFFF80, s8;
	_ =	swait.ge [sflag:s17], $0x80;
	(pc) =	sbr.rel @p2 .LBB2_3-.Ltmp7, $4  }
0x152: {  	p3 =	slt.s32 s20, $0x13080;
	[sflag:s17] =	ssyncset.done $0x0  }
0x153: {  	s20 =	simm.s32 @!p3 $0x13080;
	[sflag:s17] =	ssyncadd.s32 $0xFFFFFF80  }
0x154: {  	s20 =	sshrl.u32 s20, $0x3;
	_ =	swait.ge [sflag:s17], $0x4000  }
0x155: {  	s29 =	sadd.s32 s6, s20;
	[sflag:s17] =	ssyncset.done $0x0  }
0x156: {  	[sflag:s17] =	ssyncadd.s32 $0xFFFFC000  }
0x157: {  	[spmem:s1] =	stream.indirect.scatter.add.f32 [tilespmem:s14], [sflag:$0x3], $0x80, s13, s7, $0xb8;
	[tilespmem:$0x1B980] =	vst v63  }
0x158: {  	_ =	swait.ge [sflag:s10], $0x4000  }
0x159: {  	[sflag:s10] =	ssyncset.done $0x0  }
0x15a: {  	s9 =	sadd.s32 $0x2800, s29;
	[sflag:s10] =	ssyncadd.s32 $0xFFFFC000  }
0x15b: {  	[tilespmem:s13], [sflag:$0x2] =	stream.linear.gather [hbm4b:s9+s3], $0x80, $0x38;
	[tilespmem:$0x1B980] =	vst v63  }
0x15c: {  	s2 =	sadd.s32 s31, s0  }
0x15d: {  	[tilespmem:s14], [sflag:$0x2] =	stream.linear.gather [hbm4b:s2+s3], $0x4000, $0x38;
	[tilespmem:$0x1B980] =	vst v63  }
0x15e: {  	_ =	swait.ge [sflag:s16], $0x80  }
0x15f: {  	[sflag:s16] =	ssyncset.done $0x0  }
0x160: {  	[sflag:s16] =	ssyncadd.s32 $0xFFFFFF80  }
0x161: {  	_ =	swait.ge [sflag:s16], $0x4000  }
0x162: {  	p2 =	slt.s32 s8, $0x13080;
	s9 =	smov.u32 s8;
	[sflag:s16] =	ssyncset.done $0x0  }
0x163: {  	s9 =	simm.s32 @!p2 $0x13080;
	[sflag:s16] =	ssyncadd.s32 $0xFFFFC000  }
0x164: {  	[spmem:s1] =	stream.indirect.scatter.add.f32 [tilespmem:s3], [sflag:$0x3], $0x80, s11, s7, $0xb8;
	[tilespmem:$0x1B980] =	vst v63  }
0x165: {  	p2 =	slt.s32 s8, $0x13F80;
	s9 =	sshrl.u32 s9, $0x3;
	_ =	swait.ge [sflag:s10], $0x4000  }
0x166: {  	s8 =	simm.s32 @!p2 $0x13F80;
	s9 =	sadd.s32 s6, s9;
	[sflag:s10] =	ssyncset.done $0x0  }
0x167: {  	s8 =	sshll.u32 s8, $0x4;
	s9 =	sadd.s32 $0x2800, s9;
	[sflag:s10] =	ssyncadd.s32 $0xFFFFC000  }
0x168: {  	[tilespmem:s11], [sflag:$0x1] =	stream.linear.gather [hbm4b:s9+s3], $0x80, $0x38;
	[tilespmem:$0x1B980] =	vst v63  }
0x169: {  	s8 =	sadd.s32 s4, s8  }
0x16a: {  	[tilespmem:s3], [sflag:$0x1] =	stream.linear.gather [hbm4b:s8+s3], $0x4000, $0x38;
	[tilespmem:$0x1B980] =	vst v63  }
0x16b: {  	_ =	swait.ge [sflag:s17], $0x80  }
0x16c: {  	[sflag:s17] =	ssyncset.done $0x0  }
0x16d: {  	[sflag:s17] =	ssyncadd.s32 $0xFFFFFF80  }
0x16e: {  	_ =	swait.ge [sflag:s17], $0x4000  }
0x16f: {  	[sflag:s17] =	ssyncset.done $0x0  }
0x170: {  	[sflag:s17] =	ssyncadd.s32 $0xFFFFC000  }
0x171: {  	[spmem:s1] =	stream.indirect.scatter.add.f32 [tilespmem:s14], [sflag:$0x3], $0x80, s13, s7, $0xb8;
	[tilespmem:$0x1B980] =	vst v63  }
0x172: {  	_ =	swait.ge [sflag:s10], $0x4000  }
0x173: {  	[sflag:s10] =	ssyncset.done $0x0  }
0x174: {  	[sflag:s10] =	ssyncadd.s32 $0xFFFFC000  }
0x175: {  	_ =	swait.ge [sflag:s16], $0x80  }
0x176: {  	[sflag:s16] =	ssyncset.done $0x0  }
0x177: {  	[sflag:s16] =	ssyncadd.s32 $0xFFFFFF80  }
0x178: {  	_ =	swait.ge [sflag:s16], $0x4000  }
0x179: {  	[sflag:s16] =	ssyncset.done $0x0  }
0x17a: {  	[sflag:s16] =	ssyncadd.s32 $0xFFFFC000  }
0x17b: {  	[bflag:$0x0] =	sbarrier.arrive $0xFFFF  }
0x17c: {  	s31 =	simm.s32 $0x8;
	s9 =	simm.s32 $0x180;
	s2 =	rddreg [dreg:$0x8]  }
0x17d: {  	[hbm:s2@s9], [sflag:s22] =	dma.strided [spmem:s24@s7], $0x2700, s31, $0x10   }
0x17e: {  	_ =	swait.ge [sflag:s10], $0x2700  }
0x17f: {  	[sflag:s10] =	ssyncset.done $0x0  }
0x180: {  	[sflag:s10] =	ssyncadd.s32 $0xFFFFD900  }
0x181: {  	s20 =	simm.s32 @p1 $0x180;
	[bflag:$0x0] =	sbarrier.arrive @p1 $0xFFFF  }
0x182: {  	s8 =	simm.s32 @p1 $0x8;
	s9 =	simm.s32 @p1 $0x80;
	s29 =	rddreg [dreg:$0xa]  }
0x183: {  	[spmem:s12@s9], [sflag:s22] =	dma.strided @p1 [hbm:s29@s20], $0x2700, s8, $0x10   }
0x184: {  	s8 =	simm.s32 @p1 $0x3  }
0x185: {  	s9 =	simm.s32 @!p1 $0x180;
	_ =	swait.ge @p1 [sflag:s8], $0x2700  }
0x186: {  	s12 =	simm.s32 @!p1 $0x80;
	s20 =	simm.s32 @!p1 $0x3;
	[sflag:s8] =	ssyncset.done @p1 $0x0  }
0x187: {  	s2 =	rddreg [dreg:$0x9];
	[sflag:s8] =	ssyncadd.s32 @p1 $0xFFFFD900;
	s8 =	simm.s32 @!p1 $0x8  }
0x188: {  	[hbm:s2@s9], [sflag:s22] =	dma.strided @!p1 [spmem:s25@s12], $0x100, s8, $0x10   }
0x189: {  	_ =	swait.ge @!p1 [sflag:s20], $0x100  }
0x18a: {  	[sflag:s20] =	ssyncset.done @!p1 $0x0  }
0x18b: {  	[sflag:s20] =	ssyncadd.s32 @!p1 $0xFFFFFF00  }
0x18c: {  	[bflag:$0x0] =	sbarrier.arrive @!p1 $0xFFFF  }
0x18d: {  	s2 =	rddreg [dreg:$0x1a]  }
0x18e: {  	[spmem:s2@s12], [sflag:s22] =	dma.strided @!p1 [hbm:s29@s9], $0x2700, s8, $0x10   }
0x18f: {  	_ =	swait.ge @!p1 [sflag:s20], $0x2700  }
0x190: {  	[sflag:s20] =	ssyncset.done @!p1 $0x0  }
0x191: {  	s2 =	rddreg [dreg:$0xb];
	[sflag:s20] =	ssyncadd.s32 @!p1 $0xFFFFD900  }
0x192: {  	[spmem:s25@s12], [sflag:s22] =	dma.strided @!p1 [hbm:s2@s9], $0x100, s8, $0x10   }
0x193: {  	_ =	swait.ge @!p1 [sflag:s20], $0x100  }
0x194: {  	[sflag:s20] =	ssyncset.done @!p1 $0x0  }
0x195: {  	[sflag:s20] =	ssyncadd.s32 @!p1 $0xFFFFFF00  }
0x196: {  	[bflag:$0x0] =	sbarrier.arrive $0xFFFF  }
0x197: {  	s29 =	rddreg [dreg:$0x7]  }
0x198: {  	s12 =	rddreg [dreg:$0x18]  }
0x199: {  	[tilespmem:s11], [sflag:$0x1] =	stream.linear.gather [hbm4b:s29+s3], $0x80, $0x38;
	[tilespmem:$0x1B980] =	vst v63  }
0x19a: {  	s20 =	sadd.s32 s12, s21  }
0x19b: {  	[tilespmem:s3], [sflag:$0x1] =	stream.linear.gather [hbm4b:s20+s3], $0x4000, $0x38;
	[tilespmem:$0x1B980] =	vst v63  }
0x19c: {  	s8 =	sadd.s32 s21, s12  }
0x19d: {  	[tilespmem:s13], [sflag:$0x2] =	stream.linear.gather [hbm4b:s19+s3], $0x80, $0x38;
	[tilespmem:$0x1B980] =	vst v63  }
0x19e: {  	s25 =	sadd.s32 $0x800, s8  }
0x19f: {  	[tilespmem:s14], [sflag:$0x2] =	stream.linear.gather [hbm4b:s25+s3], $0x4000, $0x38;
	[tilespmem:$0x1B980] =	vst v63  }
0x1a0: {  	_ =	swait.ge [sflag:s16], $0x80  }
0x1a1: {  	[sflag:s16] =	ssyncset.done $0x0  }
0x1a2: {  	[sflag:s16] =	ssyncadd.s32 $0xFFFFFF80  }
0x1a3: {  	_ =	swait.ge [sflag:s16], $0x4000  }
0x1a4: {  	[sflag:s16] =	ssyncset.done $0x0  }
0x1a5: {  	[sflag:s16] =	ssyncadd.s32 $0xFFFFC000  }
0x1a6: {  	[spmem:s1] =	stream.indirect.scatter.add.f32 [tilespmem:s3], [sflag:$0x3], $0x80, s11, s7, $0xb8;
	[tilespmem:$0x1B980] =	vst v63  }
0x1a7: {  	_ =	swait.ge [sflag:s10], $0x4000  }
0x1a8: {  	[sflag:s10] =	ssyncset.done $0x0  }
0x1a9: {  	[sflag:s10] =	ssyncadd.s32 $0xFFFFC000  }
0x1aa: {  	[tilespmem:s11], [sflag:$0x1] =	stream.linear.gather [hbm4b:s28+s3], $0x80, $0x38;
	[tilespmem:$0x1B980] =	vst v63  }
0x1ab: {  	s26 =	sadd.s32 s21, s26;
	s2 =	sadd.s32 $0x100, s30  }
0x1ac: {  	[tilespmem:s3], [sflag:$0x1] =	stream.linear.gather [hbm4b:s26+s3], $0x4000, $0x38;
	[tilespmem:$0x1B980] =	vst v63  }
0x1ad: {  	s9 =	sadd.s32 $0xFFFFFF80, s2;
	_ =	swait.ge [sflag:s17], $0x80  }
0x1ae: {  	p2 =	slt.s32 s9, $0x13080;
	[sflag:s17] =	ssyncset.done $0x0  }
0x1af: {  	s9 =	simm.s32 @!p2 $0x13080;
	[sflag:s17] =	ssyncadd.s32 $0xFFFFFF80  }
0x1b0: {  	s12 =	simm.s32 $0x1800;
	s28 =	sshrl.u32 s9, $0x3;
	_ =	swait.ge [sflag:s17], $0x4000  }
0x1b1: {  	s9 =	simm.s32 $0x2800;
	s19 =	sadd.s32 s6, s28;
	[sflag:s17] =	ssyncset.done $0x0  }
.LBB2_5:
0x1b2: {  	p2 =	sne.s32 s9, $0x13800  }
0x1b3: {  	[sflag:s17] =	ssyncadd.s32 $0xFFFFC000;
	s20 =	smov.u32 s9;
	s9 =	sadd.s32 $0x1000, s9  }
0x1b4: {  	[spmem:s1] =	stream.indirect.scatter.add.f32 [tilespmem:s14], [sflag:$0x3], $0x80, s13, s7, $0xb8;
	[tilespmem:$0x1B980] =	vst v63  }
0x1b5: {  	_ =	swait.ge [sflag:s10], $0x4000  }
0x1b6: {  	s19 =	sadd.s32 $0x2800, s19;
	[sflag:s10] =	ssyncset.done $0x0  }
0x1b7: {  	[sflag:s10] =	ssyncadd.s32 $0xFFFFC000  }
0x1b8: {  	[tilespmem:s13], [sflag:$0x2] =	stream.linear.gather [hbm4b:s19+s3], $0x80, $0x38;
	[tilespmem:$0x1B980] =	vst v63  }
0x1b9: {  	s19 =	sadd.s32 s12, s8;
	s12 =	smov.u32 s20  }
0x1ba: {  	[tilespmem:s14], [sflag:$0x2] =	stream.linear.gather [hbm4b:s19+s3], $0x4000, $0x38;
	[tilespmem:$0x1B980] =	vst v63  }
0x1bb: {  	_ =	swait.ge [sflag:s16], $0x80  }
0x1bc: {  	[sflag:s16] =	ssyncset.done $0x0  }
0x1bd: {  	[sflag:s16] =	ssyncadd.s32 $0xFFFFFF80  }
0x1be: {  	_ =	swait.ge [sflag:s16], $0x4000  }
0x1bf: {  	p3 =	slt.s32 s2, $0x13080;
	s19 =	smov.u32 s2;
	[sflag:s16] =	ssyncset.done $0x0  }
0x1c0: {  	s20 =	smov.u32 s2;
	s19 =	simm.s32 @!p3 $0x13080;
	[sflag:s16] =	ssyncadd.s32 $0xFFFFC000  }
0x1c1: {  	[spmem:s1] =	stream.indirect.scatter.add.f32 [tilespmem:s3], [sflag:$0x3], $0x80, s11, s7, $0xb8;
	[tilespmem:$0x1B980] =	vst v63  }
0x1c2: {  	p3 =	slt.s32 s2, $0x13F80;
	s19 =	sshrl.u32 s19, $0x3;
	_ =	swait.ge [sflag:s10], $0x4000  }
0x1c3: {  	s20 =	simm.s32 @!p3 $0x13F80;
	s19 =	sadd.s32 s6, s19;
	[sflag:s10] =	ssyncset.done $0x0  }
0x1c4: {  	s20 =	sshll.u32 s20, $0x4;
	s19 =	sadd.s32 $0x2800, s19;
	[sflag:s10] =	ssyncadd.s32 $0xFFFFC000  }
0x1c5: {  	[tilespmem:s11], [sflag:$0x1] =	stream.linear.gather [hbm4b:s19+s3], $0x80, $0x38;
	[tilespmem:$0x1B980] =	vst v63  }
0x1c6: {  	s2 =	sadd.s32 $0x100, s2;
	s19 =	sadd.s32 s21, s20  }
0x1c7: {  	[tilespmem:s3], [sflag:$0x1] =	stream.linear.gather [hbm4b:s19+s3], $0x4000, $0x38;
	[tilespmem:$0x1B980] =	vst v63  }
.Ltmp8:
0x1c8: {  	s19 =	sadd.s32 $0xFFFFFF80, s2;
	_ =	swait.ge [sflag:s17], $0x80;
	(pc) =	sbr.rel @p2 .LBB2_5-.Ltmp8, $4  }
0x1c9: {  	p3 =	slt.s32 s19, $0x13080;
	[sflag:s17] =	ssyncset.done $0x0  }
0x1ca: {  	s19 =	simm.s32 @!p3 $0x13080;
	[sflag:s17] =	ssyncadd.s32 $0xFFFFFF80  }
0x1cb: {  	s19 =	sshrl.u32 s19, $0x3;
	_ =	swait.ge [sflag:s17], $0x4000  }
0x1cc: {  	s19 =	sadd.s32 s6, s19;
	[sflag:s17] =	ssyncset.done $0x0  }
0x1cd: {  	[sflag:s17] =	ssyncadd.s32 $0xFFFFC000  }
0x1ce: {  	[spmem:s1] =	stream.indirect.scatter.add.f32 [tilespmem:s14], [sflag:$0x3], $0x80, s13, s7, $0xb8;
	[tilespmem:$0x1B980] =	vst v63  }
0x1cf: {  	_ =	swait.ge [sflag:s10], $0x4000  }
0x1d0: {  	[sflag:s10] =	ssyncset.done $0x0  }
0x1d1: {  	s9 =	sadd.s32 $0x2800, s19;
	[sflag:s10] =	ssyncadd.s32 $0xFFFFC000  }
0x1d2: {  	[tilespmem:s13], [sflag:$0x2] =	stream.linear.gather [hbm4b:s9+s3], $0x80, $0x38;
	[tilespmem:$0x1B980] =	vst v63  }
0x1d3: {  	s8 =	sadd.s32 s12, s8  }
0x1d4: {  	[tilespmem:s14], [sflag:$0x2] =	stream.linear.gather [hbm4b:s8+s3], $0x4000, $0x38;
	[tilespmem:$0x1B980] =	vst v63  }
0x1d5: {  	_ =	swait.ge [sflag:s16], $0x80  }
0x1d6: {  	[sflag:s16] =	ssyncset.done $0x0  }
0x1d7: {  	[sflag:s16] =	ssyncadd.s32 $0xFFFFFF80  }
0x1d8: {  	_ =	swait.ge [sflag:s16], $0x4000  }
0x1d9: {  	p2 =	slt.s32 s2, $0x13080;
	s8 =	smov.u32 s2;
	[sflag:s16] =	ssyncset.done $0x0  }
0x1da: {  	s8 =	simm.s32 @!p2 $0x13080;
	[sflag:s16] =	ssyncadd.s32 $0xFFFFC000  }
0x1db: {  	[spmem:s1] =	stream.indirect.scatter.add.f32 [tilespmem:s3], [sflag:$0x3], $0x80, s11, s7, $0xb8;
	[tilespmem:$0x1B980] =	vst v63  }
0x1dc: {  	p2 =	slt.s32 s2, $0x13F80;
	s8 =	sshrl.u32 s8, $0x3;
	_ =	swait.ge [sflag:s10], $0x4000  }
0x1dd: {  	s2 =	simm.s32 @!p2 $0x13F80;
	s8 =	sadd.s32 s6, s8;
	[sflag:s10] =	ssyncset.done $0x0  }
0x1de: {  	s2 =	sshll.u32 s2, $0x4;
	s8 =	sadd.s32 $0x2800, s8;
	[sflag:s10] =	ssyncadd.s32 $0xFFFFC000  }
0x1df: {  	[tilespmem:s11], [sflag:$0x1] =	stream.linear.gather [hbm4b:s8+s3], $0x80, $0x38;
	[tilespmem:$0x1B980] =	vst v63  }
0x1e0: {  	s2 =	sadd.s32 s21, s2  }
0x1e1: {  	[tilespmem:s3], [sflag:$0x1] =	stream.linear.gather [hbm4b:s2+s3], $0x4000, $0x38;
	[tilespmem:$0x1B980] =	vst v63  }
0x1e2: {  	_ =	swait.ge [sflag:s17], $0x80  }
0x1e3: {  	[sflag:s17] =	ssyncset.done $0x0  }
0x1e4: {  	[sflag:s17] =	ssyncadd.s32 $0xFFFFFF80  }
0x1e5: {  	_ =	swait.ge [sflag:s17], $0x4000  }
0x1e6: {  	[sflag:s17] =	ssyncset.done $0x0  }
0x1e7: {  	[sflag:s17] =	ssyncadd.s32 $0xFFFFC000  }
0x1e8: {  	[spmem:s1] =	stream.indirect.scatter.add.f32 [tilespmem:s14], [sflag:$0x3], $0x80, s13, s7, $0xb8;
	[tilespmem:$0x1B980] =	vst v63  }
0x1e9: {  	_ =	swait.ge [sflag:s10], $0x4000  }
0x1ea: {  	[sflag:s10] =	ssyncset.done $0x0  }
0x1eb: {  	[sflag:s10] =	ssyncadd.s32 $0xFFFFC000  }
0x1ec: {  	_ =	swait.ge [sflag:s16], $0x80  }
0x1ed: {  	[sflag:s16] =	ssyncset.done $0x0  }
0x1ee: {  	[sflag:s16] =	ssyncadd.s32 $0xFFFFFF80  }
0x1ef: {  	_ =	swait.ge [sflag:s16], $0x4000  }
0x1f0: {  	[sflag:s16] =	ssyncset.done $0x0  }
0x1f1: {  	[sflag:s16] =	ssyncadd.s32 $0xFFFFC000  }
0x1f2: {  	[bflag:$0x0] =	sbarrier.arrive $0xFFFF  }
.Ltmp9:
0x1f3: {  	s28 =	simm.s32 $0x180;
	s26 =	rddreg [dreg:$0xc];
	(pc) =	sbr.rel @p1 .LBB2_15-.Ltmp9, $4  }
0x1f4: {  	[hbm:s26@s28], [sflag:s22] =	dma.strided [spmem:s24@s7], $0x2700, s31, $0x10   }
0x1f5: {  	_ =	swait.ge [sflag:s10], $0x2700  }
0x1f6: {  	[sflag:s10] =	ssyncset.done $0x0  }
0x1f7: {  	[sflag:s10] =	ssyncadd.s32 $0xFFFFD900  }
.Ltmp10:
0x1f8: {  	(pc) =	sbr.rel .LBB2_14-.Ltmp10, $4  }
0x1f9: {  	_ = 	snop  }
0x1fa: {  	s2 =	rddreg [dreg:$0x19]  }
0x1fb: {  	s8 =	rddreg [dreg:$0xd];
	s9 =	simm.s32 $0x180;
	s2 =	sshrl.u32 s2, $0x3  }
0x1fc: {  	[hbm:s8@s9], [sflag:s22] =	dma.strided [spmem:s2@s7], $0x100, s31, $0x10   }
.LBB2_16:
0x1fd: {  	_ =	sfence.sel $0x180000  }
0x1fe: {  	[bflag:$0x0] =	sbarrier.arrive $0xFFFF  }
0x1ff: {  	_ =	strace $0x9000004A  }
0x200: {  	s0 =	stileid.u32;
	[bflag:$0x2] =	sbarrier.arrive $0xFFFF  }
0x201: {  	p0 =	sne.s32 s0, $0x0;
	s0 =	rddreg [dreg:$0x4]  }
0x202: {  	s0 =	sadd.s32 @!p0 $0x100000, s0  }
0x203: {  	[sflag:s0] =	ssyncadd.tile.s32 @!p0 $0x1;
	_ =	shalt  }
.Lfunc_end2:
_tile_overlayer_lowered:
.L_overlay_start_2:
0x204: {  	(tag) =	ssettag $0x2  }
0x205: {  	s0 =	rddreg [dreg:$0x0];
	s2 =	stileid.u32  }
0x206: {  	s1 =	rddreg [dreg:$0x1];
	p0 =	sne.s32 s2, $0x0  }
0x207: {  	s3 =	rddreg [dreg:$0x2];
	[bflag:$0x3] =	sbarrier.arrive $0xFFFF;
	s2 =	simm.s32 @!p0 $0x1C03  }
0x208: {  	[timem:s3], [sflag:s2] =	dma.local @!p0 [hbm:s0], s1  }
0x209: {  	s0 =	simm.s32 @!p0 $0x3  }
0x20a: {  	_ =	swait.ge @!p0 [sflag:s0], s1  }
0x20b: {  	s1 =	ssub.s32 @!p0 $0x0, s1;
	[sflag:s0] =	ssyncset.done @!p0 $0x0  }
0x20c: {  	[sflag:s0] =	ssyncadd.s32 @!p0 s1  }
0x20d: {  	[bflag:$0x3] =	sbarrier.arrive $0xFFFF  }
0x20e: {  	_ =	shalt  }

</sc_bundles>
